<compile_context>
chip_gen: v7x
topology: tpu7x:2x2x1
jax: 0.10.2.dev20260603
libtpu: 0.0.44.dev20260713+nightly
codegen_flags: <defaults>
</compile_context>

<pallas_src>
import functools

import jax
import jax.numpy as jnp
from jax import lax
from jax.experimental import pallas as pl
from jax.experimental.pallas import tpu as pltpu
from jax.experimental.pallas import tpu_sc as plsc

N_NODES = 10000
D = 128
E = 320000

NC = 2
NS = 16
NW = NC * NS
EPW = E // NW
NBUF = 4
N_PAD = 10240
ROWS_PER_TILE = N_PAD // NS
ZCH = 40

_mesh = plsc.VectorSubcoreMesh(core_axis_name="c", subcore_axis_name="s")


def _make_sc_agg(ch, grp, with_counts, nbuf=NBUF):
    ngrp = EPW // (grp * ch)
    assert ngrp * grp * ch == EPW

    out_type = [jax.ShapeDtypeStruct((NC, N_PAD, D), jnp.float32)]
    scratch = [
        pltpu.VMEM((grp, ch), jnp.int32),
        pltpu.VMEM((grp, ch), jnp.int32),
        [pltpu.VMEM((ch, D), jnp.float32)] * nbuf,
        pltpu.VMEM_SHARED((N_PAD, D), jnp.float32),
        [pltpu.SemaphoreType.DMA] * nbuf,
        [pltpu.SemaphoreType.DMA] * nbuf,
    ]
    if with_counts:
        assert ch == 40
        out_type.append(
            jax.ShapeDtypeStruct((10, NW, 1, 1000), jnp.float32))
        scratch.insert(3, pltpu.VMEM((N_NODES,), jnp.float32))

    def body(*refs):
        if with_counts:
            (x_hbm, src_hbm, dst_hbm, agg_out, cnt_out,
             src_v, dst_v, rows, cnt_v, acc, gsems, ssems) = refs
        else:
            (x_hbm, src_hbm, dst_hbm, agg_out,
             src_v, dst_v, rows, acc, gsems, ssems) = refs
            cnt_out = cnt_v = None

        cid = lax.axis_index("c")
        tid = lax.axis_index("s")
        wid = cid * NS + tid

        zvec = jnp.zeros((16,), jnp.float32)

        def zero_rows(r, carry):
            row = rows[0].at[r]
            for k in range(D // 16):
                row[pl.ds(k * 16, 16)] = zvec
            return carry

        lax.fori_loop(0, ZCH, zero_rows, 0)

        base = tid * ROWS_PER_TILE
        zrows = rows[0].at[pl.ds(0, ZCH)]

        def zcp(b):
            return pltpu.make_async_copy(
                zrows, acc.at[pl.ds(base + b * ZCH, ZCH)], ssems[b % nbuf])

        for b in range(ROWS_PER_TILE // ZCH):
            zcp(b).start()

        if with_counts:
            def zero_cnt(i, carry):
                cnt_v[pl.ds(i * 16, 16)] = zvec
                return carry

            lax.fori_loop(0, N_NODES // 16, zero_cnt, 0)

        for b in range(ROWS_PER_TILE // ZCH):
            zcp(b).wait()
        plsc.subcore_barrier()

        ones16 = jnp.ones((16,), jnp.float32)
        tail_mask = lax.iota(jnp.int32, 16) >= 8

        def gather(c, b):
            return pltpu.make_async_copy(x_hbm.at[src_v.at[c]], rows[b],
                                         gsems[b])

        def scat(c, b):
            return pltpu.make_async_copy(rows[b], acc.at[dst_v.at[c]],
                                         ssems[b])

        def counts(c):
            drow = dst_v.at[c]
            plsc.addupdate_scatter(cnt_v, [drow[pl.ds(0, 16)]], ones16)
            plsc.addupdate_scatter(cnt_v, [drow[pl.ds(16, 16)]], ones16)
            plsc.addupdate_scatter(cnt_v, [drow[pl.ds(24, 16)]], ones16,
                                   mask=tail_mask)

        def group(g, carry):
            pltpu.sync_copy(src_hbm.at[wid].at[g], src_v)
            pltpu.sync_copy(dst_hbm.at[wid].at[g], dst_v)
            for b in range(nbuf):
                gather(b, b).start()

            def step(t, carry2):
                for b in range(nbuf):
                    c = nbuf * t + b

                    @pl.when(c < grp)
                    def _():
                        gather(c, b).wait()
                        scat(c, b).start(add=True)
                        if with_counts:
                            counts(c)

                    @pl.when(c + nbuf < grp)
                    def _():
                        scat(c, b).wait()
                        gather(c + nbuf, b).start()

                return carry2

            lax.fori_loop(0, (grp + nbuf - 1) // nbuf, step, 0)

            for b in range(nbuf):
                c_last = [c for c in range(grp) if c % nbuf == b][-1]
                scat(c_last, b).wait()
            return carry

        lax.fori_loop(0, ngrp, group, 0)

        plsc.subcore_barrier()

        pltpu.sync_copy(acc.at[pl.ds(base, ROWS_PER_TILE)],
                        agg_out.at[cid].at[pl.ds(base, ROWS_PER_TILE)])

        if with_counts:
            for b in range(N_NODES // 1000):
                pltpu.make_async_copy(cnt_v.at[pl.ds(b * 1000, 1000)],
                                      cnt_out.at[b].at[wid].at[0],
                                      gsems[b % nbuf]).start()
            for b in range(N_NODES // 1000):
                pltpu.make_async_copy(cnt_v.at[pl.ds(b * 1000, 1000)],
                                      cnt_out.at[b].at[wid].at[0],
                                      gsems[b % nbuf]).wait()

    return pl.kernel(
        body,
        out_type=tuple(out_type) if with_counts else out_type[0],
        mesh=_mesh,
        scratch_types=scratch,
        compiler_params=pltpu.CompilerParams(needs_layout_passes=False),
    )


CH1, GRP1 = 40, 50
CH2, GRP2, NBUF2 = 50, 40, 5
_sc_agg1 = _make_sc_agg(CH1, GRP1, True)
_sc_agg2 = _make_sc_agg(CH2, GRP2, False, NBUF2)


BM = 1000


def _dense1_body(agg_ref, cnt_ref, x_ref, wl_ref, bl_ref, wr_ref,
                 w2r_ref, b2_ref, h_ref, xr2_ref):
    agg = agg_ref[0] + agg_ref[1]
    cnt = jnp.sum(cnt_ref[...], axis=(0, 1, 2))
    a = agg / jnp.maximum(cnt, 1.0)[:, None]
    acc = lax.dot_general(a, wl_ref[...], (((1,), (1,)), ((), ())),
                          preferred_element_type=jnp.float32)
    acc = acc + lax.dot_general(x_ref[...], wr_ref[...],
                                (((1,), (1,)), ((), ())),
                                preferred_element_type=jnp.float32)
    h = jnp.maximum(acc + bl_ref[...], 0.0)
    h_ref[...] = h
    xr2_ref[...] = lax.dot_general(h, w2r_ref[...], (((1,), (1,)), ((), ())),
                                   preferred_element_type=jnp.float32) + b2_ref[...]


def _dense1(agg, cnt, x, Wl, bl2d, Wr, W2r, b2_2d):
    return pl.pallas_call(
        _dense1_body,
        grid=(N_NODES // BM,),
        in_specs=[
            pl.BlockSpec((NC, BM, D), lambda m: (0, m, 0)),
            pl.BlockSpec((1, NW, 1, BM), lambda m: (m, 0, 0, 0)),
            pl.BlockSpec((BM, D), lambda m: (m, 0)),
            pl.BlockSpec((D, D), lambda m: (0, 0)),
            pl.BlockSpec((1, D), lambda m: (0, 0)),
            pl.BlockSpec((D, D), lambda m: (0, 0)),
            pl.BlockSpec((D, D), lambda m: (0, 0)),
            pl.BlockSpec((1, D), lambda m: (0, 0)),
        ],
        out_specs=[pl.BlockSpec((BM, D), lambda m: (m, 0)),
                   pl.BlockSpec((BM, D), lambda m: (m, 0))],
        out_shape=[jax.ShapeDtypeStruct((N_NODES, D), jnp.float32),
                   jax.ShapeDtypeStruct((N_NODES, D), jnp.float32)],
        compiler_params=pltpu.CompilerParams(
            dimension_semantics=("arbitrary",)),
    )(agg, cnt, x, Wl, bl2d, Wr, W2r, b2_2d)


def _fin_body(agg_ref, cnt_ref, xr_ref, wl_ref, o_ref, *, relu):
    agg = agg_ref[0] + agg_ref[1]
    cnt = jnp.sum(cnt_ref[...], axis=(0, 1, 2))
    a = agg / jnp.maximum(cnt, 1.0)[:, None]
    acc = lax.dot_general(a, wl_ref[...], (((1,), (1,)), ((), ())),
                          preferred_element_type=jnp.float32)
    acc = acc + xr_ref[...]
    if relu:
        acc = jnp.maximum(acc, 0.0)
    o_ref[...] = acc


def _fin(agg, cnt, xr, Wl, relu):
    return pl.pallas_call(
        functools.partial(_fin_body, relu=relu),
        grid=(N_NODES // BM,),
        in_specs=[
            pl.BlockSpec((NC, BM, D), lambda m: (0, m, 0)),
            pl.BlockSpec((1, NW, 1, BM), lambda m: (m, 0, 0, 0)),
            pl.BlockSpec((BM, D), lambda m: (m, 0)),
            pl.BlockSpec((D, D), lambda m: (0, 0)),
        ],
        out_specs=pl.BlockSpec((BM, D), lambda m: (m, 0)),
        out_shape=jax.ShapeDtypeStruct((N_NODES, D), jnp.float32),
        compiler_params=pltpu.CompilerParams(
            dimension_semantics=("arbitrary",)),
    )(agg, cnt, xr, Wl)


def kernel(x, edge_index, W1l, b1l, W1r, W2l, b2l, W2r):
    src = edge_index[0].astype(jnp.int32)
    dst = edge_index[1].astype(jnp.int32)
    ngrp1 = EPW // (GRP1 * CH1)
    ngrp2 = EPW // (GRP2 * CH2)
    src1 = src.reshape(NW, ngrp1, GRP1, CH1)
    dst1 = dst.reshape(NW, ngrp1, GRP1, CH1)
    src2 = src.reshape(NW, ngrp2, GRP2, CH2)
    dst2 = dst.reshape(NW, ngrp2, GRP2, CH2)
    agg1, cnt = _sc_agg1(x, src1, dst1)
    h, xr2 = _dense1(agg1, cnt, x, W1l, b1l.reshape(1, D), W1r,
                     W2r, b2l.reshape(1, D))
    agg2 = _sc_agg2(h, src2, dst2)
    out = _fin(agg2, cnt, xr2, W2l, False)
    return out

# --- scband reference (transcript-rebuilt; emitter-appended) ---
"""Pipeline reference for scband-hyper-sage-19061064859834 (READ-ONLY COPY).

The authoritative reference and input builder live on the scoring server;
editing this copy changes nothing except your own understanding.
"""

import jax, jax.numpy as jnp
import numpy as np

N_NODES = 10000
N_EDGES = 320000
D_IN = 128
D_HID = 128
D_OUT = 128


def setup_inputs(seed: int = 0) -> dict:
    key = jax.random.key(seed)
    ks = jax.random.split(key, 8)
    x = jax.random.normal(ks[0], (N_NODES, D_IN), dtype=jnp.float32)
    edge_index = jax.random.randint(ks[1], (2, N_EDGES), 0, N_NODES, dtype=jnp.int64)
    s = 1.0 / np.sqrt(D_IN)
    W1l = jax.random.normal(ks[2], (D_HID, D_IN), dtype=jnp.float32) * s
    b1l = jnp.zeros((D_HID,), dtype=jnp.float32)
    W1r = jax.random.normal(ks[3], (D_HID, D_IN), dtype=jnp.float32) * s
    s2 = 1.0 / np.sqrt(D_HID)
    W2l = jax.random.normal(ks[4], (D_OUT, D_HID), dtype=jnp.float32) * s2
    b2l = jnp.zeros((D_OUT,), dtype=jnp.float32)
    W2r = jax.random.normal(ks[5], (D_OUT, D_HID), dtype=jnp.float32) * s2
    return {"x": x, "edge_index": edge_index, "W1l": W1l, "b1l": b1l, "W1r": W1r, "W2l": W2l, "b2l": b2l, "W2r": W2r}


def _sage_conv(x, edge_index, Wl, bl, Wr):
    # PyG SAGEConv with mean aggregation:
    # out = lin_l(mean_{j in N(i)} x_j) + lin_r(x_i)
    src = edge_index[0]
    dst = edge_index[1]
    n = x.shape[0]
    msgs = jnp.take(x, src, axis=0)                      # gather (SparseCore)
    agg = jax.ops.segment_sum(msgs, dst, num_segments=n)  # scatter-add
    cnt = jax.ops.segment_sum(jnp.ones((dst.shape[0],), dtype=x.dtype), dst, num_segments=n)
    agg = agg / jnp.maximum(cnt, 1.0)[:, None]
    return agg @ Wl.T + bl + x @ Wr.T


def reference(x, edge_index, W1l, b1l, W1r, W2l, b2l, W2r):
    h = jax.nn.relu(_sage_conv(x, edge_index, W1l, b1l, W1r))
    out = _sage_conv(h, edge_index, W2l, b2l, W2r)
    return out

if __name__ == "__main__":
    import jax
    _d = setup_inputs()
    print(jax.jit(kernel)(*tuple(_d.values())))

</pallas_src>

<mosaic_0001>
#map = affine_map<(d0, d1) -> (0, 0)>
#map1 = affine_map<(d0, d1) -> (0, 0, 0, 0)>
#map2 = affine_map<(d0, d1) -> (0, 0, 0)>
module attributes {stable_mosaic.version = 14 : i64} {
  func.func @body(%arg0: i32, %arg1: i32, %arg2: memref<10000x128xf32, #tpu.memory_space<hbm>>, %arg3: memref<32x5x50x40xi32, #tpu.memory_space<hbm>>, %arg4: memref<32x5x50x40xi32, #tpu.memory_space<hbm>>, %arg5: memref<2x10240x128xf32, #tpu.memory_space<hbm>>, %arg6: memref<10x32x1x1000xf32, #tpu.memory_space<hbm>>, %arg7: memref<50x40xi32, #tpu.memory_space<vmem>>, %arg8: memref<50x40xi32, #tpu.memory_space<vmem>>, %arg9: memref<40x128xf32, #tpu.memory_space<vmem>>, %arg10: memref<40x128xf32, #tpu.memory_space<vmem>>, %arg11: memref<40x128xf32, #tpu.memory_space<vmem>>, %arg12: memref<40x128xf32, #tpu.memory_space<vmem>>, %arg13: memref<10000xf32, #tpu.memory_space<vmem>>, %arg14: memref<10240x128xf32, #tpu.memory_space<vmem_shared>>, %arg15: memref<!tpu.dma_semaphore, #tpu.memory_space<semaphore_mem>>, %arg16: memref<!tpu.dma_semaphore, #tpu.memory_space<semaphore_mem>>, %arg17: memref<!tpu.dma_semaphore, #tpu.memory_space<semaphore_mem>>, %arg18: memref<!tpu.dma_semaphore, #tpu.memory_space<semaphore_mem>>, %arg19: memref<!tpu.dma_semaphore, #tpu.memory_space<semaphore_mem>>, %arg20: memref<!tpu.dma_semaphore, #tpu.memory_space<semaphore_mem>>, %arg21: memref<!tpu.dma_semaphore, #tpu.memory_space<semaphore_mem>>, %arg22: memref<!tpu.dma_semaphore, #tpu.memory_space<semaphore_mem>>) attributes {dimension_semantics = [#tpu.dimension_semantics<core_parallel>, #tpu.dimension_semantics<subcore_parallel>], iteration_bounds = array<i64: 2, 16>, scalar_prefetch = 0 : i64, scratch_operands = 16 : i64, tpu.core_type = #tpu.core_type<sc_vector_subcore>, window_params = [{transform_indices = #map}, {transform_indices = #map1}, {transform_indices = #map1}, {transform_indices = #map2}, {transform_indices = #map1}]} {
    %mul3A = arith.constant 16 : i32
    %mul3A_0 = arith.muli %arg0, %mul3A : i32
    %add3A = arith.addi %mul3A_0, %arg1 : i32
    %broadcast_in_dim3A = arith.constant 0.000000e+00 : f32
    %broadcast_in_dim3A_1 = vector.broadcast %broadcast_in_dim3A : f32 to vector<16xf32>
    %scan3A = arith.constant 0 : i32
    %scan3A_2 = arith.constant 0 : i32
    %scan3A_3 = arith.constant 40 : i32
    %scan3A_4 = arith.addi %scan3A_2, %scan3A_3 : i32
    %scan3A_5 = arith.constant 1 : i32
    scf.for %scan3A_1008 = %scan3A_2 to %scan3A_4 step %scan3A_5  : i32 {
      %swap3A = arith.constant 0 : i32
      %swap3A_1009 = tpu.memref_slice %arg9[%scan3A_1008, %swap3A] : memref<40x128xf32, #tpu.memory_space<vmem>> -> memref<1x128xf32, #tpu.memory_space<vmem>>
      %swap3A_1010 = tpu.memref_squeeze %swap3A_1009 : memref<1x128xf32, #tpu.memory_space<vmem>> -> memref<128xf32, #tpu.memory_space<vmem>>
      %swap3A_1011 = arith.constant 0 : index
      %swap3A_1012 = tpu.vector_load %swap3A_1010[%swap3A_1011] {strides = array<i32>} : memref<128xf32, #tpu.memory_space<vmem>>, vector<16xf32>,
      tpu.vector_store %swap3A_1010[%swap3A_1011], %broadcast_in_dim3A_1 {strides = array<i32>} : memref<128xf32, #tpu.memory_space<vmem>>, vector<16xf32>,
      %swap3A_1013 = arith.constant 0 : i32
      %swap3A_1014 = tpu.memref_slice %arg9[%scan3A_1008, %swap3A_1013] : memref<40x128xf32, #tpu.memory_space<vmem>> -> memref<1x128xf32, #tpu.memory_space<vmem>>
      %swap3A_1015 = tpu.memref_squeeze %swap3A_1014 : memref<1x128xf32, #tpu.memory_space<vmem>> -> memref<128xf32, #tpu.memory_space<vmem>>
      %swap3A_1016 = arith.constant 16 : index
      %swap3A_1017 = tpu.vector_load %swap3A_1015[%swap3A_1016] {strides = array<i32>} : memref<128xf32, #tpu.memory_space<vmem>>, vector<16xf32>,
      tpu.vector_store %swap3A_1015[%swap3A_1016], %broadcast_in_dim3A_1 {strides = array<i32>} : memref<128xf32, #tpu.memory_space<vmem>>, vector<16xf32>,
      %swap3A_1018 = arith.constant 0 : i32
      %swap3A_1019 = tpu.memref_slice %arg9[%scan3A_1008, %swap3A_1018] : memref<40x128xf32, #tpu.memory_space<vmem>> -> memref<1x128xf32, #tpu.memory_space<vmem>>
      %swap3A_1020 = tpu.memref_squeeze %swap3A_1019 : memref<1x128xf32, #tpu.memory_space<vmem>> -> memref<128xf32, #tpu.memory_space<vmem>>
      %swap3A_1021 = arith.constant 32 : index
      %swap3A_1022 = tpu.vector_load %swap3A_1020[%swap3A_1021] {strides = array<i32>} : memref<128xf32, #tpu.memory_space<vmem>>, vector<16xf32>,
      tpu.vector_store %swap3A_1020[%swap3A_1021], %broadcast_in_dim3A_1 {strides = array<i32>} : memref<128xf32, #tpu.memory_space<vmem>>, vector<16xf32>,
      %swap3A_1023 = arith.constant 0 : i32
      %swap3A_1024 = tpu.memref_slice %arg9[%scan3A_1008, %swap3A_1023] : memref<40x128xf32, #tpu.memory_space<vmem>> -> memref<1x128xf32, #tpu.memory_space<vmem>>
      %swap3A_1025 = tpu.memref_squeeze %swap3A_1024 : memref<1x128xf32, #tpu.memory_space<vmem>> -> memref<128xf32, #tpu.memory_space<vmem>>
      %swap3A_1026 = arith.constant 48 : index
      %swap3A_1027 = tpu.vector_load %swap3A_1025[%swap3A_1026] {strides = array<i32>} : memref<128xf32, #tpu.memory_space<vmem>>, vector<16xf32>,
      tpu.vector_store %swap3A_1025[%swap3A_1026], %broadcast_in_dim3A_1 {strides = array<i32>} : memref<128xf32, #tpu.memory_space<vmem>>, vector<16xf32>,
      %swap3A_1028 = arith.constant 0 : i32
      %swap3A_1029 = tpu.memref_slice %arg9[%scan3A_1008, %swap3A_1028] : memref<40x128xf32, #tpu.memory_space<vmem>> -> memref<1x128xf32, #tpu.memory_space<vmem>>
      %swap3A_1030 = tpu.memref_squeeze %swap3A_1029 : memref<1x128xf32, #tpu.memory_space<vmem>> -> memref<128xf32, #tpu.memory_space<vmem>>
      %swap3A_1031 = arith.constant 64 : index
      %swap3A_1032 = tpu.vector_load %swap3A_1030[%swap3A_1031] {strides = array<i32>} : memref<128xf32, #tpu.memory_space<vmem>>, vector<16xf32>,
      tpu.vector_store %swap3A_1030[%swap3A_1031], %broadcast_in_dim3A_1 {strides = array<i32>} : memref<128xf32, #tpu.memory_space<vmem>>, vector<16xf32>,
      %swap3A_1033 = arith.constant 0 : i32
      %swap3A_1034 = tpu.memref_slice %arg9[%scan3A_1008, %swap3A_1033] : memref<40x128xf32, #tpu.memory_space<vmem>> -> memref<1x128xf32, #tpu.memory_space<vmem>>
      %swap3A_1035 = tpu.memref_squeeze %swap3A_1034 : memref<1x128xf32, #tpu.memory_space<vmem>> -> memref<128xf32, #tpu.memory_space<vmem>>
      %swap3A_1036 = arith.constant 80 : index
      %swap3A_1037 = tpu.vector_load %swap3A_1035[%swap3A_1036] {strides = array<i32>} : memref<128xf32, #tpu.memory_space<vmem>>, vector<16xf32>,
      tpu.vector_store %swap3A_1035[%swap3A_1036], %broadcast_in_dim3A_1 {strides = array<i32>} : memref<128xf32, #tpu.memory_space<vmem>>, vector<16xf32>,
      %swap3A_1038 = arith.constant 0 : i32
      %swap3A_1039 = tpu.memref_slice %arg9[%scan3A_1008, %swap3A_1038] : memref<40x128xf32, #tpu.memory_space<vmem>> -> memref<1x128xf32, #tpu.memory_space<vmem>>
      %swap3A_1040 = tpu.memref_squeeze %swap3A_1039 : memref<1x128xf32, #tpu.memory_space<vmem>> -> memref<128xf32, #tpu.memory_space<vmem>>
      %swap3A_1041 = arith.constant 96 : index
      %swap3A_1042 = tpu.vector_load %swap3A_1040[%swap3A_1041] {strides = array<i32>} : memref<128xf32, #tpu.memory_space<vmem>>, vector<16xf32>,
      tpu.vector_store %swap3A_1040[%swap3A_1041], %broadcast_in_dim3A_1 {strides = array<i32>} : memref<128xf32, #tpu.memory_space<vmem>>, vector<16xf32>,
      %swap3A_1043 = arith.constant 0 : i32
      %swap3A_1044 = tpu.memref_slice %arg9[%scan3A_1008, %swap3A_1043] : memref<40x128xf32, #tpu.memory_space<vmem>> -> memref<1x128xf32, #tpu.memory_space<vmem>>
      %swap3A_1045 = tpu.memref_squeeze %swap3A_1044 : memref<1x128xf32, #tpu.memory_space<vmem>> -> memref<128xf32, #tpu.memory_space<vmem>>
      %swap3A_1046 = arith.constant 112 : index
      %swap3A_1047 = tpu.vector_load %swap3A_1045[%swap3A_1046] {strides = array<i32>} : memref<128xf32, #tpu.memory_space<vmem>>, vector<16xf32>,
      tpu.vector_store %swap3A_1045[%swap3A_1046], %broadcast_in_dim3A_1 {strides = array<i32>} : memref<128xf32, #tpu.memory_space<vmem>>, vector<16xf32>,
    }
    %scan3A_6 = arith.constant 40 : i32
    %mul3A_7 = arith.constant 640 : i32
    %mul3A_8 = arith.muli %arg1, %mul3A_7 : i32
    %add3A_9 = arith.constant 0 : i32
    %add3A_10 = arith.addi %mul3A_8, %add3A_9 : i32
    %dma_start3A = arith.constant 0 : i32
    %dma_start3A_11 = arith.constant 0 : i32
    %dma_start3A_12 = tpu.memref_slice %arg9[%dma_start3A, %dma_start3A_11] : memref<40x128xf32, #tpu.memory_space<vmem>> -> memref<40x128xf32, #tpu.memory_space<vmem>>
    %dma_start3A_13 = arith.constant 0 : i32
    %dma_start3A_14 = tpu.memref_slice %arg14[%add3A_10, %dma_start3A_13] : memref<10240x128xf32, #tpu.memory_space<vmem_shared>> -> memref<40x128xf32, #tpu.memory_space<vmem_shared>>
    %dma_start3A_15 = arith.constant 0 : i32
    %dma_start3A_16 = tpu.memref_slice %arg14[%add3A_10, %dma_start3A_15] : memref<10240x128xf32, #tpu.memory_space<vmem_shared>> -> memref<40x128xf32, #tpu.memory_space<vmem_shared>>
    %dma_start3A_17 = arith.constant 0 : i32
    %dma_start3A_18 = arith.constant 0 : i32
    %dma_start3A_19 = tpu.memref_slice %arg9[%dma_start3A_17, %dma_start3A_18] : memref<40x128xf32, #tpu.memory_space<vmem>> -> memref<40x128xf32, #tpu.memory_space<vmem>>
    tpu.enqueue_dma source(%dma_start3A_19 : memref<40x128xf32, #tpu.memory_space<vmem>>) target(%dma_start3A_16 : memref<40x128xf32, #tpu.memory_space<vmem_shared>>) target_semaphore(%arg19 : memref<!tpu.dma_semaphore, #tpu.memory_space<semaphore_mem>>)
    %add3A_20 = arith.constant 40 : i32
    %add3A_21 = arith.addi %mul3A_8, %add3A_20 : i32
    %dma_start3A_22 = arith.constant 0 : i32
    %dma_start3A_23 = arith.constant 0 : i32
    %dma_start3A_24 = tpu.memref_slice %arg9[%dma_start3A_22, %dma_start3A_23] : memref<40x128xf32, #tpu.memory_space<vmem>> -> memref<40x128xf32, #tpu.memory_space<vmem>>
    %dma_start3A_25 = arith.constant 0 : i32
    %dma_start3A_26 = tpu.memref_slice %arg14[%add3A_21, %dma_start3A_25] : memref<10240x128xf32, #tpu.memory_space<vmem_shared>> -> memref<40x128xf32, #tpu.memory_space<vmem_shared>>
    %dma_start3A_27 = arith.constant 0 : i32
    %dma_start3A_28 = tpu.memref_slice %arg14[%add3A_21, %dma_start3A_27] : memref<10240x128xf32, #tpu.memory_space<vmem_shared>> -> memref<40x128xf32, #tpu.memory_space<vmem_shared>>
    %dma_start3A_29 = arith.constant 0 : i32
    %dma_start3A_30 = arith.constant 0 : i32
    %dma_start3A_31 = tpu.memref_slice %arg9[%dma_start3A_29, %dma_start3A_30] : memref<40x128xf32, #tpu.memory_space<vmem>> -> memref<40x128xf32, #tpu.memory_space<vmem>>
    tpu.enqueue_dma source(%dma_start3A_31 : memref<40x128xf32, #tpu.memory_space<vmem>>) target(%dma_start3A_28 : memref<40x128xf32, #tpu.memory_space<vmem_shared>>) target_semaphore(%arg20 : memref<!tpu.dma_semaphore, #tpu.memory_space<semaphore_mem>>)
    %add3A_32 = arith.constant 80 : i32
    %add3A_33 = arith.addi %mul3A_8, %add3A_32 : i32
    %dma_start3A_34 = arith.constant 0 : i32
    %dma_start3A_35 = arith.constant 0 : i32
    %dma_start3A_36 = tpu.memref_slice %arg9[%dma_start3A_34, %dma_start3A_35] : memref<40x128xf32, #tpu.memory_space<vmem>> -> memref<40x128xf32, #tpu.memory_space<vmem>>
    %dma_start3A_37 = arith.constant 0 : i32
    %dma_start3A_38 = tpu.memref_slice %arg14[%add3A_33, %dma_start3A_37] : memref<10240x128xf32, #tpu.memory_space<vmem_shared>> -> memref<40x128xf32, #tpu.memory_space<vmem_shared>>
    %dma_start3A_39 = arith.constant 0 : i32
    %dma_start3A_40 = tpu.memref_slice %arg14[%add3A_33, %dma_start3A_39] : memref<10240x128xf32, #tpu.memory_space<vmem_shared>> -> memref<40x128xf32, #tpu.memory_space<vmem_shared>>
    %dma_start3A_41 = arith.constant 0 : i32
    %dma_start3A_42 = arith.constant 0 : i32
    %dma_start3A_43 = tpu.memref_slice %arg9[%dma_start3A_41, %dma_start3A_42] : memref<40x128xf32, #tpu.memory_space<vmem>> -> memref<40x128xf32, #tpu.memory_space<vmem>>
    tpu.enqueue_dma source(%dma_start3A_43 : memref<40x128xf32, #tpu.memory_space<vmem>>) target(%dma_start3A_40 : memref<40x128xf32, #tpu.memory_space<vmem_shared>>) target_semaphore(%arg21 : memref<!tpu.dma_semaphore, #tpu.memory_space<semaphore_mem>>)
    %add3A_44 = arith.constant 120 : i32
    %add3A_45 = arith.addi %mul3A_8, %add3A_44 : i32
    %dma_start3A_46 = arith.constant 0 : i32
    %dma_start3A_47 = arith.constant 0 : i32
    %dma_start3A_48 = tpu.memref_slice %arg9[%dma_start3A_46, %dma_start3A_47] : memref<40x128xf32, #tpu.memory_space<vmem>> -> memref<40x128xf32, #tpu.memory_space<vmem>>
    %dma_start3A_49 = arith.constant 0 : i32
    %dma_start3A_50 = tpu.memref_slice %arg14[%add3A_45, %dma_start3A_49] : memref<10240x128xf32, #tpu.memory_space<vmem_shared>> -> memref<40x128xf32, #tpu.memory_space<vmem_shared>>
    %dma_start3A_51 = arith.constant 0 : i32
    %dma_start3A_52 = tpu.memref_slice %arg14[%add3A_45, %dma_start3A_51] : memref<10240x128xf32, #tpu.memory_space<vmem_shared>> -> memref<40x128xf32, #tpu.memory_space<vmem_shared>>
    %dma_start3A_53 = arith.constant 0 : i32
    %dma_start3A_54 = arith.constant 0 : i32
    %dma_start3A_55 = tpu.memref_slice %arg9[%dma_start3A_53, %dma_start3A_54] : memref<40x128xf32, #tpu.memory_space<vmem>> -> memref<40x128xf32, #tpu.memory_space<vmem>>
    tpu.enqueue_dma source(%dma_start3A_55 : memref<40x128xf32, #tpu.memory_space<vmem>>) target(%dma_start3A_52 : memref<40x128xf32, #tpu.memory_space<vmem_shared>>) target_semaphore(%arg22 : memref<!tpu.dma_semaphore, #tpu.memory_space<semaphore_mem>>)
    %add3A_56 = arith.constant 160 : i32
    %add3A_57 = arith.addi %mul3A_8, %add3A_56 : i32
    %dma_start3A_58 = arith.constant 0 : i32
    %dma_start3A_59 = arith.constant 0 : i32
    %dma_start3A_60 = tpu.memref_slice %arg9[%dma_start3A_58, %dma_start3A_59] : memref<40x128xf32, #tpu.memory_space<vmem>> -> memref<40x128xf32, #tpu.memory_space<vmem>>
    %dma_start3A_61 = arith.constant 0 : i32
    %dma_start3A_62 = tpu.memref_slice %arg14[%add3A_57, %dma_start3A_61] : memref<10240x128xf32, #tpu.memory_space<vmem_shared>> -> memref<40x128xf32, #tpu.memory_space<vmem_shared>>
    %dma_start3A_63 = arith.constant 0 : i32
    %dma_start3A_64 = tpu.memref_slice %arg14[%add3A_57, %dma_start3A_63] : memref<10240x128xf32, #tpu.memory_space<vmem_shared>> -> memref<40x128xf32, #tpu.memory_space<vmem_shared>>
    %dma_start3A_65 = arith.constant 0 : i32
    %dma_start3A_66 = arith.constant 0 : i32
    %dma_start3A_67 = tpu.memref_slice %arg9[%dma_start3A_65, %dma_start3A_66] : memref<40x128xf32, #tpu.memory_space<vmem>> -> memref<40x128xf32, #tpu.memory_space<vmem>>
    tpu.enqueue_dma source(%dma_start3A_67 : memref<40x128xf32, #tpu.memory_space<vmem>>) target(%dma_start3A_64 : memref<40x128xf32, #tpu.memory_space<vmem_shared>>) target_semaphore(%arg19 : memref<!tpu.dma_semaphore, #tpu.memory_space<semaphore_mem>>)
    %add3A_68 = arith.constant 200 : i32
    %add3A_69 = arith.addi %mul3A_8, %add3A_68 : i32
    %dma_start3A_70 = arith.constant 0 : i32
    %dma_start3A_71 = arith.constant 0 : i32
    %dma_start3A_72 = tpu.memref_slice %arg9[%dma_start3A_70, %dma_start3A_71] : memref<40x128xf32, #tpu.memory_space<vmem>> -> memref<40x128xf32, #tpu.memory_space<vmem>>
    %dma_start3A_73 = arith.constant 0 : i32
    %dma_start3A_74 = tpu.memref_slice %arg14[%add3A_69, %dma_start3A_73] : memref<10240x128xf32, #tpu.memory_space<vmem_shared>> -> memref<40x128xf32, #tpu.memory_space<vmem_shared>>
    %dma_start3A_75 = arith.constant 0 : i32
    %dma_start3A_76 = tpu.memref_slice %arg14[%add3A_69, %dma_start3A_75] : memref<10240x128xf32, #tpu.memory_space<vmem_shared>> -> memref<40x128xf32, #tpu.memory_space<vmem_shared>>
    %dma_start3A_77 = arith.constant 0 : i32
    %dma_start3A_78 = arith.constant 0 : i32
    %dma_start3A_79 = tpu.memref_slice %arg9[%dma_start3A_77, %dma_start3A_78] : memref<40x128xf32, #tpu.memory_space<vmem>> -> memref<40x128xf32, #tpu.memory_space<vmem>>
    tpu.enqueue_dma source(%dma_start3A_79 : memref<40x128xf32, #tpu.memory_space<vmem>>) target(%dma_start3A_76 : memref<40x128xf32, #tpu.memory_space<vmem_shared>>) target_semaphore(%arg20 : memref<!tpu.dma_semaphore, #tpu.memory_space<semaphore_mem>>)
    %add3A_80 = arith.constant 240 : i32
    %add3A_81 = arith.addi %mul3A_8, %add3A_80 : i32
    %dma_start3A_82 = arith.constant 0 : i32
    %dma_start3A_83 = arith.constant 0 : i32
    %dma_start3A_84 = tpu.memref_slice %arg9[%dma_start3A_82, %dma_start3A_83] : memref<40x128xf32, #tpu.memory_space<vmem>> -> memref<40x128xf32, #tpu.memory_space<vmem>>
    %dma_start3A_85 = arith.constant 0 : i32
    %dma_start3A_86 = tpu.memref_slice %arg14[%add3A_81, %dma_start3A_85] : memref<10240x128xf32, #tpu.memory_space<vmem_shared>> -> memref<40x128xf32, #tpu.memory_space<vmem_shared>>
    %dma_start3A_87 = arith.constant 0 : i32
    %dma_start3A_88 = tpu.memref_slice %arg14[%add3A_81, %dma_start3A_87] : memref<10240x128xf32, #tpu.memory_space<vmem_shared>> -> memref<40x128xf32, #tpu.memory_space<vmem_shared>>
    %dma_start3A_89 = arith.constant 0 : i32
    %dma_start3A_90 = arith.constant 0 : i32
    %dma_start3A_91 = tpu.memref_slice %arg9[%dma_start3A_89, %dma_start3A_90] : memref<40x128xf32, #tpu.memory_space<vmem>> -> memref<40x128xf32, #tpu.memory_space<vmem>>
    tpu.enqueue_dma source(%dma_start3A_91 : memref<40x128xf32, #tpu.memory_space<vmem>>) target(%dma_start3A_88 : memref<40x128xf32, #tpu.memory_space<vmem_shared>>) target_semaphore(%arg21 : memref<!tpu.dma_semaphore, #tpu.memory_space<semaphore_mem>>)
    %add3A_92 = arith.constant 280 : i32
    %add3A_93 = arith.addi %mul3A_8, %add3A_92 : i32
    %dma_start3A_94 = arith.constant 0 : i32
    %dma_start3A_95 = arith.constant 0 : i32
    %dma_start3A_96 = tpu.memref_slice %arg9[%dma_start3A_94, %dma_start3A_95] : memref<40x128xf32, #tpu.memory_space<vmem>> -> memref<40x128xf32, #tpu.memory_space<vmem>>
    %dma_start3A_97 = arith.constant 0 : i32
    %dma_start3A_98 = tpu.memref_slice %arg14[%add3A_93, %dma_start3A_97] : memref<10240x128xf32, #tpu.memory_space<vmem_shared>> -> memref<40x128xf32, #tpu.memory_space<vmem_shared>>
    %dma_start3A_99 = arith.constant 0 : i32
    %dma_start3A_100 = tpu.memref_slice %arg14[%add3A_93, %dma_start3A_99] : memref<10240x128xf32, #tpu.memory_space<vmem_shared>> -> memref<40x128xf32, #tpu.memory_space<vmem_shared>>
    %dma_start3A_101 = arith.constant 0 : i32
    %dma_start3A_102 = arith.constant 0 : i32
    %dma_start3A_103 = tpu.memref_slice %arg9[%dma_start3A_101, %dma_start3A_102] : memref<40x128xf32, #tpu.memory_space<vmem>> -> memref<40x128xf32, #tpu.memory_space<vmem>>
    tpu.enqueue_dma source(%dma_start3A_103 : memref<40x128xf32, #tpu.memory_space<vmem>>) target(%dma_start3A_100 : memref<40x128xf32, #tpu.memory_space<vmem_shared>>) target_semaphore(%arg22 : memref<!tpu.dma_semaphore, #tpu.memory_space<semaphore_mem>>)
    %add3A_104 = arith.constant 320 : i32
    %add3A_105 = arith.addi %mul3A_8, %add3A_104 : i32
    %dma_start3A_106 = arith.constant 0 : i32
    %dma_start3A_107 = arith.constant 0 : i32
    %dma_start3A_108 = tpu.memref_slice %arg9[%dma_start3A_106, %dma_start3A_107] : memref<40x128xf32, #tpu.memory_space<vmem>> -> memref<40x128xf32, #tpu.memory_space<vmem>>
    %dma_start3A_109 = arith.constant 0 : i32
    %dma_start3A_110 = tpu.memref_slice %arg14[%add3A_105, %dma_start3A_109] : memref<10240x128xf32, #tpu.memory_space<vmem_shared>> -> memref<40x128xf32, #tpu.memory_space<vmem_shared>>
    %dma_start3A_111 = arith.constant 0 : i32
    %dma_start3A_112 = tpu.memref_slice %arg14[%add3A_105, %dma_start3A_111] : memref<10240x128xf32, #tpu.memory_space<vmem_shared>> -> memref<40x128xf32, #tpu.memory_space<vmem_shared>>
    %dma_start3A_113 = arith.constant 0 : i32
    %dma_start3A_114 = arith.constant 0 : i32
    %dma_start3A_115 = tpu.memref_slice %arg9[%dma_start3A_113, %dma_start3A_114] : memref<40x128xf32, #tpu.memory_space<vmem>> -> memref<40x128xf32, #tpu.memory_space<vmem>>
    tpu.enqueue_dma source(%dma_start3A_115 : memref<40x128xf32, #tpu.memory_space<vmem>>) target(%dma_start3A_112 : memref<40x128xf32, #tpu.memory_space<vmem_shared>>) target_semaphore(%arg19 : memref<!tpu.dma_semaphore, #tpu.memory_space<semaphore_mem>>)
    %add3A_116 = arith.constant 360 : i32
    %add3A_117 = arith.addi %mul3A_8, %add3A_116 : i32
    %dma_start3A_118 = arith.constant 0 : i32
    %dma_start3A_119 = arith.constant 0 : i32
    %dma_start3A_120 = tpu.memref_slice %arg9[%dma_start3A_118, %dma_start3A_119] : memref<40x128xf32, #tpu.memory_space<vmem>> -> memref<40x128xf32, #tpu.memory_space<vmem>>
    %dma_start3A_121 = arith.constant 0 : i32
    %dma_start3A_122 = tpu.memref_slice %arg14[%add3A_117, %dma_start3A_121] : memref<10240x128xf32, #tpu.memory_space<vmem_shared>> -> memref<40x128xf32, #tpu.memory_space<vmem_shared>>
    %dma_start3A_123 = arith.constant 0 : i32
    %dma_start3A_124 = tpu.memref_slice %arg14[%add3A_117, %dma_start3A_123] : memref<10240x128xf32, #tpu.memory_space<vmem_shared>> -> memref<40x128xf32, #tpu.memory_space<vmem_shared>>
    %dma_start3A_125 = arith.constant 0 : i32
    %dma_start3A_126 = arith.constant 0 : i32
    %dma_start3A_127 = tpu.memref_slice %arg9[%dma_start3A_125, %dma_start3A_126] : memref<40x128xf32, #tpu.memory_space<vmem>> -> memref<40x128xf32, #tpu.memory_space<vmem>>
    tpu.enqueue_dma source(%dma_start3A_127 : memref<40x128xf32, #tpu.memory_space<vmem>>) target(%dma_start3A_124 : memref<40x128xf32, #tpu.memory_space<vmem_shared>>) target_semaphore(%arg20 : memref<!tpu.dma_semaphore, #tpu.memory_space<semaphore_mem>>)
    %add3A_128 = arith.constant 400 : i32
    %add3A_129 = arith.addi %mul3A_8, %add3A_128 : i32
    %dma_start3A_130 = arith.constant 0 : i32
    %dma_start3A_131 = arith.constant 0 : i32
    %dma_start3A_132 = tpu.memref_slice %arg9[%dma_start3A_130, %dma_start3A_131] : memref<40x128xf32, #tpu.memory_space<vmem>> -> memref<40x128xf32, #tpu.memory_space<vmem>>
    %dma_start3A_133 = arith.constant 0 : i32
    %dma_start3A_134 = tpu.memref_slice %arg14[%add3A_129, %dma_start3A_133] : memref<10240x128xf32, #tpu.memory_space<vmem_shared>> -> memref<40x128xf32, #tpu.memory_space<vmem_shared>>
    %dma_start3A_135 = arith.constant 0 : i32
    %dma_start3A_136 = tpu.memref_slice %arg14[%add3A_129, %dma_start3A_135] : memref<10240x128xf32, #tpu.memory_space<vmem_shared>> -> memref<40x128xf32, #tpu.memory_space<vmem_shared>>
    %dma_start3A_137 = arith.constant 0 : i32
    %dma_start3A_138 = arith.constant 0 : i32
    %dma_start3A_139 = tpu.memref_slice %arg9[%dma_start3A_137, %dma_start3A_138] : memref<40x128xf32, #tpu.memory_space<vmem>> -> memref<40x128xf32, #tpu.memory_space<vmem>>
    tpu.enqueue_dma source(%dma_start3A_139 : memref<40x128xf32, #tpu.memory_space<vmem>>) target(%dma_start3A_136 : memref<40x128xf32, #tpu.memory_space<vmem_shared>>) target_semaphore(%arg21 : memref<!tpu.dma_semaphore, #tpu.memory_space<semaphore_mem>>)
    %add3A_140 = arith.constant 440 : i32
    %add3A_141 = arith.addi %mul3A_8, %add3A_140 : i32
    %dma_start3A_142 = arith.constant 0 : i32
    %dma_start3A_143 = arith.constant 0 : i32
    %dma_start3A_144 = tpu.memref_slice %arg9[%dma_start3A_142, %dma_start3A_143] : memref<40x128xf32, #tpu.memory_space<vmem>> -> memref<40x128xf32, #tpu.memory_space<vmem>>
    %dma_start3A_145 = arith.constant 0 : i32
    %dma_start3A_146 = tpu.memref_slice %arg14[%add3A_141, %dma_start3A_145] : memref<10240x128xf32, #tpu.memory_space<vmem_shared>> -> memref<40x128xf32, #tpu.memory_space<vmem_shared>>
    %dma_start3A_147 = arith.constant 0 : i32
    %dma_start3A_148 = tpu.memref_slice %arg14[%add3A_141, %dma_start3A_147] : memref<10240x128xf32, #tpu.memory_space<vmem_shared>> -> memref<40x128xf32, #tpu.memory_space<vmem_shared>>
    %dma_start3A_149 = arith.constant 0 : i32
    %dma_start3A_150 = arith.constant 0 : i32
    %dma_start3A_151 = tpu.memref_slice %arg9[%dma_start3A_149, %dma_start3A_150] : memref<40x128xf32, #tpu.memory_space<vmem>> -> memref<40x128xf32, #tpu.memory_space<vmem>>
    tpu.enqueue_dma source(%dma_start3A_151 : memref<40x128xf32, #tpu.memory_space<vmem>>) target(%dma_start3A_148 : memref<40x128xf32, #tpu.memory_space<vmem_shared>>) target_semaphore(%arg22 : memref<!tpu.dma_semaphore, #tpu.memory_space<semaphore_mem>>)
    %add3A_152 = arith.constant 480 : i32
    %add3A_153 = arith.addi %mul3A_8, %add3A_152 : i32
    %dma_start3A_154 = arith.constant 0 : i32
    %dma_start3A_155 = arith.constant 0 : i32
    %dma_start3A_156 = tpu.memref_slice %arg9[%dma_start3A_154, %dma_start3A_155] : memref<40x128xf32, #tpu.memory_space<vmem>> -> memref<40x128xf32, #tpu.memory_space<vmem>>
    %dma_start3A_157 = arith.constant 0 : i32
    %dma_start3A_158 = tpu.memref_slice %arg14[%add3A_153, %dma_start3A_157] : memref<10240x128xf32, #tpu.memory_space<vmem_shared>> -> memref<40x128xf32, #tpu.memory_space<vmem_shared>>
    %dma_start3A_159 = arith.constant 0 : i32
    %dma_start3A_160 = tpu.memref_slice %arg14[%add3A_153, %dma_start3A_159] : memref<10240x128xf32, #tpu.memory_space<vmem_shared>> -> memref<40x128xf32, #tpu.memory_space<vmem_shared>>
    %dma_start3A_161 = arith.constant 0 : i32
    %dma_start3A_162 = arith.constant 0 : i32
    %dma_start3A_163 = tpu.memref_slice %arg9[%dma_start3A_161, %dma_start3A_162] : memref<40x128xf32, #tpu.memory_space<vmem>> -> memref<40x128xf32, #tpu.memory_space<vmem>>
    tpu.enqueue_dma source(%dma_start3A_163 : memref<40x128xf32, #tpu.memory_space<vmem>>) target(%dma_start3A_160 : memref<40x128xf32, #tpu.memory_space<vmem_shared>>) target_semaphore(%arg19 : memref<!tpu.dma_semaphore, #tpu.memory_space<semaphore_mem>>)
    %add3A_164 = arith.constant 520 : i32
    %add3A_165 = arith.addi %mul3A_8, %add3A_164 : i32
    %dma_start3A_166 = arith.constant 0 : i32
    %dma_start3A_167 = arith.constant 0 : i32
    %dma_start3A_168 = tpu.memref_slice %arg9[%dma_start3A_166, %dma_start3A_167] : memref<40x128xf32, #tpu.memory_space<vmem>> -> memref<40x128xf32, #tpu.memory_space<vmem>>
    %dma_start3A_169 = arith.constant 0 : i32
    %dma_start3A_170 = tpu.memref_slice %arg14[%add3A_165, %dma_start3A_169] : memref<10240x128xf32, #tpu.memory_space<vmem_shared>> -> memref<40x128xf32, #tpu.memory_space<vmem_shared>>
    %dma_start3A_171 = arith.constant 0 : i32
    %dma_start3A_172 = tpu.memref_slice %arg14[%add3A_165, %dma_start3A_171] : memref<10240x128xf32, #tpu.memory_space<vmem_shared>> -> memref<40x128xf32, #tpu.memory_space<vmem_shared>>
    %dma_start3A_173 = arith.constant 0 : i32
    %dma_start3A_174 = arith.constant 0 : i32
    %dma_start3A_175 = tpu.memref_slice %arg9[%dma_start3A_173, %dma_start3A_174] : memref<40x128xf32, #tpu.memory_space<vmem>> -> memref<40x128xf32, #tpu.memory_space<vmem>>
    tpu.enqueue_dma source(%dma_start3A_175 : memref<40x128xf32, #tpu.memory_space<vmem>>) target(%dma_start3A_172 : memref<40x128xf32, #tpu.memory_space<vmem_shared>>) target_semaphore(%arg20 : memref<!tpu.dma_semaphore, #tpu.memory_space<semaphore_mem>>)
    %add3A_176 = arith.constant 560 : i32
    %add3A_177 = arith.addi %mul3A_8, %add3A_176 : i32
    %dma_start3A_178 = arith.constant 0 : i32
    %dma_start3A_179 = arith.constant 0 : i32
    %dma_start3A_180 = tpu.memref_slice %arg9[%dma_start3A_178, %dma_start3A_179] : memref<40x128xf32, #tpu.memory_space<vmem>> -> memref<40x128xf32, #tpu.memory_space<vmem>>
    %dma_start3A_181 = arith.constant 0 : i32
    %dma_start3A_182 = tpu.memref_slice %arg14[%add3A_177, %dma_start3A_181] : memref<10240x128xf32, #tpu.memory_space<vmem_shared>> -> memref<40x128xf32, #tpu.memory_space<vmem_shared>>
    %dma_start3A_183 = arith.constant 0 : i32
    %dma_start3A_184 = tpu.memref_slice %arg14[%add3A_177, %dma_start3A_183] : memref<10240x128xf32, #tpu.memory_space<vmem_shared>> -> memref<40x128xf32, #tpu.memory_space<vmem_shared>>
    %dma_start3A_185 = arith.constant 0 : i32
    %dma_start3A_186 = arith.constant 0 : i32
    %dma_start3A_187 = tpu.memref_slice %arg9[%dma_start3A_185, %dma_start3A_186] : memref<40x128xf32, #tpu.memory_space<vmem>> -> memref<40x128xf32, #tpu.memory_space<vmem>>
    tpu.enqueue_dma source(%dma_start3A_187 : memref<40x128xf32, #tpu.memory_space<vmem>>) target(%dma_start3A_184 : memref<40x128xf32, #tpu.memory_space<vmem_shared>>) target_semaphore(%arg21 : memref<!tpu.dma_semaphore, #tpu.memory_space<semaphore_mem>>)
    %add3A_188 = arith.constant 600 : i32
    %add3A_189 = arith.addi %mul3A_8, %add3A_188 : i32
    %dma_start3A_190 = arith.constant 0 : i32
    %dma_start3A_191 = arith.constant 0 : i32
    %dma_start3A_192 = tpu.memref_slice %arg9[%dma_start3A_190, %dma_start3A_191] : memref<40x128xf32, #tpu.memory_space<vmem>> -> memref<40x128xf32, #tpu.memory_space<vmem>>
    %dma_start3A_193 = arith.constant 0 : i32
    %dma_start3A_194 = tpu.memref_slice %arg14[%add3A_189, %dma_start3A_193] : memref<10240x128xf32, #tpu.memory_space<vmem_shared>> -> memref<40x128xf32, #tpu.memory_space<vmem_shared>>
    %dma_start3A_195 = arith.constant 0 : i32
    %dma_start3A_196 = tpu.memref_slice %arg14[%add3A_189, %dma_start3A_195] : memref<10240x128xf32, #tpu.memory_space<vmem_shared>> -> memref<40x128xf32, #tpu.memory_space<vmem_shared>>
    %dma_start3A_197 = arith.constant 0 : i32
    %dma_start3A_198 = arith.constant 0 : i32
    %dma_start3A_199 = tpu.memref_slice %arg9[%dma_start3A_197, %dma_start3A_198] : memref<40x128xf32, #tpu.memory_space<vmem>> -> memref<40x128xf32, #tpu.memory_space<vmem>>
    tpu.enqueue_dma source(%dma_start3A_199 : memref<40x128xf32, #tpu.memory_space<vmem>>) target(%dma_start3A_196 : memref<40x128xf32, #tpu.memory_space<vmem_shared>>) target_semaphore(%arg22 : memref<!tpu.dma_semaphore, #tpu.memory_space<semaphore_mem>>)
    %scan3A_200 = arith.constant 0 : i32
    %scan3A_201 = arith.constant 0 : i32
    %scan3A_202 = arith.constant 625 : i32
    %scan3A_203 = arith.addi %scan3A_201, %scan3A_202 : i32
    %scan3A_204 = arith.constant 1 : i32
    scf.for %scan3A_1008 = %scan3A_201 to %scan3A_203 step %scan3A_204  : i32 {
      %mul3A_1009 = arith.constant 16 : i32
      %mul3A_1010 = arith.muli %scan3A_1008, %mul3A_1009 : i32
      %swap3A = arith.index_cast %mul3A_1010 : i32 to index
      %swap3A_1011 = tpu.vector_load %arg13[%swap3A] {strides = array<i32>} : memref<10000xf32, #tpu.memory_space<vmem>>, vector<16xf32>,
      tpu.vector_store %arg13[%swap3A], %broadcast_in_dim3A_1 {strides = array<i32>} : memref<10000xf32, #tpu.memory_space<vmem>>, vector<16xf32>,
    }
    %scan3A_205 = arith.constant 625 : i32
    %add3A_206 = arith.constant 0 : i32
    %add3A_207 = arith.addi %mul3A_8, %add3A_206 : i32
    %dma_wait3A = arith.constant 0 : i32
    %dma_wait3A_208 = arith.constant 0 : i32
    %dma_wait3A_209 = tpu.memref_slice %arg9[%dma_wait3A, %dma_wait3A_208] : memref<40x128xf32, #tpu.memory_space<vmem>> -> memref<40x128xf32, #tpu.memory_space<vmem>>
    %dma_wait3A_210 = arith.constant 0 : i32
    %dma_wait3A_211 = tpu.memref_slice %arg14[%add3A_207, %dma_wait3A_210] : memref<10240x128xf32, #tpu.memory_space<vmem_shared>> -> memref<40x128xf32, #tpu.memory_space<vmem_shared>>
    %dma_wait3A_212 = arith.constant 0 : i32
    %dma_wait3A_213 = tpu.memref_slice %arg14[%add3A_207, %dma_wait3A_212] : memref<10240x128xf32, #tpu.memory_space<vmem_shared>> -> memref<40x128xf32, #tpu.memory_space<vmem_shared>>
    %dma_wait3A_214 = arith.constant 0 : i32
    %dma_wait3A_215 = arith.constant 0 : i32
    %dma_wait3A_216 = tpu.memref_slice %arg9[%dma_wait3A_214, %dma_wait3A_215] : memref<40x128xf32, #tpu.memory_space<vmem>> -> memref<40x128xf32, #tpu.memory_space<vmem>>
    tpu.wait_dma2 semaphore(%arg19 : memref<!tpu.dma_semaphore, #tpu.memory_space<semaphore_mem>>) src(%dma_wait3A_216 : memref<40x128xf32, #tpu.memory_space<vmem>>) dst(%dma_wait3A_213 : memref<40x128xf32, #tpu.memory_space<vmem_shared>>)
    %add3A_217 = arith.constant 40 : i32
    %add3A_218 = arith.addi %mul3A_8, %add3A_217 : i32
    %dma_wait3A_219 = arith.constant 0 : i32
    %dma_wait3A_220 = arith.constant 0 : i32
    %dma_wait3A_221 = tpu.memref_slice %arg9[%dma_wait3A_219, %dma_wait3A_220] : memref<40x128xf32, #tpu.memory_space<vmem>> -> memref<40x128xf32, #tpu.memory_space<vmem>>
    %dma_wait3A_222 = arith.constant 0 : i32
    %dma_wait3A_223 = tpu.memref_slice %arg14[%add3A_218, %dma_wait3A_222] : memref<10240x128xf32, #tpu.memory_space<vmem_shared>> -> memref<40x128xf32, #tpu.memory_space<vmem_shared>>
    %dma_wait3A_224 = arith.constant 0 : i32
    %dma_wait3A_225 = tpu.memref_slice %arg14[%add3A_218, %dma_wait3A_224] : memref<10240x128xf32, #tpu.memory_space<vmem_shared>> -> memref<40x128xf32, #tpu.memory_space<vmem_shared>>
    %dma_wait3A_226 = arith.constant 0 : i32
    %dma_wait3A_227 = arith.constant 0 : i32
    %dma_wait3A_228 = tpu.memref_slice %arg9[%dma_wait3A_226, %dma_wait3A_227] : memref<40x128xf32, #tpu.memory_space<vmem>> -> memref<40x128xf32, #tpu.memory_space<vmem>>
    tpu.wait_dma2 semaphore(%arg20 : memref<!tpu.dma_semaphore, #tpu.memory_space<semaphore_mem>>) src(%dma_wait3A_228 : memref<40x128xf32, #tpu.memory_space<vmem>>) dst(%dma_wait3A_225 : memref<40x128xf32, #tpu.memory_space<vmem_shared>>)
    %add3A_229 = arith.constant 80 : i32
    %add3A_230 = arith.addi %mul3A_8, %add3A_229 : i32
    %dma_wait3A_231 = arith.constant 0 : i32
    %dma_wait3A_232 = arith.constant 0 : i32
    %dma_wait3A_233 = tpu.memref_slice %arg9[%dma_wait3A_231, %dma_wait3A_232] : memref<40x128xf32, #tpu.memory_space<vmem>> -> memref<40x128xf32, #tpu.memory_space<vmem>>
    %dma_wait3A_234 = arith.constant 0 : i32
    %dma_wait3A_235 = tpu.memref_slice %arg14[%add3A_230, %dma_wait3A_234] : memref<10240x128xf32, #tpu.memory_space<vmem_shared>> -> memref<40x128xf32, #tpu.memory_space<vmem_shared>>
    %dma_wait3A_236 = arith.constant 0 : i32
    %dma_wait3A_237 = tpu.memref_slice %arg14[%add3A_230, %dma_wait3A_236] : memref<10240x128xf32, #tpu.memory_space<vmem_shared>> -> memref<40x128xf32, #tpu.memory_space<vmem_shared>>
    %dma_wait3A_238 = arith.constant 0 : i32
    %dma_wait3A_239 = arith.constant 0 : i32
    %dma_wait3A_240 = tpu.memref_slice %arg9[%dma_wait3A_238, %dma_wait3A_239] : memref<40x128xf32, #tpu.memory_space<vmem>> -> memref<40x128xf32, #tpu.memory_space<vmem>>
    tpu.wait_dma2 semaphore(%arg21 : memref<!tpu.dma_semaphore, #tpu.memory_space<semaphore_mem>>) src(%dma_wait3A_240 : memref<40x128xf32, #tpu.memory_space<vmem>>) dst(%dma_wait3A_237 : memref<40x128xf32, #tpu.memory_space<vmem_shared>>)
    %add3A_241 = arith.constant 120 : i32
    %add3A_242 = arith.addi %mul3A_8, %add3A_241 : i32
    %dma_wait3A_243 = arith.constant 0 : i32
    %dma_wait3A_244 = arith.constant 0 : i32
    %dma_wait3A_245 = tpu.memref_slice %arg9[%dma_wait3A_243, %dma_wait3A_244] : memref<40x128xf32, #tpu.memory_space<vmem>> -> memref<40x128xf32, #tpu.memory_space<vmem>>
    %dma_wait3A_246 = arith.constant 0 : i32
    %dma_wait3A_247 = tpu.memref_slice %arg14[%add3A_242, %dma_wait3A_246] : memref<10240x128xf32, #tpu.memory_space<vmem_shared>> -> memref<40x128xf32, #tpu.memory_space<vmem_shared>>
    %dma_wait3A_248 = arith.constant 0 : i32
    %dma_wait3A_249 = tpu.memref_slice %arg14[%add3A_242, %dma_wait3A_248] : memref<10240x128xf32, #tpu.memory_space<vmem_shared>> -> memref<40x128xf32, #tpu.memory_space<vmem_shared>>
    %dma_wait3A_250 = arith.constant 0 : i32
    %dma_wait3A_251 = arith.constant 0 : i32
    %dma_wait3A_252 = tpu.memref_slice %arg9[%dma_wait3A_250, %dma_wait3A_251] : memref<40x128xf32, #tpu.memory_space<vmem>> -> memref<40x128xf32, #tpu.memory_space<vmem>>
    tpu.wait_dma2 semaphore(%arg22 : memref<!tpu.dma_semaphore, #tpu.memory_space<semaphore_mem>>) src(%dma_wait3A_252 : memref<40x128xf32, #tpu.memory_space<vmem>>) dst(%dma_wait3A_249 : memref<40x128xf32, #tpu.memory_space<vmem_shared>>)
    %add3A_253 = arith.constant 160 : i32
    %add3A_254 = arith.addi %mul3A_8, %add3A_253 : i32
    %dma_wait3A_255 = arith.constant 0 : i32
    %dma_wait3A_256 = arith.constant 0 : i32
    %dma_wait3A_257 = tpu.memref_slice %arg9[%dma_wait3A_255, %dma_wait3A_256] : memref<40x128xf32, #tpu.memory_space<vmem>> -> memref<40x128xf32, #tpu.memory_space<vmem>>
    %dma_wait3A_258 = arith.constant 0 : i32
    %dma_wait3A_259 = tpu.memref_slice %arg14[%add3A_254, %dma_wait3A_258] : memref<10240x128xf32, #tpu.memory_space<vmem_shared>> -> memref<40x128xf32, #tpu.memory_space<vmem_shared>>
    %dma_wait3A_260 = arith.constant 0 : i32
    %dma_wait3A_261 = tpu.memref_slice %arg14[%add3A_254, %dma_wait3A_260] : memref<10240x128xf32, #tpu.memory_space<vmem_shared>> -> memref<40x128xf32, #tpu.memory_space<vmem_shared>>
    %dma_wait3A_262 = arith.constant 0 : i32
    %dma_wait3A_263 = arith.constant 0 : i32
    %dma_wait3A_264 = tpu.memref_slice %arg9[%dma_wait3A_262, %dma_wait3A_263] : memref<40x128xf32, #tpu.memory_space<vmem>> -> memref<40x128xf32, #tpu.memory_space<vmem>>
    tpu.wait_dma2 semaphore(%arg19 : memref<!tpu.dma_semaphore, #tpu.memory_space<semaphore_mem>>) src(%dma_wait3A_264 : memref<40x128xf32, #tpu.memory_space<vmem>>) dst(%dma_wait3A_261 : memref<40x128xf32, #tpu.memory_space<vmem_shared>>)
    %add3A_265 = arith.constant 200 : i32
    %add3A_266 = arith.addi %mul3A_8, %add3A_265 : i32
    %dma_wait3A_267 = arith.constant 0 : i32
    %dma_wait3A_268 = arith.constant 0 : i32
    %dma_wait3A_269 = tpu.memref_slice %arg9[%dma_wait3A_267, %dma_wait3A_268] : memref<40x128xf32, #tpu.memory_space<vmem>> -> memref<40x128xf32, #tpu.memory_space<vmem>>
    %dma_wait3A_270 = arith.constant 0 : i32
    %dma_wait3A_271 = tpu.memref_slice %arg14[%add3A_266, %dma_wait3A_270] : memref<10240x128xf32, #tpu.memory_space<vmem_shared>> -> memref<40x128xf32, #tpu.memory_space<vmem_shared>>
    %dma_wait3A_272 = arith.constant 0 : i32
    %dma_wait3A_273 = tpu.memref_slice %arg14[%add3A_266, %dma_wait3A_272] : memref<10240x128xf32, #tpu.memory_space<vmem_shared>> -> memref<40x128xf32, #tpu.memory_space<vmem_shared>>
    %dma_wait3A_274 = arith.constant 0 : i32
    %dma_wait3A_275 = arith.constant 0 : i32
    %dma_wait3A_276 = tpu.memref_slice %arg9[%dma_wait3A_274, %dma_wait3A_275] : memref<40x128xf32, #tpu.memory_space<vmem>> -> memref<40x128xf32, #tpu.memory_space<vmem>>
    tpu.wait_dma2 semaphore(%arg20 : memref<!tpu.dma_semaphore, #tpu.memory_space<semaphore_mem>>) src(%dma_wait3A_276 : memref<40x128xf32, #tpu.memory_space<vmem>>) dst(%dma_wait3A_273 : memref<40x128xf32, #tpu.memory_space<vmem_shared>>)
    %add3A_277 = arith.constant 240 : i32
    %add3A_278 = arith.addi %mul3A_8, %add3A_277 : i32
    %dma_wait3A_279 = arith.constant 0 : i32
    %dma_wait3A_280 = arith.constant 0 : i32
    %dma_wait3A_281 = tpu.memref_slice %arg9[%dma_wait3A_279, %dma_wait3A_280] : memref<40x128xf32, #tpu.memory_space<vmem>> -> memref<40x128xf32, #tpu.memory_space<vmem>>
    %dma_wait3A_282 = arith.constant 0 : i32
    %dma_wait3A_283 = tpu.memref_slice %arg14[%add3A_278, %dma_wait3A_282] : memref<10240x128xf32, #tpu.memory_space<vmem_shared>> -> memref<40x128xf32, #tpu.memory_space<vmem_shared>>
    %dma_wait3A_284 = arith.constant 0 : i32
    %dma_wait3A_285 = tpu.memref_slice %arg14[%add3A_278, %dma_wait3A_284] : memref<10240x128xf32, #tpu.memory_space<vmem_shared>> -> memref<40x128xf32, #tpu.memory_space<vmem_shared>>
    %dma_wait3A_286 = arith.constant 0 : i32
    %dma_wait3A_287 = arith.constant 0 : i32
    %dma_wait3A_288 = tpu.memref_slice %arg9[%dma_wait3A_286, %dma_wait3A_287] : memref<40x128xf32, #tpu.memory_space<vmem>> -> memref<40x128xf32, #tpu.memory_space<vmem>>
    tpu.wait_dma2 semaphore(%arg21 : memref<!tpu.dma_semaphore, #tpu.memory_space<semaphore_mem>>) src(%dma_wait3A_288 : memref<40x128xf32, #tpu.memory_space<vmem>>) dst(%dma_wait3A_285 : memref<40x128xf32, #tpu.memory_space<vmem_shared>>)
    %add3A_289 = arith.constant 280 : i32
    %add3A_290 = arith.addi %mul3A_8, %add3A_289 : i32
    %dma_wait3A_291 = arith.constant 0 : i32
    %dma_wait3A_292 = arith.constant 0 : i32
    %dma_wait3A_293 = tpu.memref_slice %arg9[%dma_wait3A_291, %dma_wait3A_292] : memref<40x128xf32, #tpu.memory_space<vmem>> -> memref<40x128xf32, #tpu.memory_space<vmem>>
    %dma_wait3A_294 = arith.constant 0 : i32
    %dma_wait3A_295 = tpu.memref_slice %arg14[%add3A_290, %dma_wait3A_294] : memref<10240x128xf32, #tpu.memory_space<vmem_shared>> -> memref<40x128xf32, #tpu.memory_space<vmem_shared>>
    %dma_wait3A_296 = arith.constant 0 : i32
    %dma_wait3A_297 = tpu.memref_slice %arg14[%add3A_290, %dma_wait3A_296] : memref<10240x128xf32, #tpu.memory_space<vmem_shared>> -> memref<40x128xf32, #tpu.memory_space<vmem_shared>>
    %dma_wait3A_298 = arith.constant 0 : i32
    %dma_wait3A_299 = arith.constant 0 : i32
    %dma_wait3A_300 = tpu.memref_slice %arg9[%dma_wait3A_298, %dma_wait3A_299] : memref<40x128xf32, #tpu.memory_space<vmem>> -> memref<40x128xf32, #tpu.memory_space<vmem>>
    tpu.wait_dma2 semaphore(%arg22 : memref<!tpu.dma_semaphore, #tpu.memory_space<semaphore_mem>>) src(%dma_wait3A_300 : memref<40x128xf32, #tpu.memory_space<vmem>>) dst(%dma_wait3A_297 : memref<40x128xf32, #tpu.memory_space<vmem_shared>>)
    %add3A_301 = arith.constant 320 : i32
    %add3A_302 = arith.addi %mul3A_8, %add3A_301 : i32
    %dma_wait3A_303 = arith.constant 0 : i32
    %dma_wait3A_304 = arith.constant 0 : i32
    %dma_wait3A_305 = tpu.memref_slice %arg9[%dma_wait3A_303, %dma_wait3A_304] : memref<40x128xf32, #tpu.memory_space<vmem>> -> memref<40x128xf32, #tpu.memory_space<vmem>>
    %dma_wait3A_306 = arith.constant 0 : i32
    %dma_wait3A_307 = tpu.memref_slice %arg14[%add3A_302, %dma_wait3A_306] : memref<10240x128xf32, #tpu.memory_space<vmem_shared>> -> memref<40x128xf32, #tpu.memory_space<vmem_shared>>
    %dma_wait3A_308 = arith.constant 0 : i32
    %dma_wait3A_309 = tpu.memref_slice %arg14[%add3A_302, %dma_wait3A_308] : memref<10240x128xf32, #tpu.memory_space<vmem_shared>> -> memref<40x128xf32, #tpu.memory_space<vmem_shared>>
    %dma_wait3A_310 = arith.constant 0 : i32
    %dma_wait3A_311 = arith.constant 0 : i32
    %dma_wait3A_312 = tpu.memref_slice %arg9[%dma_wait3A_310, %dma_wait3A_311] : memref<40x128xf32, #tpu.memory_space<vmem>> -> memref<40x128xf32, #tpu.memory_space<vmem>>
    tpu.wait_dma2 semaphore(%arg19 : memref<!tpu.dma_semaphore, #tpu.memory_space<semaphore_mem>>) src(%dma_wait3A_312 : memref<40x128xf32, #tpu.memory_space<vmem>>) dst(%dma_wait3A_309 : memref<40x128xf32, #tpu.memory_space<vmem_shared>>)
    %add3A_313 = arith.constant 360 : i32
    %add3A_314 = arith.addi %mul3A_8, %add3A_313 : i32
    %dma_wait3A_315 = arith.constant 0 : i32
    %dma_wait3A_316 = arith.constant 0 : i32
    %dma_wait3A_317 = tpu.memref_slice %arg9[%dma_wait3A_315, %dma_wait3A_316] : memref<40x128xf32, #tpu.memory_space<vmem>> -> memref<40x128xf32, #tpu.memory_space<vmem>>
    %dma_wait3A_318 = arith.constant 0 : i32
    %dma_wait3A_319 = tpu.memref_slice %arg14[%add3A_314, %dma_wait3A_318] : memref<10240x128xf32, #tpu.memory_space<vmem_shared>> -> memref<40x128xf32, #tpu.memory_space<vmem_shared>>
    %dma_wait3A_320 = arith.constant 0 : i32
    %dma_wait3A_321 = tpu.memref_slice %arg14[%add3A_314, %dma_wait3A_320] : memref<10240x128xf32, #tpu.memory_space<vmem_shared>> -> memref<40x128xf32, #tpu.memory_space<vmem_shared>>
    %dma_wait3A_322 = arith.constant 0 : i32
    %dma_wait3A_323 = arith.constant 0 : i32
    %dma_wait3A_324 = tpu.memref_slice %arg9[%dma_wait3A_322, %dma_wait3A_323] : memref<40x128xf32, #tpu.memory_space<vmem>> -> memref<40x128xf32, #tpu.memory_space<vmem>>
    tpu.wait_dma2 semaphore(%arg20 : memref<!tpu.dma_semaphore, #tpu.memory_space<semaphore_mem>>) src(%dma_wait3A_324 : memref<40x128xf32, #tpu.memory_space<vmem>>) dst(%dma_wait3A_321 : memref<40x128xf32, #tpu.memory_space<vmem_shared>>)
    %add3A_325 = arith.constant 400 : i32
    %add3A_326 = arith.addi %mul3A_8, %add3A_325 : i32
    %dma_wait3A_327 = arith.constant 0 : i32
    %dma_wait3A_328 = arith.constant 0 : i32
    %dma_wait3A_329 = tpu.memref_slice %arg9[%dma_wait3A_327, %dma_wait3A_328] : memref<40x128xf32, #tpu.memory_space<vmem>> -> memref<40x128xf32, #tpu.memory_space<vmem>>
    %dma_wait3A_330 = arith.constant 0 : i32
    %dma_wait3A_331 = tpu.memref_slice %arg14[%add3A_326, %dma_wait3A_330] : memref<10240x128xf32, #tpu.memory_space<vmem_shared>> -> memref<40x128xf32, #tpu.memory_space<vmem_shared>>
    %dma_wait3A_332 = arith.constant 0 : i32
    %dma_wait3A_333 = tpu.memref_slice %arg14[%add3A_326, %dma_wait3A_332] : memref<10240x128xf32, #tpu.memory_space<vmem_shared>> -> memref<40x128xf32, #tpu.memory_space<vmem_shared>>
    %dma_wait3A_334 = arith.constant 0 : i32
    %dma_wait3A_335 = arith.constant 0 : i32
    %dma_wait3A_336 = tpu.memref_slice %arg9[%dma_wait3A_334, %dma_wait3A_335] : memref<40x128xf32, #tpu.memory_space<vmem>> -> memref<40x128xf32, #tpu.memory_space<vmem>>
    tpu.wait_dma2 semaphore(%arg21 : memref<!tpu.dma_semaphore, #tpu.memory_space<semaphore_mem>>) src(%dma_wait3A_336 : memref<40x128xf32, #tpu.memory_space<vmem>>) dst(%dma_wait3A_333 : memref<40x128xf32, #tpu.memory_space<vmem_shared>>)
    %add3A_337 = arith.constant 440 : i32
    %add3A_338 = arith.addi %mul3A_8, %add3A_337 : i32
    %dma_wait3A_339 = arith.constant 0 : i32
    %dma_wait3A_340 = arith.constant 0 : i32
    %dma_wait3A_341 = tpu.memref_slice %arg9[%dma_wait3A_339, %dma_wait3A_340] : memref<40x128xf32, #tpu.memory_space<vmem>> -> memref<40x128xf32, #tpu.memory_space<vmem>>
    %dma_wait3A_342 = arith.constant 0 : i32
    %dma_wait3A_343 = tpu.memref_slice %arg14[%add3A_338, %dma_wait3A_342] : memref<10240x128xf32, #tpu.memory_space<vmem_shared>> -> memref<40x128xf32, #tpu.memory_space<vmem_shared>>
    %dma_wait3A_344 = arith.constant 0 : i32
    %dma_wait3A_345 = tpu.memref_slice %arg14[%add3A_338, %dma_wait3A_344] : memref<10240x128xf32, #tpu.memory_space<vmem_shared>> -> memref<40x128xf32, #tpu.memory_space<vmem_shared>>
    %dma_wait3A_346 = arith.constant 0 : i32
    %dma_wait3A_347 = arith.constant 0 : i32
    %dma_wait3A_348 = tpu.memref_slice %arg9[%dma_wait3A_346, %dma_wait3A_347] : memref<40x128xf32, #tpu.memory_space<vmem>> -> memref<40x128xf32, #tpu.memory_space<vmem>>
    tpu.wait_dma2 semaphore(%arg22 : memref<!tpu.dma_semaphore, #tpu.memory_space<semaphore_mem>>) src(%dma_wait3A_348 : memref<40x128xf32, #tpu.memory_space<vmem>>) dst(%dma_wait3A_345 : memref<40x128xf32, #tpu.memory_space<vmem_shared>>)
    %add3A_349 = arith.constant 480 : i32
    %add3A_350 = arith.addi %mul3A_8, %add3A_349 : i32
    %dma_wait3A_351 = arith.constant 0 : i32
    %dma_wait3A_352 = arith.constant 0 : i32
    %dma_wait3A_353 = tpu.memref_slice %arg9[%dma_wait3A_351, %dma_wait3A_352] : memref<40x128xf32, #tpu.memory_space<vmem>> -> memref<40x128xf32, #tpu.memory_space<vmem>>
    %dma_wait3A_354 = arith.constant 0 : i32
    %dma_wait3A_355 = tpu.memref_slice %arg14[%add3A_350, %dma_wait3A_354] : memref<10240x128xf32, #tpu.memory_space<vmem_shared>> -> memref<40x128xf32, #tpu.memory_space<vmem_shared>>
    %dma_wait3A_356 = arith.constant 0 : i32
    %dma_wait3A_357 = tpu.memref_slice %arg14[%add3A_350, %dma_wait3A_356] : memref<10240x128xf32, #tpu.memory_space<vmem_shared>> -> memref<40x128xf32, #tpu.memory_space<vmem_shared>>
    %dma_wait3A_358 = arith.constant 0 : i32
    %dma_wait3A_359 = arith.constant 0 : i32
    %dma_wait3A_360 = tpu.memref_slice %arg9[%dma_wait3A_358, %dma_wait3A_359] : memref<40x128xf32, #tpu.memory_space<vmem>> -> memref<40x128xf32, #tpu.memory_space<vmem>>
    tpu.wait_dma2 semaphore(%arg19 : memref<!tpu.dma_semaphore, #tpu.memory_space<semaphore_mem>>) src(%dma_wait3A_360 : memref<40x128xf32, #tpu.memory_space<vmem>>) dst(%dma_wait3A_357 : memref<40x128xf32, #tpu.memory_space<vmem_shared>>)
    %add3A_361 = arith.constant 520 : i32
    %add3A_362 = arith.addi %mul3A_8, %add3A_361 : i32
    %dma_wait3A_363 = arith.constant 0 : i32
    %dma_wait3A_364 = arith.constant 0 : i32
    %dma_wait3A_365 = tpu.memref_slice %arg9[%dma_wait3A_363, %dma_wait3A_364] : memref<40x128xf32, #tpu.memory_space<vmem>> -> memref<40x128xf32, #tpu.memory_space<vmem>>
    %dma_wait3A_366 = arith.constant 0 : i32
    %dma_wait3A_367 = tpu.memref_slice %arg14[%add3A_362, %dma_wait3A_366] : memref<10240x128xf32, #tpu.memory_space<vmem_shared>> -> memref<40x128xf32, #tpu.memory_space<vmem_shared>>
    %dma_wait3A_368 = arith.constant 0 : i32
    %dma_wait3A_369 = tpu.memref_slice %arg14[%add3A_362, %dma_wait3A_368] : memref<10240x128xf32, #tpu.memory_space<vmem_shared>> -> memref<40x128xf32, #tpu.memory_space<vmem_shared>>
    %dma_wait3A_370 = arith.constant 0 : i32
    %dma_wait3A_371 = arith.constant 0 : i32
    %dma_wait3A_372 = tpu.memref_slice %arg9[%dma_wait3A_370, %dma_wait3A_371] : memref<40x128xf32, #tpu.memory_space<vmem>> -> memref<40x128xf32, #tpu.memory_space<vmem>>
    tpu.wait_dma2 semaphore(%arg20 : memref<!tpu.dma_semaphore, #tpu.memory_space<semaphore_mem>>) src(%dma_wait3A_372 : memref<40x128xf32, #tpu.memory_space<vmem>>) dst(%dma_wait3A_369 : memref<40x128xf32, #tpu.memory_space<vmem_shared>>)
    %add3A_373 = arith.constant 560 : i32
    %add3A_374 = arith.addi %mul3A_8, %add3A_373 : i32
    %dma_wait3A_375 = arith.constant 0 : i32
    %dma_wait3A_376 = arith.constant 0 : i32
    %dma_wait3A_377 = tpu.memref_slice %arg9[%dma_wait3A_375, %dma_wait3A_376] : memref<40x128xf32, #tpu.memory_space<vmem>> -> memref<40x128xf32, #tpu.memory_space<vmem>>
    %dma_wait3A_378 = arith.constant 0 : i32
    %dma_wait3A_379 = tpu.memref_slice %arg14[%add3A_374, %dma_wait3A_378] : memref<10240x128xf32, #tpu.memory_space<vmem_shared>> -> memref<40x128xf32, #tpu.memory_space<vmem_shared>>
    %dma_wait3A_380 = arith.constant 0 : i32
    %dma_wait3A_381 = tpu.memref_slice %arg14[%add3A_374, %dma_wait3A_380] : memref<10240x128xf32, #tpu.memory_space<vmem_shared>> -> memref<40x128xf32, #tpu.memory_space<vmem_shared>>
    %dma_wait3A_382 = arith.constant 0 : i32
    %dma_wait3A_383 = arith.constant 0 : i32
    %dma_wait3A_384 = tpu.memref_slice %arg9[%dma_wait3A_382, %dma_wait3A_383] : memref<40x128xf32, #tpu.memory_space<vmem>> -> memref<40x128xf32, #tpu.memory_space<vmem>>
    tpu.wait_dma2 semaphore(%arg21 : memref<!tpu.dma_semaphore, #tpu.memory_space<semaphore_mem>>) src(%dma_wait3A_384 : memref<40x128xf32, #tpu.memory_space<vmem>>) dst(%dma_wait3A_381 : memref<40x128xf32, #tpu.memory_space<vmem_shared>>)
    %add3A_385 = arith.constant 600 : i32
    %add3A_386 = arith.addi %mul3A_8, %add3A_385 : i32
    %dma_wait3A_387 = arith.constant 0 : i32
    %dma_wait3A_388 = arith.constant 0 : i32
    %dma_wait3A_389 = tpu.memref_slice %arg9[%dma_wait3A_387, %dma_wait3A_388] : memref<40x128xf32, #tpu.memory_space<vmem>> -> memref<40x128xf32, #tpu.memory_space<vmem>>
    %dma_wait3A_390 = arith.constant 0 : i32
    %dma_wait3A_391 = tpu.memref_slice %arg14[%add3A_386, %dma_wait3A_390] : memref<10240x128xf32, #tpu.memory_space<vmem_shared>> -> memref<40x128xf32, #tpu.memory_space<vmem_shared>>
    %dma_wait3A_392 = arith.constant 0 : i32
    %dma_wait3A_393 = tpu.memref_slice %arg14[%add3A_386, %dma_wait3A_392] : memref<10240x128xf32, #tpu.memory_space<vmem_shared>> -> memref<40x128xf32, #tpu.memory_space<vmem_shared>>
    %dma_wait3A_394 = arith.constant 0 : i32
    %dma_wait3A_395 = arith.constant 0 : i32
    %dma_wait3A_396 = tpu.memref_slice %arg9[%dma_wait3A_394, %dma_wait3A_395] : memref<40x128xf32, #tpu.memory_space<vmem>> -> memref<40x128xf32, #tpu.memory_space<vmem>>
    tpu.wait_dma2 semaphore(%arg22 : memref<!tpu.dma_semaphore, #tpu.memory_space<semaphore_mem>>) src(%dma_wait3A_396 : memref<40x128xf32, #tpu.memory_space<vmem>>) dst(%dma_wait3A_393 : memref<40x128xf32, #tpu.memory_space<vmem_shared>>)
    %barrier3A = arith.constant 0 : index
    tpu.barrier barrier_id(%barrier3A)
    %broadcast_in_dim3A_397 = arith.constant 1.000000e+00 : f32
    %broadcast_in_dim3A_398 = vector.broadcast %broadcast_in_dim3A_397 : f32 to vector<16xf32>
    %iota3A = tpu.iota {dimensions = array<i32: 0>} : vector<16xi32>
    %ge3A = arith.constant 8 : i32
    %ge3A_399 = vector.broadcast %ge3A : i32 to vector<16xi32>
    %ge3A_400 = arith.cmpi sge, %iota3A, %ge3A_399 : vector<16xi32>
    %scan3A_401 = arith.constant 0 : i32
    %scan3A_402 = arith.constant 0 : i32
    %scan3A_403 = arith.constant 5 : i32
    %scan3A_404 = arith.addi %scan3A_402, %scan3A_403 : i32
    %scan3A_405 = arith.constant 1 : i32
    scf.for %scan3A_1008 = %scan3A_402 to %scan3A_404 step %scan3A_405  : i32 {
      "tpu.region"() ({
        %run_scoped3A = tpu.sem_alloc : memref<!tpu.dma_semaphore, #tpu.memory_space<semaphore_mem>>
        %dma_start3A_1071 = arith.constant 0 : i32
        %dma_start3A_1072 = arith.constant 0 : i32
        %dma_start3A_1073 = arith.constant 0 : i32
        %dma_start3A_1074 = tpu.memref_slice %arg3[%add3A, %dma_start3A_1071, %dma_start3A_1072, %dma_start3A_1073] : memref<32x5x50x40xi32, #tpu.memory_space<hbm>> -> memref<1x5x50x40xi32, #tpu.memory_space<hbm>>
        %dma_start3A_1075 = tpu.memref_squeeze %dma_start3A_1074 : memref<1x5x50x40xi32, #tpu.memory_space<hbm>> -> memref<5x50x40xi32, #tpu.memory_space<hbm>>
        %dma_start3A_1076 = arith.constant 0 : i32
        %dma_start3A_1077 = arith.constant 0 : i32
        %dma_start3A_1078 = tpu.memref_slice %dma_start3A_1075[%scan3A_1008, %dma_start3A_1076, %dma_start3A_1077] : memref<5x50x40xi32, #tpu.memory_space<hbm>> -> memref<1x50x40xi32, #tpu.memory_space<hbm>>
        %dma_start3A_1079 = tpu.memref_squeeze %dma_start3A_1078 : memref<1x50x40xi32, #tpu.memory_space<hbm>> -> memref<50x40xi32, #tpu.memory_space<hbm>>
        %dma_start3A_1080 = arith.constant 0 : i32
        %dma_start3A_1081 = arith.constant 0 : i32
        %dma_start3A_1082 = arith.constant 0 : i32
        %dma_start3A_1083 = tpu.memref_slice %arg3[%add3A, %dma_start3A_1080, %dma_start3A_1081, %dma_start3A_1082] : memref<32x5x50x40xi32, #tpu.memory_space<hbm>> -> memref<1x5x50x40xi32, #tpu.memory_space<hbm>>
        %dma_start3A_1084 = tpu.memref_squeeze %dma_start3A_1083 : memref<1x5x50x40xi32, #tpu.memory_space<hbm>> -> memref<5x50x40xi32, #tpu.memory_space<hbm>>
        %dma_start3A_1085 = arith.constant 0 : i32
        %dma_start3A_1086 = arith.constant 0 : i32
        %dma_start3A_1087 = tpu.memref_slice %dma_start3A_1084[%scan3A_1008, %dma_start3A_1085, %dma_start3A_1086] : memref<5x50x40xi32, #tpu.memory_space<hbm>> -> memref<1x50x40xi32, #tpu.memory_space<hbm>>
        %dma_start3A_1088 = tpu.memref_squeeze %dma_start3A_1087 : memref<1x50x40xi32, #tpu.memory_space<hbm>> -> memref<50x40xi32, #tpu.memory_space<hbm>>
        tpu.enqueue_dma source(%dma_start3A_1088 : memref<50x40xi32, #tpu.memory_space<hbm>>) target(%arg7 : memref<50x40xi32, #tpu.memory_space<vmem>>) target_semaphore(%run_scoped3A : memref<!tpu.dma_semaphore, #tpu.memory_space<semaphore_mem>>)
        %dma_wait3A_1089 = arith.constant 0 : i32
        %dma_wait3A_1090 = arith.constant 0 : i32
        %dma_wait3A_1091 = arith.constant 0 : i32
        %dma_wait3A_1092 = tpu.memref_slice %arg3[%add3A, %dma_wait3A_1089, %dma_wait3A_1090, %dma_wait3A_1091] : memref<32x5x50x40xi32, #tpu.memory_space<hbm>> -> memref<1x5x50x40xi32, #tpu.memory_space<hbm>>
        %dma_wait3A_1093 = tpu.memref_squeeze %dma_wait3A_1092 : memref<1x5x50x40xi32, #tpu.memory_space<hbm>> -> memref<5x50x40xi32, #tpu.memory_space<hbm>>
        %dma_wait3A_1094 = arith.constant 0 : i32
        %dma_wait3A_1095 = arith.constant 0 : i32
        %dma_wait3A_1096 = tpu.memref_slice %dma_wait3A_1093[%scan3A_1008, %dma_wait3A_1094, %dma_wait3A_1095] : memref<5x50x40xi32, #tpu.memory_space<hbm>> -> memref<1x50x40xi32, #tpu.memory_space<hbm>>
        %dma_wait3A_1097 = tpu.memref_squeeze %dma_wait3A_1096 : memref<1x50x40xi32, #tpu.memory_space<hbm>> -> memref<50x40xi32, #tpu.memory_space<hbm>>
        %dma_wait3A_1098 = arith.constant 0 : i32
        %dma_wait3A_1099 = arith.constant 0 : i32
        %dma_wait3A_1100 = arith.constant 0 : i32
        %dma_wait3A_1101 = tpu.memref_slice %arg3[%add3A, %dma_wait3A_1098, %dma_wait3A_1099, %dma_wait3A_1100] : memref<32x5x50x40xi32, #tpu.memory_space<hbm>> -> memref<1x5x50x40xi32, #tpu.memory_space<hbm>>
        %dma_wait3A_1102 = tpu.memref_squeeze %dma_wait3A_1101 : memref<1x5x50x40xi32, #tpu.memory_space<hbm>> -> memref<5x50x40xi32, #tpu.memory_space<hbm>>
        %dma_wait3A_1103 = arith.constant 0 : i32
        %dma_wait3A_1104 = arith.constant 0 : i32
        %dma_wait3A_1105 = tpu.memref_slice %dma_wait3A_1102[%scan3A_1008, %dma_wait3A_1103, %dma_wait3A_1104] : memref<5x50x40xi32, #tpu.memory_space<hbm>> -> memref<1x50x40xi32, #tpu.memory_space<hbm>>
        %dma_wait3A_1106 = tpu.memref_squeeze %dma_wait3A_1105 : memref<1x50x40xi32, #tpu.memory_space<hbm>> -> memref<50x40xi32, #tpu.memory_space<hbm>>
        tpu.wait_dma2 semaphore(%run_scoped3A : memref<!tpu.dma_semaphore, #tpu.memory_space<semaphore_mem>>) src(%dma_wait3A_1106 : memref<50x40xi32, #tpu.memory_space<hbm>>) dst(%arg7 : memref<50x40xi32, #tpu.memory_space<vmem>>)
        tpu.yield
      }) : () -> ()
      "tpu.region"() ({
        %run_scoped3A = tpu.sem_alloc : memref<!tpu.dma_semaphore, #tpu.memory_space<semaphore_mem>>
        %dma_start3A_1071 = arith.constant 0 : i32
        %dma_start3A_1072 = arith.constant 0 : i32
        %dma_start3A_1073 = arith.constant 0 : i32
        %dma_start3A_1074 = tpu.memref_slice %arg4[%add3A, %dma_start3A_1071, %dma_start3A_1072, %dma_start3A_1073] : memref<32x5x50x40xi32, #tpu.memory_space<hbm>> -> memref<1x5x50x40xi32, #tpu.memory_space<hbm>>
        %dma_start3A_1075 = tpu.memref_squeeze %dma_start3A_1074 : memref<1x5x50x40xi32, #tpu.memory_space<hbm>> -> memref<5x50x40xi32, #tpu.memory_space<hbm>>
        %dma_start3A_1076 = arith.constant 0 : i32
        %dma_start3A_1077 = arith.constant 0 : i32
        %dma_start3A_1078 = tpu.memref_slice %dma_start3A_1075[%scan3A_1008, %dma_start3A_1076, %dma_start3A_1077] : memref<5x50x40xi32, #tpu.memory_space<hbm>> -> memref<1x50x40xi32, #tpu.memory_space<hbm>>
        %dma_start3A_1079 = tpu.memref_squeeze %dma_start3A_1078 : memref<1x50x40xi32, #tpu.memory_space<hbm>> -> memref<50x40xi32, #tpu.memory_space<hbm>>
        %dma_start3A_1080 = arith.constant 0 : i32
        %dma_start3A_1081 = arith.constant 0 : i32
        %dma_start3A_1082 = arith.constant 0 : i32
        %dma_start3A_1083 = tpu.memref_slice %arg4[%add3A, %dma_start3A_1080, %dma_start3A_1081, %dma_start3A_1082] : memref<32x5x50x40xi32, #tpu.memory_space<hbm>> -> memref<1x5x50x40xi32, #tpu.memory_space<hbm>>
        %dma_start3A_1084 = tpu.memref_squeeze %dma_start3A_1083 : memref<1x5x50x40xi32, #tpu.memory_space<hbm>> -> memref<5x50x40xi32, #tpu.memory_space<hbm>>
        %dma_start3A_1085 = arith.constant 0 : i32
        %dma_start3A_1086 = arith.constant 0 : i32
        %dma_start3A_1087 = tpu.memref_slice %dma_start3A_1084[%scan3A_1008, %dma_start3A_1085, %dma_start3A_1086] : memref<5x50x40xi32, #tpu.memory_space<hbm>> -> memref<1x50x40xi32, #tpu.memory_space<hbm>>
        %dma_start3A_1088 = tpu.memref_squeeze %dma_start3A_1087 : memref<1x50x40xi32, #tpu.memory_space<hbm>> -> memref<50x40xi32, #tpu.memory_space<hbm>>
        tpu.enqueue_dma source(%dma_start3A_1088 : memref<50x40xi32, #tpu.memory_space<hbm>>) target(%arg8 : memref<50x40xi32, #tpu.memory_space<vmem>>) target_semaphore(%run_scoped3A : memref<!tpu.dma_semaphore, #tpu.memory_space<semaphore_mem>>)
        %dma_wait3A_1089 = arith.constant 0 : i32
        %dma_wait3A_1090 = arith.constant 0 : i32
        %dma_wait3A_1091 = arith.constant 0 : i32
        %dma_wait3A_1092 = tpu.memref_slice %arg4[%add3A, %dma_wait3A_1089, %dma_wait3A_1090, %dma_wait3A_1091] : memref<32x5x50x40xi32, #tpu.memory_space<hbm>> -> memref<1x5x50x40xi32, #tpu.memory_space<hbm>>
        %dma_wait3A_1093 = tpu.memref_squeeze %dma_wait3A_1092 : memref<1x5x50x40xi32, #tpu.memory_space<hbm>> -> memref<5x50x40xi32, #tpu.memory_space<hbm>>
        %dma_wait3A_1094 = arith.constant 0 : i32
        %dma_wait3A_1095 = arith.constant 0 : i32
        %dma_wait3A_1096 = tpu.memref_slice %dma_wait3A_1093[%scan3A_1008, %dma_wait3A_1094, %dma_wait3A_1095] : memref<5x50x40xi32, #tpu.memory_space<hbm>> -> memref<1x50x40xi32, #tpu.memory_space<hbm>>
        %dma_wait3A_1097 = tpu.memref_squeeze %dma_wait3A_1096 : memref<1x50x40xi32, #tpu.memory_space<hbm>> -> memref<50x40xi32, #tpu.memory_space<hbm>>
        %dma_wait3A_1098 = arith.constant 0 : i32
        %dma_wait3A_1099 = arith.constant 0 : i32
        %dma_wait3A_1100 = arith.constant 0 : i32
        %dma_wait3A_1101 = tpu.memref_slice %arg4[%add3A, %dma_wait3A_1098, %dma_wait3A_1099, %dma_wait3A_1100] : memref<32x5x50x40xi32, #tpu.memory_space<hbm>> -> memref<1x5x50x40xi32, #tpu.memory_space<hbm>>
        %dma_wait3A_1102 = tpu.memref_squeeze %dma_wait3A_1101 : memref<1x5x50x40xi32, #tpu.memory_space<hbm>> -> memref<5x50x40xi32, #tpu.memory_space<hbm>>
        %dma_wait3A_1103 = arith.constant 0 : i32
        %dma_wait3A_1104 = arith.constant 0 : i32
        %dma_wait3A_1105 = tpu.memref_slice %dma_wait3A_1102[%scan3A_1008, %dma_wait3A_1103, %dma_wait3A_1104] : memref<5x50x40xi32, #tpu.memory_space<hbm>> -> memref<1x50x40xi32, #tpu.memory_space<hbm>>
        %dma_wait3A_1106 = tpu.memref_squeeze %dma_wait3A_1105 : memref<1x50x40xi32, #tpu.memory_space<hbm>> -> memref<50x40xi32, #tpu.memory_space<hbm>>
        tpu.wait_dma2 semaphore(%run_scoped3A : memref<!tpu.dma_semaphore, #tpu.memory_space<semaphore_mem>>) src(%dma_wait3A_1106 : memref<50x40xi32, #tpu.memory_space<hbm>>) dst(%arg8 : memref<50x40xi32, #tpu.memory_space<vmem>>)
        tpu.yield
      }) : () -> ()
      %dma_start3A_1009 = arith.constant 0 : i32
      %dma_start3A_1010 = arith.constant 0 : i32
      %dma_start3A_1011 = tpu.memref_slice %arg7[%dma_start3A_1009, %dma_start3A_1010] : memref<50x40xi32, #tpu.memory_space<vmem>> -> memref<1x40xi32, #tpu.memory_space<vmem>>
      %dma_start3A_1012 = tpu.memref_squeeze %dma_start3A_1011 : memref<1x40xi32, #tpu.memory_space<vmem>> -> memref<40xi32, #tpu.memory_space<vmem>>
      %dma_start3A_1013 = arith.constant 0 : i32
      %dma_start3A_1014 = arith.constant 0 : i32
      %dma_start3A_1015 = tpu.memref_slice %arg2[%dma_start3A_1013, %dma_start3A_1014] : memref<10000x128xf32, #tpu.memory_space<hbm>> -> memref<10000x128xf32, #tpu.memory_space<hbm>>
      tpu.enqueue_indirect_dma source(%dma_start3A_1015 : memref<10000x128xf32, #tpu.memory_space<hbm>>) target(%arg9 : memref<40x128xf32, #tpu.memory_space<vmem>>) offsets(%dma_start3A_1012 : memref<40xi32, #tpu.memory_space<vmem>>) semaphore(%arg15 : memref<!tpu.dma_semaphore, #tpu.memory_space<semaphore_mem>>)
      %dma_start3A_1016 = arith.constant 1 : i32
      %dma_start3A_1017 = arith.constant 0 : i32
      %dma_start3A_1018 = tpu.memref_slice %arg7[%dma_start3A_1016, %dma_start3A_1017] : memref<50x40xi32, #tpu.memory_space<vmem>> -> memref<1x40xi32, #tpu.memory_space<vmem>>
      %dma_start3A_1019 = tpu.memref_squeeze %dma_start3A_1018 : memref<1x40xi32, #tpu.memory_space<vmem>> -> memref<40xi32, #tpu.memory_space<vmem>>
      %dma_start3A_1020 = arith.constant 0 : i32
      %dma_start3A_1021 = arith.constant 0 : i32
      %dma_start3A_1022 = tpu.memref_slice %arg2[%dma_start3A_1020, %dma_start3A_1021] : memref<10000x128xf32, #tpu.memory_space<hbm>> -> memref<10000x128xf32, #tpu.memory_space<hbm>>
      tpu.enqueue_indirect_dma source(%dma_start3A_1022 : memref<10000x128xf32, #tpu.memory_space<hbm>>) target(%arg10 : memref<40x128xf32, #tpu.memory_space<vmem>>) offsets(%dma_start3A_1019 : memref<40xi32, #tpu.memory_space<vmem>>) semaphore(%arg16 : memref<!tpu.dma_semaphore, #tpu.memory_space<semaphore_mem>>)
      %dma_start3A_1023 = arith.constant 2 : i32
      %dma_start3A_1024 = arith.constant 0 : i32
      %dma_start3A_1025 = tpu.memref_slice %arg7[%dma_start3A_1023, %dma_start3A_1024] : memref<50x40xi32, #tpu.memory_space<vmem>> -> memref<1x40xi32, #tpu.memory_space<vmem>>
      %dma_start3A_1026 = tpu.memref_squeeze %dma_start3A_1025 : memref<1x40xi32, #tpu.memory_space<vmem>> -> memref<40xi32, #tpu.memory_space<vmem>>
      %dma_start3A_1027 = arith.constant 0 : i32
      %dma_start3A_1028 = arith.constant 0 : i32
      %dma_start3A_1029 = tpu.memref_slice %arg2[%dma_start3A_1027, %dma_start3A_1028] : memref<10000x128xf32, #tpu.memory_space<hbm>> -> memref<10000x128xf32, #tpu.memory_space<hbm>>
      tpu.enqueue_indirect_dma source(%dma_start3A_1029 : memref<10000x128xf32, #tpu.memory_space<hbm>>) target(%arg11 : memref<40x128xf32, #tpu.memory_space<vmem>>) offsets(%dma_start3A_1026 : memref<40xi32, #tpu.memory_space<vmem>>) semaphore(%arg17 : memref<!tpu.dma_semaphore, #tpu.memory_space<semaphore_mem>>)
      %dma_start3A_1030 = arith.constant 3 : i32
      %dma_start3A_1031 = arith.constant 0 : i32
      %dma_start3A_1032 = tpu.memref_slice %arg7[%dma_start3A_1030, %dma_start3A_1031] : memref<50x40xi32, #tpu.memory_space<vmem>> -> memref<1x40xi32, #tpu.memory_space<vmem>>
      %dma_start3A_1033 = tpu.memref_squeeze %dma_start3A_1032 : memref<1x40xi32, #tpu.memory_space<vmem>> -> memref<40xi32, #tpu.memory_space<vmem>>
      %dma_start3A_1034 = arith.constant 0 : i32
      %dma_start3A_1035 = arith.constant 0 : i32
      %dma_start3A_1036 = tpu.memref_slice %arg2[%dma_start3A_1034, %dma_start3A_1035] : memref<10000x128xf32, #tpu.memory_space<hbm>> -> memref<10000x128xf32, #tpu.memory_space<hbm>>
      tpu.enqueue_indirect_dma source(%dma_start3A_1036 : memref<10000x128xf32, #tpu.memory_space<hbm>>) target(%arg12 : memref<40x128xf32, #tpu.memory_space<vmem>>) offsets(%dma_start3A_1033 : memref<40xi32, #tpu.memory_space<vmem>>) semaphore(%arg18 : memref<!tpu.dma_semaphore, #tpu.memory_space<semaphore_mem>>)
      %scan3A_1037 = arith.constant 0 : i32
      %scan3A_1038 = arith.constant 0 : i32
      %scan3A_1039 = arith.constant 13 : i32
      %scan3A_1040 = arith.addi %scan3A_1038, %scan3A_1039 : i32
      %scan3A_1041 = arith.constant 1 : i32
      scf.for %scan3A_1071 = %scan3A_1038 to %scan3A_1040 step %scan3A_1041  : i32 {
        %mul3A_1072 = arith.constant 4 : i32
        %mul3A_1073 = arith.muli %mul3A_1072, %scan3A_1071 : i32
        %add3A_1074 = arith.constant 0 : i32
        %add3A_1075 = arith.addi %mul3A_1073, %add3A_1074 : i32
        %lt3A = arith.constant 50 : i32
        %lt3A_1076 = arith.cmpi slt, %add3A_1075, %lt3A : i32
        %convert_element_type3A = arith.extui %lt3A_1076 : i1 to i32
        %cond3A = arith.constant 0 : i32
        %cond3A_1077 = arith.cmpi ne, %convert_element_type3A, %cond3A : i32
        scf.if %cond3A_1077 {
          %dma_wait3A_1133 = arith.constant 0 : i32
          %dma_wait3A_1134 = tpu.memref_slice %arg7[%add3A_1075, %dma_wait3A_1133] : memref<50x40xi32, #tpu.memory_space<vmem>> -> memref<1x40xi32, #tpu.memory_space<vmem>>
          %dma_wait3A_1135 = tpu.memref_squeeze %dma_wait3A_1134 : memref<1x40xi32, #tpu.memory_space<vmem>> -> memref<40xi32, #tpu.memory_space<vmem>>
          %dma_wait3A_1136 = arith.constant 0 : i32
          %dma_wait3A_1137 = arith.constant 0 : i32
          %dma_wait3A_1138 = tpu.memref_slice %arg2[%dma_wait3A_1136, %dma_wait3A_1137] : memref<10000x128xf32, #tpu.memory_space<hbm>> -> memref<10000x128xf32, #tpu.memory_space<hbm>>
          tpu.wait_indirect_dma semaphore(%arg15 : memref<!tpu.dma_semaphore, #tpu.memory_space<semaphore_mem>>) src(%dma_wait3A_1138 : memref<10000x128xf32, #tpu.memory_space<hbm>>) dst(%arg9 : memref<40x128xf32, #tpu.memory_space<vmem>>)
          %dma_start3A_1139 = arith.constant 0 : i32
          %dma_start3A_1140 = tpu.memref_slice %arg8[%add3A_1075, %dma_start3A_1139] : memref<50x40xi32, #tpu.memory_space<vmem>> -> memref<1x40xi32, #tpu.memory_space<vmem>>
          %dma_start3A_1141 = tpu.memref_squeeze %dma_start3A_1140 : memref<1x40xi32, #tpu.memory_space<vmem>> -> memref<40xi32, #tpu.memory_space<vmem>>
          %dma_start3A_1142 = arith.constant 0 : i32
          %dma_start3A_1143 = arith.constant 0 : i32
          %dma_start3A_1144 = tpu.memref_slice %arg14[%dma_start3A_1142, %dma_start3A_1143] : memref<10240x128xf32, #tpu.memory_space<vmem_shared>> -> memref<10240x128xf32, #tpu.memory_space<vmem_shared>>
          tpu.enqueue_indirect_dma source(%arg9 : memref<40x128xf32, #tpu.memory_space<vmem>>) target(%dma_start3A_1144 : memref<10240x128xf32, #tpu.memory_space<vmem_shared>>) offsets(%dma_start3A_1141 : memref<40xi32, #tpu.memory_space<vmem>>) semaphore(%arg19 : memref<!tpu.dma_semaphore, #tpu.memory_space<semaphore_mem>>) {add = true}
          %get3A = arith.constant 0 : i32
          %get3A_1145 = tpu.memref_slice %arg8[%add3A_1075, %get3A] : memref<50x40xi32, #tpu.memory_space<vmem>> -> memref<1x40xi32, #tpu.memory_space<vmem>>
          %get3A_1146 = tpu.memref_squeeze %get3A_1145 : memref<1x40xi32, #tpu.memory_space<vmem>> -> memref<40xi32, #tpu.memory_space<vmem>>
          %get3A_1147 = arith.constant 0 : index
          %get3A_1148 = tpu.vector_load %get3A_1146[%get3A_1147] {strides = array<i32>} : memref<40xi32, #tpu.memory_space<vmem>>, vector<16xi32>,
          tpu.vector_store_idx %arg13[%get3A_1148], %broadcast_in_dim3A_398 {add = true} : memref<10000xf32, #tpu.memory_space<vmem>>[vector<16xi32>], vector<16xf32>,
          %get3A_1149 = arith.constant 0 : i32
          %get3A_1150 = tpu.memref_slice %arg8[%add3A_1075, %get3A_1149] : memref<50x40xi32, #tpu.memory_space<vmem>> -> memref<1x40xi32, #tpu.memory_space<vmem>>
          %get3A_1151 = tpu.memref_squeeze %get3A_1150 : memref<1x40xi32, #tpu.memory_space<vmem>> -> memref<40xi32, #tpu.memory_space<vmem>>
          %get3A_1152 = arith.constant 16 : index
          %get3A_1153 = tpu.vector_load %get3A_1151[%get3A_1152] {strides = array<i32>} : memref<40xi32, #tpu.memory_space<vmem>>, vector<16xi32>,
          tpu.vector_store_idx %arg13[%get3A_1153], %broadcast_in_dim3A_398 {add = true} : memref<10000xf32, #tpu.memory_space<vmem>>[vector<16xi32>], vector<16xf32>,
          %get3A_1154 = arith.constant 0 : i32
          %get3A_1155 = tpu.memref_slice %arg8[%add3A_1075, %get3A_1154] : memref<50x40xi32, #tpu.memory_space<vmem>> -> memref<1x40xi32, #tpu.memory_space<vmem>>
          %get3A_1156 = tpu.memref_squeeze %get3A_1155 : memref<1x40xi32, #tpu.memory_space<vmem>> -> memref<40xi32, #tpu.memory_space<vmem>>
          %get3A_1157 = arith.constant 24 : index
          %get3A_1158 = tpu.vector_load %get3A_1156[%get3A_1157] {strides = array<i32>} : memref<40xi32, #tpu.memory_space<vmem>>, vector<16xi32>,
          tpu.vector_store_idx %arg13[%get3A_1158], %broadcast_in_dim3A_398 masked %ge3A_400 {add = true} : memref<10000xf32, #tpu.memory_space<vmem>>[vector<16xi32>], vector<16xf32>, vector<16xi1>
        } else {
        }
        %add3A_1078 = arith.constant 4 : i32
        %add3A_1079 = arith.addi %add3A_1075, %add3A_1078 : i32
        %lt3A_1080 = arith.constant 50 : i32
        %lt3A_1081 = arith.cmpi slt, %add3A_1079, %lt3A_1080 : i32
        %convert_element_type3A_1082 = arith.extui %lt3A_1081 : i1 to i32
        %cond3A_1083 = arith.constant 0 : i32
        %cond3A_1084 = arith.cmpi ne, %convert_element_type3A_1082, %cond3A_1083 : i32
        scf.if %cond3A_1084 {
          %dma_wait3A_1133 = arith.constant 0 : i32
          %dma_wait3A_1134 = tpu.memref_slice %arg8[%add3A_1075, %dma_wait3A_1133] : memref<50x40xi32, #tpu.memory_space<vmem>> -> memref<1x40xi32, #tpu.memory_space<vmem>>
          %dma_wait3A_1135 = tpu.memref_squeeze %dma_wait3A_1134 : memref<1x40xi32, #tpu.memory_space<vmem>> -> memref<40xi32, #tpu.memory_space<vmem>>
          %dma_wait3A_1136 = arith.constant 0 : i32
          %dma_wait3A_1137 = arith.constant 0 : i32
          %dma_wait3A_1138 = tpu.memref_slice %arg14[%dma_wait3A_1136, %dma_wait3A_1137] : memref<10240x128xf32, #tpu.memory_space<vmem_shared>> -> memref<10240x128xf32, #tpu.memory_space<vmem_shared>>
          tpu.wait_indirect_dma semaphore(%arg19 : memref<!tpu.dma_semaphore, #tpu.memory_space<semaphore_mem>>) src(%arg9 : memref<40x128xf32, #tpu.memory_space<vmem>>) dst(%dma_wait3A_1138 : memref<10240x128xf32, #tpu.memory_space<vmem_shared>>)
          %add3A_1139 = arith.constant 4 : i32
          %add3A_1140 = arith.addi %add3A_1075, %add3A_1139 : i32
          %dma_start3A_1141 = arith.constant 0 : i32
          %dma_start3A_1142 = tpu.memref_slice %arg7[%add3A_1140, %dma_start3A_1141] : memref<50x40xi32, #tpu.memory_space<vmem>> -> memref<1x40xi32, #tpu.memory_space<vmem>>
          %dma_start3A_1143 = tpu.memref_squeeze %dma_start3A_1142 : memref<1x40xi32, #tpu.memory_space<vmem>> -> memref<40xi32, #tpu.memory_space<vmem>>
          %dma_start3A_1144 = arith.constant 0 : i32
          %dma_start3A_1145 = arith.constant 0 : i32
          %dma_start3A_1146 = tpu.memref_slice %arg2[%dma_start3A_1144, %dma_start3A_1145] : memref<10000x128xf32, #tpu.memory_space<hbm>> -> memref<10000x128xf32, #tpu.memory_space<hbm>>
          tpu.enqueue_indirect_dma source(%dma_start3A_1146 : memref<10000x128xf32, #tpu.memory_space<hbm>>) target(%arg9 : memref<40x128xf32, #tpu.memory_space<vmem>>) offsets(%dma_start3A_1143 : memref<40xi32, #tpu.memory_space<vmem>>) semaphore(%arg15 : memref<!tpu.dma_semaphore, #tpu.memory_space<semaphore_mem>>)
        } else {
        }
        %mul3A_1085 = arith.constant 4 : i32
        %mul3A_1086 = arith.muli %mul3A_1085, %scan3A_1071 : i32
        %add3A_1087 = arith.constant 1 : i32
        %add3A_1088 = arith.addi %mul3A_1086, %add3A_1087 : i32
        %lt3A_1089 = arith.constant 50 : i32
        %lt3A_1090 = arith.cmpi slt, %add3A_1088, %lt3A_1089 : i32
        %convert_element_type3A_1091 = arith.extui %lt3A_1090 : i1 to i32
        %cond3A_1092 = arith.constant 0 : i32
        %cond3A_1093 = arith.cmpi ne, %convert_element_type3A_1091, %cond3A_1092 : i32
        scf.if %cond3A_1093 {
          %dma_wait3A_1133 = arith.constant 0 : i32
          %dma_wait3A_1134 = tpu.memref_slice %arg7[%add3A_1088, %dma_wait3A_1133] : memref<50x40xi32, #tpu.memory_space<vmem>> -> memref<1x40xi32, #tpu.memory_space<vmem>>
          %dma_wait3A_1135 = tpu.memref_squeeze %dma_wait3A_1134 : memref<1x40xi32, #tpu.memory_space<vmem>> -> memref<40xi32, #tpu.memory_space<vmem>>
          %dma_wait3A_1136 = arith.constant 0 : i32
          %dma_wait3A_1137 = arith.constant 0 : i32
          %dma_wait3A_1138 = tpu.memref_slice %arg2[%dma_wait3A_1136, %dma_wait3A_1137] : memref<10000x128xf32, #tpu.memory_space<hbm>> -> memref<10000x128xf32, #tpu.memory_space<hbm>>
          tpu.wait_indirect_dma semaphore(%arg16 : memref<!tpu.dma_semaphore, #tpu.memory_space<semaphore_mem>>) src(%dma_wait3A_1138 : memref<10000x128xf32, #tpu.memory_space<hbm>>) dst(%arg10 : memref<40x128xf32, #tpu.memory_space<vmem>>)
          %dma_start3A_1139 = arith.constant 0 : i32
          %dma_start3A_1140 = tpu.memref_slice %arg8[%add3A_1088, %dma_start3A_1139] : memref<50x40xi32, #tpu.memory_space<vmem>> -> memref<1x40xi32, #tpu.memory_space<vmem>>
          %dma_start3A_1141 = tpu.memref_squeeze %dma_start3A_1140 : memref<1x40xi32, #tpu.memory_space<vmem>> -> memref<40xi32, #tpu.memory_space<vmem>>
          %dma_start3A_1142 = arith.constant 0 : i32
          %dma_start3A_1143 = arith.constant 0 : i32
          %dma_start3A_1144 = tpu.memref_slice %arg14[%dma_start3A_1142, %dma_start3A_1143] : memref<10240x128xf32, #tpu.memory_space<vmem_shared>> -> memref<10240x128xf32, #tpu.memory_space<vmem_shared>>
          tpu.enqueue_indirect_dma source(%arg10 : memref<40x128xf32, #tpu.memory_space<vmem>>) target(%dma_start3A_1144 : memref<10240x128xf32, #tpu.memory_space<vmem_shared>>) offsets(%dma_start3A_1141 : memref<40xi32, #tpu.memory_space<vmem>>) semaphore(%arg20 : memref<!tpu.dma_semaphore, #tpu.memory_space<semaphore_mem>>) {add = true}
          %get3A = arith.constant 0 : i32
          %get3A_1145 = tpu.memref_slice %arg8[%add3A_1088, %get3A] : memref<50x40xi32, #tpu.memory_space<vmem>> -> memref<1x40xi32, #tpu.memory_space<vmem>>
          %get3A_1146 = tpu.memref_squeeze %get3A_1145 : memref<1x40xi32, #tpu.memory_space<vmem>> -> memref<40xi32, #tpu.memory_space<vmem>>
          %get3A_1147 = arith.constant 0 : index
          %get3A_1148 = tpu.vector_load %get3A_1146[%get3A_1147] {strides = array<i32>} : memref<40xi32, #tpu.memory_space<vmem>>, vector<16xi32>,
          tpu.vector_store_idx %arg13[%get3A_1148], %broadcast_in_dim3A_398 {add = true} : memref<10000xf32, #tpu.memory_space<vmem>>[vector<16xi32>], vector<16xf32>,
          %get3A_1149 = arith.constant 0 : i32
          %get3A_1150 = tpu.memref_slice %arg8[%add3A_1088, %get3A_1149] : memref<50x40xi32, #tpu.memory_space<vmem>> -> memref<1x40xi32, #tpu.memory_space<vmem>>
          %get3A_1151 = tpu.memref_squeeze %get3A_1150 : memref<1x40xi32, #tpu.memory_space<vmem>> -> memref<40xi32, #tpu.memory_space<vmem>>
          %get3A_1152 = arith.constant 16 : index
          %get3A_1153 = tpu.vector_load %get3A_1151[%get3A_1152] {strides = array<i32>} : memref<40xi32, #tpu.memory_space<vmem>>, vector<16xi32>,
          tpu.vector_store_idx %arg13[%get3A_1153], %broadcast_in_dim3A_398 {add = true} : memref<10000xf32, #tpu.memory_space<vmem>>[vector<16xi32>], vector<16xf32>,
          %get3A_1154 = arith.constant 0 : i32
          %get3A_1155 = tpu.memref_slice %arg8[%add3A_1088, %get3A_1154] : memref<50x40xi32, #tpu.memory_space<vmem>> -> memref<1x40xi32, #tpu.memory_space<vmem>>
          %get3A_1156 = tpu.memref_squeeze %get3A_1155 : memref<1x40xi32, #tpu.memory_space<vmem>> -> memref<40xi32, #tpu.memory_space<vmem>>
          %get3A_1157 = arith.constant 24 : index
          %get3A_1158 = tpu.vector_load %get3A_1156[%get3A_1157] {strides = array<i32>} : memref<40xi32, #tpu.memory_space<vmem>>, vector<16xi32>,
          tpu.vector_store_idx %arg13[%get3A_1158], %broadcast_in_dim3A_398 masked %ge3A_400 {add = true} : memref<10000xf32, #tpu.memory_space<vmem>>[vector<16xi32>], vector<16xf32>, vector<16xi1>
        } else {
        }
        %add3A_1094 = arith.constant 4 : i32
        %add3A_1095 = arith.addi %add3A_1088, %add3A_1094 : i32
        %lt3A_1096 = arith.constant 50 : i32
        %lt3A_1097 = arith.cmpi slt, %add3A_1095, %lt3A_1096 : i32
        %convert_element_type3A_1098 = arith.extui %lt3A_1097 : i1 to i32
        %cond3A_1099 = arith.constant 0 : i32
        %cond3A_1100 = arith.cmpi ne, %convert_element_type3A_1098, %cond3A_1099 : i32
        scf.if %cond3A_1100 {
          %dma_wait3A_1133 = arith.constant 0 : i32
          %dma_wait3A_1134 = tpu.memref_slice %arg8[%add3A_1088, %dma_wait3A_1133] : memref<50x40xi32, #tpu.memory_space<vmem>> -> memref<1x40xi32, #tpu.memory_space<vmem>>
          %dma_wait3A_1135 = tpu.memref_squeeze %dma_wait3A_1134 : memref<1x40xi32, #tpu.memory_space<vmem>> -> memref<40xi32, #tpu.memory_space<vmem>>
          %dma_wait3A_1136 = arith.constant 0 : i32
          %dma_wait3A_1137 = arith.constant 0 : i32
          %dma_wait3A_1138 = tpu.memref_slice %arg14[%dma_wait3A_1136, %dma_wait3A_1137] : memref<10240x128xf32, #tpu.memory_space<vmem_shared>> -> memref<10240x128xf32, #tpu.memory_space<vmem_shared>>
          tpu.wait_indirect_dma semaphore(%arg20 : memref<!tpu.dma_semaphore, #tpu.memory_space<semaphore_mem>>) src(%arg10 : memref<40x128xf32, #tpu.memory_space<vmem>>) dst(%dma_wait3A_1138 : memref<10240x128xf32, #tpu.memory_space<vmem_shared>>)
          %add3A_1139 = arith.constant 4 : i32
          %add3A_1140 = arith.addi %add3A_1088, %add3A_1139 : i32
          %dma_start3A_1141 = arith.constant 0 : i32
          %dma_start3A_1142 = tpu.memref_slice %arg7[%add3A_1140, %dma_start3A_1141] : memref<50x40xi32, #tpu.memory_space<vmem>> -> memref<1x40xi32, #tpu.memory_space<vmem>>
          %dma_start3A_1143 = tpu.memref_squeeze %dma_start3A_1142 : memref<1x40xi32, #tpu.memory_space<vmem>> -> memref<40xi32, #tpu.memory_space<vmem>>
          %dma_start3A_1144 = arith.constant 0 : i32
          %dma_start3A_1145 = arith.constant 0 : i32
          %dma_start3A_1146 = tpu.memref_slice %arg2[%dma_start3A_1144, %dma_start3A_1145] : memref<10000x128xf32, #tpu.memory_space<hbm>> -> memref<10000x128xf32, #tpu.memory_space<hbm>>
          tpu.enqueue_indirect_dma source(%dma_start3A_1146 : memref<10000x128xf32, #tpu.memory_space<hbm>>) target(%arg10 : memref<40x128xf32, #tpu.memory_space<vmem>>) offsets(%dma_start3A_1143 : memref<40xi32, #tpu.memory_space<vmem>>) semaphore(%arg16 : memref<!tpu.dma_semaphore, #tpu.memory_space<semaphore_mem>>)
        } else {
        }
        %mul3A_1101 = arith.constant 4 : i32
        %mul3A_1102 = arith.muli %mul3A_1101, %scan3A_1071 : i32
        %add3A_1103 = arith.constant 2 : i32
        %add3A_1104 = arith.addi %mul3A_1102, %add3A_1103 : i32
        %lt3A_1105 = arith.constant 50 : i32
        %lt3A_1106 = arith.cmpi slt, %add3A_1104, %lt3A_1105 : i32
        %convert_element_type3A_1107 = arith.extui %lt3A_1106 : i1 to i32
        %cond3A_1108 = arith.constant 0 : i32
        %cond3A_1109 = arith.cmpi ne, %convert_element_type3A_1107, %cond3A_1108 : i32
        scf.if %cond3A_1109 {
          %dma_wait3A_1133 = arith.constant 0 : i32
          %dma_wait3A_1134 = tpu.memref_slice %arg7[%add3A_1104, %dma_wait3A_1133] : memref<50x40xi32, #tpu.memory_space<vmem>> -> memref<1x40xi32, #tpu.memory_space<vmem>>
          %dma_wait3A_1135 = tpu.memref_squeeze %dma_wait3A_1134 : memref<1x40xi32, #tpu.memory_space<vmem>> -> memref<40xi32, #tpu.memory_space<vmem>>
          %dma_wait3A_1136 = arith.constant 0 : i32
          %dma_wait3A_1137 = arith.constant 0 : i32
          %dma_wait3A_1138 = tpu.memref_slice %arg2[%dma_wait3A_1136, %dma_wait3A_1137] : memref<10000x128xf32, #tpu.memory_space<hbm>> -> memref<10000x128xf32, #tpu.memory_space<hbm>>
          tpu.wait_indirect_dma semaphore(%arg17 : memref<!tpu.dma_semaphore, #tpu.memory_space<semaphore_mem>>) src(%dma_wait3A_1138 : memref<10000x128xf32, #tpu.memory_space<hbm>>) dst(%arg11 : memref<40x128xf32, #tpu.memory_space<vmem>>)
          %dma_start3A_1139 = arith.constant 0 : i32
          %dma_start3A_1140 = tpu.memref_slice %arg8[%add3A_1104, %dma_start3A_1139] : memref<50x40xi32, #tpu.memory_space<vmem>> -> memref<1x40xi32, #tpu.memory_space<vmem>>
          %dma_start3A_1141 = tpu.memref_squeeze %dma_start3A_1140 : memref<1x40xi32, #tpu.memory_space<vmem>> -> memref<40xi32, #tpu.memory_space<vmem>>
          %dma_start3A_1142 = arith.constant 0 : i32
          %dma_start3A_1143 = arith.constant 0 : i32
          %dma_start3A_1144 = tpu.memref_slice %arg14[%dma_start3A_1142, %dma_start3A_1143] : memref<10240x128xf32, #tpu.memory_space<vmem_shared>> -> memref<10240x128xf32, #tpu.memory_space<vmem_shared>>
          tpu.enqueue_indirect_dma source(%arg11 : memref<40x128xf32, #tpu.memory_space<vmem>>) target(%dma_start3A_1144 : memref<10240x128xf32, #tpu.memory_space<vmem_shared>>) offsets(%dma_start3A_1141 : memref<40xi32, #tpu.memory_space<vmem>>) semaphore(%arg21 : memref<!tpu.dma_semaphore, #tpu.memory_space<semaphore_mem>>) {add = true}
          %get3A = arith.constant 0 : i32
          %get3A_1145 = tpu.memref_slice %arg8[%add3A_1104, %get3A] : memref<50x40xi32, #tpu.memory_space<vmem>> -> memref<1x40xi32, #tpu.memory_space<vmem>>
          %get3A_1146 = tpu.memref_squeeze %get3A_1145 : memref<1x40xi32, #tpu.memory_space<vmem>> -> memref<40xi32, #tpu.memory_space<vmem>>
          %get3A_1147 = arith.constant 0 : index
          %get3A_1148 = tpu.vector_load %get3A_1146[%get3A_1147] {strides = array<i32>} : memref<40xi32, #tpu.memory_space<vmem>>, vector<16xi32>,
          tpu.vector_store_idx %arg13[%get3A_1148], %broadcast_in_dim3A_398 {add = true} : memref<10000xf32, #tpu.memory_space<vmem>>[vector<16xi32>], vector<16xf32>,
          %get3A_1149 = arith.constant 0 : i32
          %get3A_1150 = tpu.memref_slice %arg8[%add3A_1104, %get3A_1149] : memref<50x40xi32, #tpu.memory_space<vmem>> -> memref<1x40xi32, #tpu.memory_space<vmem>>
          %get3A_1151 = tpu.memref_squeeze %get3A_1150 : memref<1x40xi32, #tpu.memory_space<vmem>> -> memref<40xi32, #tpu.memory_space<vmem>>
          %get3A_1152 = arith.constant 16 : index
          %get3A_1153 = tpu.vector_load %get3A_1151[%get3A_1152] {strides = array<i32>} : memref<40xi32, #tpu.memory_space<vmem>>, vector<16xi32>,
          tpu.vector_store_idx %arg13[%get3A_1153], %broadcast_in_dim3A_398 {add = true} : memref<10000xf32, #tpu.memory_space<vmem>>[vector<16xi32>], vector<16xf32>,
          %get3A_1154 = arith.constant 0 : i32
          %get3A_1155 = tpu.memref_slice %arg8[%add3A_1104, %get3A_1154] : memref<50x40xi32, #tpu.memory_space<vmem>> -> memref<1x40xi32, #tpu.memory_space<vmem>>
          %get3A_1156 = tpu.memref_squeeze %get3A_1155 : memref<1x40xi32, #tpu.memory_space<vmem>> -> memref<40xi32, #tpu.memory_space<vmem>>
          %get3A_1157 = arith.constant 24 : index
          %get3A_1158 = tpu.vector_load %get3A_1156[%get3A_1157] {strides = array<i32>} : memref<40xi32, #tpu.memory_space<vmem>>, vector<16xi32>,
          tpu.vector_store_idx %arg13[%get3A_1158], %broadcast_in_dim3A_398 masked %ge3A_400 {add = true} : memref<10000xf32, #tpu.memory_space<vmem>>[vector<16xi32>], vector<16xf32>, vector<16xi1>
        } else {
        }
        %add3A_1110 = arith.constant 4 : i32
        %add3A_1111 = arith.addi %add3A_1104, %add3A_1110 : i32
        %lt3A_1112 = arith.constant 50 : i32
        %lt3A_1113 = arith.cmpi slt, %add3A_1111, %lt3A_1112 : i32
        %convert_element_type3A_1114 = arith.extui %lt3A_1113 : i1 to i32
        %cond3A_1115 = arith.constant 0 : i32
        %cond3A_1116 = arith.cmpi ne, %convert_element_type3A_1114, %cond3A_1115 : i32
        scf.if %cond3A_1116 {
          %dma_wait3A_1133 = arith.constant 0 : i32
          %dma_wait3A_1134 = tpu.memref_slice %arg8[%add3A_1104, %dma_wait3A_1133] : memref<50x40xi32, #tpu.memory_space<vmem>> -> memref<1x40xi32, #tpu.memory_space<vmem>>
          %dma_wait3A_1135 = tpu.memref_squeeze %dma_wait3A_1134 : memref<1x40xi32, #tpu.memory_space<vmem>> -> memref<40xi32, #tpu.memory_space<vmem>>
          %dma_wait3A_1136 = arith.constant 0 : i32
          %dma_wait3A_1137 = arith.constant 0 : i32
          %dma_wait3A_1138 = tpu.memref_slice %arg14[%dma_wait3A_1136, %dma_wait3A_1137] : memref<10240x128xf32, #tpu.memory_space<vmem_shared>> -> memref<10240x128xf32, #tpu.memory_space<vmem_shared>>
          tpu.wait_indirect_dma semaphore(%arg21 : memref<!tpu.dma_semaphore, #tpu.memory_space<semaphore_mem>>) src(%arg11 : memref<40x128xf32, #tpu.memory_space<vmem>>) dst(%dma_wait3A_1138 : memref<10240x128xf32, #tpu.memory_space<vmem_shared>>)
          %add3A_1139 = arith.constant 4 : i32
          %add3A_1140 = arith.addi %add3A_1104, %add3A_1139 : i32
          %dma_start3A_1141 = arith.constant 0 : i32
          %dma_start3A_1142 = tpu.memref_slice %arg7[%add3A_1140, %dma_start3A_1141] : memref<50x40xi32, #tpu.memory_space<vmem>> -> memref<1x40xi32, #tpu.memory_space<vmem>>
          %dma_start3A_1143 = tpu.memref_squeeze %dma_start3A_1142 : memref<1x40xi32, #tpu.memory_space<vmem>> -> memref<40xi32, #tpu.memory_space<vmem>>
          %dma_start3A_1144 = arith.constant 0 : i32
          %dma_start3A_1145 = arith.constant 0 : i32
          %dma_start3A_1146 = tpu.memref_slice %arg2[%dma_start3A_1144, %dma_start3A_1145] : memref<10000x128xf32, #tpu.memory_space<hbm>> -> memref<10000x128xf32, #tpu.memory_space<hbm>>
          tpu.enqueue_indirect_dma source(%dma_start3A_1146 : memref<10000x128xf32, #tpu.memory_space<hbm>>) target(%arg11 : memref<40x128xf32, #tpu.memory_space<vmem>>) offsets(%dma_start3A_1143 : memref<40xi32, #tpu.memory_space<vmem>>) semaphore(%arg17 : memref<!tpu.dma_semaphore, #tpu.memory_space<semaphore_mem>>)
        } else {
        }
        %mul3A_1117 = arith.constant 4 : i32
        %mul3A_1118 = arith.muli %mul3A_1117, %scan3A_1071 : i32
        %add3A_1119 = arith.constant 3 : i32
        %add3A_1120 = arith.addi %mul3A_1118, %add3A_1119 : i32
        %lt3A_1121 = arith.constant 50 : i32
        %lt3A_1122 = arith.cmpi slt, %add3A_1120, %lt3A_1121 : i32
        %convert_element_type3A_1123 = arith.extui %lt3A_1122 : i1 to i32
        %cond3A_1124 = arith.constant 0 : i32
        %cond3A_1125 = arith.cmpi ne, %convert_element_type3A_1123, %cond3A_1124 : i32
        scf.if %cond3A_1125 {
          %dma_wait3A_1133 = arith.constant 0 : i32
          %dma_wait3A_1134 = tpu.memref_slice %arg7[%add3A_1120, %dma_wait3A_1133] : memref<50x40xi32, #tpu.memory_space<vmem>> -> memref<1x40xi32, #tpu.memory_space<vmem>>
          %dma_wait3A_1135 = tpu.memref_squeeze %dma_wait3A_1134 : memref<1x40xi32, #tpu.memory_space<vmem>> -> memref<40xi32, #tpu.memory_space<vmem>>
          %dma_wait3A_1136 = arith.constant 0 : i32
          %dma_wait3A_1137 = arith.constant 0 : i32
          %dma_wait3A_1138 = tpu.memref_slice %arg2[%dma_wait3A_1136, %dma_wait3A_1137] : memref<10000x128xf32, #tpu.memory_space<hbm>> -> memref<10000x128xf32, #tpu.memory_space<hbm>>
          tpu.wait_indirect_dma semaphore(%arg18 : memref<!tpu.dma_semaphore, #tpu.memory_space<semaphore_mem>>) src(%dma_wait3A_1138 : memref<10000x128xf32, #tpu.memory_space<hbm>>) dst(%arg12 : memref<40x128xf32, #tpu.memory_space<vmem>>)
          %dma_start3A_1139 = arith.constant 0 : i32
          %dma_start3A_1140 = tpu.memref_slice %arg8[%add3A_1120, %dma_start3A_1139] : memref<50x40xi32, #tpu.memory_space<vmem>> -> memref<1x40xi32, #tpu.memory_space<vmem>>
          %dma_start3A_1141 = tpu.memref_squeeze %dma_start3A_1140 : memref<1x40xi32, #tpu.memory_space<vmem>> -> memref<40xi32, #tpu.memory_space<vmem>>
          %dma_start3A_1142 = arith.constant 0 : i32
          %dma_start3A_1143 = arith.constant 0 : i32
          %dma_start3A_1144 = tpu.memref_slice %arg14[%dma_start3A_1142, %dma_start3A_1143] : memref<10240x128xf32, #tpu.memory_space<vmem_shared>> -> memref<10240x128xf32, #tpu.memory_space<vmem_shared>>
          tpu.enqueue_indirect_dma source(%arg12 : memref<40x128xf32, #tpu.memory_space<vmem>>) target(%dma_start3A_1144 : memref<10240x128xf32, #tpu.memory_space<vmem_shared>>) offsets(%dma_start3A_1141 : memref<40xi32, #tpu.memory_space<vmem>>) semaphore(%arg22 : memref<!tpu.dma_semaphore, #tpu.memory_space<semaphore_mem>>) {add = true}
          %get3A = arith.constant 0 : i32
          %get3A_1145 = tpu.memref_slice %arg8[%add3A_1120, %get3A] : memref<50x40xi32, #tpu.memory_space<vmem>> -> memref<1x40xi32, #tpu.memory_space<vmem>>
          %get3A_1146 = tpu.memref_squeeze %get3A_1145 : memref<1x40xi32, #tpu.memory_space<vmem>> -> memref<40xi32, #tpu.memory_space<vmem>>
          %get3A_1147 = arith.constant 0 : index
          %get3A_1148 = tpu.vector_load %get3A_1146[%get3A_1147] {strides = array<i32>} : memref<40xi32, #tpu.memory_space<vmem>>, vector<16xi32>,
          tpu.vector_store_idx %arg13[%get3A_1148], %broadcast_in_dim3A_398 {add = true} : memref<10000xf32, #tpu.memory_space<vmem>>[vector<16xi32>], vector<16xf32>,
          %get3A_1149 = arith.constant 0 : i32
          %get3A_1150 = tpu.memref_slice %arg8[%add3A_1120, %get3A_1149] : memref<50x40xi32, #tpu.memory_space<vmem>> -> memref<1x40xi32, #tpu.memory_space<vmem>>
          %get3A_1151 = tpu.memref_squeeze %get3A_1150 : memref<1x40xi32, #tpu.memory_space<vmem>> -> memref<40xi32, #tpu.memory_space<vmem>>
          %get3A_1152 = arith.constant 16 : index
          %get3A_1153 = tpu.vector_load %get3A_1151[%get3A_1152] {strides = array<i32>} : memref<40xi32, #tpu.memory_space<vmem>>, vector<16xi32>,
          tpu.vector_store_idx %arg13[%get3A_1153], %broadcast_in_dim3A_398 {add = true} : memref<10000xf32, #tpu.memory_space<vmem>>[vector<16xi32>], vector<16xf32>,
          %get3A_1154 = arith.constant 0 : i32
          %get3A_1155 = tpu.memref_slice %arg8[%add3A_1120, %get3A_1154] : memref<50x40xi32, #tpu.memory_space<vmem>> -> memref<1x40xi32, #tpu.memory_space<vmem>>
          %get3A_1156 = tpu.memref_squeeze %get3A_1155 : memref<1x40xi32, #tpu.memory_space<vmem>> -> memref<40xi32, #tpu.memory_space<vmem>>
          %get3A_1157 = arith.constant 24 : index
          %get3A_1158 = tpu.vector_load %get3A_1156[%get3A_1157] {strides = array<i32>} : memref<40xi32, #tpu.memory_space<vmem>>, vector<16xi32>,
          tpu.vector_store_idx %arg13[%get3A_1158], %broadcast_in_dim3A_398 masked %ge3A_400 {add = true} : memref<10000xf32, #tpu.memory_space<vmem>>[vector<16xi32>], vector<16xf32>, vector<16xi1>
        } else {
        }
        %add3A_1126 = arith.constant 4 : i32
        %add3A_1127 = arith.addi %add3A_1120, %add3A_1126 : i32
        %lt3A_1128 = arith.constant 50 : i32
        %lt3A_1129 = arith.cmpi slt, %add3A_1127, %lt3A_1128 : i32
        %convert_element_type3A_1130 = arith.extui %lt3A_1129 : i1 to i32
        %cond3A_1131 = arith.constant 0 : i32
        %cond3A_1132 = arith.cmpi ne, %convert_element_type3A_1130, %cond3A_1131 : i32
        scf.if %cond3A_1132 {
          %dma_wait3A_1133 = arith.constant 0 : i32
          %dma_wait3A_1134 = tpu.memref_slice %arg8[%add3A_1120, %dma_wait3A_1133] : memref<50x40xi32, #tpu.memory_space<vmem>> -> memref<1x40xi32, #tpu.memory_space<vmem>>
          %dma_wait3A_1135 = tpu.memref_squeeze %dma_wait3A_1134 : memref<1x40xi32, #tpu.memory_space<vmem>> -> memref<40xi32, #tpu.memory_space<vmem>>
          %dma_wait3A_1136 = arith.constant 0 : i32
          %dma_wait3A_1137 = arith.constant 0 : i32
          %dma_wait3A_1138 = tpu.memref_slice %arg14[%dma_wait3A_1136, %dma_wait3A_1137] : memref<10240x128xf32, #tpu.memory_space<vmem_shared>> -> memref<10240x128xf32, #tpu.memory_space<vmem_shared>>
          tpu.wait_indirect_dma semaphore(%arg22 : memref<!tpu.dma_semaphore, #tpu.memory_space<semaphore_mem>>) src(%arg12 : memref<40x128xf32, #tpu.memory_space<vmem>>) dst(%dma_wait3A_1138 : memref<10240x128xf32, #tpu.memory_space<vmem_shared>>)
          %add3A_1139 = arith.constant 4 : i32
          %add3A_1140 = arith.addi %add3A_1120, %add3A_1139 : i32
          %dma_start3A_1141 = arith.constant 0 : i32
          %dma_start3A_1142 = tpu.memref_slice %arg7[%add3A_1140, %dma_start3A_1141] : memref<50x40xi32, #tpu.memory_space<vmem>> -> memref<1x40xi32, #tpu.memory_space<vmem>>
          %dma_start3A_1143 = tpu.memref_squeeze %dma_start3A_1142 : memref<1x40xi32, #tpu.memory_space<vmem>> -> memref<40xi32, #tpu.memory_space<vmem>>
          %dma_start3A_1144 = arith.constant 0 : i32
          %dma_start3A_1145 = arith.constant 0 : i32
          %dma_start3A_1146 = tpu.memref_slice %arg2[%dma_start3A_1144, %dma_start3A_1145] : memref<10000x128xf32, #tpu.memory_space<hbm>> -> memref<10000x128xf32, #tpu.memory_space<hbm>>
          tpu.enqueue_indirect_dma source(%dma_start3A_1146 : memref<10000x128xf32, #tpu.memory_space<hbm>>) target(%arg12 : memref<40x128xf32, #tpu.memory_space<vmem>>) offsets(%dma_start3A_1143 : memref<40xi32, #tpu.memory_space<vmem>>) semaphore(%arg18 : memref<!tpu.dma_semaphore, #tpu.memory_space<semaphore_mem>>)
        } else {
        }
      }
      %scan3A_1042 = arith.constant 13 : i32
      %dma_wait3A_1043 = arith.constant 48 : i32
      %dma_wait3A_1044 = arith.constant 0 : i32
      %dma_wait3A_1045 = tpu.memref_slice %arg8[%dma_wait3A_1043, %dma_wait3A_1044] : memref<50x40xi32, #tpu.memory_space<vmem>> -> memref<1x40xi32, #tpu.memory_space<vmem>>
      %dma_wait3A_1046 = tpu.memref_squeeze %dma_wait3A_1045 : memref<1x40xi32, #tpu.memory_space<vmem>> -> memref<40xi32, #tpu.memory_space<vmem>>
      %dma_wait3A_1047 = arith.constant 0 : i32
      %dma_wait3A_1048 = arith.constant 0 : i32
      %dma_wait3A_1049 = tpu.memref_slice %arg14[%dma_wait3A_1047, %dma_wait3A_1048] : memref<10240x128xf32, #tpu.memory_space<vmem_shared>> -> memref<10240x128xf32, #tpu.memory_space<vmem_shared>>
      tpu.wait_indirect_dma semaphore(%arg19 : memref<!tpu.dma_semaphore, #tpu.memory_space<semaphore_mem>>) src(%arg9 : memref<40x128xf32, #tpu.memory_space<vmem>>) dst(%dma_wait3A_1049 : memref<10240x128xf32, #tpu.memory_space<vmem_shared>>)
      %dma_wait3A_1050 = arith.constant 49 : i32
      %dma_wait3A_1051 = arith.constant 0 : i32
      %dma_wait3A_1052 = tpu.memref_slice %arg8[%dma_wait3A_1050, %dma_wait3A_1051] : memref<50x40xi32, #tpu.memory_space<vmem>> -> memref<1x40xi32, #tpu.memory_space<vmem>>
      %dma_wait3A_1053 = tpu.memref_squeeze %dma_wait3A_1052 : memref<1x40xi32, #tpu.memory_space<vmem>> -> memref<40xi32, #tpu.memory_space<vmem>>
      %dma_wait3A_1054 = arith.constant 0 : i32
      %dma_wait3A_1055 = arith.constant 0 : i32
      %dma_wait3A_1056 = tpu.memref_slice %arg14[%dma_wait3A_1054, %dma_wait3A_1055] : memref<10240x128xf32, #tpu.memory_space<vmem_shared>> -> memref<10240x128xf32, #tpu.memory_space<vmem_shared>>
      tpu.wait_indirect_dma semaphore(%arg20 : memref<!tpu.dma_semaphore, #tpu.memory_space<semaphore_mem>>) src(%arg10 : memref<40x128xf32, #tpu.memory_space<vmem>>) dst(%dma_wait3A_1056 : memref<10240x128xf32, #tpu.memory_space<vmem_shared>>)
      %dma_wait3A_1057 = arith.constant 46 : i32
      %dma_wait3A_1058 = arith.constant 0 : i32
      %dma_wait3A_1059 = tpu.memref_slice %arg8[%dma_wait3A_1057, %dma_wait3A_1058] : memref<50x40xi32, #tpu.memory_space<vmem>> -> memref<1x40xi32, #tpu.memory_space<vmem>>
      %dma_wait3A_1060 = tpu.memref_squeeze %dma_wait3A_1059 : memref<1x40xi32, #tpu.memory_space<vmem>> -> memref<40xi32, #tpu.memory_space<vmem>>
      %dma_wait3A_1061 = arith.constant 0 : i32
      %dma_wait3A_1062 = arith.constant 0 : i32
      %dma_wait3A_1063 = tpu.memref_slice %arg14[%dma_wait3A_1061, %dma_wait3A_1062] : memref<10240x128xf32, #tpu.memory_space<vmem_shared>> -> memref<10240x128xf32, #tpu.memory_space<vmem_shared>>
      tpu.wait_indirect_dma semaphore(%arg21 : memref<!tpu.dma_semaphore, #tpu.memory_space<semaphore_mem>>) src(%arg11 : memref<40x128xf32, #tpu.memory_space<vmem>>) dst(%dma_wait3A_1063 : memref<10240x128xf32, #tpu.memory_space<vmem_shared>>)
      %dma_wait3A_1064 = arith.constant 47 : i32
      %dma_wait3A_1065 = arith.constant 0 : i32
      %dma_wait3A_1066 = tpu.memref_slice %arg8[%dma_wait3A_1064, %dma_wait3A_1065] : memref<50x40xi32, #tpu.memory_space<vmem>> -> memref<1x40xi32, #tpu.memory_space<vmem>>
      %dma_wait3A_1067 = tpu.memref_squeeze %dma_wait3A_1066 : memref<1x40xi32, #tpu.memory_space<vmem>> -> memref<40xi32, #tpu.memory_space<vmem>>
      %dma_wait3A_1068 = arith.constant 0 : i32
      %dma_wait3A_1069 = arith.constant 0 : i32
      %dma_wait3A_1070 = tpu.memref_slice %arg14[%dma_wait3A_1068, %dma_wait3A_1069] : memref<10240x128xf32, #tpu.memory_space<vmem_shared>> -> memref<10240x128xf32, #tpu.memory_space<vmem_shared>>
      tpu.wait_indirect_dma semaphore(%arg22 : memref<!tpu.dma_semaphore, #tpu.memory_space<semaphore_mem>>) src(%arg12 : memref<40x128xf32, #tpu.memory_space<vmem>>) dst(%dma_wait3A_1070 : memref<10240x128xf32, #tpu.memory_space<vmem_shared>>)
    }
    %scan3A_406 = arith.constant 5 : i32
    %barrier3A_407 = arith.constant 0 : index
    tpu.barrier barrier_id(%barrier3A_407)
    "tpu.region"() ({
      %run_scoped3A = tpu.sem_alloc : memref<!tpu.dma_semaphore, #tpu.memory_space<semaphore_mem>>
      %dma_start3A_1008 = arith.constant 0 : i32
      %dma_start3A_1009 = arith.constant 0 : i32
      %dma_start3A_1010 = tpu.memref_slice %arg5[%arg0, %dma_start3A_1008, %dma_start3A_1009] : memref<2x10240x128xf32, #tpu.memory_space<hbm>> -> memref<1x10240x128xf32, #tpu.memory_space<hbm>>
      %dma_start3A_1011 = tpu.memref_squeeze %dma_start3A_1010 : memref<1x10240x128xf32, #tpu.memory_space<hbm>> -> memref<10240x128xf32, #tpu.memory_space<hbm>>
      %dma_start3A_1012 = arith.constant 0 : i32
      %dma_start3A_1013 = tpu.memref_slice %dma_start3A_1011[%mul3A_8, %dma_start3A_1012] : memref<10240x128xf32, #tpu.memory_space<hbm>> -> memref<640x128xf32, #tpu.memory_space<hbm>>
      %dma_start3A_1014 = arith.constant 0 : i32
      %dma_start3A_1015 = tpu.memref_slice %arg14[%mul3A_8, %dma_start3A_1014] : memref<10240x128xf32, #tpu.memory_space<vmem_shared>> -> memref<640x128xf32, #tpu.memory_space<vmem_shared>>
      tpu.enqueue_dma source(%dma_start3A_1015 : memref<640x128xf32, #tpu.memory_space<vmem_shared>>) target(%dma_start3A_1013 : memref<640x128xf32, #tpu.memory_space<hbm>>) target_semaphore(%run_scoped3A : memref<!tpu.dma_semaphore, #tpu.memory_space<semaphore_mem>>)
      %dma_wait3A_1016 = arith.constant 0 : i32
      %dma_wait3A_1017 = arith.constant 0 : i32
      %dma_wait3A_1018 = tpu.memref_slice %arg5[%arg0, %dma_wait3A_1016, %dma_wait3A_1017] : memref<2x10240x128xf32, #tpu.memory_space<hbm>> -> memref<1x10240x128xf32, #tpu.memory_space<hbm>>
      %dma_wait3A_1019 = tpu.memref_squeeze %dma_wait3A_1018 : memref<1x10240x128xf32, #tpu.memory_space<hbm>> -> memref<10240x128xf32, #tpu.memory_space<hbm>>
      %dma_wait3A_1020 = arith.constant 0 : i32
      %dma_wait3A_1021 = tpu.memref_slice %dma_wait3A_1019[%mul3A_8, %dma_wait3A_1020] : memref<10240x128xf32, #tpu.memory_space<hbm>> -> memref<640x128xf32, #tpu.memory_space<hbm>>
      %dma_wait3A_1022 = arith.constant 0 : i32
      %dma_wait3A_1023 = tpu.memref_slice %arg14[%mul3A_8, %dma_wait3A_1022] : memref<10240x128xf32, #tpu.memory_space<vmem_shared>> -> memref<640x128xf32, #tpu.memory_space<vmem_shared>>
      tpu.wait_dma2 semaphore(%run_scoped3A : memref<!tpu.dma_semaphore, #tpu.memory_space<semaphore_mem>>) src(%dma_wait3A_1023 : memref<640x128xf32, #tpu.memory_space<vmem_shared>>) dst(%dma_wait3A_1021 : memref<640x128xf32, #tpu.memory_space<hbm>>)
      tpu.yield
    }) : () -> ()
    %dma_start3A_408 = arith.constant 0 : i32
    %dma_start3A_409 = arith.constant 0 : i32
    %dma_start3A_410 = arith.constant 0 : i32
    %dma_start3A_411 = tpu.memref_slice %arg13[%dma_start3A_410] : memref<10000xf32, #tpu.memory_space<vmem>> -> memref<1000xf32, #tpu.memory_space<vmem>>
    %dma_start3A_412 = arith.constant 0 : i32
    %dma_start3A_413 = arith.constant 0 : i32
    %dma_start3A_414 = arith.constant 0 : i32
    %dma_start3A_415 = tpu.memref_slice %arg6[%dma_start3A_408, %dma_start3A_412, %dma_start3A_413, %dma_start3A_414] : memref<10x32x1x1000xf32, #tpu.memory_space<hbm>> -> memref<1x32x1x1000xf32, #tpu.memory_space<hbm>>
    %dma_start3A_416 = tpu.memref_squeeze %dma_start3A_415 : memref<1x32x1x1000xf32, #tpu.memory_space<hbm>> -> memref<32x1x1000xf32, #tpu.memory_space<hbm>>
    %dma_start3A_417 = arith.constant 0 : i32
    %dma_start3A_418 = arith.constant 0 : i32
    %dma_start3A_419 = tpu.memref_slice %dma_start3A_416[%add3A, %dma_start3A_417, %dma_start3A_418] : memref<32x1x1000xf32, #tpu.memory_space<hbm>> -> memref<1x1x1000xf32, #tpu.memory_space<hbm>>
    %dma_start3A_420 = tpu.memref_squeeze %dma_start3A_419 : memref<1x1x1000xf32, #tpu.memory_space<hbm>> -> memref<1x1000xf32, #tpu.memory_space<hbm>>
    %dma_start3A_421 = arith.constant 0 : i32
    %dma_start3A_422 = tpu.memref_slice %dma_start3A_420[%dma_start3A_409, %dma_start3A_421] : memref<1x1000xf32, #tpu.memory_space<hbm>> -> memref<1x1000xf32, #tpu.memory_space<hbm>>
    %dma_start3A_423 = tpu.memref_squeeze %dma_start3A_422 : memref<1x1000xf32, #tpu.memory_space<hbm>> -> memref<1000xf32, #tpu.memory_space<hbm>>
    %dma_start3A_424 = arith.constant 0 : i32
    %dma_start3A_425 = arith.constant 0 : i32
    %dma_start3A_426 = arith.constant 0 : i32
    %dma_start3A_427 = tpu.memref_slice %arg6[%dma_start3A_408, %dma_start3A_424, %dma_start3A_425, %dma_start3A_426] : memref<10x32x1x1000xf32, #tpu.memory_space<hbm>> -> memref<1x32x1x1000xf32, #tpu.memory_space<hbm>>
    %dma_start3A_428 = tpu.memref_squeeze %dma_start3A_427 : memref<1x32x1x1000xf32, #tpu.memory_space<hbm>> -> memref<32x1x1000xf32, #tpu.memory_space<hbm>>
    %dma_start3A_429 = arith.constant 0 : i32
    %dma_start3A_430 = arith.constant 0 : i32
    %dma_start3A_431 = tpu.memref_slice %dma_start3A_428[%add3A, %dma_start3A_429, %dma_start3A_430] : memref<32x1x1000xf32, #tpu.memory_space<hbm>> -> memref<1x1x1000xf32, #tpu.memory_space<hbm>>
    %dma_start3A_432 = tpu.memref_squeeze %dma_start3A_431 : memref<1x1x1000xf32, #tpu.memory_space<hbm>> -> memref<1x1000xf32, #tpu.memory_space<hbm>>
    %dma_start3A_433 = arith.constant 0 : i32
    %dma_start3A_434 = tpu.memref_slice %dma_start3A_432[%dma_start3A_409, %dma_start3A_433] : memref<1x1000xf32, #tpu.memory_space<hbm>> -> memref<1x1000xf32, #tpu.memory_space<hbm>>
    %dma_start3A_435 = tpu.memref_squeeze %dma_start3A_434 : memref<1x1000xf32, #tpu.memory_space<hbm>> -> memref<1000xf32, #tpu.memory_space<hbm>>
    %dma_start3A_436 = arith.constant 0 : i32
    %dma_start3A_437 = tpu.memref_slice %arg13[%dma_start3A_436] : memref<10000xf32, #tpu.memory_space<vmem>> -> memref<1000xf32, #tpu.memory_space<vmem>>
    tpu.enqueue_dma source(%dma_start3A_437 : memref<1000xf32, #tpu.memory_space<vmem>>) target(%dma_start3A_435 : memref<1000xf32, #tpu.memory_space<hbm>>) target_semaphore(%arg15 : memref<!tpu.dma_semaphore, #tpu.memory_space<semaphore_mem>>)
    %dma_start3A_438 = arith.constant 1 : i32
    %dma_start3A_439 = arith.constant 0 : i32
    %dma_start3A_440 = arith.constant 1000 : i32
    %dma_start3A_441 = tpu.memref_slice %arg13[%dma_start3A_440] : memref<10000xf32, #tpu.memory_space<vmem>> -> memref<1000xf32, #tpu.memory_space<vmem>>
    %dma_start3A_442 = arith.constant 0 : i32
    %dma_start3A_443 = arith.constant 0 : i32
    %dma_start3A_444 = arith.constant 0 : i32
    %dma_start3A_445 = tpu.memref_slice %arg6[%dma_start3A_438, %dma_start3A_442, %dma_start3A_443, %dma_start3A_444] : memref<10x32x1x1000xf32, #tpu.memory_space<hbm>> -> memref<1x32x1x1000xf32, #tpu.memory_space<hbm>>
    %dma_start3A_446 = tpu.memref_squeeze %dma_start3A_445 : memref<1x32x1x1000xf32, #tpu.memory_space<hbm>> -> memref<32x1x1000xf32, #tpu.memory_space<hbm>>
    %dma_start3A_447 = arith.constant 0 : i32
    %dma_start3A_448 = arith.constant 0 : i32
    %dma_start3A_449 = tpu.memref_slice %dma_start3A_446[%add3A, %dma_start3A_447, %dma_start3A_448] : memref<32x1x1000xf32, #tpu.memory_space<hbm>> -> memref<1x1x1000xf32, #tpu.memory_space<hbm>>
    %dma_start3A_450 = tpu.memref_squeeze %dma_start3A_449 : memref<1x1x1000xf32, #tpu.memory_space<hbm>> -> memref<1x1000xf32, #tpu.memory_space<hbm>>
    %dma_start3A_451 = arith.constant 0 : i32
    %dma_start3A_452 = tpu.memref_slice %dma_start3A_450[%dma_start3A_439, %dma_start3A_451] : memref<1x1000xf32, #tpu.memory_space<hbm>> -> memref<1x1000xf32, #tpu.memory_space<hbm>>
    %dma_start3A_453 = tpu.memref_squeeze %dma_start3A_452 : memref<1x1000xf32, #tpu.memory_space<hbm>> -> memref<1000xf32, #tpu.memory_space<hbm>>
    %dma_start3A_454 = arith.constant 0 : i32
    %dma_start3A_455 = arith.constant 0 : i32
    %dma_start3A_456 = arith.constant 0 : i32
    %dma_start3A_457 = tpu.memref_slice %arg6[%dma_start3A_438, %dma_start3A_454, %dma_start3A_455, %dma_start3A_456] : memref<10x32x1x1000xf32, #tpu.memory_space<hbm>> -> memref<1x32x1x1000xf32, #tpu.memory_space<hbm>>
    %dma_start3A_458 = tpu.memref_squeeze %dma_start3A_457 : memref<1x32x1x1000xf32, #tpu.memory_space<hbm>> -> memref<32x1x1000xf32, #tpu.memory_space<hbm>>
    %dma_start3A_459 = arith.constant 0 : i32
    %dma_start3A_460 = arith.constant 0 : i32
    %dma_start3A_461 = tpu.memref_slice %dma_start3A_458[%add3A, %dma_start3A_459, %dma_start3A_460] : memref<32x1x1000xf32, #tpu.memory_space<hbm>> -> memref<1x1x1000xf32, #tpu.memory_space<hbm>>
    %dma_start3A_462 = tpu.memref_squeeze %dma_start3A_461 : memref<1x1x1000xf32, #tpu.memory_space<hbm>> -> memref<1x1000xf32, #tpu.memory_space<hbm>>
    %dma_start3A_463 = arith.constant 0 : i32
    %dma_start3A_464 = tpu.memref_slice %dma_start3A_462[%dma_start3A_439, %dma_start3A_463] : memref<1x1000xf32, #tpu.memory_space<hbm>> -> memref<1x1000xf32, #tpu.memory_space<hbm>>
    %dma_start3A_465 = tpu.memref_squeeze %dma_start3A_464 : memref<1x1000xf32, #tpu.memory_space<hbm>> -> memref<1000xf32, #tpu.memory_space<hbm>>
    %dma_start3A_466 = arith.constant 1000 : i32
    %dma_start3A_467 = tpu.memref_slice %arg13[%dma_start3A_466] : memref<10000xf32, #tpu.memory_space<vmem>> -> memref<1000xf32, #tpu.memory_space<vmem>>
    tpu.enqueue_dma source(%dma_start3A_467 : memref<1000xf32, #tpu.memory_space<vmem>>) target(%dma_start3A_465 : memref<1000xf32, #tpu.memory_space<hbm>>) target_semaphore(%arg16 : memref<!tpu.dma_semaphore, #tpu.memory_space<semaphore_mem>>)
    %dma_start3A_468 = arith.constant 2 : i32
    %dma_start3A_469 = arith.constant 0 : i32
    %dma_start3A_470 = arith.constant 2000 : i32
    %dma_start3A_471 = tpu.memref_slice %arg13[%dma_start3A_470] : memref<10000xf32, #tpu.memory_space<vmem>> -> memref<1000xf32, #tpu.memory_space<vmem>>
    %dma_start3A_472 = arith.constant 0 : i32
    %dma_start3A_473 = arith.constant 0 : i32
    %dma_start3A_474 = arith.constant 0 : i32
    %dma_start3A_475 = tpu.memref_slice %arg6[%dma_start3A_468, %dma_start3A_472, %dma_start3A_473, %dma_start3A_474] : memref<10x32x1x1000xf32, #tpu.memory_space<hbm>> -> memref<1x32x1x1000xf32, #tpu.memory_space<hbm>>
    %dma_start3A_476 = tpu.memref_squeeze %dma_start3A_475 : memref<1x32x1x1000xf32, #tpu.memory_space<hbm>> -> memref<32x1x1000xf32, #tpu.memory_space<hbm>>
    %dma_start3A_477 = arith.constant 0 : i32
    %dma_start3A_478 = arith.constant 0 : i32
    %dma_start3A_479 = tpu.memref_slice %dma_start3A_476[%add3A, %dma_start3A_477, %dma_start3A_478] : memref<32x1x1000xf32, #tpu.memory_space<hbm>> -> memref<1x1x1000xf32, #tpu.memory_space<hbm>>
    %dma_start3A_480 = tpu.memref_squeeze %dma_start3A_479 : memref<1x1x1000xf32, #tpu.memory_space<hbm>> -> memref<1x1000xf32, #tpu.memory_space<hbm>>
    %dma_start3A_481 = arith.constant 0 : i32
    %dma_start3A_482 = tpu.memref_slice %dma_start3A_480[%dma_start3A_469, %dma_start3A_481] : memref<1x1000xf32, #tpu.memory_space<hbm>> -> memref<1x1000xf32, #tpu.memory_space<hbm>>
    %dma_start3A_483 = tpu.memref_squeeze %dma_start3A_482 : memref<1x1000xf32, #tpu.memory_space<hbm>> -> memref<1000xf32, #tpu.memory_space<hbm>>
    %dma_start3A_484 = arith.constant 0 : i32
    %dma_start3A_485 = arith.constant 0 : i32
    %dma_start3A_486 = arith.constant 0 : i32
    %dma_start3A_487 = tpu.memref_slice %arg6[%dma_start3A_468, %dma_start3A_484, %dma_start3A_485, %dma_start3A_486] : memref<10x32x1x1000xf32, #tpu.memory_space<hbm>> -> memref<1x32x1x1000xf32, #tpu.memory_space<hbm>>
    %dma_start3A_488 = tpu.memref_squeeze %dma_start3A_487 : memref<1x32x1x1000xf32, #tpu.memory_space<hbm>> -> memref<32x1x1000xf32, #tpu.memory_space<hbm>>
    %dma_start3A_489 = arith.constant 0 : i32
    %dma_start3A_490 = arith.constant 0 : i32
    %dma_start3A_491 = tpu.memref_slice %dma_start3A_488[%add3A, %dma_start3A_489, %dma_start3A_490] : memref<32x1x1000xf32, #tpu.memory_space<hbm>> -> memref<1x1x1000xf32, #tpu.memory_space<hbm>>
    %dma_start3A_492 = tpu.memref_squeeze %dma_start3A_491 : memref<1x1x1000xf32, #tpu.memory_space<hbm>> -> memref<1x1000xf32, #tpu.memory_space<hbm>>
    %dma_start3A_493 = arith.constant 0 : i32
    %dma_start3A_494 = tpu.memref_slice %dma_start3A_492[%dma_start3A_469, %dma_start3A_493] : memref<1x1000xf32, #tpu.memory_space<hbm>> -> memref<1x1000xf32, #tpu.memory_space<hbm>>
    %dma_start3A_495 = tpu.memref_squeeze %dma_start3A_494 : memref<1x1000xf32, #tpu.memory_space<hbm>> -> memref<1000xf32, #tpu.memory_space<hbm>>
    %dma_start3A_496 = arith.constant 2000 : i32
    %dma_start3A_497 = tpu.memref_slice %arg13[%dma_start3A_496] : memref<10000xf32, #tpu.memory_space<vmem>> -> memref<1000xf32, #tpu.memory_space<vmem>>
    tpu.enqueue_dma source(%dma_start3A_497 : memref<1000xf32, #tpu.memory_space<vmem>>) target(%dma_start3A_495 : memref<1000xf32, #tpu.memory_space<hbm>>) target_semaphore(%arg17 : memref<!tpu.dma_semaphore, #tpu.memory_space<semaphore_mem>>)
    %dma_start3A_498 = arith.constant 3 : i32
    %dma_start3A_499 = arith.constant 0 : i32
    %dma_start3A_500 = arith.constant 3000 : i32
    %dma_start3A_501 = tpu.memref_slice %arg13[%dma_start3A_500] : memref<10000xf32, #tpu.memory_space<vmem>> -> memref<1000xf32, #tpu.memory_space<vmem>>
    %dma_start3A_502 = arith.constant 0 : i32
    %dma_start3A_503 = arith.constant 0 : i32
    %dma_start3A_504 = arith.constant 0 : i32
    %dma_start3A_505 = tpu.memref_slice %arg6[%dma_start3A_498, %dma_start3A_502, %dma_start3A_503, %dma_start3A_504] : memref<10x32x1x1000xf32, #tpu.memory_space<hbm>> -> memref<1x32x1x1000xf32, #tpu.memory_space<hbm>>
    %dma_start3A_506 = tpu.memref_squeeze %dma_start3A_505 : memref<1x32x1x1000xf32, #tpu.memory_space<hbm>> -> memref<32x1x1000xf32, #tpu.memory_space<hbm>>
    %dma_start3A_507 = arith.constant 0 : i32
    %dma_start3A_508 = arith.constant 0 : i32
    %dma_start3A_509 = tpu.memref_slice %dma_start3A_506[%add3A, %dma_start3A_507, %dma_start3A_508] : memref<32x1x1000xf32, #tpu.memory_space<hbm>> -> memref<1x1x1000xf32, #tpu.memory_space<hbm>>
    %dma_start3A_510 = tpu.memref_squeeze %dma_start3A_509 : memref<1x1x1000xf32, #tpu.memory_space<hbm>> -> memref<1x1000xf32, #tpu.memory_space<hbm>>
    %dma_start3A_511 = arith.constant 0 : i32
    %dma_start3A_512 = tpu.memref_slice %dma_start3A_510[%dma_start3A_499, %dma_start3A_511] : memref<1x1000xf32, #tpu.memory_space<hbm>> -> memref<1x1000xf32, #tpu.memory_space<hbm>>
    %dma_start3A_513 = tpu.memref_squeeze %dma_start3A_512 : memref<1x1000xf32, #tpu.memory_space<hbm>> -> memref<1000xf32, #tpu.memory_space<hbm>>
    %dma_start3A_514 = arith.constant 0 : i32
    %dma_start3A_515 = arith.constant 0 : i32
    %dma_start3A_516 = arith.constant 0 : i32
    %dma_start3A_517 = tpu.memref_slice %arg6[%dma_start3A_498, %dma_start3A_514, %dma_start3A_515, %dma_start3A_516] : memref<10x32x1x1000xf32, #tpu.memory_space<hbm>> -> memref<1x32x1x1000xf32, #tpu.memory_space<hbm>>
    %dma_start3A_518 = tpu.memref_squeeze %dma_start3A_517 : memref<1x32x1x1000xf32, #tpu.memory_space<hbm>> -> memref<32x1x1000xf32, #tpu.memory_space<hbm>>
    %dma_start3A_519 = arith.constant 0 : i32
    %dma_start3A_520 = arith.constant 0 : i32
    %dma_start3A_521 = tpu.memref_slice %dma_start3A_518[%add3A, %dma_start3A_519, %dma_start3A_520] : memref<32x1x1000xf32, #tpu.memory_space<hbm>> -> memref<1x1x1000xf32, #tpu.memory_space<hbm>>
    %dma_start3A_522 = tpu.memref_squeeze %dma_start3A_521 : memref<1x1x1000xf32, #tpu.memory_space<hbm>> -> memref<1x1000xf32, #tpu.memory_space<hbm>>
    %dma_start3A_523 = arith.constant 0 : i32
    %dma_start3A_524 = tpu.memref_slice %dma_start3A_522[%dma_start3A_499, %dma_start3A_523] : memref<1x1000xf32, #tpu.memory_space<hbm>> -> memref<1x1000xf32, #tpu.memory_space<hbm>>
    %dma_start3A_525 = tpu.memref_squeeze %dma_start3A_524 : memref<1x1000xf32, #tpu.memory_space<hbm>> -> memref<1000xf32, #tpu.memory_space<hbm>>
    %dma_start3A_526 = arith.constant 3000 : i32
    %dma_start3A_527 = tpu.memref_slice %arg13[%dma_start3A_526] : memref<10000xf32, #tpu.memory_space<vmem>> -> memref<1000xf32, #tpu.memory_space<vmem>>
    tpu.enqueue_dma source(%dma_start3A_527 : memref<1000xf32, #tpu.memory_space<vmem>>) target(%dma_start3A_525 : memref<1000xf32, #tpu.memory_space<hbm>>) target_semaphore(%arg18 : memref<!tpu.dma_semaphore, #tpu.memory_space<semaphore_mem>>)
    %dma_start3A_528 = arith.constant 4 : i32
    %dma_start3A_529 = arith.constant 0 : i32
    %dma_start3A_530 = arith.constant 4000 : i32
    %dma_start3A_531 = tpu.memref_slice %arg13[%dma_start3A_530] : memref<10000xf32, #tpu.memory_space<vmem>> -> memref<1000xf32, #tpu.memory_space<vmem>>
    %dma_start3A_532 = arith.constant 0 : i32
    %dma_start3A_533 = arith.constant 0 : i32
    %dma_start3A_534 = arith.constant 0 : i32
    %dma_start3A_535 = tpu.memref_slice %arg6[%dma_start3A_528, %dma_start3A_532, %dma_start3A_533, %dma_start3A_534] : memref<10x32x1x1000xf32, #tpu.memory_space<hbm>> -> memref<1x32x1x1000xf32, #tpu.memory_space<hbm>>
    %dma_start3A_536 = tpu.memref_squeeze %dma_start3A_535 : memref<1x32x1x1000xf32, #tpu.memory_space<hbm>> -> memref<32x1x1000xf32, #tpu.memory_space<hbm>>
    %dma_start3A_537 = arith.constant 0 : i32
    %dma_start3A_538 = arith.constant 0 : i32
    %dma_start3A_539 = tpu.memref_slice %dma_start3A_536[%add3A, %dma_start3A_537, %dma_start3A_538] : memref<32x1x1000xf32, #tpu.memory_space<hbm>> -> memref<1x1x1000xf32, #tpu.memory_space<hbm>>
    %dma_start3A_540 = tpu.memref_squeeze %dma_start3A_539 : memref<1x1x1000xf32, #tpu.memory_space<hbm>> -> memref<1x1000xf32, #tpu.memory_space<hbm>>
    %dma_start3A_541 = arith.constant 0 : i32
    %dma_start3A_542 = tpu.memref_slice %dma_start3A_540[%dma_start3A_529, %dma_start3A_541] : memref<1x1000xf32, #tpu.memory_space<hbm>> -> memref<1x1000xf32, #tpu.memory_space<hbm>>
    %dma_start3A_543 = tpu.memref_squeeze %dma_start3A_542 : memref<1x1000xf32, #tpu.memory_space<hbm>> -> memref<1000xf32, #tpu.memory_space<hbm>>
    %dma_start3A_544 = arith.constant 0 : i32
    %dma_start3A_545 = arith.constant 0 : i32
    %dma_start3A_546 = arith.constant 0 : i32
    %dma_start3A_547 = tpu.memref_slice %arg6[%dma_start3A_528, %dma_start3A_544, %dma_start3A_545, %dma_start3A_546] : memref<10x32x1x1000xf32, #tpu.memory_space<hbm>> -> memref<1x32x1x1000xf32, #tpu.memory_space<hbm>>
    %dma_start3A_548 = tpu.memref_squeeze %dma_start3A_547 : memref<1x32x1x1000xf32, #tpu.memory_space<hbm>> -> memref<32x1x1000xf32, #tpu.memory_space<hbm>>
    %dma_start3A_549 = arith.constant 0 : i32
    %dma_start3A_550 = arith.constant 0 : i32
    %dma_start3A_551 = tpu.memref_slice %dma_start3A_548[%add3A, %dma_start3A_549, %dma_start3A_550] : memref<32x1x1000xf32, #tpu.memory_space<hbm>> -> memref<1x1x1000xf32, #tpu.memory_space<hbm>>
    %dma_start3A_552 = tpu.memref_squeeze %dma_start3A_551 : memref<1x1x1000xf32, #tpu.memory_space<hbm>> -> memref<1x1000xf32, #tpu.memory_space<hbm>>
    %dma_start3A_553 = arith.constant 0 : i32
    %dma_start3A_554 = tpu.memref_slice %dma_start3A_552[%dma_start3A_529, %dma_start3A_553] : memref<1x1000xf32, #tpu.memory_space<hbm>> -> memref<1x1000xf32, #tpu.memory_space<hbm>>
    %dma_start3A_555 = tpu.memref_squeeze %dma_start3A_554 : memref<1x1000xf32, #tpu.memory_space<hbm>> -> memref<1000xf32, #tpu.memory_space<hbm>>
    %dma_start3A_556 = arith.constant 4000 : i32
    %dma_start3A_557 = tpu.memref_slice %arg13[%dma_start3A_556] : memref<10000xf32, #tpu.memory_space<vmem>> -> memref<1000xf32, #tpu.memory_space<vmem>>
    tpu.enqueue_dma source(%dma_start3A_557 : memref<1000xf32, #tpu.memory_space<vmem>>) target(%dma_start3A_555 : memref<1000xf32, #tpu.memory_space<hbm>>) target_semaphore(%arg15 : memref<!tpu.dma_semaphore, #tpu.memory_space<semaphore_mem>>)
    %dma_start3A_558 = arith.constant 5 : i32
    %dma_start3A_559 = arith.constant 0 : i32
    %dma_start3A_560 = arith.constant 5000 : i32
    %dma_start3A_561 = tpu.memref_slice %arg13[%dma_start3A_560] : memref<10000xf32, #tpu.memory_space<vmem>> -> memref<1000xf32, #tpu.memory_space<vmem>>
    %dma_start3A_562 = arith.constant 0 : i32
    %dma_start3A_563 = arith.constant 0 : i32
    %dma_start3A_564 = arith.constant 0 : i32
    %dma_start3A_565 = tpu.memref_slice %arg6[%dma_start3A_558, %dma_start3A_562, %dma_start3A_563, %dma_start3A_564] : memref<10x32x1x1000xf32, #tpu.memory_space<hbm>> -> memref<1x32x1x1000xf32, #tpu.memory_space<hbm>>
    %dma_start3A_566 = tpu.memref_squeeze %dma_start3A_565 : memref<1x32x1x1000xf32, #tpu.memory_space<hbm>> -> memref<32x1x1000xf32, #tpu.memory_space<hbm>>
    %dma_start3A_567 = arith.constant 0 : i32
    %dma_start3A_568 = arith.constant 0 : i32
    %dma_start3A_569 = tpu.memref_slice %dma_start3A_566[%add3A, %dma_start3A_567, %dma_start3A_568] : memref<32x1x1000xf32, #tpu.memory_space<hbm>> -> memref<1x1x1000xf32, #tpu.memory_space<hbm>>
    %dma_start3A_570 = tpu.memref_squeeze %dma_start3A_569 : memref<1x1x1000xf32, #tpu.memory_space<hbm>> -> memref<1x1000xf32, #tpu.memory_space<hbm>>
    %dma_start3A_571 = arith.constant 0 : i32
    %dma_start3A_572 = tpu.memref_slice %dma_start3A_570[%dma_start3A_559, %dma_start3A_571] : memref<1x1000xf32, #tpu.memory_space<hbm>> -> memref<1x1000xf32, #tpu.memory_space<hbm>>
    %dma_start3A_573 = tpu.memref_squeeze %dma_start3A_572 : memref<1x1000xf32, #tpu.memory_space<hbm>> -> memref<1000xf32, #tpu.memory_space<hbm>>
    %dma_start3A_574 = arith.constant 0 : i32
    %dma_start3A_575 = arith.constant 0 : i32
    %dma_start3A_576 = arith.constant 0 : i32
    %dma_start3A_577 = tpu.memref_slice %arg6[%dma_start3A_558, %dma_start3A_574, %dma_start3A_575, %dma_start3A_576] : memref<10x32x1x1000xf32, #tpu.memory_space<hbm>> -> memref<1x32x1x1000xf32, #tpu.memory_space<hbm>>
    %dma_start3A_578 = tpu.memref_squeeze %dma_start3A_577 : memref<1x32x1x1000xf32, #tpu.memory_space<hbm>> -> memref<32x1x1000xf32, #tpu.memory_space<hbm>>
    %dma_start3A_579 = arith.constant 0 : i32
    %dma_start3A_580 = arith.constant 0 : i32
    %dma_start3A_581 = tpu.memref_slice %dma_start3A_578[%add3A, %dma_start3A_579, %dma_start3A_580] : memref<32x1x1000xf32, #tpu.memory_space<hbm>> -> memref<1x1x1000xf32, #tpu.memory_space<hbm>>
    %dma_start3A_582 = tpu.memref_squeeze %dma_start3A_581 : memref<1x1x1000xf32, #tpu.memory_space<hbm>> -> memref<1x1000xf32, #tpu.memory_space<hbm>>
    %dma_start3A_583 = arith.constant 0 : i32
    %dma_start3A_584 = tpu.memref_slice %dma_start3A_582[%dma_start3A_559, %dma_start3A_583] : memref<1x1000xf32, #tpu.memory_space<hbm>> -> memref<1x1000xf32, #tpu.memory_space<hbm>>
    %dma_start3A_585 = tpu.memref_squeeze %dma_start3A_584 : memref<1x1000xf32, #tpu.memory_space<hbm>> -> memref<1000xf32, #tpu.memory_space<hbm>>
    %dma_start3A_586 = arith.constant 5000 : i32
    %dma_start3A_587 = tpu.memref_slice %arg13[%dma_start3A_586] : memref<10000xf32, #tpu.memory_space<vmem>> -> memref<1000xf32, #tpu.memory_space<vmem>>
    tpu.enqueue_dma source(%dma_start3A_587 : memref<1000xf32, #tpu.memory_space<vmem>>) target(%dma_start3A_585 : memref<1000xf32, #tpu.memory_space<hbm>>) target_semaphore(%arg16 : memref<!tpu.dma_semaphore, #tpu.memory_space<semaphore_mem>>)
    %dma_start3A_588 = arith.constant 6 : i32
    %dma_start3A_589 = arith.constant 0 : i32
    %dma_start3A_590 = arith.constant 6000 : i32
    %dma_start3A_591 = tpu.memref_slice %arg13[%dma_start3A_590] : memref<10000xf32, #tpu.memory_space<vmem>> -> memref<1000xf32, #tpu.memory_space<vmem>>
    %dma_start3A_592 = arith.constant 0 : i32
    %dma_start3A_593 = arith.constant 0 : i32
    %dma_start3A_594 = arith.constant 0 : i32
    %dma_start3A_595 = tpu.memref_slice %arg6[%dma_start3A_588, %dma_start3A_592, %dma_start3A_593, %dma_start3A_594] : memref<10x32x1x1000xf32, #tpu.memory_space<hbm>> -> memref<1x32x1x1000xf32, #tpu.memory_space<hbm>>
    %dma_start3A_596 = tpu.memref_squeeze %dma_start3A_595 : memref<1x32x1x1000xf32, #tpu.memory_space<hbm>> -> memref<32x1x1000xf32, #tpu.memory_space<hbm>>
    %dma_start3A_597 = arith.constant 0 : i32
    %dma_start3A_598 = arith.constant 0 : i32
    %dma_start3A_599 = tpu.memref_slice %dma_start3A_596[%add3A, %dma_start3A_597, %dma_start3A_598] : memref<32x1x1000xf32, #tpu.memory_space<hbm>> -> memref<1x1x1000xf32, #tpu.memory_space<hbm>>
    %dma_start3A_600 = tpu.memref_squeeze %dma_start3A_599 : memref<1x1x1000xf32, #tpu.memory_space<hbm>> -> memref<1x1000xf32, #tpu.memory_space<hbm>>
    %dma_start3A_601 = arith.constant 0 : i32
    %dma_start3A_602 = tpu.memref_slice %dma_start3A_600[%dma_start3A_589, %dma_start3A_601] : memref<1x1000xf32, #tpu.memory_space<hbm>> -> memref<1x1000xf32, #tpu.memory_space<hbm>>
    %dma_start3A_603 = tpu.memref_squeeze %dma_start3A_602 : memref<1x1000xf32, #tpu.memory_space<hbm>> -> memref<1000xf32, #tpu.memory_space<hbm>>
    %dma_start3A_604 = arith.constant 0 : i32
    %dma_start3A_605 = arith.constant 0 : i32
    %dma_start3A_606 = arith.constant 0 : i32
    %dma_start3A_607 = tpu.memref_slice %arg6[%dma_start3A_588, %dma_start3A_604, %dma_start3A_605, %dma_start3A_606] : memref<10x32x1x1000xf32, #tpu.memory_space<hbm>> -> memref<1x32x1x1000xf32, #tpu.memory_space<hbm>>
    %dma_start3A_608 = tpu.memref_squeeze %dma_start3A_607 : memref<1x32x1x1000xf32, #tpu.memory_space<hbm>> -> memref<32x1x1000xf32, #tpu.memory_space<hbm>>
    %dma_start3A_609 = arith.constant 0 : i32
    %dma_start3A_610 = arith.constant 0 : i32
    %dma_start3A_611 = tpu.memref_slice %dma_start3A_608[%add3A, %dma_start3A_609, %dma_start3A_610] : memref<32x1x1000xf32, #tpu.memory_space<hbm>> -> memref<1x1x1000xf32, #tpu.memory_space<hbm>>
    %dma_start3A_612 = tpu.memref_squeeze %dma_start3A_611 : memref<1x1x1000xf32, #tpu.memory_space<hbm>> -> memref<1x1000xf32, #tpu.memory_space<hbm>>
    %dma_start3A_613 = arith.constant 0 : i32
    %dma_start3A_614 = tpu.memref_slice %dma_start3A_612[%dma_start3A_589, %dma_start3A_613] : memref<1x1000xf32, #tpu.memory_space<hbm>> -> memref<1x1000xf32, #tpu.memory_space<hbm>>
    %dma_start3A_615 = tpu.memref_squeeze %dma_start3A_614 : memref<1x1000xf32, #tpu.memory_space<hbm>> -> memref<1000xf32, #tpu.memory_space<hbm>>
    %dma_start3A_616 = arith.constant 6000 : i32
    %dma_start3A_617 = tpu.memref_slice %arg13[%dma_start3A_616] : memref<10000xf32, #tpu.memory_space<vmem>> -> memref<1000xf32, #tpu.memory_space<vmem>>
    tpu.enqueue_dma source(%dma_start3A_617 : memref<1000xf32, #tpu.memory_space<vmem>>) target(%dma_start3A_615 : memref<1000xf32, #tpu.memory_space<hbm>>) target_semaphore(%arg17 : memref<!tpu.dma_semaphore, #tpu.memory_space<semaphore_mem>>)
    %dma_start3A_618 = arith.constant 7 : i32
    %dma_start3A_619 = arith.constant 0 : i32
    %dma_start3A_620 = arith.constant 7000 : i32
    %dma_start3A_621 = tpu.memref_slice %arg13[%dma_start3A_620] : memref<10000xf32, #tpu.memory_space<vmem>> -> memref<1000xf32, #tpu.memory_space<vmem>>
    %dma_start3A_622 = arith.constant 0 : i32
    %dma_start3A_623 = arith.constant 0 : i32
    %dma_start3A_624 = arith.constant 0 : i32
    %dma_start3A_625 = tpu.memref_slice %arg6[%dma_start3A_618, %dma_start3A_622, %dma_start3A_623, %dma_start3A_624] : memref<10x32x1x1000xf32, #tpu.memory_space<hbm>> -> memref<1x32x1x1000xf32, #tpu.memory_space<hbm>>
    %dma_start3A_626 = tpu.memref_squeeze %dma_start3A_625 : memref<1x32x1x1000xf32, #tpu.memory_space<hbm>> -> memref<32x1x1000xf32, #tpu.memory_space<hbm>>
    %dma_start3A_627 = arith.constant 0 : i32
    %dma_start3A_628 = arith.constant 0 : i32
    %dma_start3A_629 = tpu.memref_slice %dma_start3A_626[%add3A, %dma_start3A_627, %dma_start3A_628] : memref<32x1x1000xf32, #tpu.memory_space<hbm>> -> memref<1x1x1000xf32, #tpu.memory_space<hbm>>
    %dma_start3A_630 = tpu.memref_squeeze %dma_start3A_629 : memref<1x1x1000xf32, #tpu.memory_space<hbm>> -> memref<1x1000xf32, #tpu.memory_space<hbm>>
    %dma_start3A_631 = arith.constant 0 : i32
    %dma_start3A_632 = tpu.memref_slice %dma_start3A_630[%dma_start3A_619, %dma_start3A_631] : memref<1x1000xf32, #tpu.memory_space<hbm>> -> memref<1x1000xf32, #tpu.memory_space<hbm>>
    %dma_start3A_633 = tpu.memref_squeeze %dma_start3A_632 : memref<1x1000xf32, #tpu.memory_space<hbm>> -> memref<1000xf32, #tpu.memory_space<hbm>>
    %dma_start3A_634 = arith.constant 0 : i32
    %dma_start3A_635 = arith.constant 0 : i32
    %dma_start3A_636 = arith.constant 0 : i32
    %dma_start3A_637 = tpu.memref_slice %arg6[%dma_start3A_618, %dma_start3A_634, %dma_start3A_635, %dma_start3A_636] : memref<10x32x1x1000xf32, #tpu.memory_space<hbm>> -> memref<1x32x1x1000xf32, #tpu.memory_space<hbm>>
    %dma_start3A_638 = tpu.memref_squeeze %dma_start3A_637 : memref<1x32x1x1000xf32, #tpu.memory_space<hbm>> -> memref<32x1x1000xf32, #tpu.memory_space<hbm>>
    %dma_start3A_639 = arith.constant 0 : i32
    %dma_start3A_640 = arith.constant 0 : i32
    %dma_start3A_641 = tpu.memref_slice %dma_start3A_638[%add3A, %dma_start3A_639, %dma_start3A_640] : memref<32x1x1000xf32, #tpu.memory_space<hbm>> -> memref<1x1x1000xf32, #tpu.memory_space<hbm>>
    %dma_start3A_642 = tpu.memref_squeeze %dma_start3A_641 : memref<1x1x1000xf32, #tpu.memory_space<hbm>> -> memref<1x1000xf32, #tpu.memory_space<hbm>>
    %dma_start3A_643 = arith.constant 0 : i32
    %dma_start3A_644 = tpu.memref_slice %dma_start3A_642[%dma_start3A_619, %dma_start3A_643] : memref<1x1000xf32, #tpu.memory_space<hbm>> -> memref<1x1000xf32, #tpu.memory_space<hbm>>
    %dma_start3A_645 = tpu.memref_squeeze %dma_start3A_644 : memref<1x1000xf32, #tpu.memory_space<hbm>> -> memref<1000xf32, #tpu.memory_space<hbm>>
    %dma_start3A_646 = arith.constant 7000 : i32
    %dma_start3A_647 = tpu.memref_slice %arg13[%dma_start3A_646] : memref<10000xf32, #tpu.memory_space<vmem>> -> memref<1000xf32, #tpu.memory_space<vmem>>
    tpu.enqueue_dma source(%dma_start3A_647 : memref<1000xf32, #tpu.memory_space<vmem>>) target(%dma_start3A_645 : memref<1000xf32, #tpu.memory_space<hbm>>) target_semaphore(%arg18 : memref<!tpu.dma_semaphore, #tpu.memory_space<semaphore_mem>>)
    %dma_start3A_648 = arith.constant 8 : i32
    %dma_start3A_649 = arith.constant 0 : i32
    %dma_start3A_650 = arith.constant 8000 : i32
    %dma_start3A_651 = tpu.memref_slice %arg13[%dma_start3A_650] : memref<10000xf32, #tpu.memory_space<vmem>> -> memref<1000xf32, #tpu.memory_space<vmem>>
    %dma_start3A_652 = arith.constant 0 : i32
    %dma_start3A_653 = arith.constant 0 : i32
    %dma_start3A_654 = arith.constant 0 : i32
    %dma_start3A_655 = tpu.memref_slice %arg6[%dma_start3A_648, %dma_start3A_652, %dma_start3A_653, %dma_start3A_654] : memref<10x32x1x1000xf32, #tpu.memory_space<hbm>> -> memref<1x32x1x1000xf32, #tpu.memory_space<hbm>>
    %dma_start3A_656 = tpu.memref_squeeze %dma_start3A_655 : memref<1x32x1x1000xf32, #tpu.memory_space<hbm>> -> memref<32x1x1000xf32, #tpu.memory_space<hbm>>
    %dma_start3A_657 = arith.constant 0 : i32
    %dma_start3A_658 = arith.constant 0 : i32
    %dma_start3A_659 = tpu.memref_slice %dma_start3A_656[%add3A, %dma_start3A_657, %dma_start3A_658] : memref<32x1x1000xf32, #tpu.memory_space<hbm>> -> memref<1x1x1000xf32, #tpu.memory_space<hbm>>
    %dma_start3A_660 = tpu.memref_squeeze %dma_start3A_659 : memref<1x1x1000xf32, #tpu.memory_space<hbm>> -> memref<1x1000xf32, #tpu.memory_space<hbm>>
    %dma_start3A_661 = arith.constant 0 : i32
    %dma_start3A_662 = tpu.memref_slice %dma_start3A_660[%dma_start3A_649, %dma_start3A_661] : memref<1x1000xf32, #tpu.memory_space<hbm>> -> memref<1x1000xf32, #tpu.memory_space<hbm>>
    %dma_start3A_663 = tpu.memref_squeeze %dma_start3A_662 : memref<1x1000xf32, #tpu.memory_space<hbm>> -> memref<1000xf32, #tpu.memory_space<hbm>>
    %dma_start3A_664 = arith.constant 0 : i32
    %dma_start3A_665 = arith.constant 0 : i32
    %dma_start3A_666 = arith.constant 0 : i32
    %dma_start3A_667 = tpu.memref_slice %arg6[%dma_start3A_648, %dma_start3A_664, %dma_start3A_665, %dma_start3A_666] : memref<10x32x1x1000xf32, #tpu.memory_space<hbm>> -> memref<1x32x1x1000xf32, #tpu.memory_space<hbm>>
    %dma_start3A_668 = tpu.memref_squeeze %dma_start3A_667 : memref<1x32x1x1000xf32, #tpu.memory_space<hbm>> -> memref<32x1x1000xf32, #tpu.memory_space<hbm>>
    %dma_start3A_669 = arith.constant 0 : i32
    %dma_start3A_670 = arith.constant 0 : i32
    %dma_start3A_671 = tpu.memref_slice %dma_start3A_668[%add3A, %dma_start3A_669, %dma_start3A_670] : memref<32x1x1000xf32, #tpu.memory_space<hbm>> -> memref<1x1x1000xf32, #tpu.memory_space<hbm>>
    %dma_start3A_672 = tpu.memref_squeeze %dma_start3A_671 : memref<1x1x1000xf32, #tpu.memory_space<hbm>> -> memref<1x1000xf32, #tpu.memory_space<hbm>>
    %dma_start3A_673 = arith.constant 0 : i32
    %dma_start3A_674 = tpu.memref_slice %dma_start3A_672[%dma_start3A_649, %dma_start3A_673] : memref<1x1000xf32, #tpu.memory_space<hbm>> -> memref<1x1000xf32, #tpu.memory_space<hbm>>
    %dma_start3A_675 = tpu.memref_squeeze %dma_start3A_674 : memref<1x1000xf32, #tpu.memory_space<hbm>> -> memref<1000xf32, #tpu.memory_space<hbm>>
    %dma_start3A_676 = arith.constant 8000 : i32
    %dma_start3A_677 = tpu.memref_slice %arg13[%dma_start3A_676] : memref<10000xf32, #tpu.memory_space<vmem>> -> memref<1000xf32, #tpu.memory_space<vmem>>
    tpu.enqueue_dma source(%dma_start3A_677 : memref<1000xf32, #tpu.memory_space<vmem>>) target(%dma_start3A_675 : memref<1000xf32, #tpu.memory_space<hbm>>) target_semaphore(%arg15 : memref<!tpu.dma_semaphore, #tpu.memory_space<semaphore_mem>>)
    %dma_start3A_678 = arith.constant 9 : i32
    %dma_start3A_679 = arith.constant 0 : i32
    %dma_start3A_680 = arith.constant 9000 : i32
    %dma_start3A_681 = tpu.memref_slice %arg13[%dma_start3A_680] : memref<10000xf32, #tpu.memory_space<vmem>> -> memref<1000xf32, #tpu.memory_space<vmem>>
    %dma_start3A_682 = arith.constant 0 : i32
    %dma_start3A_683 = arith.constant 0 : i32
    %dma_start3A_684 = arith.constant 0 : i32
    %dma_start3A_685 = tpu.memref_slice %arg6[%dma_start3A_678, %dma_start3A_682, %dma_start3A_683, %dma_start3A_684] : memref<10x32x1x1000xf32, #tpu.memory_space<hbm>> -> memref<1x32x1x1000xf32, #tpu.memory_space<hbm>>
    %dma_start3A_686 = tpu.memref_squeeze %dma_start3A_685 : memref<1x32x1x1000xf32, #tpu.memory_space<hbm>> -> memref<32x1x1000xf32, #tpu.memory_space<hbm>>
    %dma_start3A_687 = arith.constant 0 : i32
    %dma_start3A_688 = arith.constant 0 : i32
    %dma_start3A_689 = tpu.memref_slice %dma_start3A_686[%add3A, %dma_start3A_687, %dma_start3A_688] : memref<32x1x1000xf32, #tpu.memory_space<hbm>> -> memref<1x1x1000xf32, #tpu.memory_space<hbm>>
    %dma_start3A_690 = tpu.memref_squeeze %dma_start3A_689 : memref<1x1x1000xf32, #tpu.memory_space<hbm>> -> memref<1x1000xf32, #tpu.memory_space<hbm>>
    %dma_start3A_691 = arith.constant 0 : i32
    %dma_start3A_692 = tpu.memref_slice %dma_start3A_690[%dma_start3A_679, %dma_start3A_691] : memref<1x1000xf32, #tpu.memory_space<hbm>> -> memref<1x1000xf32, #tpu.memory_space<hbm>>
    %dma_start3A_693 = tpu.memref_squeeze %dma_start3A_692 : memref<1x1000xf32, #tpu.memory_space<hbm>> -> memref<1000xf32, #tpu.memory_space<hbm>>
    %dma_start3A_694 = arith.constant 0 : i32
    %dma_start3A_695 = arith.constant 0 : i32
    %dma_start3A_696 = arith.constant 0 : i32
    %dma_start3A_697 = tpu.memref_slice %arg6[%dma_start3A_678, %dma_start3A_694, %dma_start3A_695, %dma_start3A_696] : memref<10x32x1x1000xf32, #tpu.memory_space<hbm>> -> memref<1x32x1x1000xf32, #tpu.memory_space<hbm>>
    %dma_start3A_698 = tpu.memref_squeeze %dma_start3A_697 : memref<1x32x1x1000xf32, #tpu.memory_space<hbm>> -> memref<32x1x1000xf32, #tpu.memory_space<hbm>>
    %dma_start3A_699 = arith.constant 0 : i32
    %dma_start3A_700 = arith.constant 0 : i32
    %dma_start3A_701 = tpu.memref_slice %dma_start3A_698[%add3A, %dma_start3A_699, %dma_start3A_700] : memref<32x1x1000xf32, #tpu.memory_space<hbm>> -> memref<1x1x1000xf32, #tpu.memory_space<hbm>>
    %dma_start3A_702 = tpu.memref_squeeze %dma_start3A_701 : memref<1x1x1000xf32, #tpu.memory_space<hbm>> -> memref<1x1000xf32, #tpu.memory_space<hbm>>
    %dma_start3A_703 = arith.constant 0 : i32
    %dma_start3A_704 = tpu.memref_slice %dma_start3A_702[%dma_start3A_679, %dma_start3A_703] : memref<1x1000xf32, #tpu.memory_space<hbm>> -> memref<1x1000xf32, #tpu.memory_space<hbm>>
    %dma_start3A_705 = tpu.memref_squeeze %dma_start3A_704 : memref<1x1000xf32, #tpu.memory_space<hbm>> -> memref<1000xf32, #tpu.memory_space<hbm>>
    %dma_start3A_706 = arith.constant 9000 : i32
    %dma_start3A_707 = tpu.memref_slice %arg13[%dma_start3A_706] : memref<10000xf32, #tpu.memory_space<vmem>> -> memref<1000xf32, #tpu.memory_space<vmem>>
    tpu.enqueue_dma source(%dma_start3A_707 : memref<1000xf32, #tpu.memory_space<vmem>>) target(%dma_start3A_705 : memref<1000xf32, #tpu.memory_space<hbm>>) target_semaphore(%arg16 : memref<!tpu.dma_semaphore, #tpu.memory_space<semaphore_mem>>)
    %dma_wait3A_708 = arith.constant 0 : i32
    %dma_wait3A_709 = arith.constant 0 : i32
    %dma_wait3A_710 = arith.constant 0 : i32
    %dma_wait3A_711 = tpu.memref_slice %arg13[%dma_wait3A_710] : memref<10000xf32, #tpu.memory_space<vmem>> -> memref<1000xf32, #tpu.memory_space<vmem>>
    %dma_wait3A_712 = arith.constant 0 : i32
    %dma_wait3A_713 = arith.constant 0 : i32
    %dma_wait3A_714 = arith.constant 0 : i32
    %dma_wait3A_715 = tpu.memref_slice %arg6[%dma_wait3A_708, %dma_wait3A_712, %dma_wait3A_713, %dma_wait3A_714] : memref<10x32x1x1000xf32, #tpu.memory_space<hbm>> -> memref<1x32x1x1000xf32, #tpu.memory_space<hbm>>
    %dma_wait3A_716 = tpu.memref_squeeze %dma_wait3A_715 : memref<1x32x1x1000xf32, #tpu.memory_space<hbm>> -> memref<32x1x1000xf32, #tpu.memory_space<hbm>>
    %dma_wait3A_717 = arith.constant 0 : i32
    %dma_wait3A_718 = arith.constant 0 : i32
    %dma_wait3A_719 = tpu.memref_slice %dma_wait3A_716[%add3A, %dma_wait3A_717, %dma_wait3A_718] : memref<32x1x1000xf32, #tpu.memory_space<hbm>> -> memref<1x1x1000xf32, #tpu.memory_space<hbm>>
    %dma_wait3A_720 = tpu.memref_squeeze %dma_wait3A_719 : memref<1x1x1000xf32, #tpu.memory_space<hbm>> -> memref<1x1000xf32, #tpu.memory_space<hbm>>
    %dma_wait3A_721 = arith.constant 0 : i32
    %dma_wait3A_722 = tpu.memref_slice %dma_wait3A_720[%dma_wait3A_709, %dma_wait3A_721] : memref<1x1000xf32, #tpu.memory_space<hbm>> -> memref<1x1000xf32, #tpu.memory_space<hbm>>
    %dma_wait3A_723 = tpu.memref_squeeze %dma_wait3A_722 : memref<1x1000xf32, #tpu.memory_space<hbm>> -> memref<1000xf32, #tpu.memory_space<hbm>>
    %dma_wait3A_724 = arith.constant 0 : i32
    %dma_wait3A_725 = arith.constant 0 : i32
    %dma_wait3A_726 = arith.constant 0 : i32
    %dma_wait3A_727 = tpu.memref_slice %arg6[%dma_wait3A_708, %dma_wait3A_724, %dma_wait3A_725, %dma_wait3A_726] : memref<10x32x1x1000xf32, #tpu.memory_space<hbm>> -> memref<1x32x1x1000xf32, #tpu.memory_space<hbm>>
    %dma_wait3A_728 = tpu.memref_squeeze %dma_wait3A_727 : memref<1x32x1x1000xf32, #tpu.memory_space<hbm>> -> memref<32x1x1000xf32, #tpu.memory_space<hbm>>
    %dma_wait3A_729 = arith.constant 0 : i32
    %dma_wait3A_730 = arith.constant 0 : i32
    %dma_wait3A_731 = tpu.memref_slice %dma_wait3A_728[%add3A, %dma_wait3A_729, %dma_wait3A_730] : memref<32x1x1000xf32, #tpu.memory_space<hbm>> -> memref<1x1x1000xf32, #tpu.memory_space<hbm>>
    %dma_wait3A_732 = tpu.memref_squeeze %dma_wait3A_731 : memref<1x1x1000xf32, #tpu.memory_space<hbm>> -> memref<1x1000xf32, #tpu.memory_space<hbm>>
    %dma_wait3A_733 = arith.constant 0 : i32
    %dma_wait3A_734 = tpu.memref_slice %dma_wait3A_732[%dma_wait3A_709, %dma_wait3A_733] : memref<1x1000xf32, #tpu.memory_space<hbm>> -> memref<1x1000xf32, #tpu.memory_space<hbm>>
    %dma_wait3A_735 = tpu.memref_squeeze %dma_wait3A_734 : memref<1x1000xf32, #tpu.memory_space<hbm>> -> memref<1000xf32, #tpu.memory_space<hbm>>
    %dma_wait3A_736 = arith.constant 0 : i32
    %dma_wait3A_737 = tpu.memref_slice %arg13[%dma_wait3A_736] : memref<10000xf32, #tpu.memory_space<vmem>> -> memref<1000xf32, #tpu.memory_space<vmem>>
    tpu.wait_dma2 semaphore(%arg15 : memref<!tpu.dma_semaphore, #tpu.memory_space<semaphore_mem>>) src(%dma_wait3A_737 : memref<1000xf32, #tpu.memory_space<vmem>>) dst(%dma_wait3A_735 : memref<1000xf32, #tpu.memory_space<hbm>>)
    %dma_wait3A_738 = arith.constant 1 : i32
    %dma_wait3A_739 = arith.constant 0 : i32
    %dma_wait3A_740 = arith.constant 1000 : i32
    %dma_wait3A_741 = tpu.memref_slice %arg13[%dma_wait3A_740] : memref<10000xf32, #tpu.memory_space<vmem>> -> memref<1000xf32, #tpu.memory_space<vmem>>
    %dma_wait3A_742 = arith.constant 0 : i32
    %dma_wait3A_743 = arith.constant 0 : i32
    %dma_wait3A_744 = arith.constant 0 : i32
    %dma_wait3A_745 = tpu.memref_slice %arg6[%dma_wait3A_738, %dma_wait3A_742, %dma_wait3A_743, %dma_wait3A_744] : memref<10x32x1x1000xf32, #tpu.memory_space<hbm>> -> memref<1x32x1x1000xf32, #tpu.memory_space<hbm>>
    %dma_wait3A_746 = tpu.memref_squeeze %dma_wait3A_745 : memref<1x32x1x1000xf32, #tpu.memory_space<hbm>> -> memref<32x1x1000xf32, #tpu.memory_space<hbm>>
    %dma_wait3A_747 = arith.constant 0 : i32
    %dma_wait3A_748 = arith.constant 0 : i32
    %dma_wait3A_749 = tpu.memref_slice %dma_wait3A_746[%add3A, %dma_wait3A_747, %dma_wait3A_748] : memref<32x1x1000xf32, #tpu.memory_space<hbm>> -> memref<1x1x1000xf32, #tpu.memory_space<hbm>>
    %dma_wait3A_750 = tpu.memref_squeeze %dma_wait3A_749 : memref<1x1x1000xf32, #tpu.memory_space<hbm>> -> memref<1x1000xf32, #tpu.memory_space<hbm>>
    %dma_wait3A_751 = arith.constant 0 : i32
    %dma_wait3A_752 = tpu.memref_slice %dma_wait3A_750[%dma_wait3A_739, %dma_wait3A_751] : memref<1x1000xf32, #tpu.memory_space<hbm>> -> memref<1x1000xf32, #tpu.memory_space<hbm>>
    %dma_wait3A_753 = tpu.memref_squeeze %dma_wait3A_752 : memref<1x1000xf32, #tpu.memory_space<hbm>> -> memref<1000xf32, #tpu.memory_space<hbm>>
    %dma_wait3A_754 = arith.constant 0 : i32
    %dma_wait3A_755 = arith.constant 0 : i32
    %dma_wait3A_756 = arith.constant 0 : i32
    %dma_wait3A_757 = tpu.memref_slice %arg6[%dma_wait3A_738, %dma_wait3A_754, %dma_wait3A_755, %dma_wait3A_756] : memref<10x32x1x1000xf32, #tpu.memory_space<hbm>> -> memref<1x32x1x1000xf32, #tpu.memory_space<hbm>>
    %dma_wait3A_758 = tpu.memref_squeeze %dma_wait3A_757 : memref<1x32x1x1000xf32, #tpu.memory_space<hbm>> -> memref<32x1x1000xf32, #tpu.memory_space<hbm>>
    %dma_wait3A_759 = arith.constant 0 : i32
    %dma_wait3A_760 = arith.constant 0 : i32
    %dma_wait3A_761 = tpu.memref_slice %dma_wait3A_758[%add3A, %dma_wait3A_759, %dma_wait3A_760] : memref<32x1x1000xf32, #tpu.memory_space<hbm>> -> memref<1x1x1000xf32, #tpu.memory_space<hbm>>
    %dma_wait3A_762 = tpu.memref_squeeze %dma_wait3A_761 : memref<1x1x1000xf32, #tpu.memory_space<hbm>> -> memref<1x1000xf32, #tpu.memory_space<hbm>>
    %dma_wait3A_763 = arith.constant 0 : i32
    %dma_wait3A_764 = tpu.memref_slice %dma_wait3A_762[%dma_wait3A_739, %dma_wait3A_763] : memref<1x1000xf32, #tpu.memory_space<hbm>> -> memref<1x1000xf32, #tpu.memory_space<hbm>>
    %dma_wait3A_765 = tpu.memref_squeeze %dma_wait3A_764 : memref<1x1000xf32, #tpu.memory_space<hbm>> -> memref<1000xf32, #tpu.memory_space<hbm>>
    %dma_wait3A_766 = arith.constant 1000 : i32
    %dma_wait3A_767 = tpu.memref_slice %arg13[%dma_wait3A_766] : memref<10000xf32, #tpu.memory_space<vmem>> -> memref<1000xf32, #tpu.memory_space<vmem>>
    tpu.wait_dma2 semaphore(%arg16 : memref<!tpu.dma_semaphore, #tpu.memory_space<semaphore_mem>>) src(%dma_wait3A_767 : memref<1000xf32, #tpu.memory_space<vmem>>) dst(%dma_wait3A_765 : memref<1000xf32, #tpu.memory_space<hbm>>)
    %dma_wait3A_768 = arith.constant 2 : i32
    %dma_wait3A_769 = arith.constant 0 : i32
    %dma_wait3A_770 = arith.constant 2000 : i32
    %dma_wait3A_771 = tpu.memref_slice %arg13[%dma_wait3A_770] : memref<10000xf32, #tpu.memory_space<vmem>> -> memref<1000xf32, #tpu.memory_space<vmem>>
    %dma_wait3A_772 = arith.constant 0 : i32
    %dma_wait3A_773 = arith.constant 0 : i32
    %dma_wait3A_774 = arith.constant 0 : i32
    %dma_wait3A_775 = tpu.memref_slice %arg6[%dma_wait3A_768, %dma_wait3A_772, %dma_wait3A_773, %dma_wait3A_774] : memref<10x32x1x1000xf32, #tpu.memory_space<hbm>> -> memref<1x32x1x1000xf32, #tpu.memory_space<hbm>>
    %dma_wait3A_776 = tpu.memref_squeeze %dma_wait3A_775 : memref<1x32x1x1000xf32, #tpu.memory_space<hbm>> -> memref<32x1x1000xf32, #tpu.memory_space<hbm>>
    %dma_wait3A_777 = arith.constant 0 : i32
    %dma_wait3A_778 = arith.constant 0 : i32
    %dma_wait3A_779 = tpu.memref_slice %dma_wait3A_776[%add3A, %dma_wait3A_777, %dma_wait3A_778] : memref<32x1x1000xf32, #tpu.memory_space<hbm>> -> memref<1x1x1000xf32, #tpu.memory_space<hbm>>
    %dma_wait3A_780 = tpu.memref_squeeze %dma_wait3A_779 : memref<1x1x1000xf32, #tpu.memory_space<hbm>> -> memref<1x1000xf32, #tpu.memory_space<hbm>>
    %dma_wait3A_781 = arith.constant 0 : i32
    %dma_wait3A_782 = tpu.memref_slice %dma_wait3A_780[%dma_wait3A_769, %dma_wait3A_781] : memref<1x1000xf32, #tpu.memory_space<hbm>> -> memref<1x1000xf32, #tpu.memory_space<hbm>>
    %dma_wait3A_783 = tpu.memref_squeeze %dma_wait3A_782 : memref<1x1000xf32, #tpu.memory_space<hbm>> -> memref<1000xf32, #tpu.memory_space<hbm>>
    %dma_wait3A_784 = arith.constant 0 : i32
    %dma_wait3A_785 = arith.constant 0 : i32
    %dma_wait3A_786 = arith.constant 0 : i32
    %dma_wait3A_787 = tpu.memref_slice %arg6[%dma_wait3A_768, %dma_wait3A_784, %dma_wait3A_785, %dma_wait3A_786] : memref<10x32x1x1000xf32, #tpu.memory_space<hbm>> -> memref<1x32x1x1000xf32, #tpu.memory_space<hbm>>
    %dma_wait3A_788 = tpu.memref_squeeze %dma_wait3A_787 : memref<1x32x1x1000xf32, #tpu.memory_space<hbm>> -> memref<32x1x1000xf32, #tpu.memory_space<hbm>>
    %dma_wait3A_789 = arith.constant 0 : i32
    %dma_wait3A_790 = arith.constant 0 : i32
    %dma_wait3A_791 = tpu.memref_slice %dma_wait3A_788[%add3A, %dma_wait3A_789, %dma_wait3A_790] : memref<32x1x1000xf32, #tpu.memory_space<hbm>> -> memref<1x1x1000xf32, #tpu.memory_space<hbm>>
    %dma_wait3A_792 = tpu.memref_squeeze %dma_wait3A_791 : memref<1x1x1000xf32, #tpu.memory_space<hbm>> -> memref<1x1000xf32, #tpu.memory_space<hbm>>
    %dma_wait3A_793 = arith.constant 0 : i32
    %dma_wait3A_794 = tpu.memref_slice %dma_wait3A_792[%dma_wait3A_769, %dma_wait3A_793] : memref<1x1000xf32, #tpu.memory_space<hbm>> -> memref<1x1000xf32, #tpu.memory_space<hbm>>
    %dma_wait3A_795 = tpu.memref_squeeze %dma_wait3A_794 : memref<1x1000xf32, #tpu.memory_space<hbm>> -> memref<1000xf32, #tpu.memory_space<hbm>>
    %dma_wait3A_796 = arith.constant 2000 : i32
    %dma_wait3A_797 = tpu.memref_slice %arg13[%dma_wait3A_796] : memref<10000xf32, #tpu.memory_space<vmem>> -> memref<1000xf32, #tpu.memory_space<vmem>>
    tpu.wait_dma2 semaphore(%arg17 : memref<!tpu.dma_semaphore, #tpu.memory_space<semaphore_mem>>) src(%dma_wait3A_797 : memref<1000xf32, #tpu.memory_space<vmem>>) dst(%dma_wait3A_795 : memref<1000xf32, #tpu.memory_space<hbm>>)
    %dma_wait3A_798 = arith.constant 3 : i32
    %dma_wait3A_799 = arith.constant 0 : i32
    %dma_wait3A_800 = arith.constant 3000 : i32
    %dma_wait3A_801 = tpu.memref_slice %arg13[%dma_wait3A_800] : memref<10000xf32, #tpu.memory_space<vmem>> -> memref<1000xf32, #tpu.memory_space<vmem>>
    %dma_wait3A_802 = arith.constant 0 : i32
    %dma_wait3A_803 = arith.constant 0 : i32
    %dma_wait3A_804 = arith.constant 0 : i32
    %dma_wait3A_805 = tpu.memref_slice %arg6[%dma_wait3A_798, %dma_wait3A_802, %dma_wait3A_803, %dma_wait3A_804] : memref<10x32x1x1000xf32, #tpu.memory_space<hbm>> -> memref<1x32x1x1000xf32, #tpu.memory_space<hbm>>
    %dma_wait3A_806 = tpu.memref_squeeze %dma_wait3A_805 : memref<1x32x1x1000xf32, #tpu.memory_space<hbm>> -> memref<32x1x1000xf32, #tpu.memory_space<hbm>>
    %dma_wait3A_807 = arith.constant 0 : i32
    %dma_wait3A_808 = arith.constant 0 : i32
    %dma_wait3A_809 = tpu.memref_slice %dma_wait3A_806[%add3A, %dma_wait3A_807, %dma_wait3A_808] : memref<32x1x1000xf32, #tpu.memory_space<hbm>> -> memref<1x1x1000xf32, #tpu.memory_space<hbm>>
    %dma_wait3A_810 = tpu.memref_squeeze %dma_wait3A_809 : memref<1x1x1000xf32, #tpu.memory_space<hbm>> -> memref<1x1000xf32, #tpu.memory_space<hbm>>
    %dma_wait3A_811 = arith.constant 0 : i32
    %dma_wait3A_812 = tpu.memref_slice %dma_wait3A_810[%dma_wait3A_799, %dma_wait3A_811] : memref<1x1000xf32, #tpu.memory_space<hbm>> -> memref<1x1000xf32, #tpu.memory_space<hbm>>
    %dma_wait3A_813 = tpu.memref_squeeze %dma_wait3A_812 : memref<1x1000xf32, #tpu.memory_space<hbm>> -> memref<1000xf32, #tpu.memory_space<hbm>>
    %dma_wait3A_814 = arith.constant 0 : i32
    %dma_wait3A_815 = arith.constant 0 : i32
    %dma_wait3A_816 = arith.constant 0 : i32
    %dma_wait3A_817 = tpu.memref_slice %arg6[%dma_wait3A_798, %dma_wait3A_814, %dma_wait3A_815, %dma_wait3A_816] : memref<10x32x1x1000xf32, #tpu.memory_space<hbm>> -> memref<1x32x1x1000xf32, #tpu.memory_space<hbm>>
    %dma_wait3A_818 = tpu.memref_squeeze %dma_wait3A_817 : memref<1x32x1x1000xf32, #tpu.memory_space<hbm>> -> memref<32x1x1000xf32, #tpu.memory_space<hbm>>
    %dma_wait3A_819 = arith.constant 0 : i32
    %dma_wait3A_820 = arith.constant 0 : i32
    %dma_wait3A_821 = tpu.memref_slice %dma_wait3A_818[%add3A, %dma_wait3A_819, %dma_wait3A_820] : memref<32x1x1000xf32, #tpu.memory_space<hbm>> -> memref<1x1x1000xf32, #tpu.memory_space<hbm>>
    %dma_wait3A_822 = tpu.memref_squeeze %dma_wait3A_821 : memref<1x1x1000xf32, #tpu.memory_space<hbm>> -> memref<1x1000xf32, #tpu.memory_space<hbm>>
    %dma_wait3A_823 = arith.constant 0 : i32
    %dma_wait3A_824 = tpu.memref_slice %dma_wait3A_822[%dma_wait3A_799, %dma_wait3A_823] : memref<1x1000xf32, #tpu.memory_space<hbm>> -> memref<1x1000xf32, #tpu.memory_space<hbm>>
    %dma_wait3A_825 = tpu.memref_squeeze %dma_wait3A_824 : memref<1x1000xf32, #tpu.memory_space<hbm>> -> memref<1000xf32, #tpu.memory_space<hbm>>
    %dma_wait3A_826 = arith.constant 3000 : i32
    %dma_wait3A_827 = tpu.memref_slice %arg13[%dma_wait3A_826] : memref<10000xf32, #tpu.memory_space<vmem>> -> memref<1000xf32, #tpu.memory_space<vmem>>
    tpu.wait_dma2 semaphore(%arg18 : memref<!tpu.dma_semaphore, #tpu.memory_space<semaphore_mem>>) src(%dma_wait3A_827 : memref<1000xf32, #tpu.memory_space<vmem>>) dst(%dma_wait3A_825 : memref<1000xf32, #tpu.memory_space<hbm>>)
    %dma_wait3A_828 = arith.constant 4 : i32
    %dma_wait3A_829 = arith.constant 0 : i32
    %dma_wait3A_830 = arith.constant 4000 : i32
    %dma_wait3A_831 = tpu.memref_slice %arg13[%dma_wait3A_830] : memref<10000xf32, #tpu.memory_space<vmem>> -> memref<1000xf32, #tpu.memory_space<vmem>>
    %dma_wait3A_832 = arith.constant 0 : i32
    %dma_wait3A_833 = arith.constant 0 : i32
    %dma_wait3A_834 = arith.constant 0 : i32
    %dma_wait3A_835 = tpu.memref_slice %arg6[%dma_wait3A_828, %dma_wait3A_832, %dma_wait3A_833, %dma_wait3A_834] : memref<10x32x1x1000xf32, #tpu.memory_space<hbm>> -> memref<1x32x1x1000xf32, #tpu.memory_space<hbm>>
    %dma_wait3A_836 = tpu.memref_squeeze %dma_wait3A_835 : memref<1x32x1x1000xf32, #tpu.memory_space<hbm>> -> memref<32x1x1000xf32, #tpu.memory_space<hbm>>
    %dma_wait3A_837 = arith.constant 0 : i32
    %dma_wait3A_838 = arith.constant 0 : i32
    %dma_wait3A_839 = tpu.memref_slice %dma_wait3A_836[%add3A, %dma_wait3A_837, %dma_wait3A_838] : memref<32x1x1000xf32, #tpu.memory_space<hbm>> -> memref<1x1x1000xf32, #tpu.memory_space<hbm>>
    %dma_wait3A_840 = tpu.memref_squeeze %dma_wait3A_839 : memref<1x1x1000xf32, #tpu.memory_space<hbm>> -> memref<1x1000xf32, #tpu.memory_space<hbm>>
    %dma_wait3A_841 = arith.constant 0 : i32
    %dma_wait3A_842 = tpu.memref_slice %dma_wait3A_840[%dma_wait3A_829, %dma_wait3A_841] : memref<1x1000xf32, #tpu.memory_space<hbm>> -> memref<1x1000xf32, #tpu.memory_space<hbm>>
    %dma_wait3A_843 = tpu.memref_squeeze %dma_wait3A_842 : memref<1x1000xf32, #tpu.memory_space<hbm>> -> memref<1000xf32, #tpu.memory_space<hbm>>
    %dma_wait3A_844 = arith.constant 0 : i32
    %dma_wait3A_845 = arith.constant 0 : i32
    %dma_wait3A_846 = arith.constant 0 : i32
    %dma_wait3A_847 = tpu.memref_slice %arg6[%dma_wait3A_828, %dma_wait3A_844, %dma_wait3A_845, %dma_wait3A_846] : memref<10x32x1x1000xf32, #tpu.memory_space<hbm>> -> memref<1x32x1x1000xf32, #tpu.memory_space<hbm>>
    %dma_wait3A_848 = tpu.memref_squeeze %dma_wait3A_847 : memref<1x32x1x1000xf32, #tpu.memory_space<hbm>> -> memref<32x1x1000xf32, #tpu.memory_space<hbm>>
    %dma_wait3A_849 = arith.constant 0 : i32
    %dma_wait3A_850 = arith.constant 0 : i32
    %dma_wait3A_851 = tpu.memref_slice %dma_wait3A_848[%add3A, %dma_wait3A_849, %dma_wait3A_850] : memref<32x1x1000xf32, #tpu.memory_space<hbm>> -> memref<1x1x1000xf32, #tpu.memory_space<hbm>>
    %dma_wait3A_852 = tpu.memref_squeeze %dma_wait3A_851 : memref<1x1x1000xf32, #tpu.memory_space<hbm>> -> memref<1x1000xf32, #tpu.memory_space<hbm>>
    %dma_wait3A_853 = arith.constant 0 : i32
    %dma_wait3A_854 = tpu.memref_slice %dma_wait3A_852[%dma_wait3A_829, %dma_wait3A_853] : memref<1x1000xf32, #tpu.memory_space<hbm>> -> memref<1x1000xf32, #tpu.memory_space<hbm>>
    %dma_wait3A_855 = tpu.memref_squeeze %dma_wait3A_854 : memref<1x1000xf32, #tpu.memory_space<hbm>> -> memref<1000xf32, #tpu.memory_space<hbm>>
    %dma_wait3A_856 = arith.constant 4000 : i32
    %dma_wait3A_857 = tpu.memref_slice %arg13[%dma_wait3A_856] : memref<10000xf32, #tpu.memory_space<vmem>> -> memref<1000xf32, #tpu.memory_space<vmem>>
    tpu.wait_dma2 semaphore(%arg15 : memref<!tpu.dma_semaphore, #tpu.memory_space<semaphore_mem>>) src(%dma_wait3A_857 : memref<1000xf32, #tpu.memory_space<vmem>>) dst(%dma_wait3A_855 : memref<1000xf32, #tpu.memory_space<hbm>>)
    %dma_wait3A_858 = arith.constant 5 : i32
    %dma_wait3A_859 = arith.constant 0 : i32
    %dma_wait3A_860 = arith.constant 5000 : i32
    %dma_wait3A_861 = tpu.memref_slice %arg13[%dma_wait3A_860] : memref<10000xf32, #tpu.memory_space<vmem>> -> memref<1000xf32, #tpu.memory_space<vmem>>
    %dma_wait3A_862 = arith.constant 0 : i32
    %dma_wait3A_863 = arith.constant 0 : i32
    %dma_wait3A_864 = arith.constant 0 : i32
    %dma_wait3A_865 = tpu.memref_slice %arg6[%dma_wait3A_858, %dma_wait3A_862, %dma_wait3A_863, %dma_wait3A_864] : memref<10x32x1x1000xf32, #tpu.memory_space<hbm>> -> memref<1x32x1x1000xf32, #tpu.memory_space<hbm>>
    %dma_wait3A_866 = tpu.memref_squeeze %dma_wait3A_865 : memref<1x32x1x1000xf32, #tpu.memory_space<hbm>> -> memref<32x1x1000xf32, #tpu.memory_space<hbm>>
    %dma_wait3A_867 = arith.constant 0 : i32
    %dma_wait3A_868 = arith.constant 0 : i32
    %dma_wait3A_869 = tpu.memref_slice %dma_wait3A_866[%add3A, %dma_wait3A_867, %dma_wait3A_868] : memref<32x1x1000xf32, #tpu.memory_space<hbm>> -> memref<1x1x1000xf32, #tpu.memory_space<hbm>>
    %dma_wait3A_870 = tpu.memref_squeeze %dma_wait3A_869 : memref<1x1x1000xf32, #tpu.memory_space<hbm>> -> memref<1x1000xf32, #tpu.memory_space<hbm>>
    %dma_wait3A_871 = arith.constant 0 : i32
    %dma_wait3A_872 = tpu.memref_slice %dma_wait3A_870[%dma_wait3A_859, %dma_wait3A_871] : memref<1x1000xf32, #tpu.memory_space<hbm>> -> memref<1x1000xf32, #tpu.memory_space<hbm>>
    %dma_wait3A_873 = tpu.memref_squeeze %dma_wait3A_872 : memref<1x1000xf32, #tpu.memory_space<hbm>> -> memref<1000xf32, #tpu.memory_space<hbm>>
    %dma_wait3A_874 = arith.constant 0 : i32
    %dma_wait3A_875 = arith.constant 0 : i32
    %dma_wait3A_876 = arith.constant 0 : i32
    %dma_wait3A_877 = tpu.memref_slice %arg6[%dma_wait3A_858, %dma_wait3A_874, %dma_wait3A_875, %dma_wait3A_876] : memref<10x32x1x1000xf32, #tpu.memory_space<hbm>> -> memref<1x32x1x1000xf32, #tpu.memory_space<hbm>>
    %dma_wait3A_878 = tpu.memref_squeeze %dma_wait3A_877 : memref<1x32x1x1000xf32, #tpu.memory_space<hbm>> -> memref<32x1x1000xf32, #tpu.memory_space<hbm>>
    %dma_wait3A_879 = arith.constant 0 : i32
    %dma_wait3A_880 = arith.constant 0 : i32
    %dma_wait3A_881 = tpu.memref_slice %dma_wait3A_878[%add3A, %dma_wait3A_879, %dma_wait3A_880] : memref<32x1x1000xf32, #tpu.memory_space<hbm>> -> memref<1x1x1000xf32, #tpu.memory_space<hbm>>
    %dma_wait3A_882 = tpu.memref_squeeze %dma_wait3A_881 : memref<1x1x1000xf32, #tpu.memory_space<hbm>> -> memref<1x1000xf32, #tpu.memory_space<hbm>>
    %dma_wait3A_883 = arith.constant 0 : i32
    %dma_wait3A_884 = tpu.memref_slice %dma_wait3A_882[%dma_wait3A_859, %dma_wait3A_883] : memref<1x1000xf32, #tpu.memory_space<hbm>> -> memref<1x1000xf32, #tpu.memory_space<hbm>>
    %dma_wait3A_885 = tpu.memref_squeeze %dma_wait3A_884 : memref<1x1000xf32, #tpu.memory_space<hbm>> -> memref<1000xf32, #tpu.memory_space<hbm>>
    %dma_wait3A_886 = arith.constant 5000 : i32
    %dma_wait3A_887 = tpu.memref_slice %arg13[%dma_wait3A_886] : memref<10000xf32, #tpu.memory_space<vmem>> -> memref<1000xf32, #tpu.memory_space<vmem>>
    tpu.wait_dma2 semaphore(%arg16 : memref<!tpu.dma_semaphore, #tpu.memory_space<semaphore_mem>>) src(%dma_wait3A_887 : memref<1000xf32, #tpu.memory_space<vmem>>) dst(%dma_wait3A_885 : memref<1000xf32, #tpu.memory_space<hbm>>)
    %dma_wait3A_888 = arith.constant 6 : i32
    %dma_wait3A_889 = arith.constant 0 : i32
    %dma_wait3A_890 = arith.constant 6000 : i32
    %dma_wait3A_891 = tpu.memref_slice %arg13[%dma_wait3A_890] : memref<10000xf32, #tpu.memory_space<vmem>> -> memref<1000xf32, #tpu.memory_space<vmem>>
    %dma_wait3A_892 = arith.constant 0 : i32
    %dma_wait3A_893 = arith.constant 0 : i32
    %dma_wait3A_894 = arith.constant 0 : i32
    %dma_wait3A_895 = tpu.memref_slice %arg6[%dma_wait3A_888, %dma_wait3A_892, %dma_wait3A_893, %dma_wait3A_894] : memref<10x32x1x1000xf32, #tpu.memory_space<hbm>> -> memref<1x32x1x1000xf32, #tpu.memory_space<hbm>>
    %dma_wait3A_896 = tpu.memref_squeeze %dma_wait3A_895 : memref<1x32x1x1000xf32, #tpu.memory_space<hbm>> -> memref<32x1x1000xf32, #tpu.memory_space<hbm>>
    %dma_wait3A_897 = arith.constant 0 : i32
    %dma_wait3A_898 = arith.constant 0 : i32
    %dma_wait3A_899 = tpu.memref_slice %dma_wait3A_896[%add3A, %dma_wait3A_897, %dma_wait3A_898] : memref<32x1x1000xf32, #tpu.memory_space<hbm>> -> memref<1x1x1000xf32, #tpu.memory_space<hbm>>
    %dma_wait3A_900 = tpu.memref_squeeze %dma_wait3A_899 : memref<1x1x1000xf32, #tpu.memory_space<hbm>> -> memref<1x1000xf32, #tpu.memory_space<hbm>>
    %dma_wait3A_901 = arith.constant 0 : i32
    %dma_wait3A_902 = tpu.memref_slice %dma_wait3A_900[%dma_wait3A_889, %dma_wait3A_901] : memref<1x1000xf32, #tpu.memory_space<hbm>> -> memref<1x1000xf32, #tpu.memory_space<hbm>>
    %dma_wait3A_903 = tpu.memref_squeeze %dma_wait3A_902 : memref<1x1000xf32, #tpu.memory_space<hbm>> -> memref<1000xf32, #tpu.memory_space<hbm>>
    %dma_wait3A_904 = arith.constant 0 : i32
    %dma_wait3A_905 = arith.constant 0 : i32
    %dma_wait3A_906 = arith.constant 0 : i32
    %dma_wait3A_907 = tpu.memref_slice %arg6[%dma_wait3A_888, %dma_wait3A_904, %dma_wait3A_905, %dma_wait3A_906] : memref<10x32x1x1000xf32, #tpu.memory_space<hbm>> -> memref<1x32x1x1000xf32, #tpu.memory_space<hbm>>
    %dma_wait3A_908 = tpu.memref_squeeze %dma_wait3A_907 : memref<1x32x1x1000xf32, #tpu.memory_space<hbm>> -> memref<32x1x1000xf32, #tpu.memory_space<hbm>>
    %dma_wait3A_909 = arith.constant 0 : i32
    %dma_wait3A_910 = arith.constant 0 : i32
    %dma_wait3A_911 = tpu.memref_slice %dma_wait3A_908[%add3A, %dma_wait3A_909, %dma_wait3A_910] : memref<32x1x1000xf32, #tpu.memory_space<hbm>> -> memref<1x1x1000xf32, #tpu.memory_space<hbm>>
    %dma_wait3A_912 = tpu.memref_squeeze %dma_wait3A_911 : memref<1x1x1000xf32, #tpu.memory_space<hbm>> -> memref<1x1000xf32, #tpu.memory_space<hbm>>
    %dma_wait3A_913 = arith.constant 0 : i32
    %dma_wait3A_914 = tpu.memref_slice %dma_wait3A_912[%dma_wait3A_889, %dma_wait3A_913] : memref<1x1000xf32, #tpu.memory_space<hbm>> -> memref<1x1000xf32, #tpu.memory_space<hbm>>
    %dma_wait3A_915 = tpu.memref_squeeze %dma_wait3A_914 : memref<1x1000xf32, #tpu.memory_space<hbm>> -> memref<1000xf32, #tpu.memory_space<hbm>>
    %dma_wait3A_916 = arith.constant 6000 : i32
    %dma_wait3A_917 = tpu.memref_slice %arg13[%dma_wait3A_916] : memref<10000xf32, #tpu.memory_space<vmem>> -> memref<1000xf32, #tpu.memory_space<vmem>>
    tpu.wait_dma2 semaphore(%arg17 : memref<!tpu.dma_semaphore, #tpu.memory_space<semaphore_mem>>) src(%dma_wait3A_917 : memref<1000xf32, #tpu.memory_space<vmem>>) dst(%dma_wait3A_915 : memref<1000xf32, #tpu.memory_space<hbm>>)
    %dma_wait3A_918 = arith.constant 7 : i32
    %dma_wait3A_919 = arith.constant 0 : i32
    %dma_wait3A_920 = arith.constant 7000 : i32
    %dma_wait3A_921 = tpu.memref_slice %arg13[%dma_wait3A_920] : memref<10000xf32, #tpu.memory_space<vmem>> -> memref<1000xf32, #tpu.memory_space<vmem>>
    %dma_wait3A_922 = arith.constant 0 : i32
    %dma_wait3A_923 = arith.constant 0 : i32
    %dma_wait3A_924 = arith.constant 0 : i32
    %dma_wait3A_925 = tpu.memref_slice %arg6[%dma_wait3A_918, %dma_wait3A_922, %dma_wait3A_923, %dma_wait3A_924] : memref<10x32x1x1000xf32, #tpu.memory_space<hbm>> -> memref<1x32x1x1000xf32, #tpu.memory_space<hbm>>
    %dma_wait3A_926 = tpu.memref_squeeze %dma_wait3A_925 : memref<1x32x1x1000xf32, #tpu.memory_space<hbm>> -> memref<32x1x1000xf32, #tpu.memory_space<hbm>>
    %dma_wait3A_927 = arith.constant 0 : i32
    %dma_wait3A_928 = arith.constant 0 : i32
    %dma_wait3A_929 = tpu.memref_slice %dma_wait3A_926[%add3A, %dma_wait3A_927, %dma_wait3A_928] : memref<32x1x1000xf32, #tpu.memory_space<hbm>> -> memref<1x1x1000xf32, #tpu.memory_space<hbm>>
    %dma_wait3A_930 = tpu.memref_squeeze %dma_wait3A_929 : memref<1x1x1000xf32, #tpu.memory_space<hbm>> -> memref<1x1000xf32, #tpu.memory_space<hbm>>
    %dma_wait3A_931 = arith.constant 0 : i32
    %dma_wait3A_932 = tpu.memref_slice %dma_wait3A_930[%dma_wait3A_919, %dma_wait3A_931] : memref<1x1000xf32, #tpu.memory_space<hbm>> -> memref<1x1000xf32, #tpu.memory_space<hbm>>
    %dma_wait3A_933 = tpu.memref_squeeze %dma_wait3A_932 : memref<1x1000xf32, #tpu.memory_space<hbm>> -> memref<1000xf32, #tpu.memory_space<hbm>>
    %dma_wait3A_934 = arith.constant 0 : i32
    %dma_wait3A_935 = arith.constant 0 : i32
    %dma_wait3A_936 = arith.constant 0 : i32
    %dma_wait3A_937 = tpu.memref_slice %arg6[%dma_wait3A_918, %dma_wait3A_934, %dma_wait3A_935, %dma_wait3A_936] : memref<10x32x1x1000xf32, #tpu.memory_space<hbm>> -> memref<1x32x1x1000xf32, #tpu.memory_space<hbm>>
    %dma_wait3A_938 = tpu.memref_squeeze %dma_wait3A_937 : memref<1x32x1x1000xf32, #tpu.memory_space<hbm>> -> memref<32x1x1000xf32, #tpu.memory_space<hbm>>
    %dma_wait3A_939 = arith.constant 0 : i32
    %dma_wait3A_940 = arith.constant 0 : i32
    %dma_wait3A_941 = tpu.memref_slice %dma_wait3A_938[%add3A, %dma_wait3A_939, %dma_wait3A_940] : memref<32x1x1000xf32, #tpu.memory_space<hbm>> -> memref<1x1x1000xf32, #tpu.memory_space<hbm>>
    %dma_wait3A_942 = tpu.memref_squeeze %dma_wait3A_941 : memref<1x1x1000xf32, #tpu.memory_space<hbm>> -> memref<1x1000xf32, #tpu.memory_space<hbm>>
    %dma_wait3A_943 = arith.constant 0 : i32
    %dma_wait3A_944 = tpu.memref_slice %dma_wait3A_942[%dma_wait3A_919, %dma_wait3A_943] : memref<1x1000xf32, #tpu.memory_space<hbm>> -> memref<1x1000xf32, #tpu.memory_space<hbm>>
    %dma_wait3A_945 = tpu.memref_squeeze %dma_wait3A_944 : memref<1x1000xf32, #tpu.memory_space<hbm>> -> memref<1000xf32, #tpu.memory_space<hbm>>
    %dma_wait3A_946 = arith.constant 7000 : i32
    %dma_wait3A_947 = tpu.memref_slice %arg13[%dma_wait3A_946] : memref<10000xf32, #tpu.memory_space<vmem>> -> memref<1000xf32, #tpu.memory_space<vmem>>
    tpu.wait_dma2 semaphore(%arg18 : memref<!tpu.dma_semaphore, #tpu.memory_space<semaphore_mem>>) src(%dma_wait3A_947 : memref<1000xf32, #tpu.memory_space<vmem>>) dst(%dma_wait3A_945 : memref<1000xf32, #tpu.memory_space<hbm>>)
    %dma_wait3A_948 = arith.constant 8 : i32
    %dma_wait3A_949 = arith.constant 0 : i32
    %dma_wait3A_950 = arith.constant 8000 : i32
    %dma_wait3A_951 = tpu.memref_slice %arg13[%dma_wait3A_950] : memref<10000xf32, #tpu.memory_space<vmem>> -> memref<1000xf32, #tpu.memory_space<vmem>>
    %dma_wait3A_952 = arith.constant 0 : i32
    %dma_wait3A_953 = arith.constant 0 : i32
    %dma_wait3A_954 = arith.constant 0 : i32
    %dma_wait3A_955 = tpu.memref_slice %arg6[%dma_wait3A_948, %dma_wait3A_952, %dma_wait3A_953, %dma_wait3A_954] : memref<10x32x1x1000xf32, #tpu.memory_space<hbm>> -> memref<1x32x1x1000xf32, #tpu.memory_space<hbm>>
    %dma_wait3A_956 = tpu.memref_squeeze %dma_wait3A_955 : memref<1x32x1x1000xf32, #tpu.memory_space<hbm>> -> memref<32x1x1000xf32, #tpu.memory_space<hbm>>
    %dma_wait3A_957 = arith.constant 0 : i32
    %dma_wait3A_958 = arith.constant 0 : i32
    %dma_wait3A_959 = tpu.memref_slice %dma_wait3A_956[%add3A, %dma_wait3A_957, %dma_wait3A_958] : memref<32x1x1000xf32, #tpu.memory_space<hbm>> -> memref<1x1x1000xf32, #tpu.memory_space<hbm>>
    %dma_wait3A_960 = tpu.memref_squeeze %dma_wait3A_959 : memref<1x1x1000xf32, #tpu.memory_space<hbm>> -> memref<1x1000xf32, #tpu.memory_space<hbm>>
    %dma_wait3A_961 = arith.constant 0 : i32
    %dma_wait3A_962 = tpu.memref_slice %dma_wait3A_960[%dma_wait3A_949, %dma_wait3A_961] : memref<1x1000xf32, #tpu.memory_space<hbm>> -> memref<1x1000xf32, #tpu.memory_space<hbm>>
    %dma_wait3A_963 = tpu.memref_squeeze %dma_wait3A_962 : memref<1x1000xf32, #tpu.memory_space<hbm>> -> memref<1000xf32, #tpu.memory_space<hbm>>
    %dma_wait3A_964 = arith.constant 0 : i32
    %dma_wait3A_965 = arith.constant 0 : i32
    %dma_wait3A_966 = arith.constant 0 : i32
    %dma_wait3A_967 = tpu.memref_slice %arg6[%dma_wait3A_948, %dma_wait3A_964, %dma_wait3A_965, %dma_wait3A_966] : memref<10x32x1x1000xf32, #tpu.memory_space<hbm>> -> memref<1x32x1x1000xf32, #tpu.memory_space<hbm>>
    %dma_wait3A_968 = tpu.memref_squeeze %dma_wait3A_967 : memref<1x32x1x1000xf32, #tpu.memory_space<hbm>> -> memref<32x1x1000xf32, #tpu.memory_space<hbm>>
    %dma_wait3A_969 = arith.constant 0 : i32
    %dma_wait3A_970 = arith.constant 0 : i32
    %dma_wait3A_971 = tpu.memref_slice %dma_wait3A_968[%add3A, %dma_wait3A_969, %dma_wait3A_970] : memref<32x1x1000xf32, #tpu.memory_space<hbm>> -> memref<1x1x1000xf32, #tpu.memory_space<hbm>>
    %dma_wait3A_972 = tpu.memref_squeeze %dma_wait3A_971 : memref<1x1x1000xf32, #tpu.memory_space<hbm>> -> memref<1x1000xf32, #tpu.memory_space<hbm>>
    %dma_wait3A_973 = arith.constant 0 : i32
    %dma_wait3A_974 = tpu.memref_slice %dma_wait3A_972[%dma_wait3A_949, %dma_wait3A_973] : memref<1x1000xf32, #tpu.memory_space<hbm>> -> memref<1x1000xf32, #tpu.memory_space<hbm>>
    %dma_wait3A_975 = tpu.memref_squeeze %dma_wait3A_974 : memref<1x1000xf32, #tpu.memory_space<hbm>> -> memref<1000xf32, #tpu.memory_space<hbm>>
    %dma_wait3A_976 = arith.constant 8000 : i32
    %dma_wait3A_977 = tpu.memref_slice %arg13[%dma_wait3A_976] : memref<10000xf32, #tpu.memory_space<vmem>> -> memref<1000xf32, #tpu.memory_space<vmem>>
    tpu.wait_dma2 semaphore(%arg15 : memref<!tpu.dma_semaphore, #tpu.memory_space<semaphore_mem>>) src(%dma_wait3A_977 : memref<1000xf32, #tpu.memory_space<vmem>>) dst(%dma_wait3A_975 : memref<1000xf32, #tpu.memory_space<hbm>>)
    %dma_wait3A_978 = arith.constant 9 : i32
    %dma_wait3A_979 = arith.constant 0 : i32
    %dma_wait3A_980 = arith.constant 9000 : i32
    %dma_wait3A_981 = tpu.memref_slice %arg13[%dma_wait3A_980] : memref<10000xf32, #tpu.memory_space<vmem>> -> memref<1000xf32, #tpu.memory_space<vmem>>
    %dma_wait3A_982 = arith.constant 0 : i32
    %dma_wait3A_983 = arith.constant 0 : i32
    %dma_wait3A_984 = arith.constant 0 : i32
    %dma_wait3A_985 = tpu.memref_slice %arg6[%dma_wait3A_978, %dma_wait3A_982, %dma_wait3A_983, %dma_wait3A_984] : memref<10x32x1x1000xf32, #tpu.memory_space<hbm>> -> memref<1x32x1x1000xf32, #tpu.memory_space<hbm>>
    %dma_wait3A_986 = tpu.memref_squeeze %dma_wait3A_985 : memref<1x32x1x1000xf32, #tpu.memory_space<hbm>> -> memref<32x1x1000xf32, #tpu.memory_space<hbm>>
    %dma_wait3A_987 = arith.constant 0 : i32
    %dma_wait3A_988 = arith.constant 0 : i32
    %dma_wait3A_989 = tpu.memref_slice %dma_wait3A_986[%add3A, %dma_wait3A_987, %dma_wait3A_988] : memref<32x1x1000xf32, #tpu.memory_space<hbm>> -> memref<1x1x1000xf32, #tpu.memory_space<hbm>>
    %dma_wait3A_990 = tpu.memref_squeeze %dma_wait3A_989 : memref<1x1x1000xf32, #tpu.memory_space<hbm>> -> memref<1x1000xf32, #tpu.memory_space<hbm>>
    %dma_wait3A_991 = arith.constant 0 : i32
    %dma_wait3A_992 = tpu.memref_slice %dma_wait3A_990[%dma_wait3A_979, %dma_wait3A_991] : memref<1x1000xf32, #tpu.memory_space<hbm>> -> memref<1x1000xf32, #tpu.memory_space<hbm>>
    %dma_wait3A_993 = tpu.memref_squeeze %dma_wait3A_992 : memref<1x1000xf32, #tpu.memory_space<hbm>> -> memref<1000xf32, #tpu.memory_space<hbm>>
    %dma_wait3A_994 = arith.constant 0 : i32
    %dma_wait3A_995 = arith.constant 0 : i32
    %dma_wait3A_996 = arith.constant 0 : i32
    %dma_wait3A_997 = tpu.memref_slice %arg6[%dma_wait3A_978, %dma_wait3A_994, %dma_wait3A_995, %dma_wait3A_996] : memref<10x32x1x1000xf32, #tpu.memory_space<hbm>> -> memref<1x32x1x1000xf32, #tpu.memory_space<hbm>>
    %dma_wait3A_998 = tpu.memref_squeeze %dma_wait3A_997 : memref<1x32x1x1000xf32, #tpu.memory_space<hbm>> -> memref<32x1x1000xf32, #tpu.memory_space<hbm>>
    %dma_wait3A_999 = arith.constant 0 : i32
    %dma_wait3A_1000 = arith.constant 0 : i32
    %dma_wait3A_1001 = tpu.memref_slice %dma_wait3A_998[%add3A, %dma_wait3A_999, %dma_wait3A_1000] : memref<32x1x1000xf32, #tpu.memory_space<hbm>> -> memref<1x1x1000xf32, #tpu.memory_space<hbm>>
    %dma_wait3A_1002 = tpu.memref_squeeze %dma_wait3A_1001 : memref<1x1x1000xf32, #tpu.memory_space<hbm>> -> memref<1x1000xf32, #tpu.memory_space<hbm>>
    %dma_wait3A_1003 = arith.constant 0 : i32
    %dma_wait3A_1004 = tpu.memref_slice %dma_wait3A_1002[%dma_wait3A_979, %dma_wait3A_1003] : memref<1x1000xf32, #tpu.memory_space<hbm>> -> memref<1x1000xf32, #tpu.memory_space<hbm>>
    %dma_wait3A_1005 = tpu.memref_squeeze %dma_wait3A_1004 : memref<1x1000xf32, #tpu.memory_space<hbm>> -> memref<1000xf32, #tpu.memory_space<hbm>>
    %dma_wait3A_1006 = arith.constant 9000 : i32
    %dma_wait3A_1007 = tpu.memref_slice %arg13[%dma_wait3A_1006] : memref<10000xf32, #tpu.memory_space<vmem>> -> memref<1000xf32, #tpu.memory_space<vmem>>
    tpu.wait_dma2 semaphore(%arg16 : memref<!tpu.dma_semaphore, #tpu.memory_space<semaphore_mem>>) src(%dma_wait3A_1007 : memref<1000xf32, #tpu.memory_space<vmem>>) dst(%dma_wait3A_1005 : memref<1000xf32, #tpu.memory_space<hbm>>)
    return
  }
}

#map = affine_map<(d0, d1) -> (0, 0)>
#map1 = affine_map<(d0, d1) -> (0, 0, 0, 0)>
#map2 = affine_map<(d0, d1) -> (0, 0, 0)>
module attributes {stable_mosaic.version = 14 : i64} {
  func.func @body(%arg0: i32, %arg1: i32, %arg2: memref<10000x128xf32, #tpu.memory_space<hbm>>, %arg3: memref<32x5x40x50xi32, #tpu.memory_space<hbm>>, %arg4: memref<32x5x40x50xi32, #tpu.memory_space<hbm>>, %arg5: memref<2x10240x128xf32, #tpu.memory_space<hbm>>, %arg6: memref<40x50xi32, #tpu.memory_space<vmem>>, %arg7: memref<40x50xi32, #tpu.memory_space<vmem>>, %arg8: memref<50x128xf32, #tpu.memory_space<vmem>>, %arg9: memref<50x128xf32, #tpu.memory_space<vmem>>, %arg10: memref<50x128xf32, #tpu.memory_space<vmem>>, %arg11: memref<50x128xf32, #tpu.memory_space<vmem>>, %arg12: memref<50x128xf32, #tpu.memory_space<vmem>>, %arg13: memref<10240x128xf32, #tpu.memory_space<vmem_shared>>, %arg14: memref<!tpu.dma_semaphore, #tpu.memory_space<semaphore_mem>>, %arg15: memref<!tpu.dma_semaphore, #tpu.memory_space<semaphore_mem>>, %arg16: memref<!tpu.dma_semaphore, #tpu.memory_space<semaphore_mem>>, %arg17: memref<!tpu.dma_semaphore, #tpu.memory_space<semaphore_mem>>, %arg18: memref<!tpu.dma_semaphore, #tpu.memory_space<semaphore_mem>>, %arg19: memref<!tpu.dma_semaphore, #tpu.memory_space<semaphore_mem>>, %arg20: memref<!tpu.dma_semaphore, #tpu.memory_space<semaphore_mem>>, %arg21: memref<!tpu.dma_semaphore, #tpu.memory_space<semaphore_mem>>, %arg22: memref<!tpu.dma_semaphore, #tpu.memory_space<semaphore_mem>>, %arg23: memref<!tpu.dma_semaphore, #tpu.memory_space<semaphore_mem>>) attributes {dimension_semantics = [#tpu.dimension_semantics<core_parallel>, #tpu.dimension_semantics<subcore_parallel>], iteration_bounds = array<i64: 2, 16>, scalar_prefetch = 0 : i64, scratch_operands = 18 : i64, tpu.core_type = #tpu.core_type<sc_vector_subcore>, window_params = [{transform_indices = #map}, {transform_indices = #map1}, {transform_indices = #map1}, {transform_indices = #map2}]} {
    %mul3A = arith.constant 16 : i32
    %mul3A_0 = arith.muli %arg0, %mul3A : i32
    %add3A = arith.addi %mul3A_0, %arg1 : i32
    %broadcast_in_dim3A = arith.constant 0.000000e+00 : f32
    %broadcast_in_dim3A_1 = vector.broadcast %broadcast_in_dim3A : f32 to vector<16xf32>
    %scan3A = arith.constant 0 : i32
    %scan3A_2 = arith.constant 0 : i32
    %scan3A_3 = arith.constant 40 : i32
    %scan3A_4 = arith.addi %scan3A_2, %scan3A_3 : i32
    %scan3A_5 = arith.constant 1 : i32
    scf.for %scan3A_402 = %scan3A_2 to %scan3A_4 step %scan3A_5  : i32 {
      %swap3A = arith.constant 0 : i32
      %swap3A_403 = tpu.memref_slice %arg8[%scan3A_402, %swap3A] : memref<50x128xf32, #tpu.memory_space<vmem>> -> memref<1x128xf32, #tpu.memory_space<vmem>>
      %swap3A_404 = tpu.memref_squeeze %swap3A_403 : memref<1x128xf32, #tpu.memory_space<vmem>> -> memref<128xf32, #tpu.memory_space<vmem>>
      %swap3A_405 = arith.constant 0 : index
      %swap3A_406 = tpu.vector_load %swap3A_404[%swap3A_405] {strides = array<i32>} : memref<128xf32, #tpu.memory_space<vmem>>, vector<16xf32>,
      tpu.vector_store %swap3A_404[%swap3A_405], %broadcast_in_dim3A_1 {strides = array<i32>} : memref<128xf32, #tpu.memory_space<vmem>>, vector<16xf32>,
      %swap3A_407 = arith.constant 0 : i32
      %swap3A_408 = tpu.memref_slice %arg8[%scan3A_402, %swap3A_407] : memref<50x128xf32, #tpu.memory_space<vmem>> -> memref<1x128xf32, #tpu.memory_space<vmem>>
      %swap3A_409 = tpu.memref_squeeze %swap3A_408 : memref<1x128xf32, #tpu.memory_space<vmem>> -> memref<128xf32, #tpu.memory_space<vmem>>
      %swap3A_410 = arith.constant 16 : index
      %swap3A_411 = tpu.vector_load %swap3A_409[%swap3A_410] {strides = array<i32>} : memref<128xf32, #tpu.memory_space<vmem>>, vector<16xf32>,
      tpu.vector_store %swap3A_409[%swap3A_410], %broadcast_in_dim3A_1 {strides = array<i32>} : memref<128xf32, #tpu.memory_space<vmem>>, vector<16xf32>,
      %swap3A_412 = arith.constant 0 : i32
      %swap3A_413 = tpu.memref_slice %arg8[%scan3A_402, %swap3A_412] : memref<50x128xf32, #tpu.memory_space<vmem>> -> memref<1x128xf32, #tpu.memory_space<vmem>>
      %swap3A_414 = tpu.memref_squeeze %swap3A_413 : memref<1x128xf32, #tpu.memory_space<vmem>> -> memref<128xf32, #tpu.memory_space<vmem>>
      %swap3A_415 = arith.constant 32 : index
      %swap3A_416 = tpu.vector_load %swap3A_414[%swap3A_415] {strides = array<i32>} : memref<128xf32, #tpu.memory_space<vmem>>, vector<16xf32>,
      tpu.vector_store %swap3A_414[%swap3A_415], %broadcast_in_dim3A_1 {strides = array<i32>} : memref<128xf32, #tpu.memory_space<vmem>>, vector<16xf32>,
      %swap3A_417 = arith.constant 0 : i32
      %swap3A_418 = tpu.memref_slice %arg8[%scan3A_402, %swap3A_417] : memref<50x128xf32, #tpu.memory_space<vmem>> -> memref<1x128xf32, #tpu.memory_space<vmem>>
      %swap3A_419 = tpu.memref_squeeze %swap3A_418 : memref<1x128xf32, #tpu.memory_space<vmem>> -> memref<128xf32, #tpu.memory_space<vmem>>
      %swap3A_420 = arith.constant 48 : index
      %swap3A_421 = tpu.vector_load %swap3A_419[%swap3A_420] {strides = array<i32>} : memref<128xf32, #tpu.memory_space<vmem>>, vector<16xf32>,
      tpu.vector_store %swap3A_419[%swap3A_420], %broadcast_in_dim3A_1 {strides = array<i32>} : memref<128xf32, #tpu.memory_space<vmem>>, vector<16xf32>,
      %swap3A_422 = arith.constant 0 : i32
      %swap3A_423 = tpu.memref_slice %arg8[%scan3A_402, %swap3A_422] : memref<50x128xf32, #tpu.memory_space<vmem>> -> memref<1x128xf32, #tpu.memory_space<vmem>>
      %swap3A_424 = tpu.memref_squeeze %swap3A_423 : memref<1x128xf32, #tpu.memory_space<vmem>> -> memref<128xf32, #tpu.memory_space<vmem>>
      %swap3A_425 = arith.constant 64 : index
      %swap3A_426 = tpu.vector_load %swap3A_424[%swap3A_425] {strides = array<i32>} : memref<128xf32, #tpu.memory_space<vmem>>, vector<16xf32>,
      tpu.vector_store %swap3A_424[%swap3A_425], %broadcast_in_dim3A_1 {strides = array<i32>} : memref<128xf32, #tpu.memory_space<vmem>>, vector<16xf32>,
      %swap3A_427 = arith.constant 0 : i32
      %swap3A_428 = tpu.memref_slice %arg8[%scan3A_402, %swap3A_427] : memref<50x128xf32, #tpu.memory_space<vmem>> -> memref<1x128xf32, #tpu.memory_space<vmem>>
      %swap3A_429 = tpu.memref_squeeze %swap3A_428 : memref<1x128xf32, #tpu.memory_space<vmem>> -> memref<128xf32, #tpu.memory_space<vmem>>
      %swap3A_430 = arith.constant 80 : index
      %swap3A_431 = tpu.vector_load %swap3A_429[%swap3A_430] {strides = array<i32>} : memref<128xf32, #tpu.memory_space<vmem>>, vector<16xf32>,
      tpu.vector_store %swap3A_429[%swap3A_430], %broadcast_in_dim3A_1 {strides = array<i32>} : memref<128xf32, #tpu.memory_space<vmem>>, vector<16xf32>,
      %swap3A_432 = arith.constant 0 : i32
      %swap3A_433 = tpu.memref_slice %arg8[%scan3A_402, %swap3A_432] : memref<50x128xf32, #tpu.memory_space<vmem>> -> memref<1x128xf32, #tpu.memory_space<vmem>>
      %swap3A_434 = tpu.memref_squeeze %swap3A_433 : memref<1x128xf32, #tpu.memory_space<vmem>> -> memref<128xf32, #tpu.memory_space<vmem>>
      %swap3A_435 = arith.constant 96 : index
      %swap3A_436 = tpu.vector_load %swap3A_434[%swap3A_435] {strides = array<i32>} : memref<128xf32, #tpu.memory_space<vmem>>, vector<16xf32>,
      tpu.vector_store %swap3A_434[%swap3A_435], %broadcast_in_dim3A_1 {strides = array<i32>} : memref<128xf32, #tpu.memory_space<vmem>>, vector<16xf32>,
      %swap3A_437 = arith.constant 0 : i32
      %swap3A_438 = tpu.memref_slice %arg8[%scan3A_402, %swap3A_437] : memref<50x128xf32, #tpu.memory_space<vmem>> -> memref<1x128xf32, #tpu.memory_space<vmem>>
      %swap3A_439 = tpu.memref_squeeze %swap3A_438 : memref<1x128xf32, #tpu.memory_space<vmem>> -> memref<128xf32, #tpu.memory_space<vmem>>
      %swap3A_440 = arith.constant 112 : index
      %swap3A_441 = tpu.vector_load %swap3A_439[%swap3A_440] {strides = array<i32>} : memref<128xf32, #tpu.memory_space<vmem>>, vector<16xf32>,
      tpu.vector_store %swap3A_439[%swap3A_440], %broadcast_in_dim3A_1 {strides = array<i32>} : memref<128xf32, #tpu.memory_space<vmem>>, vector<16xf32>,
    }
    %scan3A_6 = arith.constant 40 : i32
    %mul3A_7 = arith.constant 640 : i32
    %mul3A_8 = arith.muli %arg1, %mul3A_7 : i32
    %add3A_9 = arith.constant 0 : i32
    %add3A_10 = arith.addi %mul3A_8, %add3A_9 : i32
    %dma_start3A = arith.constant 0 : i32
    %dma_start3A_11 = arith.constant 0 : i32
    %dma_start3A_12 = tpu.memref_slice %arg8[%dma_start3A, %dma_start3A_11] : memref<50x128xf32, #tpu.memory_space<vmem>> -> memref<40x128xf32, #tpu.memory_space<vmem>>
    %dma_start3A_13 = arith.constant 0 : i32
    %dma_start3A_14 = tpu.memref_slice %arg13[%add3A_10, %dma_start3A_13] : memref<10240x128xf32, #tpu.memory_space<vmem_shared>> -> memref<40x128xf32, #tpu.memory_space<vmem_shared>>
    %dma_start3A_15 = arith.constant 0 : i32
    %dma_start3A_16 = tpu.memref_slice %arg13[%add3A_10, %dma_start3A_15] : memref<10240x128xf32, #tpu.memory_space<vmem_shared>> -> memref<40x128xf32, #tpu.memory_space<vmem_shared>>
    %dma_start3A_17 = arith.constant 0 : i32
    %dma_start3A_18 = arith.constant 0 : i32
    %dma_start3A_19 = tpu.memref_slice %arg8[%dma_start3A_17, %dma_start3A_18] : memref<50x128xf32, #tpu.memory_space<vmem>> -> memref<40x128xf32, #tpu.memory_space<vmem>>
    tpu.enqueue_dma source(%dma_start3A_19 : memref<40x128xf32, #tpu.memory_space<vmem>>) target(%dma_start3A_16 : memref<40x128xf32, #tpu.memory_space<vmem_shared>>) target_semaphore(%arg19 : memref<!tpu.dma_semaphore, #tpu.memory_space<semaphore_mem>>)
    %add3A_20 = arith.constant 40 : i32
    %add3A_21 = arith.addi %mul3A_8, %add3A_20 : i32
    %dma_start3A_22 = arith.constant 0 : i32
    %dma_start3A_23 = arith.constant 0 : i32
    %dma_start3A_24 = tpu.memref_slice %arg8[%dma_start3A_22, %dma_start3A_23] : memref<50x128xf32, #tpu.memory_space<vmem>> -> memref<40x128xf32, #tpu.memory_space<vmem>>
    %dma_start3A_25 = arith.constant 0 : i32
    %dma_start3A_26 = tpu.memref_slice %arg13[%add3A_21, %dma_start3A_25] : memref<10240x128xf32, #tpu.memory_space<vmem_shared>> -> memref<40x128xf32, #tpu.memory_space<vmem_shared>>
    %dma_start3A_27 = arith.constant 0 : i32
    %dma_start3A_28 = tpu.memref_slice %arg13[%add3A_21, %dma_start3A_27] : memref<10240x128xf32, #tpu.memory_space<vmem_shared>> -> memref<40x128xf32, #tpu.memory_space<vmem_shared>>
    %dma_start3A_29 = arith.constant 0 : i32
    %dma_start3A_30 = arith.constant 0 : i32
    %dma_start3A_31 = tpu.memref_slice %arg8[%dma_start3A_29, %dma_start3A_30] : memref<50x128xf32, #tpu.memory_space<vmem>> -> memref<40x128xf32, #tpu.memory_space<vmem>>
    tpu.enqueue_dma source(%dma_start3A_31 : memref<40x128xf32, #tpu.memory_space<vmem>>) target(%dma_start3A_28 : memref<40x128xf32, #tpu.memory_space<vmem_shared>>) target_semaphore(%arg20 : memref<!tpu.dma_semaphore, #tpu.memory_space<semaphore_mem>>)
    %add3A_32 = arith.constant 80 : i32
    %add3A_33 = arith.addi %mul3A_8, %add3A_32 : i32
    %dma_start3A_34 = arith.constant 0 : i32
    %dma_start3A_35 = arith.constant 0 : i32
    %dma_start3A_36 = tpu.memref_slice %arg8[%dma_start3A_34, %dma_start3A_35] : memref<50x128xf32, #tpu.memory_space<vmem>> -> memref<40x128xf32, #tpu.memory_space<vmem>>
    %dma_start3A_37 = arith.constant 0 : i32
    %dma_start3A_38 = tpu.memref_slice %arg13[%add3A_33, %dma_start3A_37] : memref<10240x128xf32, #tpu.memory_space<vmem_shared>> -> memref<40x128xf32, #tpu.memory_space<vmem_shared>>
    %dma_start3A_39 = arith.constant 0 : i32
    %dma_start3A_40 = tpu.memref_slice %arg13[%add3A_33, %dma_start3A_39] : memref<10240x128xf32, #tpu.memory_space<vmem_shared>> -> memref<40x128xf32, #tpu.memory_space<vmem_shared>>
    %dma_start3A_41 = arith.constant 0 : i32
    %dma_start3A_42 = arith.constant 0 : i32
    %dma_start3A_43 = tpu.memref_slice %arg8[%dma_start3A_41, %dma_start3A_42] : memref<50x128xf32, #tpu.memory_space<vmem>> -> memref<40x128xf32, #tpu.memory_space<vmem>>
    tpu.enqueue_dma source(%dma_start3A_43 : memref<40x128xf32, #tpu.memory_space<vmem>>) target(%dma_start3A_40 : memref<40x128xf32, #tpu.memory_space<vmem_shared>>) target_semaphore(%arg21 : memref<!tpu.dma_semaphore, #tpu.memory_space<semaphore_mem>>)
    %add3A_44 = arith.constant 120 : i32
    %add3A_45 = arith.addi %mul3A_8, %add3A_44 : i32
    %dma_start3A_46 = arith.constant 0 : i32
    %dma_start3A_47 = arith.constant 0 : i32
    %dma_start3A_48 = tpu.memref_slice %arg8[%dma_start3A_46, %dma_start3A_47] : memref<50x128xf32, #tpu.memory_space<vmem>> -> memref<40x128xf32, #tpu.memory_space<vmem>>
    %dma_start3A_49 = arith.constant 0 : i32
    %dma_start3A_50 = tpu.memref_slice %arg13[%add3A_45, %dma_start3A_49] : memref<10240x128xf32, #tpu.memory_space<vmem_shared>> -> memref<40x128xf32, #tpu.memory_space<vmem_shared>>
    %dma_start3A_51 = arith.constant 0 : i32
    %dma_start3A_52 = tpu.memref_slice %arg13[%add3A_45, %dma_start3A_51] : memref<10240x128xf32, #tpu.memory_space<vmem_shared>> -> memref<40x128xf32, #tpu.memory_space<vmem_shared>>
    %dma_start3A_53 = arith.constant 0 : i32
    %dma_start3A_54 = arith.constant 0 : i32
    %dma_start3A_55 = tpu.memref_slice %arg8[%dma_start3A_53, %dma_start3A_54] : memref<50x128xf32, #tpu.memory_space<vmem>> -> memref<40x128xf32, #tpu.memory_space<vmem>>
    tpu.enqueue_dma source(%dma_start3A_55 : memref<40x128xf32, #tpu.memory_space<vmem>>) target(%dma_start3A_52 : memref<40x128xf32, #tpu.memory_space<vmem_shared>>) target_semaphore(%arg22 : memref<!tpu.dma_semaphore, #tpu.memory_space<semaphore_mem>>)
    %add3A_56 = arith.constant 160 : i32
    %add3A_57 = arith.addi %mul3A_8, %add3A_56 : i32
    %dma_start3A_58 = arith.constant 0 : i32
    %dma_start3A_59 = arith.constant 0 : i32
    %dma_start3A_60 = tpu.memref_slice %arg8[%dma_start3A_58, %dma_start3A_59] : memref<50x128xf32, #tpu.memory_space<vmem>> -> memref<40x128xf32, #tpu.memory_space<vmem>>
    %dma_start3A_61 = arith.constant 0 : i32
    %dma_start3A_62 = tpu.memref_slice %arg13[%add3A_57, %dma_start3A_61] : memref<10240x128xf32, #tpu.memory_space<vmem_shared>> -> memref<40x128xf32, #tpu.memory_space<vmem_shared>>
    %dma_start3A_63 = arith.constant 0 : i32
    %dma_start3A_64 = tpu.memref_slice %arg13[%add3A_57, %dma_start3A_63] : memref<10240x128xf32, #tpu.memory_space<vmem_shared>> -> memref<40x128xf32, #tpu.memory_space<vmem_shared>>
    %dma_start3A_65 = arith.constant 0 : i32
    %dma_start3A_66 = arith.constant 0 : i32
    %dma_start3A_67 = tpu.memref_slice %arg8[%dma_start3A_65, %dma_start3A_66] : memref<50x128xf32, #tpu.memory_space<vmem>> -> memref<40x128xf32, #tpu.memory_space<vmem>>
    tpu.enqueue_dma source(%dma_start3A_67 : memref<40x128xf32, #tpu.memory_space<vmem>>) target(%dma_start3A_64 : memref<40x128xf32, #tpu.memory_space<vmem_shared>>) target_semaphore(%arg23 : memref<!tpu.dma_semaphore, #tpu.memory_space<semaphore_mem>>)
    %add3A_68 = arith.constant 200 : i32
    %add3A_69 = arith.addi %mul3A_8, %add3A_68 : i32
    %dma_start3A_70 = arith.constant 0 : i32
    %dma_start3A_71 = arith.constant 0 : i32
    %dma_start3A_72 = tpu.memref_slice %arg8[%dma_start3A_70, %dma_start3A_71] : memref<50x128xf32, #tpu.memory_space<vmem>> -> memref<40x128xf32, #tpu.memory_space<vmem>>
    %dma_start3A_73 = arith.constant 0 : i32
    %dma_start3A_74 = tpu.memref_slice %arg13[%add3A_69, %dma_start3A_73] : memref<10240x128xf32, #tpu.memory_space<vmem_shared>> -> memref<40x128xf32, #tpu.memory_space<vmem_shared>>
    %dma_start3A_75 = arith.constant 0 : i32
    %dma_start3A_76 = tpu.memref_slice %arg13[%add3A_69, %dma_start3A_75] : memref<10240x128xf32, #tpu.memory_space<vmem_shared>> -> memref<40x128xf32, #tpu.memory_space<vmem_shared>>
    %dma_start3A_77 = arith.constant 0 : i32
    %dma_start3A_78 = arith.constant 0 : i32
    %dma_start3A_79 = tpu.memref_slice %arg8[%dma_start3A_77, %dma_start3A_78] : memref<50x128xf32, #tpu.memory_space<vmem>> -> memref<40x128xf32, #tpu.memory_space<vmem>>
    tpu.enqueue_dma source(%dma_start3A_79 : memref<40x128xf32, #tpu.memory_space<vmem>>) target(%dma_start3A_76 : memref<40x128xf32, #tpu.memory_space<vmem_shared>>) target_semaphore(%arg19 : memref<!tpu.dma_semaphore, #tpu.memory_space<semaphore_mem>>)
    %add3A_80 = arith.constant 240 : i32
    %add3A_81 = arith.addi %mul3A_8, %add3A_80 : i32
    %dma_start3A_82 = arith.constant 0 : i32
    %dma_start3A_83 = arith.constant 0 : i32
    %dma_start3A_84 = tpu.memref_slice %arg8[%dma_start3A_82, %dma_start3A_83] : memref<50x128xf32, #tpu.memory_space<vmem>> -> memref<40x128xf32, #tpu.memory_space<vmem>>
    %dma_start3A_85 = arith.constant 0 : i32
    %dma_start3A_86 = tpu.memref_slice %arg13[%add3A_81, %dma_start3A_85] : memref<10240x128xf32, #tpu.memory_space<vmem_shared>> -> memref<40x128xf32, #tpu.memory_space<vmem_shared>>
    %dma_start3A_87 = arith.constant 0 : i32
    %dma_start3A_88 = tpu.memref_slice %arg13[%add3A_81, %dma_start3A_87] : memref<10240x128xf32, #tpu.memory_space<vmem_shared>> -> memref<40x128xf32, #tpu.memory_space<vmem_shared>>
    %dma_start3A_89 = arith.constant 0 : i32
    %dma_start3A_90 = arith.constant 0 : i32
    %dma_start3A_91 = tpu.memref_slice %arg8[%dma_start3A_89, %dma_start3A_90] : memref<50x128xf32, #tpu.memory_space<vmem>> -> memref<40x128xf32, #tpu.memory_space<vmem>>
    tpu.enqueue_dma source(%dma_start3A_91 : memref<40x128xf32, #tpu.memory_space<vmem>>) target(%dma_start3A_88 : memref<40x128xf32, #tpu.memory_space<vmem_shared>>) target_semaphore(%arg20 : memref<!tpu.dma_semaphore, #tpu.memory_space<semaphore_mem>>)
    %add3A_92 = arith.constant 280 : i32
    %add3A_93 = arith.addi %mul3A_8, %add3A_92 : i32
    %dma_start3A_94 = arith.constant 0 : i32
    %dma_start3A_95 = arith.constant 0 : i32
    %dma_start3A_96 = tpu.memref_slice %arg8[%dma_start3A_94, %dma_start3A_95] : memref<50x128xf32, #tpu.memory_space<vmem>> -> memref<40x128xf32, #tpu.memory_space<vmem>>
    %dma_start3A_97 = arith.constant 0 : i32
    %dma_start3A_98 = tpu.memref_slice %arg13[%add3A_93, %dma_start3A_97] : memref<10240x128xf32, #tpu.memory_space<vmem_shared>> -> memref<40x128xf32, #tpu.memory_space<vmem_shared>>
    %dma_start3A_99 = arith.constant 0 : i32
    %dma_start3A_100 = tpu.memref_slice %arg13[%add3A_93, %dma_start3A_99] : memref<10240x128xf32, #tpu.memory_space<vmem_shared>> -> memref<40x128xf32, #tpu.memory_space<vmem_shared>>
    %dma_start3A_101 = arith.constant 0 : i32
    %dma_start3A_102 = arith.constant 0 : i32
    %dma_start3A_103 = tpu.memref_slice %arg8[%dma_start3A_101, %dma_start3A_102] : memref<50x128xf32, #tpu.memory_space<vmem>> -> memref<40x128xf32, #tpu.memory_space<vmem>>
    tpu.enqueue_dma source(%dma_start3A_103 : memref<40x128xf32, #tpu.memory_space<vmem>>) target(%dma_start3A_100 : memref<40x128xf32, #tpu.memory_space<vmem_shared>>) target_semaphore(%arg21 : memref<!tpu.dma_semaphore, #tpu.memory_space<semaphore_mem>>)
    %add3A_104 = arith.constant 320 : i32
    %add3A_105 = arith.addi %mul3A_8, %add3A_104 : i32
    %dma_start3A_106 = arith.constant 0 : i32
    %dma_start3A_107 = arith.constant 0 : i32
    %dma_start3A_108 = tpu.memref_slice %arg8[%dma_start3A_106, %dma_start3A_107] : memref<50x128xf32, #tpu.memory_space<vmem>> -> memref<40x128xf32, #tpu.memory_space<vmem>>
    %dma_start3A_109 = arith.constant 0 : i32
    %dma_start3A_110 = tpu.memref_slice %arg13[%add3A_105, %dma_start3A_109] : memref<10240x128xf32, #tpu.memory_space<vmem_shared>> -> memref<40x128xf32, #tpu.memory_space<vmem_shared>>
    %dma_start3A_111 = arith.constant 0 : i32
    %dma_start3A_112 = tpu.memref_slice %arg13[%add3A_105, %dma_start3A_111] : memref<10240x128xf32, #tpu.memory_space<vmem_shared>> -> memref<40x128xf32, #tpu.memory_space<vmem_shared>>
    %dma_start3A_113 = arith.constant 0 : i32
    %dma_start3A_114 = arith.constant 0 : i32
    %dma_start3A_115 = tpu.memref_slice %arg8[%dma_start3A_113, %dma_start3A_114] : memref<50x128xf32, #tpu.memory_space<vmem>> -> memref<40x128xf32, #tpu.memory_space<vmem>>
    tpu.enqueue_dma source(%dma_start3A_115 : memref<40x128xf32, #tpu.memory_space<vmem>>) target(%dma_start3A_112 : memref<40x128xf32, #tpu.memory_space<vmem_shared>>) target_semaphore(%arg22 : memref<!tpu.dma_semaphore, #tpu.memory_space<semaphore_mem>>)
    %add3A_116 = arith.constant 360 : i32
    %add3A_117 = arith.addi %mul3A_8, %add3A_116 : i32
    %dma_start3A_118 = arith.constant 0 : i32
    %dma_start3A_119 = arith.constant 0 : i32
    %dma_start3A_120 = tpu.memref_slice %arg8[%dma_start3A_118, %dma_start3A_119] : memref<50x128xf32, #tpu.memory_space<vmem>> -> memref<40x128xf32, #tpu.memory_space<vmem>>
    %dma_start3A_121 = arith.constant 0 : i32
    %dma_start3A_122 = tpu.memref_slice %arg13[%add3A_117, %dma_start3A_121] : memref<10240x128xf32, #tpu.memory_space<vmem_shared>> -> memref<40x128xf32, #tpu.memory_space<vmem_shared>>
    %dma_start3A_123 = arith.constant 0 : i32
    %dma_start3A_124 = tpu.memref_slice %arg13[%add3A_117, %dma_start3A_123] : memref<10240x128xf32, #tpu.memory_space<vmem_shared>> -> memref<40x128xf32, #tpu.memory_space<vmem_shared>>
    %dma_start3A_125 = arith.constant 0 : i32
    %dma_start3A_126 = arith.constant 0 : i32
    %dma_start3A_127 = tpu.memref_slice %arg8[%dma_start3A_125, %dma_start3A_126] : memref<50x128xf32, #tpu.memory_space<vmem>> -> memref<40x128xf32, #tpu.memory_space<vmem>>
    tpu.enqueue_dma source(%dma_start3A_127 : memref<40x128xf32, #tpu.memory_space<vmem>>) target(%dma_start3A_124 : memref<40x128xf32, #tpu.memory_space<vmem_shared>>) target_semaphore(%arg23 : memref<!tpu.dma_semaphore, #tpu.memory_space<semaphore_mem>>)
    %add3A_128 = arith.constant 400 : i32
    %add3A_129 = arith.addi %mul3A_8, %add3A_128 : i32
    %dma_start3A_130 = arith.constant 0 : i32
    %dma_start3A_131 = arith.constant 0 : i32
    %dma_start3A_132 = tpu.memref_slice %arg8[%dma_start3A_130, %dma_start3A_131] : memref<50x128xf32, #tpu.memory_space<vmem>> -> memref<40x128xf32, #tpu.memory_space<vmem>>
    %dma_start3A_133 = arith.constant 0 : i32
    %dma_start3A_134 = tpu.memref_slice %arg13[%add3A_129, %dma_start3A_133] : memref<10240x128xf32, #tpu.memory_space<vmem_shared>> -> memref<40x128xf32, #tpu.memory_space<vmem_shared>>
    %dma_start3A_135 = arith.constant 0 : i32
    %dma_start3A_136 = tpu.memref_slice %arg13[%add3A_129, %dma_start3A_135] : memref<10240x128xf32, #tpu.memory_space<vmem_shared>> -> memref<40x128xf32, #tpu.memory_space<vmem_shared>>
    %dma_start3A_137 = arith.constant 0 : i32
    %dma_start3A_138 = arith.constant 0 : i32
    %dma_start3A_139 = tpu.memref_slice %arg8[%dma_start3A_137, %dma_start3A_138] : memref<50x128xf32, #tpu.memory_space<vmem>> -> memref<40x128xf32, #tpu.memory_space<vmem>>
    tpu.enqueue_dma source(%dma_start3A_139 : memref<40x128xf32, #tpu.memory_space<vmem>>) target(%dma_start3A_136 : memref<40x128xf32, #tpu.memory_space<vmem_shared>>) target_semaphore(%arg19 : memref<!tpu.dma_semaphore, #tpu.memory_space<semaphore_mem>>)
    %add3A_140 = arith.constant 440 : i32
    %add3A_141 = arith.addi %mul3A_8, %add3A_140 : i32
    %dma_start3A_142 = arith.constant 0 : i32
    %dma_start3A_143 = arith.constant 0 : i32
    %dma_start3A_144 = tpu.memref_slice %arg8[%dma_start3A_142, %dma_start3A_143] : memref<50x128xf32, #tpu.memory_space<vmem>> -> memref<40x128xf32, #tpu.memory_space<vmem>>
    %dma_start3A_145 = arith.constant 0 : i32
    %dma_start3A_146 = tpu.memref_slice %arg13[%add3A_141, %dma_start3A_145] : memref<10240x128xf32, #tpu.memory_space<vmem_shared>> -> memref<40x128xf32, #tpu.memory_space<vmem_shared>>
    %dma_start3A_147 = arith.constant 0 : i32
    %dma_start3A_148 = tpu.memref_slice %arg13[%add3A_141, %dma_start3A_147] : memref<10240x128xf32, #tpu.memory_space<vmem_shared>> -> memref<40x128xf32, #tpu.memory_space<vmem_shared>>
    %dma_start3A_149 = arith.constant 0 : i32
    %dma_start3A_150 = arith.constant 0 : i32
    %dma_start3A_151 = tpu.memref_slice %arg8[%dma_start3A_149, %dma_start3A_150] : memref<50x128xf32, #tpu.memory_space<vmem>> -> memref<40x128xf32, #tpu.memory_space<vmem>>
    tpu.enqueue_dma source(%dma_start3A_151 : memref<40x128xf32, #tpu.memory_space<vmem>>) target(%dma_start3A_148 : memref<40x128xf32, #tpu.memory_space<vmem_shared>>) target_semaphore(%arg20 : memref<!tpu.dma_semaphore, #tpu.memory_space<semaphore_mem>>)
    %add3A_152 = arith.constant 480 : i32
    %add3A_153 = arith.addi %mul3A_8, %add3A_152 : i32
    %dma_start3A_154 = arith.constant 0 : i32
    %dma_start3A_155 = arith.constant 0 : i32
    %dma_start3A_156 = tpu.memref_slice %arg8[%dma_start3A_154, %dma_start3A_155] : memref<50x128xf32, #tpu.memory_space<vmem>> -> memref<40x128xf32, #tpu.memory_space<vmem>>
    %dma_start3A_157 = arith.constant 0 : i32
    %dma_start3A_158 = tpu.memref_slice %arg13[%add3A_153, %dma_start3A_157] : memref<10240x128xf32, #tpu.memory_space<vmem_shared>> -> memref<40x128xf32, #tpu.memory_space<vmem_shared>>
    %dma_start3A_159 = arith.constant 0 : i32
    %dma_start3A_160 = tpu.memref_slice %arg13[%add3A_153, %dma_start3A_159] : memref<10240x128xf32, #tpu.memory_space<vmem_shared>> -> memref<40x128xf32, #tpu.memory_space<vmem_shared>>
    %dma_start3A_161 = arith.constant 0 : i32
    %dma_start3A_162 = arith.constant 0 : i32
    %dma_start3A_163 = tpu.memref_slice %arg8[%dma_start3A_161, %dma_start3A_162] : memref<50x128xf32, #tpu.memory_space<vmem>> -> memref<40x128xf32, #tpu.memory_space<vmem>>
    tpu.enqueue_dma source(%dma_start3A_163 : memref<40x128xf32, #tpu.memory_space<vmem>>) target(%dma_start3A_160 : memref<40x128xf32, #tpu.memory_space<vmem_shared>>) target_semaphore(%arg21 : memref<!tpu.dma_semaphore, #tpu.memory_space<semaphore_mem>>)
    %add3A_164 = arith.constant 520 : i32
    %add3A_165 = arith.addi %mul3A_8, %add3A_164 : i32
    %dma_start3A_166 = arith.constant 0 : i32
    %dma_start3A_167 = arith.constant 0 : i32
    %dma_start3A_168 = tpu.memref_slice %arg8[%dma_start3A_166, %dma_start3A_167] : memref<50x128xf32, #tpu.memory_space<vmem>> -> memref<40x128xf32, #tpu.memory_space<vmem>>
    %dma_start3A_169 = arith.constant 0 : i32
    %dma_start3A_170 = tpu.memref_slice %arg13[%add3A_165, %dma_start3A_169] : memref<10240x128xf32, #tpu.memory_space<vmem_shared>> -> memref<40x128xf32, #tpu.memory_space<vmem_shared>>
    %dma_start3A_171 = arith.constant 0 : i32
    %dma_start3A_172 = tpu.memref_slice %arg13[%add3A_165, %dma_start3A_171] : memref<10240x128xf32, #tpu.memory_space<vmem_shared>> -> memref<40x128xf32, #tpu.memory_space<vmem_shared>>
    %dma_start3A_173 = arith.constant 0 : i32
    %dma_start3A_174 = arith.constant 0 : i32
    %dma_start3A_175 = tpu.memref_slice %arg8[%dma_start3A_173, %dma_start3A_174] : memref<50x128xf32, #tpu.memory_space<vmem>> -> memref<40x128xf32, #tpu.memory_space<vmem>>
    tpu.enqueue_dma source(%dma_start3A_175 : memref<40x128xf32, #tpu.memory_space<vmem>>) target(%dma_start3A_172 : memref<40x128xf32, #tpu.memory_space<vmem_shared>>) target_semaphore(%arg22 : memref<!tpu.dma_semaphore, #tpu.memory_space<semaphore_mem>>)
    %add3A_176 = arith.constant 560 : i32
    %add3A_177 = arith.addi %mul3A_8, %add3A_176 : i32
    %dma_start3A_178 = arith.constant 0 : i32
    %dma_start3A_179 = arith.constant 0 : i32
    %dma_start3A_180 = tpu.memref_slice %arg8[%dma_start3A_178, %dma_start3A_179] : memref<50x128xf32, #tpu.memory_space<vmem>> -> memref<40x128xf32, #tpu.memory_space<vmem>>
    %dma_start3A_181 = arith.constant 0 : i32
    %dma_start3A_182 = tpu.memref_slice %arg13[%add3A_177, %dma_start3A_181] : memref<10240x128xf32, #tpu.memory_space<vmem_shared>> -> memref<40x128xf32, #tpu.memory_space<vmem_shared>>
    %dma_start3A_183 = arith.constant 0 : i32
    %dma_start3A_184 = tpu.memref_slice %arg13[%add3A_177, %dma_start3A_183] : memref<10240x128xf32, #tpu.memory_space<vmem_shared>> -> memref<40x128xf32, #tpu.memory_space<vmem_shared>>
    %dma_start3A_185 = arith.constant 0 : i32
    %dma_start3A_186 = arith.constant 0 : i32
    %dma_start3A_187 = tpu.memref_slice %arg8[%dma_start3A_185, %dma_start3A_186] : memref<50x128xf32, #tpu.memory_space<vmem>> -> memref<40x128xf32, #tpu.memory_space<vmem>>
    tpu.enqueue_dma source(%dma_start3A_187 : memref<40x128xf32, #tpu.memory_space<vmem>>) target(%dma_start3A_184 : memref<40x128xf32, #tpu.memory_space<vmem_shared>>) target_semaphore(%arg23 : memref<!tpu.dma_semaphore, #tpu.memory_space<semaphore_mem>>)
    %add3A_188 = arith.constant 600 : i32
    %add3A_189 = arith.addi %mul3A_8, %add3A_188 : i32
    %dma_start3A_190 = arith.constant 0 : i32
    %dma_start3A_191 = arith.constant 0 : i32
    %dma_start3A_192 = tpu.memref_slice %arg8[%dma_start3A_190, %dma_start3A_191] : memref<50x128xf32, #tpu.memory_space<vmem>> -> memref<40x128xf32, #tpu.memory_space<vmem>>
    %dma_start3A_193 = arith.constant 0 : i32
    %dma_start3A_194 = tpu.memref_slice %arg13[%add3A_189, %dma_start3A_193] : memref<10240x128xf32, #tpu.memory_space<vmem_shared>> -> memref<40x128xf32, #tpu.memory_space<vmem_shared>>
    %dma_start3A_195 = arith.constant 0 : i32
    %dma_start3A_196 = tpu.memref_slice %arg13[%add3A_189, %dma_start3A_195] : memref<10240x128xf32, #tpu.memory_space<vmem_shared>> -> memref<40x128xf32, #tpu.memory_space<vmem_shared>>
    %dma_start3A_197 = arith.constant 0 : i32
    %dma_start3A_198 = arith.constant 0 : i32
    %dma_start3A_199 = tpu.memref_slice %arg8[%dma_start3A_197, %dma_start3A_198] : memref<50x128xf32, #tpu.memory_space<vmem>> -> memref<40x128xf32, #tpu.memory_space<vmem>>
    tpu.enqueue_dma source(%dma_start3A_199 : memref<40x128xf32, #tpu.memory_space<vmem>>) target(%dma_start3A_196 : memref<40x128xf32, #tpu.memory_space<vmem_shared>>) target_semaphore(%arg19 : memref<!tpu.dma_semaphore, #tpu.memory_space<semaphore_mem>>)
    %add3A_200 = arith.constant 0 : i32
    %add3A_201 = arith.addi %mul3A_8, %add3A_200 : i32
    %dma_wait3A = arith.constant 0 : i32
    %dma_wait3A_202 = arith.constant 0 : i32
    %dma_wait3A_203 = tpu.memref_slice %arg8[%dma_wait3A, %dma_wait3A_202] : memref<50x128xf32, #tpu.memory_space<vmem>> -> memref<40x128xf32, #tpu.memory_space<vmem>>
    %dma_wait3A_204 = arith.constant 0 : i32
    %dma_wait3A_205 = tpu.memref_slice %arg13[%add3A_201, %dma_wait3A_204] : memref<10240x128xf32, #tpu.memory_space<vmem_shared>> -> memref<40x128xf32, #tpu.memory_space<vmem_shared>>
    %dma_wait3A_206 = arith.constant 0 : i32
    %dma_wait3A_207 = tpu.memref_slice %arg13[%add3A_201, %dma_wait3A_206] : memref<10240x128xf32, #tpu.memory_space<vmem_shared>> -> memref<40x128xf32, #tpu.memory_space<vmem_shared>>
    %dma_wait3A_208 = arith.constant 0 : i32
    %dma_wait3A_209 = arith.constant 0 : i32
    %dma_wait3A_210 = tpu.memref_slice %arg8[%dma_wait3A_208, %dma_wait3A_209] : memref<50x128xf32, #tpu.memory_space<vmem>> -> memref<40x128xf32, #tpu.memory_space<vmem>>
    tpu.wait_dma2 semaphore(%arg19 : memref<!tpu.dma_semaphore, #tpu.memory_space<semaphore_mem>>) src(%dma_wait3A_210 : memref<40x128xf32, #tpu.memory_space<vmem>>) dst(%dma_wait3A_207 : memref<40x128xf32, #tpu.memory_space<vmem_shared>>)
    %add3A_211 = arith.constant 40 : i32
    %add3A_212 = arith.addi %mul3A_8, %add3A_211 : i32
    %dma_wait3A_213 = arith.constant 0 : i32
    %dma_wait3A_214 = arith.constant 0 : i32
    %dma_wait3A_215 = tpu.memref_slice %arg8[%dma_wait3A_213, %dma_wait3A_214] : memref<50x128xf32, #tpu.memory_space<vmem>> -> memref<40x128xf32, #tpu.memory_space<vmem>>
    %dma_wait3A_216 = arith.constant 0 : i32
    %dma_wait3A_217 = tpu.memref_slice %arg13[%add3A_212, %dma_wait3A_216] : memref<10240x128xf32, #tpu.memory_space<vmem_shared>> -> memref<40x128xf32, #tpu.memory_space<vmem_shared>>
    %dma_wait3A_218 = arith.constant 0 : i32
    %dma_wait3A_219 = tpu.memref_slice %arg13[%add3A_212, %dma_wait3A_218] : memref<10240x128xf32, #tpu.memory_space<vmem_shared>> -> memref<40x128xf32, #tpu.memory_space<vmem_shared>>
    %dma_wait3A_220 = arith.constant 0 : i32
    %dma_wait3A_221 = arith.constant 0 : i32
    %dma_wait3A_222 = tpu.memref_slice %arg8[%dma_wait3A_220, %dma_wait3A_221] : memref<50x128xf32, #tpu.memory_space<vmem>> -> memref<40x128xf32, #tpu.memory_space<vmem>>
    tpu.wait_dma2 semaphore(%arg20 : memref<!tpu.dma_semaphore, #tpu.memory_space<semaphore_mem>>) src(%dma_wait3A_222 : memref<40x128xf32, #tpu.memory_space<vmem>>) dst(%dma_wait3A_219 : memref<40x128xf32, #tpu.memory_space<vmem_shared>>)
    %add3A_223 = arith.constant 80 : i32
    %add3A_224 = arith.addi %mul3A_8, %add3A_223 : i32
    %dma_wait3A_225 = arith.constant 0 : i32
    %dma_wait3A_226 = arith.constant 0 : i32
    %dma_wait3A_227 = tpu.memref_slice %arg8[%dma_wait3A_225, %dma_wait3A_226] : memref<50x128xf32, #tpu.memory_space<vmem>> -> memref<40x128xf32, #tpu.memory_space<vmem>>
    %dma_wait3A_228 = arith.constant 0 : i32
    %dma_wait3A_229 = tpu.memref_slice %arg13[%add3A_224, %dma_wait3A_228] : memref<10240x128xf32, #tpu.memory_space<vmem_shared>> -> memref<40x128xf32, #tpu.memory_space<vmem_shared>>
    %dma_wait3A_230 = arith.constant 0 : i32
    %dma_wait3A_231 = tpu.memref_slice %arg13[%add3A_224, %dma_wait3A_230] : memref<10240x128xf32, #tpu.memory_space<vmem_shared>> -> memref<40x128xf32, #tpu.memory_space<vmem_shared>>
    %dma_wait3A_232 = arith.constant 0 : i32
    %dma_wait3A_233 = arith.constant 0 : i32
    %dma_wait3A_234 = tpu.memref_slice %arg8[%dma_wait3A_232, %dma_wait3A_233] : memref<50x128xf32, #tpu.memory_space<vmem>> -> memref<40x128xf32, #tpu.memory_space<vmem>>
    tpu.wait_dma2 semaphore(%arg21 : memref<!tpu.dma_semaphore, #tpu.memory_space<semaphore_mem>>) src(%dma_wait3A_234 : memref<40x128xf32, #tpu.memory_space<vmem>>) dst(%dma_wait3A_231 : memref<40x128xf32, #tpu.memory_space<vmem_shared>>)
    %add3A_235 = arith.constant 120 : i32
    %add3A_236 = arith.addi %mul3A_8, %add3A_235 : i32
    %dma_wait3A_237 = arith.constant 0 : i32
    %dma_wait3A_238 = arith.constant 0 : i32
    %dma_wait3A_239 = tpu.memref_slice %arg8[%dma_wait3A_237, %dma_wait3A_238] : memref<50x128xf32, #tpu.memory_space<vmem>> -> memref<40x128xf32, #tpu.memory_space<vmem>>
    %dma_wait3A_240 = arith.constant 0 : i32
    %dma_wait3A_241 = tpu.memref_slice %arg13[%add3A_236, %dma_wait3A_240] : memref<10240x128xf32, #tpu.memory_space<vmem_shared>> -> memref<40x128xf32, #tpu.memory_space<vmem_shared>>
    %dma_wait3A_242 = arith.constant 0 : i32
    %dma_wait3A_243 = tpu.memref_slice %arg13[%add3A_236, %dma_wait3A_242] : memref<10240x128xf32, #tpu.memory_space<vmem_shared>> -> memref<40x128xf32, #tpu.memory_space<vmem_shared>>
    %dma_wait3A_244 = arith.constant 0 : i32
    %dma_wait3A_245 = arith.constant 0 : i32
    %dma_wait3A_246 = tpu.memref_slice %arg8[%dma_wait3A_244, %dma_wait3A_245] : memref<50x128xf32, #tpu.memory_space<vmem>> -> memref<40x128xf32, #tpu.memory_space<vmem>>
    tpu.wait_dma2 semaphore(%arg22 : memref<!tpu.dma_semaphore, #tpu.memory_space<semaphore_mem>>) src(%dma_wait3A_246 : memref<40x128xf32, #tpu.memory_space<vmem>>) dst(%dma_wait3A_243 : memref<40x128xf32, #tpu.memory_space<vmem_shared>>)
    %add3A_247 = arith.constant 160 : i32
    %add3A_248 = arith.addi %mul3A_8, %add3A_247 : i32
    %dma_wait3A_249 = arith.constant 0 : i32
    %dma_wait3A_250 = arith.constant 0 : i32
    %dma_wait3A_251 = tpu.memref_slice %arg8[%dma_wait3A_249, %dma_wait3A_250] : memref<50x128xf32, #tpu.memory_space<vmem>> -> memref<40x128xf32, #tpu.memory_space<vmem>>
    %dma_wait3A_252 = arith.constant 0 : i32
    %dma_wait3A_253 = tpu.memref_slice %arg13[%add3A_248, %dma_wait3A_252] : memref<10240x128xf32, #tpu.memory_space<vmem_shared>> -> memref<40x128xf32, #tpu.memory_space<vmem_shared>>
    %dma_wait3A_254 = arith.constant 0 : i32
    %dma_wait3A_255 = tpu.memref_slice %arg13[%add3A_248, %dma_wait3A_254] : memref<10240x128xf32, #tpu.memory_space<vmem_shared>> -> memref<40x128xf32, #tpu.memory_space<vmem_shared>>
    %dma_wait3A_256 = arith.constant 0 : i32
    %dma_wait3A_257 = arith.constant 0 : i32
    %dma_wait3A_258 = tpu.memref_slice %arg8[%dma_wait3A_256, %dma_wait3A_257] : memref<50x128xf32, #tpu.memory_space<vmem>> -> memref<40x128xf32, #tpu.memory_space<vmem>>
    tpu.wait_dma2 semaphore(%arg23 : memref<!tpu.dma_semaphore, #tpu.memory_space<semaphore_mem>>) src(%dma_wait3A_258 : memref<40x128xf32, #tpu.memory_space<vmem>>) dst(%dma_wait3A_255 : memref<40x128xf32, #tpu.memory_space<vmem_shared>>)
    %add3A_259 = arith.constant 200 : i32
    %add3A_260 = arith.addi %mul3A_8, %add3A_259 : i32
    %dma_wait3A_261 = arith.constant 0 : i32
    %dma_wait3A_262 = arith.constant 0 : i32
    %dma_wait3A_263 = tpu.memref_slice %arg8[%dma_wait3A_261, %dma_wait3A_262] : memref<50x128xf32, #tpu.memory_space<vmem>> -> memref<40x128xf32, #tpu.memory_space<vmem>>
    %dma_wait3A_264 = arith.constant 0 : i32
    %dma_wait3A_265 = tpu.memref_slice %arg13[%add3A_260, %dma_wait3A_264] : memref<10240x128xf32, #tpu.memory_space<vmem_shared>> -> memref<40x128xf32, #tpu.memory_space<vmem_shared>>
    %dma_wait3A_266 = arith.constant 0 : i32
    %dma_wait3A_267 = tpu.memref_slice %arg13[%add3A_260, %dma_wait3A_266] : memref<10240x128xf32, #tpu.memory_space<vmem_shared>> -> memref<40x128xf32, #tpu.memory_space<vmem_shared>>
    %dma_wait3A_268 = arith.constant 0 : i32
    %dma_wait3A_269 = arith.constant 0 : i32
    %dma_wait3A_270 = tpu.memref_slice %arg8[%dma_wait3A_268, %dma_wait3A_269] : memref<50x128xf32, #tpu.memory_space<vmem>> -> memref<40x128xf32, #tpu.memory_space<vmem>>
    tpu.wait_dma2 semaphore(%arg19 : memref<!tpu.dma_semaphore, #tpu.memory_space<semaphore_mem>>) src(%dma_wait3A_270 : memref<40x128xf32, #tpu.memory_space<vmem>>) dst(%dma_wait3A_267 : memref<40x128xf32, #tpu.memory_space<vmem_shared>>)
    %add3A_271 = arith.constant 240 : i32
    %add3A_272 = arith.addi %mul3A_8, %add3A_271 : i32
    %dma_wait3A_273 = arith.constant 0 : i32
    %dma_wait3A_274 = arith.constant 0 : i32
    %dma_wait3A_275 = tpu.memref_slice %arg8[%dma_wait3A_273, %dma_wait3A_274] : memref<50x128xf32, #tpu.memory_space<vmem>> -> memref<40x128xf32, #tpu.memory_space<vmem>>
    %dma_wait3A_276 = arith.constant 0 : i32
    %dma_wait3A_277 = tpu.memref_slice %arg13[%add3A_272, %dma_wait3A_276] : memref<10240x128xf32, #tpu.memory_space<vmem_shared>> -> memref<40x128xf32, #tpu.memory_space<vmem_shared>>
    %dma_wait3A_278 = arith.constant 0 : i32
    %dma_wait3A_279 = tpu.memref_slice %arg13[%add3A_272, %dma_wait3A_278] : memref<10240x128xf32, #tpu.memory_space<vmem_shared>> -> memref<40x128xf32, #tpu.memory_space<vmem_shared>>
    %dma_wait3A_280 = arith.constant 0 : i32
    %dma_wait3A_281 = arith.constant 0 : i32
    %dma_wait3A_282 = tpu.memref_slice %arg8[%dma_wait3A_280, %dma_wait3A_281] : memref<50x128xf32, #tpu.memory_space<vmem>> -> memref<40x128xf32, #tpu.memory_space<vmem>>
    tpu.wait_dma2 semaphore(%arg20 : memref<!tpu.dma_semaphore, #tpu.memory_space<semaphore_mem>>) src(%dma_wait3A_282 : memref<40x128xf32, #tpu.memory_space<vmem>>) dst(%dma_wait3A_279 : memref<40x128xf32, #tpu.memory_space<vmem_shared>>)
    %add3A_283 = arith.constant 280 : i32
    %add3A_284 = arith.addi %mul3A_8, %add3A_283 : i32
    %dma_wait3A_285 = arith.constant 0 : i32
    %dma_wait3A_286 = arith.constant 0 : i32
    %dma_wait3A_287 = tpu.memref_slice %arg8[%dma_wait3A_285, %dma_wait3A_286] : memref<50x128xf32, #tpu.memory_space<vmem>> -> memref<40x128xf32, #tpu.memory_space<vmem>>
    %dma_wait3A_288 = arith.constant 0 : i32
    %dma_wait3A_289 = tpu.memref_slice %arg13[%add3A_284, %dma_wait3A_288] : memref<10240x128xf32, #tpu.memory_space<vmem_shared>> -> memref<40x128xf32, #tpu.memory_space<vmem_shared>>
    %dma_wait3A_290 = arith.constant 0 : i32
    %dma_wait3A_291 = tpu.memref_slice %arg13[%add3A_284, %dma_wait3A_290] : memref<10240x128xf32, #tpu.memory_space<vmem_shared>> -> memref<40x128xf32, #tpu.memory_space<vmem_shared>>
    %dma_wait3A_292 = arith.constant 0 : i32
    %dma_wait3A_293 = arith.constant 0 : i32
    %dma_wait3A_294 = tpu.memref_slice %arg8[%dma_wait3A_292, %dma_wait3A_293] : memref<50x128xf32, #tpu.memory_space<vmem>> -> memref<40x128xf32, #tpu.memory_space<vmem>>
    tpu.wait_dma2 semaphore(%arg21 : memref<!tpu.dma_semaphore, #tpu.memory_space<semaphore_mem>>) src(%dma_wait3A_294 : memref<40x128xf32, #tpu.memory_space<vmem>>) dst(%dma_wait3A_291 : memref<40x128xf32, #tpu.memory_space<vmem_shared>>)
    %add3A_295 = arith.constant 320 : i32
    %add3A_296 = arith.addi %mul3A_8, %add3A_295 : i32
    %dma_wait3A_297 = arith.constant 0 : i32
    %dma_wait3A_298 = arith.constant 0 : i32
    %dma_wait3A_299 = tpu.memref_slice %arg8[%dma_wait3A_297, %dma_wait3A_298] : memref<50x128xf32, #tpu.memory_space<vmem>> -> memref<40x128xf32, #tpu.memory_space<vmem>>
    %dma_wait3A_300 = arith.constant 0 : i32
    %dma_wait3A_301 = tpu.memref_slice %arg13[%add3A_296, %dma_wait3A_300] : memref<10240x128xf32, #tpu.memory_space<vmem_shared>> -> memref<40x128xf32, #tpu.memory_space<vmem_shared>>
    %dma_wait3A_302 = arith.constant 0 : i32
    %dma_wait3A_303 = tpu.memref_slice %arg13[%add3A_296, %dma_wait3A_302] : memref<10240x128xf32, #tpu.memory_space<vmem_shared>> -> memref<40x128xf32, #tpu.memory_space<vmem_shared>>
    %dma_wait3A_304 = arith.constant 0 : i32
    %dma_wait3A_305 = arith.constant 0 : i32
    %dma_wait3A_306 = tpu.memref_slice %arg8[%dma_wait3A_304, %dma_wait3A_305] : memref<50x128xf32, #tpu.memory_space<vmem>> -> memref<40x128xf32, #tpu.memory_space<vmem>>
    tpu.wait_dma2 semaphore(%arg22 : memref<!tpu.dma_semaphore, #tpu.memory_space<semaphore_mem>>) src(%dma_wait3A_306 : memref<40x128xf32, #tpu.memory_space<vmem>>) dst(%dma_wait3A_303 : memref<40x128xf32, #tpu.memory_space<vmem_shared>>)
    %add3A_307 = arith.constant 360 : i32
    %add3A_308 = arith.addi %mul3A_8, %add3A_307 : i32
    %dma_wait3A_309 = arith.constant 0 : i32
    %dma_wait3A_310 = arith.constant 0 : i32
    %dma_wait3A_311 = tpu.memref_slice %arg8[%dma_wait3A_309, %dma_wait3A_310] : memref<50x128xf32, #tpu.memory_space<vmem>> -> memref<40x128xf32, #tpu.memory_space<vmem>>
    %dma_wait3A_312 = arith.constant 0 : i32
    %dma_wait3A_313 = tpu.memref_slice %arg13[%add3A_308, %dma_wait3A_312] : memref<10240x128xf32, #tpu.memory_space<vmem_shared>> -> memref<40x128xf32, #tpu.memory_space<vmem_shared>>
    %dma_wait3A_314 = arith.constant 0 : i32
    %dma_wait3A_315 = tpu.memref_slice %arg13[%add3A_308, %dma_wait3A_314] : memref<10240x128xf32, #tpu.memory_space<vmem_shared>> -> memref<40x128xf32, #tpu.memory_space<vmem_shared>>
    %dma_wait3A_316 = arith.constant 0 : i32
    %dma_wait3A_317 = arith.constant 0 : i32
    %dma_wait3A_318 = tpu.memref_slice %arg8[%dma_wait3A_316, %dma_wait3A_317] : memref<50x128xf32, #tpu.memory_space<vmem>> -> memref<40x128xf32, #tpu.memory_space<vmem>>
    tpu.wait_dma2 semaphore(%arg23 : memref<!tpu.dma_semaphore, #tpu.memory_space<semaphore_mem>>) src(%dma_wait3A_318 : memref<40x128xf32, #tpu.memory_space<vmem>>) dst(%dma_wait3A_315 : memref<40x128xf32, #tpu.memory_space<vmem_shared>>)
    %add3A_319 = arith.constant 400 : i32
    %add3A_320 = arith.addi %mul3A_8, %add3A_319 : i32
    %dma_wait3A_321 = arith.constant 0 : i32
    %dma_wait3A_322 = arith.constant 0 : i32
    %dma_wait3A_323 = tpu.memref_slice %arg8[%dma_wait3A_321, %dma_wait3A_322] : memref<50x128xf32, #tpu.memory_space<vmem>> -> memref<40x128xf32, #tpu.memory_space<vmem>>
    %dma_wait3A_324 = arith.constant 0 : i32
    %dma_wait3A_325 = tpu.memref_slice %arg13[%add3A_320, %dma_wait3A_324] : memref<10240x128xf32, #tpu.memory_space<vmem_shared>> -> memref<40x128xf32, #tpu.memory_space<vmem_shared>>
    %dma_wait3A_326 = arith.constant 0 : i32
    %dma_wait3A_327 = tpu.memref_slice %arg13[%add3A_320, %dma_wait3A_326] : memref<10240x128xf32, #tpu.memory_space<vmem_shared>> -> memref<40x128xf32, #tpu.memory_space<vmem_shared>>
    %dma_wait3A_328 = arith.constant 0 : i32
    %dma_wait3A_329 = arith.constant 0 : i32
    %dma_wait3A_330 = tpu.memref_slice %arg8[%dma_wait3A_328, %dma_wait3A_329] : memref<50x128xf32, #tpu.memory_space<vmem>> -> memref<40x128xf32, #tpu.memory_space<vmem>>
    tpu.wait_dma2 semaphore(%arg19 : memref<!tpu.dma_semaphore, #tpu.memory_space<semaphore_mem>>) src(%dma_wait3A_330 : memref<40x128xf32, #tpu.memory_space<vmem>>) dst(%dma_wait3A_327 : memref<40x128xf32, #tpu.memory_space<vmem_shared>>)
    %add3A_331 = arith.constant 440 : i32
    %add3A_332 = arith.addi %mul3A_8, %add3A_331 : i32
    %dma_wait3A_333 = arith.constant 0 : i32
    %dma_wait3A_334 = arith.constant 0 : i32
    %dma_wait3A_335 = tpu.memref_slice %arg8[%dma_wait3A_333, %dma_wait3A_334] : memref<50x128xf32, #tpu.memory_space<vmem>> -> memref<40x128xf32, #tpu.memory_space<vmem>>
    %dma_wait3A_336 = arith.constant 0 : i32
    %dma_wait3A_337 = tpu.memref_slice %arg13[%add3A_332, %dma_wait3A_336] : memref<10240x128xf32, #tpu.memory_space<vmem_shared>> -> memref<40x128xf32, #tpu.memory_space<vmem_shared>>
    %dma_wait3A_338 = arith.constant 0 : i32
    %dma_wait3A_339 = tpu.memref_slice %arg13[%add3A_332, %dma_wait3A_338] : memref<10240x128xf32, #tpu.memory_space<vmem_shared>> -> memref<40x128xf32, #tpu.memory_space<vmem_shared>>
    %dma_wait3A_340 = arith.constant 0 : i32
    %dma_wait3A_341 = arith.constant 0 : i32
    %dma_wait3A_342 = tpu.memref_slice %arg8[%dma_wait3A_340, %dma_wait3A_341] : memref<50x128xf32, #tpu.memory_space<vmem>> -> memref<40x128xf32, #tpu.memory_space<vmem>>
    tpu.wait_dma2 semaphore(%arg20 : memref<!tpu.dma_semaphore, #tpu.memory_space<semaphore_mem>>) src(%dma_wait3A_342 : memref<40x128xf32, #tpu.memory_space<vmem>>) dst(%dma_wait3A_339 : memref<40x128xf32, #tpu.memory_space<vmem_shared>>)
    %add3A_343 = arith.constant 480 : i32
    %add3A_344 = arith.addi %mul3A_8, %add3A_343 : i32
    %dma_wait3A_345 = arith.constant 0 : i32
    %dma_wait3A_346 = arith.constant 0 : i32
    %dma_wait3A_347 = tpu.memref_slice %arg8[%dma_wait3A_345, %dma_wait3A_346] : memref<50x128xf32, #tpu.memory_space<vmem>> -> memref<40x128xf32, #tpu.memory_space<vmem>>
    %dma_wait3A_348 = arith.constant 0 : i32
    %dma_wait3A_349 = tpu.memref_slice %arg13[%add3A_344, %dma_wait3A_348] : memref<10240x128xf32, #tpu.memory_space<vmem_shared>> -> memref<40x128xf32, #tpu.memory_space<vmem_shared>>
    %dma_wait3A_350 = arith.constant 0 : i32
    %dma_wait3A_351 = tpu.memref_slice %arg13[%add3A_344, %dma_wait3A_350] : memref<10240x128xf32, #tpu.memory_space<vmem_shared>> -> memref<40x128xf32, #tpu.memory_space<vmem_shared>>
    %dma_wait3A_352 = arith.constant 0 : i32
    %dma_wait3A_353 = arith.constant 0 : i32
    %dma_wait3A_354 = tpu.memref_slice %arg8[%dma_wait3A_352, %dma_wait3A_353] : memref<50x128xf32, #tpu.memory_space<vmem>> -> memref<40x128xf32, #tpu.memory_space<vmem>>
    tpu.wait_dma2 semaphore(%arg21 : memref<!tpu.dma_semaphore, #tpu.memory_space<semaphore_mem>>) src(%dma_wait3A_354 : memref<40x128xf32, #tpu.memory_space<vmem>>) dst(%dma_wait3A_351 : memref<40x128xf32, #tpu.memory_space<vmem_shared>>)
    %add3A_355 = arith.constant 520 : i32
    %add3A_356 = arith.addi %mul3A_8, %add3A_355 : i32
    %dma_wait3A_357 = arith.constant 0 : i32
    %dma_wait3A_358 = arith.constant 0 : i32
    %dma_wait3A_359 = tpu.memref_slice %arg8[%dma_wait3A_357, %dma_wait3A_358] : memref<50x128xf32, #tpu.memory_space<vmem>> -> memref<40x128xf32, #tpu.memory_space<vmem>>
    %dma_wait3A_360 = arith.constant 0 : i32
    %dma_wait3A_361 = tpu.memref_slice %arg13[%add3A_356, %dma_wait3A_360] : memref<10240x128xf32, #tpu.memory_space<vmem_shared>> -> memref<40x128xf32, #tpu.memory_space<vmem_shared>>
    %dma_wait3A_362 = arith.constant 0 : i32
    %dma_wait3A_363 = tpu.memref_slice %arg13[%add3A_356, %dma_wait3A_362] : memref<10240x128xf32, #tpu.memory_space<vmem_shared>> -> memref<40x128xf32, #tpu.memory_space<vmem_shared>>
    %dma_wait3A_364 = arith.constant 0 : i32
    %dma_wait3A_365 = arith.constant 0 : i32
    %dma_wait3A_366 = tpu.memref_slice %arg8[%dma_wait3A_364, %dma_wait3A_365] : memref<50x128xf32, #tpu.memory_space<vmem>> -> memref<40x128xf32, #tpu.memory_space<vmem>>
    tpu.wait_dma2 semaphore(%arg22 : memref<!tpu.dma_semaphore, #tpu.memory_space<semaphore_mem>>) src(%dma_wait3A_366 : memref<40x128xf32, #tpu.memory_space<vmem>>) dst(%dma_wait3A_363 : memref<40x128xf32, #tpu.memory_space<vmem_shared>>)
    %add3A_367 = arith.constant 560 : i32
    %add3A_368 = arith.addi %mul3A_8, %add3A_367 : i32
    %dma_wait3A_369 = arith.constant 0 : i32
    %dma_wait3A_370 = arith.constant 0 : i32
    %dma_wait3A_371 = tpu.memref_slice %arg8[%dma_wait3A_369, %dma_wait3A_370] : memref<50x128xf32, #tpu.memory_space<vmem>> -> memref<40x128xf32, #tpu.memory_space<vmem>>
    %dma_wait3A_372 = arith.constant 0 : i32
    %dma_wait3A_373 = tpu.memref_slice %arg13[%add3A_368, %dma_wait3A_372] : memref<10240x128xf32, #tpu.memory_space<vmem_shared>> -> memref<40x128xf32, #tpu.memory_space<vmem_shared>>
    %dma_wait3A_374 = arith.constant 0 : i32
    %dma_wait3A_375 = tpu.memref_slice %arg13[%add3A_368, %dma_wait3A_374] : memref<10240x128xf32, #tpu.memory_space<vmem_shared>> -> memref<40x128xf32, #tpu.memory_space<vmem_shared>>
    %dma_wait3A_376 = arith.constant 0 : i32
    %dma_wait3A_377 = arith.constant 0 : i32
    %dma_wait3A_378 = tpu.memref_slice %arg8[%dma_wait3A_376, %dma_wait3A_377] : memref<50x128xf32, #tpu.memory_space<vmem>> -> memref<40x128xf32, #tpu.memory_space<vmem>>
    tpu.wait_dma2 semaphore(%arg23 : memref<!tpu.dma_semaphore, #tpu.memory_space<semaphore_mem>>) src(%dma_wait3A_378 : memref<40x128xf32, #tpu.memory_space<vmem>>) dst(%dma_wait3A_375 : memref<40x128xf32, #tpu.memory_space<vmem_shared>>)
    %add3A_379 = arith.constant 600 : i32
    %add3A_380 = arith.addi %mul3A_8, %add3A_379 : i32
    %dma_wait3A_381 = arith.constant 0 : i32
    %dma_wait3A_382 = arith.constant 0 : i32
    %dma_wait3A_383 = tpu.memref_slice %arg8[%dma_wait3A_381, %dma_wait3A_382] : memref<50x128xf32, #tpu.memory_space<vmem>> -> memref<40x128xf32, #tpu.memory_space<vmem>>
    %dma_wait3A_384 = arith.constant 0 : i32
    %dma_wait3A_385 = tpu.memref_slice %arg13[%add3A_380, %dma_wait3A_384] : memref<10240x128xf32, #tpu.memory_space<vmem_shared>> -> memref<40x128xf32, #tpu.memory_space<vmem_shared>>
    %dma_wait3A_386 = arith.constant 0 : i32
    %dma_wait3A_387 = tpu.memref_slice %arg13[%add3A_380, %dma_wait3A_386] : memref<10240x128xf32, #tpu.memory_space<vmem_shared>> -> memref<40x128xf32, #tpu.memory_space<vmem_shared>>
    %dma_wait3A_388 = arith.constant 0 : i32
    %dma_wait3A_389 = arith.constant 0 : i32
    %dma_wait3A_390 = tpu.memref_slice %arg8[%dma_wait3A_388, %dma_wait3A_389] : memref<50x128xf32, #tpu.memory_space<vmem>> -> memref<40x128xf32, #tpu.memory_space<vmem>>
    tpu.wait_dma2 semaphore(%arg19 : memref<!tpu.dma_semaphore, #tpu.memory_space<semaphore_mem>>) src(%dma_wait3A_390 : memref<40x128xf32, #tpu.memory_space<vmem>>) dst(%dma_wait3A_387 : memref<40x128xf32, #tpu.memory_space<vmem_shared>>)
    %barrier3A = arith.constant 0 : index
    tpu.barrier barrier_id(%barrier3A)
    %broadcast_in_dim3A_391 = arith.constant 1.000000e+00 : f32
    %broadcast_in_dim3A_392 = vector.broadcast %broadcast_in_dim3A_391 : f32 to vector<16xf32>
    %iota3A = tpu.iota {dimensions = array<i32: 0>} : vector<16xi32>
    %ge3A = arith.constant 8 : i32
    %ge3A_393 = vector.broadcast %ge3A : i32 to vector<16xi32>
    %ge3A_394 = arith.cmpi sge, %iota3A, %ge3A_393 : vector<16xi32>
    %scan3A_395 = arith.constant 0 : i32
    %scan3A_396 = arith.constant 0 : i32
    %scan3A_397 = arith.constant 5 : i32
    %scan3A_398 = arith.addi %scan3A_396, %scan3A_397 : i32
    %scan3A_399 = arith.constant 1 : i32
    scf.for %scan3A_402 = %scan3A_396 to %scan3A_398 step %scan3A_399  : i32 {
      "tpu.region"() ({
        %run_scoped3A = tpu.sem_alloc : memref<!tpu.dma_semaphore, #tpu.memory_space<semaphore_mem>>
        %dma_start3A_479 = arith.constant 0 : i32
        %dma_start3A_480 = arith.constant 0 : i32
        %dma_start3A_481 = arith.constant 0 : i32
        %dma_start3A_482 = tpu.memref_slice %arg3[%add3A, %dma_start3A_479, %dma_start3A_480, %dma_start3A_481] : memref<32x5x40x50xi32, #tpu.memory_space<hbm>> -> memref<1x5x40x50xi32, #tpu.memory_space<hbm>>
        %dma_start3A_483 = tpu.memref_squeeze %dma_start3A_482 : memref<1x5x40x50xi32, #tpu.memory_space<hbm>> -> memref<5x40x50xi32, #tpu.memory_space<hbm>>
        %dma_start3A_484 = arith.constant 0 : i32
        %dma_start3A_485 = arith.constant 0 : i32
        %dma_start3A_486 = tpu.memref_slice %dma_start3A_483[%scan3A_402, %dma_start3A_484, %dma_start3A_485] : memref<5x40x50xi32, #tpu.memory_space<hbm>> -> memref<1x40x50xi32, #tpu.memory_space<hbm>>
        %dma_start3A_487 = tpu.memref_squeeze %dma_start3A_486 : memref<1x40x50xi32, #tpu.memory_space<hbm>> -> memref<40x50xi32, #tpu.memory_space<hbm>>
        %dma_start3A_488 = arith.constant 0 : i32
        %dma_start3A_489 = arith.constant 0 : i32
        %dma_start3A_490 = arith.constant 0 : i32
        %dma_start3A_491 = tpu.memref_slice %arg3[%add3A, %dma_start3A_488, %dma_start3A_489, %dma_start3A_490] : memref<32x5x40x50xi32, #tpu.memory_space<hbm>> -> memref<1x5x40x50xi32, #tpu.memory_space<hbm>>
        %dma_start3A_492 = tpu.memref_squeeze %dma_start3A_491 : memref<1x5x40x50xi32, #tpu.memory_space<hbm>> -> memref<5x40x50xi32, #tpu.memory_space<hbm>>
        %dma_start3A_493 = arith.constant 0 : i32
        %dma_start3A_494 = arith.constant 0 : i32
        %dma_start3A_495 = tpu.memref_slice %dma_start3A_492[%scan3A_402, %dma_start3A_493, %dma_start3A_494] : memref<5x40x50xi32, #tpu.memory_space<hbm>> -> memref<1x40x50xi32, #tpu.memory_space<hbm>>
        %dma_start3A_496 = tpu.memref_squeeze %dma_start3A_495 : memref<1x40x50xi32, #tpu.memory_space<hbm>> -> memref<40x50xi32, #tpu.memory_space<hbm>>
        tpu.enqueue_dma source(%dma_start3A_496 : memref<40x50xi32, #tpu.memory_space<hbm>>) target(%arg6 : memref<40x50xi32, #tpu.memory_space<vmem>>) target_semaphore(%run_scoped3A : memref<!tpu.dma_semaphore, #tpu.memory_space<semaphore_mem>>)
        %dma_wait3A_497 = arith.constant 0 : i32
        %dma_wait3A_498 = arith.constant 0 : i32
        %dma_wait3A_499 = arith.constant 0 : i32
        %dma_wait3A_500 = tpu.memref_slice %arg3[%add3A, %dma_wait3A_497, %dma_wait3A_498, %dma_wait3A_499] : memref<32x5x40x50xi32, #tpu.memory_space<hbm>> -> memref<1x5x40x50xi32, #tpu.memory_space<hbm>>
        %dma_wait3A_501 = tpu.memref_squeeze %dma_wait3A_500 : memref<1x5x40x50xi32, #tpu.memory_space<hbm>> -> memref<5x40x50xi32, #tpu.memory_space<hbm>>
        %dma_wait3A_502 = arith.constant 0 : i32
        %dma_wait3A_503 = arith.constant 0 : i32
        %dma_wait3A_504 = tpu.memref_slice %dma_wait3A_501[%scan3A_402, %dma_wait3A_502, %dma_wait3A_503] : memref<5x40x50xi32, #tpu.memory_space<hbm>> -> memref<1x40x50xi32, #tpu.memory_space<hbm>>
        %dma_wait3A_505 = tpu.memref_squeeze %dma_wait3A_504 : memref<1x40x50xi32, #tpu.memory_space<hbm>> -> memref<40x50xi32, #tpu.memory_space<hbm>>
        %dma_wait3A_506 = arith.constant 0 : i32
        %dma_wait3A_507 = arith.constant 0 : i32
        %dma_wait3A_508 = arith.constant 0 : i32
        %dma_wait3A_509 = tpu.memref_slice %arg3[%add3A, %dma_wait3A_506, %dma_wait3A_507, %dma_wait3A_508] : memref<32x5x40x50xi32, #tpu.memory_space<hbm>> -> memref<1x5x40x50xi32, #tpu.memory_space<hbm>>
        %dma_wait3A_510 = tpu.memref_squeeze %dma_wait3A_509 : memref<1x5x40x50xi32, #tpu.memory_space<hbm>> -> memref<5x40x50xi32, #tpu.memory_space<hbm>>
        %dma_wait3A_511 = arith.constant 0 : i32
        %dma_wait3A_512 = arith.constant 0 : i32
        %dma_wait3A_513 = tpu.memref_slice %dma_wait3A_510[%scan3A_402, %dma_wait3A_511, %dma_wait3A_512] : memref<5x40x50xi32, #tpu.memory_space<hbm>> -> memref<1x40x50xi32, #tpu.memory_space<hbm>>
        %dma_wait3A_514 = tpu.memref_squeeze %dma_wait3A_513 : memref<1x40x50xi32, #tpu.memory_space<hbm>> -> memref<40x50xi32, #tpu.memory_space<hbm>>
        tpu.wait_dma2 semaphore(%run_scoped3A : memref<!tpu.dma_semaphore, #tpu.memory_space<semaphore_mem>>) src(%dma_wait3A_514 : memref<40x50xi32, #tpu.memory_space<hbm>>) dst(%arg6 : memref<40x50xi32, #tpu.memory_space<vmem>>)
        tpu.yield
      }) : () -> ()
      "tpu.region"() ({
        %run_scoped3A = tpu.sem_alloc : memref<!tpu.dma_semaphore, #tpu.memory_space<semaphore_mem>>
        %dma_start3A_479 = arith.constant 0 : i32
        %dma_start3A_480 = arith.constant 0 : i32
        %dma_start3A_481 = arith.constant 0 : i32
        %dma_start3A_482 = tpu.memref_slice %arg4[%add3A, %dma_start3A_479, %dma_start3A_480, %dma_start3A_481] : memref<32x5x40x50xi32, #tpu.memory_space<hbm>> -> memref<1x5x40x50xi32, #tpu.memory_space<hbm>>
        %dma_start3A_483 = tpu.memref_squeeze %dma_start3A_482 : memref<1x5x40x50xi32, #tpu.memory_space<hbm>> -> memref<5x40x50xi32, #tpu.memory_space<hbm>>
        %dma_start3A_484 = arith.constant 0 : i32
        %dma_start3A_485 = arith.constant 0 : i32
        %dma_start3A_486 = tpu.memref_slice %dma_start3A_483[%scan3A_402, %dma_start3A_484, %dma_start3A_485] : memref<5x40x50xi32, #tpu.memory_space<hbm>> -> memref<1x40x50xi32, #tpu.memory_space<hbm>>
        %dma_start3A_487 = tpu.memref_squeeze %dma_start3A_486 : memref<1x40x50xi32, #tpu.memory_space<hbm>> -> memref<40x50xi32, #tpu.memory_space<hbm>>
        %dma_start3A_488 = arith.constant 0 : i32
        %dma_start3A_489 = arith.constant 0 : i32
        %dma_start3A_490 = arith.constant 0 : i32
        %dma_start3A_491 = tpu.memref_slice %arg4[%add3A, %dma_start3A_488, %dma_start3A_489, %dma_start3A_490] : memref<32x5x40x50xi32, #tpu.memory_space<hbm>> -> memref<1x5x40x50xi32, #tpu.memory_space<hbm>>
        %dma_start3A_492 = tpu.memref_squeeze %dma_start3A_491 : memref<1x5x40x50xi32, #tpu.memory_space<hbm>> -> memref<5x40x50xi32, #tpu.memory_space<hbm>>
        %dma_start3A_493 = arith.constant 0 : i32
        %dma_start3A_494 = arith.constant 0 : i32
        %dma_start3A_495 = tpu.memref_slice %dma_start3A_492[%scan3A_402, %dma_start3A_493, %dma_start3A_494] : memref<5x40x50xi32, #tpu.memory_space<hbm>> -> memref<1x40x50xi32, #tpu.memory_space<hbm>>
        %dma_start3A_496 = tpu.memref_squeeze %dma_start3A_495 : memref<1x40x50xi32, #tpu.memory_space<hbm>> -> memref<40x50xi32, #tpu.memory_space<hbm>>
        tpu.enqueue_dma source(%dma_start3A_496 : memref<40x50xi32, #tpu.memory_space<hbm>>) target(%arg7 : memref<40x50xi32, #tpu.memory_space<vmem>>) target_semaphore(%run_scoped3A : memref<!tpu.dma_semaphore, #tpu.memory_space<semaphore_mem>>)
        %dma_wait3A_497 = arith.constant 0 : i32
        %dma_wait3A_498 = arith.constant 0 : i32
        %dma_wait3A_499 = arith.constant 0 : i32
        %dma_wait3A_500 = tpu.memref_slice %arg4[%add3A, %dma_wait3A_497, %dma_wait3A_498, %dma_wait3A_499] : memref<32x5x40x50xi32, #tpu.memory_space<hbm>> -> memref<1x5x40x50xi32, #tpu.memory_space<hbm>>
        %dma_wait3A_501 = tpu.memref_squeeze %dma_wait3A_500 : memref<1x5x40x50xi32, #tpu.memory_space<hbm>> -> memref<5x40x50xi32, #tpu.memory_space<hbm>>
        %dma_wait3A_502 = arith.constant 0 : i32
        %dma_wait3A_503 = arith.constant 0 : i32
        %dma_wait3A_504 = tpu.memref_slice %dma_wait3A_501[%scan3A_402, %dma_wait3A_502, %dma_wait3A_503] : memref<5x40x50xi32, #tpu.memory_space<hbm>> -> memref<1x40x50xi32, #tpu.memory_space<hbm>>
        %dma_wait3A_505 = tpu.memref_squeeze %dma_wait3A_504 : memref<1x40x50xi32, #tpu.memory_space<hbm>> -> memref<40x50xi32, #tpu.memory_space<hbm>>
        %dma_wait3A_506 = arith.constant 0 : i32
        %dma_wait3A_507 = arith.constant 0 : i32
        %dma_wait3A_508 = arith.constant 0 : i32
        %dma_wait3A_509 = tpu.memref_slice %arg4[%add3A, %dma_wait3A_506, %dma_wait3A_507, %dma_wait3A_508] : memref<32x5x40x50xi32, #tpu.memory_space<hbm>> -> memref<1x5x40x50xi32, #tpu.memory_space<hbm>>
        %dma_wait3A_510 = tpu.memref_squeeze %dma_wait3A_509 : memref<1x5x40x50xi32, #tpu.memory_space<hbm>> -> memref<5x40x50xi32, #tpu.memory_space<hbm>>
        %dma_wait3A_511 = arith.constant 0 : i32
        %dma_wait3A_512 = arith.constant 0 : i32
        %dma_wait3A_513 = tpu.memref_slice %dma_wait3A_510[%scan3A_402, %dma_wait3A_511, %dma_wait3A_512] : memref<5x40x50xi32, #tpu.memory_space<hbm>> -> memref<1x40x50xi32, #tpu.memory_space<hbm>>
        %dma_wait3A_514 = tpu.memref_squeeze %dma_wait3A_513 : memref<1x40x50xi32, #tpu.memory_space<hbm>> -> memref<40x50xi32, #tpu.memory_space<hbm>>
        tpu.wait_dma2 semaphore(%run_scoped3A : memref<!tpu.dma_semaphore, #tpu.memory_space<semaphore_mem>>) src(%dma_wait3A_514 : memref<40x50xi32, #tpu.memory_space<hbm>>) dst(%arg7 : memref<40x50xi32, #tpu.memory_space<vmem>>)
        tpu.yield
      }) : () -> ()
      %dma_start3A_403 = arith.constant 0 : i32
      %dma_start3A_404 = arith.constant 0 : i32
      %dma_start3A_405 = tpu.memref_slice %arg6[%dma_start3A_403, %dma_start3A_404] : memref<40x50xi32, #tpu.memory_space<vmem>> -> memref<1x50xi32, #tpu.memory_space<vmem>>
      %dma_start3A_406 = tpu.memref_squeeze %dma_start3A_405 : memref<1x50xi32, #tpu.memory_space<vmem>> -> memref<50xi32, #tpu.memory_space<vmem>>
      %dma_start3A_407 = arith.constant 0 : i32
      %dma_start3A_408 = arith.constant 0 : i32
      %dma_start3A_409 = tpu.memref_slice %arg2[%dma_start3A_407, %dma_start3A_408] : memref<10000x128xf32, #tpu.memory_space<hbm>> -> memref<10000x128xf32, #tpu.memory_space<hbm>>
      tpu.enqueue_indirect_dma source(%dma_start3A_409 : memref<10000x128xf32, #tpu.memory_space<hbm>>) target(%arg8 : memref<50x128xf32, #tpu.memory_space<vmem>>) offsets(%dma_start3A_406 : memref<50xi32, #tpu.memory_space<vmem>>) semaphore(%arg14 : memref<!tpu.dma_semaphore, #tpu.memory_space<semaphore_mem>>)
      %dma_start3A_410 = arith.constant 1 : i32
      %dma_start3A_411 = arith.constant 0 : i32
      %dma_start3A_412 = tpu.memref_slice %arg6[%dma_start3A_410, %dma_start3A_411] : memref<40x50xi32, #tpu.memory_space<vmem>> -> memref<1x50xi32, #tpu.memory_space<vmem>>
      %dma_start3A_413 = tpu.memref_squeeze %dma_start3A_412 : memref<1x50xi32, #tpu.memory_space<vmem>> -> memref<50xi32, #tpu.memory_space<vmem>>
      %dma_start3A_414 = arith.constant 0 : i32
      %dma_start3A_415 = arith.constant 0 : i32
      %dma_start3A_416 = tpu.memref_slice %arg2[%dma_start3A_414, %dma_start3A_415] : memref<10000x128xf32, #tpu.memory_space<hbm>> -> memref<10000x128xf32, #tpu.memory_space<hbm>>
      tpu.enqueue_indirect_dma source(%dma_start3A_416 : memref<10000x128xf32, #tpu.memory_space<hbm>>) target(%arg9 : memref<50x128xf32, #tpu.memory_space<vmem>>) offsets(%dma_start3A_413 : memref<50xi32, #tpu.memory_space<vmem>>) semaphore(%arg15 : memref<!tpu.dma_semaphore, #tpu.memory_space<semaphore_mem>>)
      %dma_start3A_417 = arith.constant 2 : i32
      %dma_start3A_418 = arith.constant 0 : i32
      %dma_start3A_419 = tpu.memref_slice %arg6[%dma_start3A_417, %dma_start3A_418] : memref<40x50xi32, #tpu.memory_space<vmem>> -> memref<1x50xi32, #tpu.memory_space<vmem>>
      %dma_start3A_420 = tpu.memref_squeeze %dma_start3A_419 : memref<1x50xi32, #tpu.memory_space<vmem>> -> memref<50xi32, #tpu.memory_space<vmem>>
      %dma_start3A_421 = arith.constant 0 : i32
      %dma_start3A_422 = arith.constant 0 : i32
      %dma_start3A_423 = tpu.memref_slice %arg2[%dma_start3A_421, %dma_start3A_422] : memref<10000x128xf32, #tpu.memory_space<hbm>> -> memref<10000x128xf32, #tpu.memory_space<hbm>>
      tpu.enqueue_indirect_dma source(%dma_start3A_423 : memref<10000x128xf32, #tpu.memory_space<hbm>>) target(%arg10 : memref<50x128xf32, #tpu.memory_space<vmem>>) offsets(%dma_start3A_420 : memref<50xi32, #tpu.memory_space<vmem>>) semaphore(%arg16 : memref<!tpu.dma_semaphore, #tpu.memory_space<semaphore_mem>>)
      %dma_start3A_424 = arith.constant 3 : i32
      %dma_start3A_425 = arith.constant 0 : i32
      %dma_start3A_426 = tpu.memref_slice %arg6[%dma_start3A_424, %dma_start3A_425] : memref<40x50xi32, #tpu.memory_space<vmem>> -> memref<1x50xi32, #tpu.memory_space<vmem>>
      %dma_start3A_427 = tpu.memref_squeeze %dma_start3A_426 : memref<1x50xi32, #tpu.memory_space<vmem>> -> memref<50xi32, #tpu.memory_space<vmem>>
      %dma_start3A_428 = arith.constant 0 : i32
      %dma_start3A_429 = arith.constant 0 : i32
      %dma_start3A_430 = tpu.memref_slice %arg2[%dma_start3A_428, %dma_start3A_429] : memref<10000x128xf32, #tpu.memory_space<hbm>> -> memref<10000x128xf32, #tpu.memory_space<hbm>>
      tpu.enqueue_indirect_dma source(%dma_start3A_430 : memref<10000x128xf32, #tpu.memory_space<hbm>>) target(%arg11 : memref<50x128xf32, #tpu.memory_space<vmem>>) offsets(%dma_start3A_427 : memref<50xi32, #tpu.memory_space<vmem>>) semaphore(%arg17 : memref<!tpu.dma_semaphore, #tpu.memory_space<semaphore_mem>>)
      %dma_start3A_431 = arith.constant 4 : i32
      %dma_start3A_432 = arith.constant 0 : i32
      %dma_start3A_433 = tpu.memref_slice %arg6[%dma_start3A_431, %dma_start3A_432] : memref<40x50xi32, #tpu.memory_space<vmem>> -> memref<1x50xi32, #tpu.memory_space<vmem>>
      %dma_start3A_434 = tpu.memref_squeeze %dma_start3A_433 : memref<1x50xi32, #tpu.memory_space<vmem>> -> memref<50xi32, #tpu.memory_space<vmem>>
      %dma_start3A_435 = arith.constant 0 : i32
      %dma_start3A_436 = arith.constant 0 : i32
      %dma_start3A_437 = tpu.memref_slice %arg2[%dma_start3A_435, %dma_start3A_436] : memref<10000x128xf32, #tpu.memory_space<hbm>> -> memref<10000x128xf32, #tpu.memory_space<hbm>>
      tpu.enqueue_indirect_dma source(%dma_start3A_437 : memref<10000x128xf32, #tpu.memory_space<hbm>>) target(%arg12 : memref<50x128xf32, #tpu.memory_space<vmem>>) offsets(%dma_start3A_434 : memref<50xi32, #tpu.memory_space<vmem>>) semaphore(%arg18 : memref<!tpu.dma_semaphore, #tpu.memory_space<semaphore_mem>>)
      %scan3A_438 = arith.constant 0 : i32
      %scan3A_439 = arith.constant 0 : i32
      %scan3A_440 = arith.constant 8 : i32
      %scan3A_441 = arith.addi %scan3A_439, %scan3A_440 : i32
      %scan3A_442 = arith.constant 1 : i32
      scf.for %scan3A_479 = %scan3A_439 to %scan3A_441 step %scan3A_442  : i32 {
        %mul3A_480 = arith.constant 5 : i32
        %mul3A_481 = arith.muli %mul3A_480, %scan3A_479 : i32
        %add3A_482 = arith.constant 0 : i32
        %add3A_483 = arith.addi %mul3A_481, %add3A_482 : i32
        %lt3A = arith.constant 40 : i32
        %lt3A_484 = arith.cmpi slt, %add3A_483, %lt3A : i32
        %convert_element_type3A = arith.extui %lt3A_484 : i1 to i32
        %cond3A = arith.constant 0 : i32
        %cond3A_485 = arith.cmpi ne, %convert_element_type3A, %cond3A : i32
        scf.if %cond3A_485 {
          %dma_wait3A_557 = arith.constant 0 : i32
          %dma_wait3A_558 = tpu.memref_slice %arg6[%add3A_483, %dma_wait3A_557] : memref<40x50xi32, #tpu.memory_space<vmem>> -> memref<1x50xi32, #tpu.memory_space<vmem>>
          %dma_wait3A_559 = tpu.memref_squeeze %dma_wait3A_558 : memref<1x50xi32, #tpu.memory_space<vmem>> -> memref<50xi32, #tpu.memory_space<vmem>>
          %dma_wait3A_560 = arith.constant 0 : i32
          %dma_wait3A_561 = arith.constant 0 : i32
          %dma_wait3A_562 = tpu.memref_slice %arg2[%dma_wait3A_560, %dma_wait3A_561] : memref<10000x128xf32, #tpu.memory_space<hbm>> -> memref<10000x128xf32, #tpu.memory_space<hbm>>
          tpu.wait_indirect_dma semaphore(%arg14 : memref<!tpu.dma_semaphore, #tpu.memory_space<semaphore_mem>>) src(%dma_wait3A_562 : memref<10000x128xf32, #tpu.memory_space<hbm>>) dst(%arg8 : memref<50x128xf32, #tpu.memory_space<vmem>>)
          %dma_start3A_563 = arith.constant 0 : i32
          %dma_start3A_564 = tpu.memref_slice %arg7[%add3A_483, %dma_start3A_563] : memref<40x50xi32, #tpu.memory_space<vmem>> -> memref<1x50xi32, #tpu.memory_space<vmem>>
          %dma_start3A_565 = tpu.memref_squeeze %dma_start3A_564 : memref<1x50xi32, #tpu.memory_space<vmem>> -> memref<50xi32, #tpu.memory_space<vmem>>
          %dma_start3A_566 = arith.constant 0 : i32
          %dma_start3A_567 = arith.constant 0 : i32
          %dma_start3A_568 = tpu.memref_slice %arg13[%dma_start3A_566, %dma_start3A_567] : memref<10240x128xf32, #tpu.memory_space<vmem_shared>> -> memref<10240x128xf32, #tpu.memory_space<vmem_shared>>
          tpu.enqueue_indirect_dma source(%arg8 : memref<50x128xf32, #tpu.memory_space<vmem>>) target(%dma_start3A_568 : memref<10240x128xf32, #tpu.memory_space<vmem_shared>>) offsets(%dma_start3A_565 : memref<50xi32, #tpu.memory_space<vmem>>) semaphore(%arg19 : memref<!tpu.dma_semaphore, #tpu.memory_space<semaphore_mem>>) {add = true}
        } else {
        }
        %add3A_486 = arith.constant 5 : i32
        %add3A_487 = arith.addi %add3A_483, %add3A_486 : i32
        %lt3A_488 = arith.constant 40 : i32
        %lt3A_489 = arith.cmpi slt, %add3A_487, %lt3A_488 : i32
        %convert_element_type3A_490 = arith.extui %lt3A_489 : i1 to i32
        %cond3A_491 = arith.constant 0 : i32
        %cond3A_492 = arith.cmpi ne, %convert_element_type3A_490, %cond3A_491 : i32
        scf.if %cond3A_492 {
          %dma_wait3A_557 = arith.constant 0 : i32
          %dma_wait3A_558 = tpu.memref_slice %arg7[%add3A_483, %dma_wait3A_557] : memref<40x50xi32, #tpu.memory_space<vmem>> -> memref<1x50xi32, #tpu.memory_space<vmem>>
          %dma_wait3A_559 = tpu.memref_squeeze %dma_wait3A_558 : memref<1x50xi32, #tpu.memory_space<vmem>> -> memref<50xi32, #tpu.memory_space<vmem>>
          %dma_wait3A_560 = arith.constant 0 : i32
          %dma_wait3A_561 = arith.constant 0 : i32
          %dma_wait3A_562 = tpu.memref_slice %arg13[%dma_wait3A_560, %dma_wait3A_561] : memref<10240x128xf32, #tpu.memory_space<vmem_shared>> -> memref<10240x128xf32, #tpu.memory_space<vmem_shared>>
          tpu.wait_indirect_dma semaphore(%arg19 : memref<!tpu.dma_semaphore, #tpu.memory_space<semaphore_mem>>) src(%arg8 : memref<50x128xf32, #tpu.memory_space<vmem>>) dst(%dma_wait3A_562 : memref<10240x128xf32, #tpu.memory_space<vmem_shared>>)
          %add3A_563 = arith.constant 5 : i32
          %add3A_564 = arith.addi %add3A_483, %add3A_563 : i32
          %dma_start3A_565 = arith.constant 0 : i32
          %dma_start3A_566 = tpu.memref_slice %arg6[%add3A_564, %dma_start3A_565] : memref<40x50xi32, #tpu.memory_space<vmem>> -> memref<1x50xi32, #tpu.memory_space<vmem>>
          %dma_start3A_567 = tpu.memref_squeeze %dma_start3A_566 : memref<1x50xi32, #tpu.memory_space<vmem>> -> memref<50xi32, #tpu.memory_space<vmem>>
          %dma_start3A_568 = arith.constant 0 : i32
          %dma_start3A_569 = arith.constant 0 : i32
          %dma_start3A_570 = tpu.memref_slice %arg2[%dma_start3A_568, %dma_start3A_569] : memref<10000x128xf32, #tpu.memory_space<hbm>> -> memref<10000x128xf32, #tpu.memory_space<hbm>>
          tpu.enqueue_indirect_dma source(%dma_start3A_570 : memref<10000x128xf32, #tpu.memory_space<hbm>>) target(%arg8 : memref<50x128xf32, #tpu.memory_space<vmem>>) offsets(%dma_start3A_567 : memref<50xi32, #tpu.memory_space<vmem>>) semaphore(%arg14 : memref<!tpu.dma_semaphore, #tpu.memory_space<semaphore_mem>>)
        } else {
        }
        %mul3A_493 = arith.constant 5 : i32
        %mul3A_494 = arith.muli %mul3A_493, %scan3A_479 : i32
        %add3A_495 = arith.constant 1 : i32
        %add3A_496 = arith.addi %mul3A_494, %add3A_495 : i32
        %lt3A_497 = arith.constant 40 : i32
        %lt3A_498 = arith.cmpi slt, %add3A_496, %lt3A_497 : i32
        %convert_element_type3A_499 = arith.extui %lt3A_498 : i1 to i32
        %cond3A_500 = arith.constant 0 : i32
        %cond3A_501 = arith.cmpi ne, %convert_element_type3A_499, %cond3A_500 : i32
        scf.if %cond3A_501 {
          %dma_wait3A_557 = arith.constant 0 : i32
          %dma_wait3A_558 = tpu.memref_slice %arg6[%add3A_496, %dma_wait3A_557] : memref<40x50xi32, #tpu.memory_space<vmem>> -> memref<1x50xi32, #tpu.memory_space<vmem>>
          %dma_wait3A_559 = tpu.memref_squeeze %dma_wait3A_558 : memref<1x50xi32, #tpu.memory_space<vmem>> -> memref<50xi32, #tpu.memory_space<vmem>>
          %dma_wait3A_560 = arith.constant 0 : i32
          %dma_wait3A_561 = arith.constant 0 : i32
          %dma_wait3A_562 = tpu.memref_slice %arg2[%dma_wait3A_560, %dma_wait3A_561] : memref<10000x128xf32, #tpu.memory_space<hbm>> -> memref<10000x128xf32, #tpu.memory_space<hbm>>
          tpu.wait_indirect_dma semaphore(%arg15 : memref<!tpu.dma_semaphore, #tpu.memory_space<semaphore_mem>>) src(%dma_wait3A_562 : memref<10000x128xf32, #tpu.memory_space<hbm>>) dst(%arg9 : memref<50x128xf32, #tpu.memory_space<vmem>>)
          %dma_start3A_563 = arith.constant 0 : i32
          %dma_start3A_564 = tpu.memref_slice %arg7[%add3A_496, %dma_start3A_563] : memref<40x50xi32, #tpu.memory_space<vmem>> -> memref<1x50xi32, #tpu.memory_space<vmem>>
          %dma_start3A_565 = tpu.memref_squeeze %dma_start3A_564 : memref<1x50xi32, #tpu.memory_space<vmem>> -> memref<50xi32, #tpu.memory_space<vmem>>
          %dma_start3A_566 = arith.constant 0 : i32
          %dma_start3A_567 = arith.constant 0 : i32
          %dma_start3A_568 = tpu.memref_slice %arg13[%dma_start3A_566, %dma_start3A_567] : memref<10240x128xf32, #tpu.memory_space<vmem_shared>> -> memref<10240x128xf32, #tpu.memory_space<vmem_shared>>
          tpu.enqueue_indirect_dma source(%arg9 : memref<50x128xf32, #tpu.memory_space<vmem>>) target(%dma_start3A_568 : memref<10240x128xf32, #tpu.memory_space<vmem_shared>>) offsets(%dma_start3A_565 : memref<50xi32, #tpu.memory_space<vmem>>) semaphore(%arg20 : memref<!tpu.dma_semaphore, #tpu.memory_space<semaphore_mem>>) {add = true}
        } else {
        }
        %add3A_502 = arith.constant 5 : i32
        %add3A_503 = arith.addi %add3A_496, %add3A_502 : i32
        %lt3A_504 = arith.constant 40 : i32
        %lt3A_505 = arith.cmpi slt, %add3A_503, %lt3A_504 : i32
        %convert_element_type3A_506 = arith.extui %lt3A_505 : i1 to i32
        %cond3A_507 = arith.constant 0 : i32
        %cond3A_508 = arith.cmpi ne, %convert_element_type3A_506, %cond3A_507 : i32
        scf.if %cond3A_508 {
          %dma_wait3A_557 = arith.constant 0 : i32
          %dma_wait3A_558 = tpu.memref_slice %arg7[%add3A_496, %dma_wait3A_557] : memref<40x50xi32, #tpu.memory_space<vmem>> -> memref<1x50xi32, #tpu.memory_space<vmem>>
          %dma_wait3A_559 = tpu.memref_squeeze %dma_wait3A_558 : memref<1x50xi32, #tpu.memory_space<vmem>> -> memref<50xi32, #tpu.memory_space<vmem>>
          %dma_wait3A_560 = arith.constant 0 : i32
          %dma_wait3A_561 = arith.constant 0 : i32
          %dma_wait3A_562 = tpu.memref_slice %arg13[%dma_wait3A_560, %dma_wait3A_561] : memref<10240x128xf32, #tpu.memory_space<vmem_shared>> -> memref<10240x128xf32, #tpu.memory_space<vmem_shared>>
          tpu.wait_indirect_dma semaphore(%arg20 : memref<!tpu.dma_semaphore, #tpu.memory_space<semaphore_mem>>) src(%arg9 : memref<50x128xf32, #tpu.memory_space<vmem>>) dst(%dma_wait3A_562 : memref<10240x128xf32, #tpu.memory_space<vmem_shared>>)
          %add3A_563 = arith.constant 5 : i32
          %add3A_564 = arith.addi %add3A_496, %add3A_563 : i32
          %dma_start3A_565 = arith.constant 0 : i32
          %dma_start3A_566 = tpu.memref_slice %arg6[%add3A_564, %dma_start3A_565] : memref<40x50xi32, #tpu.memory_space<vmem>> -> memref<1x50xi32, #tpu.memory_space<vmem>>
          %dma_start3A_567 = tpu.memref_squeeze %dma_start3A_566 : memref<1x50xi32, #tpu.memory_space<vmem>> -> memref<50xi32, #tpu.memory_space<vmem>>
          %dma_start3A_568 = arith.constant 0 : i32
          %dma_start3A_569 = arith.constant 0 : i32
          %dma_start3A_570 = tpu.memref_slice %arg2[%dma_start3A_568, %dma_start3A_569] : memref<10000x128xf32, #tpu.memory_space<hbm>> -> memref<10000x128xf32, #tpu.memory_space<hbm>>
          tpu.enqueue_indirect_dma source(%dma_start3A_570 : memref<10000x128xf32, #tpu.memory_space<hbm>>) target(%arg9 : memref<50x128xf32, #tpu.memory_space<vmem>>) offsets(%dma_start3A_567 : memref<50xi32, #tpu.memory_space<vmem>>) semaphore(%arg15 : memref<!tpu.dma_semaphore, #tpu.memory_space<semaphore_mem>>)
        } else {
        }
        %mul3A_509 = arith.constant 5 : i32
        %mul3A_510 = arith.muli %mul3A_509, %scan3A_479 : i32
        %add3A_511 = arith.constant 2 : i32
        %add3A_512 = arith.addi %mul3A_510, %add3A_511 : i32
        %lt3A_513 = arith.constant 40 : i32
        %lt3A_514 = arith.cmpi slt, %add3A_512, %lt3A_513 : i32
        %convert_element_type3A_515 = arith.extui %lt3A_514 : i1 to i32
        %cond3A_516 = arith.constant 0 : i32
        %cond3A_517 = arith.cmpi ne, %convert_element_type3A_515, %cond3A_516 : i32
        scf.if %cond3A_517 {
          %dma_wait3A_557 = arith.constant 0 : i32
          %dma_wait3A_558 = tpu.memref_slice %arg6[%add3A_512, %dma_wait3A_557] : memref<40x50xi32, #tpu.memory_space<vmem>> -> memref<1x50xi32, #tpu.memory_space<vmem>>
          %dma_wait3A_559 = tpu.memref_squeeze %dma_wait3A_558 : memref<1x50xi32, #tpu.memory_space<vmem>> -> memref<50xi32, #tpu.memory_space<vmem>>
          %dma_wait3A_560 = arith.constant 0 : i32
          %dma_wait3A_561 = arith.constant 0 : i32
          %dma_wait3A_562 = tpu.memref_slice %arg2[%dma_wait3A_560, %dma_wait3A_561] : memref<10000x128xf32, #tpu.memory_space<hbm>> -> memref<10000x128xf32, #tpu.memory_space<hbm>>
          tpu.wait_indirect_dma semaphore(%arg16 : memref<!tpu.dma_semaphore, #tpu.memory_space<semaphore_mem>>) src(%dma_wait3A_562 : memref<10000x128xf32, #tpu.memory_space<hbm>>) dst(%arg10 : memref<50x128xf32, #tpu.memory_space<vmem>>)
          %dma_start3A_563 = arith.constant 0 : i32
          %dma_start3A_564 = tpu.memref_slice %arg7[%add3A_512, %dma_start3A_563] : memref<40x50xi32, #tpu.memory_space<vmem>> -> memref<1x50xi32, #tpu.memory_space<vmem>>
          %dma_start3A_565 = tpu.memref_squeeze %dma_start3A_564 : memref<1x50xi32, #tpu.memory_space<vmem>> -> memref<50xi32, #tpu.memory_space<vmem>>
          %dma_start3A_566 = arith.constant 0 : i32
          %dma_start3A_567 = arith.constant 0 : i32
          %dma_start3A_568 = tpu.memref_slice %arg13[%dma_start3A_566, %dma_start3A_567] : memref<10240x128xf32, #tpu.memory_space<vmem_shared>> -> memref<10240x128xf32, #tpu.memory_space<vmem_shared>>
          tpu.enqueue_indirect_dma source(%arg10 : memref<50x128xf32, #tpu.memory_space<vmem>>) target(%dma_start3A_568 : memref<10240x128xf32, #tpu.memory_space<vmem_shared>>) offsets(%dma_start3A_565 : memref<50xi32, #tpu.memory_space<vmem>>) semaphore(%arg21 : memref<!tpu.dma_semaphore, #tpu.memory_space<semaphore_mem>>) {add = true}
        } else {
        }
        %add3A_518 = arith.constant 5 : i32
        %add3A_519 = arith.addi %add3A_512, %add3A_518 : i32
        %lt3A_520 = arith.constant 40 : i32
        %lt3A_521 = arith.cmpi slt, %add3A_519, %lt3A_520 : i32
        %convert_element_type3A_522 = arith.extui %lt3A_521 : i1 to i32
        %cond3A_523 = arith.constant 0 : i32
        %cond3A_524 = arith.cmpi ne, %convert_element_type3A_522, %cond3A_523 : i32
        scf.if %cond3A_524 {
          %dma_wait3A_557 = arith.constant 0 : i32
          %dma_wait3A_558 = tpu.memref_slice %arg7[%add3A_512, %dma_wait3A_557] : memref<40x50xi32, #tpu.memory_space<vmem>> -> memref<1x50xi32, #tpu.memory_space<vmem>>
          %dma_wait3A_559 = tpu.memref_squeeze %dma_wait3A_558 : memref<1x50xi32, #tpu.memory_space<vmem>> -> memref<50xi32, #tpu.memory_space<vmem>>
          %dma_wait3A_560 = arith.constant 0 : i32
          %dma_wait3A_561 = arith.constant 0 : i32
          %dma_wait3A_562 = tpu.memref_slice %arg13[%dma_wait3A_560, %dma_wait3A_561] : memref<10240x128xf32, #tpu.memory_space<vmem_shared>> -> memref<10240x128xf32, #tpu.memory_space<vmem_shared>>
          tpu.wait_indirect_dma semaphore(%arg21 : memref<!tpu.dma_semaphore, #tpu.memory_space<semaphore_mem>>) src(%arg10 : memref<50x128xf32, #tpu.memory_space<vmem>>) dst(%dma_wait3A_562 : memref<10240x128xf32, #tpu.memory_space<vmem_shared>>)
          %add3A_563 = arith.constant 5 : i32
          %add3A_564 = arith.addi %add3A_512, %add3A_563 : i32
          %dma_start3A_565 = arith.constant 0 : i32
          %dma_start3A_566 = tpu.memref_slice %arg6[%add3A_564, %dma_start3A_565] : memref<40x50xi32, #tpu.memory_space<vmem>> -> memref<1x50xi32, #tpu.memory_space<vmem>>
          %dma_start3A_567 = tpu.memref_squeeze %dma_start3A_566 : memref<1x50xi32, #tpu.memory_space<vmem>> -> memref<50xi32, #tpu.memory_space<vmem>>
          %dma_start3A_568 = arith.constant 0 : i32
          %dma_start3A_569 = arith.constant 0 : i32
          %dma_start3A_570 = tpu.memref_slice %arg2[%dma_start3A_568, %dma_start3A_569] : memref<10000x128xf32, #tpu.memory_space<hbm>> -> memref<10000x128xf32, #tpu.memory_space<hbm>>
          tpu.enqueue_indirect_dma source(%dma_start3A_570 : memref<10000x128xf32, #tpu.memory_space<hbm>>) target(%arg10 : memref<50x128xf32, #tpu.memory_space<vmem>>) offsets(%dma_start3A_567 : memref<50xi32, #tpu.memory_space<vmem>>) semaphore(%arg16 : memref<!tpu.dma_semaphore, #tpu.memory_space<semaphore_mem>>)
        } else {
        }
        %mul3A_525 = arith.constant 5 : i32
        %mul3A_526 = arith.muli %mul3A_525, %scan3A_479 : i32
        %add3A_527 = arith.constant 3 : i32
        %add3A_528 = arith.addi %mul3A_526, %add3A_527 : i32
        %lt3A_529 = arith.constant 40 : i32
        %lt3A_530 = arith.cmpi slt, %add3A_528, %lt3A_529 : i32
        %convert_element_type3A_531 = arith.extui %lt3A_530 : i1 to i32
        %cond3A_532 = arith.constant 0 : i32
        %cond3A_533 = arith.cmpi ne, %convert_element_type3A_531, %cond3A_532 : i32
        scf.if %cond3A_533 {
          %dma_wait3A_557 = arith.constant 0 : i32
          %dma_wait3A_558 = tpu.memref_slice %arg6[%add3A_528, %dma_wait3A_557] : memref<40x50xi32, #tpu.memory_space<vmem>> -> memref<1x50xi32, #tpu.memory_space<vmem>>
          %dma_wait3A_559 = tpu.memref_squeeze %dma_wait3A_558 : memref<1x50xi32, #tpu.memory_space<vmem>> -> memref<50xi32, #tpu.memory_space<vmem>>
          %dma_wait3A_560 = arith.constant 0 : i32
          %dma_wait3A_561 = arith.constant 0 : i32
          %dma_wait3A_562 = tpu.memref_slice %arg2[%dma_wait3A_560, %dma_wait3A_561] : memref<10000x128xf32, #tpu.memory_space<hbm>> -> memref<10000x128xf32, #tpu.memory_space<hbm>>
          tpu.wait_indirect_dma semaphore(%arg17 : memref<!tpu.dma_semaphore, #tpu.memory_space<semaphore_mem>>) src(%dma_wait3A_562 : memref<10000x128xf32, #tpu.memory_space<hbm>>) dst(%arg11 : memref<50x128xf32, #tpu.memory_space<vmem>>)
          %dma_start3A_563 = arith.constant 0 : i32
          %dma_start3A_564 = tpu.memref_slice %arg7[%add3A_528, %dma_start3A_563] : memref<40x50xi32, #tpu.memory_space<vmem>> -> memref<1x50xi32, #tpu.memory_space<vmem>>
          %dma_start3A_565 = tpu.memref_squeeze %dma_start3A_564 : memref<1x50xi32, #tpu.memory_space<vmem>> -> memref<50xi32, #tpu.memory_space<vmem>>
          %dma_start3A_566 = arith.constant 0 : i32
          %dma_start3A_567 = arith.constant 0 : i32
          %dma_start3A_568 = tpu.memref_slice %arg13[%dma_start3A_566, %dma_start3A_567] : memref<10240x128xf32, #tpu.memory_space<vmem_shared>> -> memref<10240x128xf32, #tpu.memory_space<vmem_shared>>
          tpu.enqueue_indirect_dma source(%arg11 : memref<50x128xf32, #tpu.memory_space<vmem>>) target(%dma_start3A_568 : memref<10240x128xf32, #tpu.memory_space<vmem_shared>>) offsets(%dma_start3A_565 : memref<50xi32, #tpu.memory_space<vmem>>) semaphore(%arg22 : memref<!tpu.dma_semaphore, #tpu.memory_space<semaphore_mem>>) {add = true}
        } else {
        }
        %add3A_534 = arith.constant 5 : i32
        %add3A_535 = arith.addi %add3A_528, %add3A_534 : i32
        %lt3A_536 = arith.constant 40 : i32
        %lt3A_537 = arith.cmpi slt, %add3A_535, %lt3A_536 : i32
        %convert_element_type3A_538 = arith.extui %lt3A_537 : i1 to i32
        %cond3A_539 = arith.constant 0 : i32
        %cond3A_540 = arith.cmpi ne, %convert_element_type3A_538, %cond3A_539 : i32
        scf.if %cond3A_540 {
          %dma_wait3A_557 = arith.constant 0 : i32
          %dma_wait3A_558 = tpu.memref_slice %arg7[%add3A_528, %dma_wait3A_557] : memref<40x50xi32, #tpu.memory_space<vmem>> -> memref<1x50xi32, #tpu.memory_space<vmem>>
          %dma_wait3A_559 = tpu.memref_squeeze %dma_wait3A_558 : memref<1x50xi32, #tpu.memory_space<vmem>> -> memref<50xi32, #tpu.memory_space<vmem>>
          %dma_wait3A_560 = arith.constant 0 : i32
          %dma_wait3A_561 = arith.constant 0 : i32
          %dma_wait3A_562 = tpu.memref_slice %arg13[%dma_wait3A_560, %dma_wait3A_561] : memref<10240x128xf32, #tpu.memory_space<vmem_shared>> -> memref<10240x128xf32, #tpu.memory_space<vmem_shared>>
          tpu.wait_indirect_dma semaphore(%arg22 : memref<!tpu.dma_semaphore, #tpu.memory_space<semaphore_mem>>) src(%arg11 : memref<50x128xf32, #tpu.memory_space<vmem>>) dst(%dma_wait3A_562 : memref<10240x128xf32, #tpu.memory_space<vmem_shared>>)
          %add3A_563 = arith.constant 5 : i32
          %add3A_564 = arith.addi %add3A_528, %add3A_563 : i32
          %dma_start3A_565 = arith.constant 0 : i32
          %dma_start3A_566 = tpu.memref_slice %arg6[%add3A_564, %dma_start3A_565] : memref<40x50xi32, #tpu.memory_space<vmem>> -> memref<1x50xi32, #tpu.memory_space<vmem>>
          %dma_start3A_567 = tpu.memref_squeeze %dma_start3A_566 : memref<1x50xi32, #tpu.memory_space<vmem>> -> memref<50xi32, #tpu.memory_space<vmem>>
          %dma_start3A_568 = arith.constant 0 : i32
          %dma_start3A_569 = arith.constant 0 : i32
          %dma_start3A_570 = tpu.memref_slice %arg2[%dma_start3A_568, %dma_start3A_569] : memref<10000x128xf32, #tpu.memory_space<hbm>> -> memref<10000x128xf32, #tpu.memory_space<hbm>>
          tpu.enqueue_indirect_dma source(%dma_start3A_570 : memref<10000x128xf32, #tpu.memory_space<hbm>>) target(%arg11 : memref<50x128xf32, #tpu.memory_space<vmem>>) offsets(%dma_start3A_567 : memref<50xi32, #tpu.memory_space<vmem>>) semaphore(%arg17 : memref<!tpu.dma_semaphore, #tpu.memory_space<semaphore_mem>>)
        } else {
        }
        %mul3A_541 = arith.constant 5 : i32
        %mul3A_542 = arith.muli %mul3A_541, %scan3A_479 : i32
        %add3A_543 = arith.constant 4 : i32
        %add3A_544 = arith.addi %mul3A_542, %add3A_543 : i32
        %lt3A_545 = arith.constant 40 : i32
        %lt3A_546 = arith.cmpi slt, %add3A_544, %lt3A_545 : i32
        %convert_element_type3A_547 = arith.extui %lt3A_546 : i1 to i32
        %cond3A_548 = arith.constant 0 : i32
        %cond3A_549 = arith.cmpi ne, %convert_element_type3A_547, %cond3A_548 : i32
        scf.if %cond3A_549 {
          %dma_wait3A_557 = arith.constant 0 : i32
          %dma_wait3A_558 = tpu.memref_slice %arg6[%add3A_544, %dma_wait3A_557] : memref<40x50xi32, #tpu.memory_space<vmem>> -> memref<1x50xi32, #tpu.memory_space<vmem>>
          %dma_wait3A_559 = tpu.memref_squeeze %dma_wait3A_558 : memref<1x50xi32, #tpu.memory_space<vmem>> -> memref<50xi32, #tpu.memory_space<vmem>>
          %dma_wait3A_560 = arith.constant 0 : i32
          %dma_wait3A_561 = arith.constant 0 : i32
          %dma_wait3A_562 = tpu.memref_slice %arg2[%dma_wait3A_560, %dma_wait3A_561] : memref<10000x128xf32, #tpu.memory_space<hbm>> -> memref<10000x128xf32, #tpu.memory_space<hbm>>
          tpu.wait_indirect_dma semaphore(%arg18 : memref<!tpu.dma_semaphore, #tpu.memory_space<semaphore_mem>>) src(%dma_wait3A_562 : memref<10000x128xf32, #tpu.memory_space<hbm>>) dst(%arg12 : memref<50x128xf32, #tpu.memory_space<vmem>>)
          %dma_start3A_563 = arith.constant 0 : i32
          %dma_start3A_564 = tpu.memref_slice %arg7[%add3A_544, %dma_start3A_563] : memref<40x50xi32, #tpu.memory_space<vmem>> -> memref<1x50xi32, #tpu.memory_space<vmem>>
          %dma_start3A_565 = tpu.memref_squeeze %dma_start3A_564 : memref<1x50xi32, #tpu.memory_space<vmem>> -> memref<50xi32, #tpu.memory_space<vmem>>
          %dma_start3A_566 = arith.constant 0 : i32
          %dma_start3A_567 = arith.constant 0 : i32
          %dma_start3A_568 = tpu.memref_slice %arg13[%dma_start3A_566, %dma_start3A_567] : memref<10240x128xf32, #tpu.memory_space<vmem_shared>> -> memref<10240x128xf32, #tpu.memory_space<vmem_shared>>
          tpu.enqueue_indirect_dma source(%arg12 : memref<50x128xf32, #tpu.memory_space<vmem>>) target(%dma_start3A_568 : memref<10240x128xf32, #tpu.memory_space<vmem_shared>>) offsets(%dma_start3A_565 : memref<50xi32, #tpu.memory_space<vmem>>) semaphore(%arg23 : memref<!tpu.dma_semaphore, #tpu.memory_space<semaphore_mem>>) {add = true}
        } else {
        }
        %add3A_550 = arith.constant 5 : i32
        %add3A_551 = arith.addi %add3A_544, %add3A_550 : i32
        %lt3A_552 = arith.constant 40 : i32
        %lt3A_553 = arith.cmpi slt, %add3A_551, %lt3A_552 : i32
        %convert_element_type3A_554 = arith.extui %lt3A_553 : i1 to i32
        %cond3A_555 = arith.constant 0 : i32
        %cond3A_556 = arith.cmpi ne, %convert_element_type3A_554, %cond3A_555 : i32
        scf.if %cond3A_556 {
          %dma_wait3A_557 = arith.constant 0 : i32
          %dma_wait3A_558 = tpu.memref_slice %arg7[%add3A_544, %dma_wait3A_557] : memref<40x50xi32, #tpu.memory_space<vmem>> -> memref<1x50xi32, #tpu.memory_space<vmem>>
          %dma_wait3A_559 = tpu.memref_squeeze %dma_wait3A_558 : memref<1x50xi32, #tpu.memory_space<vmem>> -> memref<50xi32, #tpu.memory_space<vmem>>
          %dma_wait3A_560 = arith.constant 0 : i32
          %dma_wait3A_561 = arith.constant 0 : i32
          %dma_wait3A_562 = tpu.memref_slice %arg13[%dma_wait3A_560, %dma_wait3A_561] : memref<10240x128xf32, #tpu.memory_space<vmem_shared>> -> memref<10240x128xf32, #tpu.memory_space<vmem_shared>>
          tpu.wait_indirect_dma semaphore(%arg23 : memref<!tpu.dma_semaphore, #tpu.memory_space<semaphore_mem>>) src(%arg12 : memref<50x128xf32, #tpu.memory_space<vmem>>) dst(%dma_wait3A_562 : memref<10240x128xf32, #tpu.memory_space<vmem_shared>>)
          %add3A_563 = arith.constant 5 : i32
          %add3A_564 = arith.addi %add3A_544, %add3A_563 : i32
          %dma_start3A_565 = arith.constant 0 : i32
          %dma_start3A_566 = tpu.memref_slice %arg6[%add3A_564, %dma_start3A_565] : memref<40x50xi32, #tpu.memory_space<vmem>> -> memref<1x50xi32, #tpu.memory_space<vmem>>
          %dma_start3A_567 = tpu.memref_squeeze %dma_start3A_566 : memref<1x50xi32, #tpu.memory_space<vmem>> -> memref<50xi32, #tpu.memory_space<vmem>>
          %dma_start3A_568 = arith.constant 0 : i32
          %dma_start3A_569 = arith.constant 0 : i32
          %dma_start3A_570 = tpu.memref_slice %arg2[%dma_start3A_568, %dma_start3A_569] : memref<10000x128xf32, #tpu.memory_space<hbm>> -> memref<10000x128xf32, #tpu.memory_space<hbm>>
          tpu.enqueue_indirect_dma source(%dma_start3A_570 : memref<10000x128xf32, #tpu.memory_space<hbm>>) target(%arg12 : memref<50x128xf32, #tpu.memory_space<vmem>>) offsets(%dma_start3A_567 : memref<50xi32, #tpu.memory_space<vmem>>) semaphore(%arg18 : memref<!tpu.dma_semaphore, #tpu.memory_space<semaphore_mem>>)
        } else {
        }
      }
      %scan3A_443 = arith.constant 8 : i32
      %dma_wait3A_444 = arith.constant 35 : i32
      %dma_wait3A_445 = arith.constant 0 : i32
      %dma_wait3A_446 = tpu.memref_slice %arg7[%dma_wait3A_444, %dma_wait3A_445] : memref<40x50xi32, #tpu.memory_space<vmem>> -> memref<1x50xi32, #tpu.memory_space<vmem>>
      %dma_wait3A_447 = tpu.memref_squeeze %dma_wait3A_446 : memref<1x50xi32, #tpu.memory_space<vmem>> -> memref<50xi32, #tpu.memory_space<vmem>>
      %dma_wait3A_448 = arith.constant 0 : i32
      %dma_wait3A_449 = arith.constant 0 : i32
      %dma_wait3A_450 = tpu.memref_slice %arg13[%dma_wait3A_448, %dma_wait3A_449] : memref<10240x128xf32, #tpu.memory_space<vmem_shared>> -> memref<10240x128xf32, #tpu.memory_space<vmem_shared>>
      tpu.wait_indirect_dma semaphore(%arg19 : memref<!tpu.dma_semaphore, #tpu.memory_space<semaphore_mem>>) src(%arg8 : memref<50x128xf32, #tpu.memory_space<vmem>>) dst(%dma_wait3A_450 : memref<10240x128xf32, #tpu.memory_space<vmem_shared>>)
      %dma_wait3A_451 = arith.constant 36 : i32
      %dma_wait3A_452 = arith.constant 0 : i32
      %dma_wait3A_453 = tpu.memref_slice %arg7[%dma_wait3A_451, %dma_wait3A_452] : memref<40x50xi32, #tpu.memory_space<vmem>> -> memref<1x50xi32, #tpu.memory_space<vmem>>
      %dma_wait3A_454 = tpu.memref_squeeze %dma_wait3A_453 : memref<1x50xi32, #tpu.memory_space<vmem>> -> memref<50xi32, #tpu.memory_space<vmem>>
      %dma_wait3A_455 = arith.constant 0 : i32
      %dma_wait3A_456 = arith.constant 0 : i32
      %dma_wait3A_457 = tpu.memref_slice %arg13[%dma_wait3A_455, %dma_wait3A_456] : memref<10240x128xf32, #tpu.memory_space<vmem_shared>> -> memref<10240x128xf32, #tpu.memory_space<vmem_shared>>
      tpu.wait_indirect_dma semaphore(%arg20 : memref<!tpu.dma_semaphore, #tpu.memory_space<semaphore_mem>>) src(%arg9 : memref<50x128xf32, #tpu.memory_space<vmem>>) dst(%dma_wait3A_457 : memref<10240x128xf32, #tpu.memory_space<vmem_shared>>)
      %dma_wait3A_458 = arith.constant 37 : i32
      %dma_wait3A_459 = arith.constant 0 : i32
      %dma_wait3A_460 = tpu.memref_slice %arg7[%dma_wait3A_458, %dma_wait3A_459] : memref<40x50xi32, #tpu.memory_space<vmem>> -> memref<1x50xi32, #tpu.memory_space<vmem>>
      %dma_wait3A_461 = tpu.memref_squeeze %dma_wait3A_460 : memref<1x50xi32, #tpu.memory_space<vmem>> -> memref<50xi32, #tpu.memory_space<vmem>>
      %dma_wait3A_462 = arith.constant 0 : i32
      %dma_wait3A_463 = arith.constant 0 : i32
      %dma_wait3A_464 = tpu.memref_slice %arg13[%dma_wait3A_462, %dma_wait3A_463] : memref<10240x128xf32, #tpu.memory_space<vmem_shared>> -> memref<10240x128xf32, #tpu.memory_space<vmem_shared>>
      tpu.wait_indirect_dma semaphore(%arg21 : memref<!tpu.dma_semaphore, #tpu.memory_space<semaphore_mem>>) src(%arg10 : memref<50x128xf32, #tpu.memory_space<vmem>>) dst(%dma_wait3A_464 : memref<10240x128xf32, #tpu.memory_space<vmem_shared>>)
      %dma_wait3A_465 = arith.constant 38 : i32
      %dma_wait3A_466 = arith.constant 0 : i32
      %dma_wait3A_467 = tpu.memref_slice %arg7[%dma_wait3A_465, %dma_wait3A_466] : memref<40x50xi32, #tpu.memory_space<vmem>> -> memref<1x50xi32, #tpu.memory_space<vmem>>
      %dma_wait3A_468 = tpu.memref_squeeze %dma_wait3A_467 : memref<1x50xi32, #tpu.memory_space<vmem>> -> memref<50xi32, #tpu.memory_space<vmem>>
      %dma_wait3A_469 = arith.constant 0 : i32
      %dma_wait3A_470 = arith.constant 0 : i32
      %dma_wait3A_471 = tpu.memref_slice %arg13[%dma_wait3A_469, %dma_wait3A_470] : memref<10240x128xf32, #tpu.memory_space<vmem_shared>> -> memref<10240x128xf32, #tpu.memory_space<vmem_shared>>
      tpu.wait_indirect_dma semaphore(%arg22 : memref<!tpu.dma_semaphore, #tpu.memory_space<semaphore_mem>>) src(%arg11 : memref<50x128xf32, #tpu.memory_space<vmem>>) dst(%dma_wait3A_471 : memref<10240x128xf32, #tpu.memory_space<vmem_shared>>)
      %dma_wait3A_472 = arith.constant 39 : i32
      %dma_wait3A_473 = arith.constant 0 : i32
      %dma_wait3A_474 = tpu.memref_slice %arg7[%dma_wait3A_472, %dma_wait3A_473] : memref<40x50xi32, #tpu.memory_space<vmem>> -> memref<1x50xi32, #tpu.memory_space<vmem>>
      %dma_wait3A_475 = tpu.memref_squeeze %dma_wait3A_474 : memref<1x50xi32, #tpu.memory_space<vmem>> -> memref<50xi32, #tpu.memory_space<vmem>>
      %dma_wait3A_476 = arith.constant 0 : i32
      %dma_wait3A_477 = arith.constant 0 : i32
      %dma_wait3A_478 = tpu.memref_slice %arg13[%dma_wait3A_476, %dma_wait3A_477] : memref<10240x128xf32, #tpu.memory_space<vmem_shared>> -> memref<10240x128xf32, #tpu.memory_space<vmem_shared>>
      tpu.wait_indirect_dma semaphore(%arg23 : memref<!tpu.dma_semaphore, #tpu.memory_space<semaphore_mem>>) src(%arg12 : memref<50x128xf32, #tpu.memory_space<vmem>>) dst(%dma_wait3A_478 : memref<10240x128xf32, #tpu.memory_space<vmem_shared>>)
    }
    %scan3A_400 = arith.constant 5 : i32
    %barrier3A_401 = arith.constant 0 : index
    tpu.barrier barrier_id(%barrier3A_401)
    "tpu.region"() ({
      %run_scoped3A = tpu.sem_alloc : memref<!tpu.dma_semaphore, #tpu.memory_space<semaphore_mem>>
      %dma_start3A_402 = arith.constant 0 : i32
      %dma_start3A_403 = arith.constant 0 : i32
      %dma_start3A_404 = tpu.memref_slice %arg5[%arg0, %dma_start3A_402, %dma_start3A_403] : memref<2x10240x128xf32, #tpu.memory_space<hbm>> -> memref<1x10240x128xf32, #tpu.memory_space<hbm>>
      %dma_start3A_405 = tpu.memref_squeeze %dma_start3A_404 : memref<1x10240x128xf32, #tpu.memory_space<hbm>> -> memref<10240x128xf32, #tpu.memory_space<hbm>>
      %dma_start3A_406 = arith.constant 0 : i32
      %dma_start3A_407 = tpu.memref_slice %dma_start3A_405[%mul3A_8, %dma_start3A_406] : memref<10240x128xf32, #tpu.memory_space<hbm>> -> memref<640x128xf32, #tpu.memory_space<hbm>>
      %dma_start3A_408 = arith.constant 0 : i32
      %dma_start3A_409 = tpu.memref_slice %arg13[%mul3A_8, %dma_start3A_408] : memref<10240x128xf32, #tpu.memory_space<vmem_shared>> -> memref<640x128xf32, #tpu.memory_space<vmem_shared>>
      tpu.enqueue_dma source(%dma_start3A_409 : memref<640x128xf32, #tpu.memory_space<vmem_shared>>) target(%dma_start3A_407 : memref<640x128xf32, #tpu.memory_space<hbm>>) target_semaphore(%run_scoped3A : memref<!tpu.dma_semaphore, #tpu.memory_space<semaphore_mem>>)
      %dma_wait3A_410 = arith.constant 0 : i32
      %dma_wait3A_411 = arith.constant 0 : i32
      %dma_wait3A_412 = tpu.memref_slice %arg5[%arg0, %dma_wait3A_410, %dma_wait3A_411] : memref<2x10240x128xf32, #tpu.memory_space<hbm>> -> memref<1x10240x128xf32, #tpu.memory_space<hbm>>
      %dma_wait3A_413 = tpu.memref_squeeze %dma_wait3A_412 : memref<1x10240x128xf32, #tpu.memory_space<hbm>> -> memref<10240x128xf32, #tpu.memory_space<hbm>>
      %dma_wait3A_414 = arith.constant 0 : i32
      %dma_wait3A_415 = tpu.memref_slice %dma_wait3A_413[%mul3A_8, %dma_wait3A_414] : memref<10240x128xf32, #tpu.memory_space<hbm>> -> memref<640x128xf32, #tpu.memory_space<hbm>>
      %dma_wait3A_416 = arith.constant 0 : i32
      %dma_wait3A_417 = tpu.memref_slice %arg13[%mul3A_8, %dma_wait3A_416] : memref<10240x128xf32, #tpu.memory_space<vmem_shared>> -> memref<640x128xf32, #tpu.memory_space<vmem_shared>>
      tpu.wait_dma2 semaphore(%run_scoped3A : memref<!tpu.dma_semaphore, #tpu.memory_space<semaphore_mem>>) src(%dma_wait3A_417 : memref<640x128xf32, #tpu.memory_space<vmem_shared>>) dst(%dma_wait3A_415 : memref<640x128xf32, #tpu.memory_space<hbm>>)
      tpu.yield
    }) : () -> ()
    return
  }
}

module attributes {stable_mosaic.version = 14 : i64} {
  func.func @_dense1_body(%arg0: i32, %arg1: memref<2x1000x128xf32, #tpu.memory_space<vmem>>, %arg2: memref<1x32x1x1000xf32, #tpu.memory_space<vmem>>, %arg3: memref<1000x128xf32, #tpu.memory_space<vmem>>, %arg4: memref<128x128xf32, #tpu.memory_space<vmem>>, %arg5: memref<1x128xf32, #tpu.memory_space<vmem>>, %arg6: memref<128x128xf32, #tpu.memory_space<vmem>>, %arg7: memref<128x128xf32, #tpu.memory_space<vmem>>, %arg8: memref<1x128xf32, #tpu.memory_space<vmem>>, %arg9: memref<1000x128xf32, #tpu.memory_space<vmem>>, %arg10: memref<1000x128xf32, #tpu.memory_space<vmem>>) attributes {dimension_semantics = [#tpu.dimension_semantics<arbitrary>], iteration_bounds = array<i64: 10>, scalar_prefetch = 0 : i64, scratch_operands = 0 : i64, tpu.core_type = #tpu.core_type<tc>, window_params = [{transform_indices = @transform_0, window_bounds = array<i64: 2, 1000, 128>}, {transform_indices = @transform_1, window_bounds = array<i64: 1, 32, 1, 1000>}, {transform_indices = @transform_2, window_bounds = array<i64: 1000, 128>}, {pipeline_mode = #tpu.pipeline_mode<synchronous>, transform_indices = @transform_3, window_bounds = array<i64: 128, 128>}, {pipeline_mode = #tpu.pipeline_mode<synchronous>, transform_indices = @transform_4, window_bounds = array<i64: 1, 128>}, {pipeline_mode = #tpu.pipeline_mode<synchronous>, transform_indices = @transform_5, window_bounds = array<i64: 128, 128>}, {pipeline_mode = #tpu.pipeline_mode<synchronous>, transform_indices = @transform_6, window_bounds = array<i64: 128, 128>}, {pipeline_mode = #tpu.pipeline_mode<synchronous>, transform_indices = @transform_7, window_bounds = array<i64: 1, 128>}, {transform_indices = @transform_8, window_bounds = array<i64: 1000, 128>}, {transform_indices = @transform_9, window_bounds = array<i64: 1000, 128>}]} {
    %get3A = arith.constant 0 : index
    %get3A_0 = arith.constant 0 : index
    %get3A_1 = arith.constant 0 : index
    %get3A_2 = vector.load %arg1[%get3A, %get3A_0, %get3A_1] : memref<2x1000x128xf32, #tpu.memory_space<vmem>>, vector<1x1000x128xf32>
    %get3A_3 = vector.shape_cast %get3A_2 : vector<1x1000x128xf32> to vector<1000x128xf32>
    %get3A_4 = arith.constant 1 : index
    %get3A_5 = arith.constant 0 : index
    %get3A_6 = arith.constant 0 : index
    %get3A_7 = vector.load %arg1[%get3A_4, %get3A_5, %get3A_6] : memref<2x1000x128xf32, #tpu.memory_space<vmem>>, vector<1x1000x128xf32>
    %get3A_8 = vector.shape_cast %get3A_7 : vector<1x1000x128xf32> to vector<1000x128xf32>
    %add3A = arith.addf %get3A_3, %get3A_8 : vector<1000x128xf32>
    %get3A_9 = arith.constant 0 : index
    %get3A_10 = arith.constant 0 : index
    %get3A_11 = arith.constant 0 : index
    %get3A_12 = arith.constant 0 : index
    %get3A_13 = vector.load %arg2[%get3A_9, %get3A_10, %get3A_11, %get3A_12] : memref<1x32x1x1000xf32, #tpu.memory_space<vmem>>, vector<1x32x1x1000xf32>
    %reduce_sum3A = arith.constant dense<0.000000e+00> : vector<1000xf32>
    %reduce_sum3A_14 = vector.multi_reduction <add>, %get3A_13, %reduce_sum3A [0, 1, 2] : vector<1x32x1x1000xf32> to vector<1000xf32>
    %max3A = arith.constant 1.000000e+00 : f32
    %max3A_15 = vector.broadcast %max3A : f32 to vector<1000xf32>
    %max3A_16 = arith.maximumf %reduce_sum3A_14, %max3A_15 : vector<1000xf32>
    %broadcast_in_dim3A = vector.shape_cast %max3A_16 : vector<1000xf32> to vector<1000x1xf32>
    %div3A = vector.broadcast %broadcast_in_dim3A : vector<1000x1xf32> to vector<1000x128xf32>
    %div3A_17 = arith.divf %add3A, %div3A : vector<1000x128xf32>
    %get3A_18 = arith.constant 0 : index
    %get3A_19 = arith.constant 0 : index
    %get3A_20 = vector.load %arg4[%get3A_18, %get3A_19] : memref<128x128xf32, #tpu.memory_space<vmem>>, vector<128x128xf32>
    %dot_general3A = arith.constant dense<0.000000e+00> : vector<1000x128xf32>
    %dot_general3A_21 = tpu.matmul %div3A_17, %get3A_20, %dot_general3A {dimension_numbers = #tpu.dot_dimension_numbers<[1], [1], [0], [0], [0, 0, 1, 0], [], []>, transpose_lhs_hint = false} : vector<1000x128xf32>, vector<128x128xf32>, vector<1000x128xf32> -> vector<1000x128xf32>
    %get3A_22 = arith.constant 0 : index
    %get3A_23 = arith.constant 0 : index
    %get3A_24 = vector.load %arg3[%get3A_22, %get3A_23] : memref<1000x128xf32, #tpu.memory_space<vmem>>, vector<1000x128xf32>
    %get3A_25 = arith.constant 0 : index
    %get3A_26 = arith.constant 0 : index
    %get3A_27 = vector.load %arg6[%get3A_25, %get3A_26] : memref<128x128xf32, #tpu.memory_space<vmem>>, vector<128x128xf32>
    %dot_general3A_28 = arith.constant dense<0.000000e+00> : vector<1000x128xf32>
    %dot_general3A_29 = tpu.matmul %get3A_24, %get3A_27, %dot_general3A_28 {dimension_numbers = #tpu.dot_dimension_numbers<[1], [1], [0], [0], [0, 0, 1, 0], [], []>, transpose_lhs_hint = false} : vector<1000x128xf32>, vector<128x128xf32>, vector<1000x128xf32> -> vector<1000x128xf32>
    %add3A_30 = arith.addf %dot_general3A_21, %dot_general3A_29 : vector<1000x128xf32>
    %get3A_31 = arith.constant 0 : index
    %get3A_32 = arith.constant 0 : index
    %get3A_33 = vector.load %arg5[%get3A_31, %get3A_32] : memref<1x128xf32, #tpu.memory_space<vmem>>, vector<1x128xf32>
    %add3A_34 = vector.broadcast %get3A_33 : vector<1x128xf32> to vector<1000x128xf32>
    %add3A_35 = arith.addf %add3A_30, %add3A_34 : vector<1000x128xf32>
    %max3A_36 = arith.constant 0.000000e+00 : f32
    %max3A_37 = vector.broadcast %max3A_36 : f32 to vector<1000x128xf32>
    %max3A_38 = arith.maximumf %add3A_35, %max3A_37 : vector<1000x128xf32>
    %swap3A = arith.constant 0 : index
    %swap3A_39 = arith.constant 0 : index
    %swap3A_40 = vector.load %arg9[%swap3A, %swap3A_39] : memref<1000x128xf32, #tpu.memory_space<vmem>>, vector<1000x128xf32>
    tpu.vector_store %arg9[%swap3A, %swap3A_39], %max3A_38 {strides = array<i32>} : memref<1000x128xf32, #tpu.memory_space<vmem>>, vector<1000x128xf32>,
    %get3A_41 = arith.constant 0 : index
    %get3A_42 = arith.constant 0 : index
    %get3A_43 = vector.load %arg7[%get3A_41, %get3A_42] : memref<128x128xf32, #tpu.memory_space<vmem>>, vector<128x128xf32>
    %dot_general3A_44 = arith.constant dense<0.000000e+00> : vector<1000x128xf32>
    %dot_general3A_45 = tpu.matmul %max3A_38, %get3A_43, %dot_general3A_44 {dimension_numbers = #tpu.dot_dimension_numbers<[1], [1], [0], [0], [0, 0, 1, 0], [], []>, transpose_lhs_hint = false} : vector<1000x128xf32>, vector<128x128xf32>, vector<1000x128xf32> -> vector<1000x128xf32>
    %get3A_46 = arith.constant 0 : index
    %get3A_47 = arith.constant 0 : index
    %get3A_48 = vector.load %arg8[%get3A_46, %get3A_47] : memref<1x128xf32, #tpu.memory_space<vmem>>, vector<1x128xf32>
    %add3A_49 = vector.broadcast %get3A_48 : vector<1x128xf32> to vector<1000x128xf32>
    %add3A_50 = arith.addf %dot_general3A_45, %add3A_49 : vector<1000x128xf32>
    %swap3A_51 = arith.constant 0 : index
    %swap3A_52 = arith.constant 0 : index
    %swap3A_53 = vector.load %arg10[%swap3A_51, %swap3A_52] : memref<1000x128xf32, #tpu.memory_space<vmem>>, vector<1000x128xf32>
    tpu.vector_store %arg10[%swap3A_51, %swap3A_52], %add3A_50 {strides = array<i32>} : memref<1000x128xf32, #tpu.memory_space<vmem>>, vector<1000x128xf32>,
    return
  }
  func.func @transform_0(%arg0: i32) -> (i32, i32, i32) {
    %c0_i32 = arith.constant 0 : i32
    %c0_i32_0 = arith.constant 0 : i32
    %c0_i32_1 = arith.constant 0 : i32
    return %c0_i32, %arg0, %c0_i32_0 : i32, i32, i32
  }
  func.func @transform_1(%arg0: i32) -> (i32, i32, i32, i32) {
    %c0_i32 = arith.constant 0 : i32
    %c0_i32_0 = arith.constant 0 : i32
    %c0_i32_1 = arith.constant 0 : i32
    %c0_i32_2 = arith.constant 0 : i32
    return %arg0, %c0_i32, %c0_i32_0, %c0_i32_1 : i32, i32, i32, i32
  }
  func.func @transform_2(%arg0: i32) -> (i32, i32) {
    %c0_i32 = arith.constant 0 : i32
    %c0_i32_0 = arith.constant 0 : i32
    return %arg0, %c0_i32 : i32, i32
  }
  func.func @transform_3(%arg0: i32) -> (i32, i32) {
    %c0_i32 = arith.constant 0 : i32
    %c0_i32_0 = arith.constant 0 : i32
    %c0_i32_1 = arith.constant 0 : i32
    return %c0_i32, %c0_i32_0 : i32, i32
  }
  func.func @transform_4(%arg0: i32) -> (i32, i32) {
    %c0_i32 = arith.constant 0 : i32
    %c0_i32_0 = arith.constant 0 : i32
    %c0_i32_1 = arith.constant 0 : i32
    return %c0_i32, %c0_i32_0 : i32, i32
  }
  func.func @transform_5(%arg0: i32) -> (i32, i32) {
    %c0_i32 = arith.constant 0 : i32
    %c0_i32_0 = arith.constant 0 : i32
    %c0_i32_1 = arith.constant 0 : i32
    return %c0_i32, %c0_i32_0 : i32, i32
  }
  func.func @transform_6(%arg0: i32) -> (i32, i32) {
    %c0_i32 = arith.constant 0 : i32
    %c0_i32_0 = arith.constant 0 : i32
    %c0_i32_1 = arith.constant 0 : i32
    return %c0_i32, %c0_i32_0 : i32, i32
  }
  func.func @transform_7(%arg0: i32) -> (i32, i32) {
    %c0_i32 = arith.constant 0 : i32
    %c0_i32_0 = arith.constant 0 : i32
    %c0_i32_1 = arith.constant 0 : i32
    return %c0_i32, %c0_i32_0 : i32, i32
  }
  func.func @transform_8(%arg0: i32) -> (i32, i32) {
    %c0_i32 = arith.constant 0 : i32
    %c0_i32_0 = arith.constant 0 : i32
    return %arg0, %c0_i32 : i32, i32
  }
  func.func @transform_9(%arg0: i32) -> (i32, i32) {
    %c0_i32 = arith.constant 0 : i32
    %c0_i32_0 = arith.constant 0 : i32
    return %arg0, %c0_i32 : i32, i32
  }
}

module attributes {stable_mosaic.version = 14 : i64} {
  func.func @_fin_body(%arg0: i32, %arg1: memref<2x1000x128xf32, #tpu.memory_space<vmem>>, %arg2: memref<1x32x1x1000xf32, #tpu.memory_space<vmem>>, %arg3: memref<1000x128xf32, #tpu.memory_space<vmem>>, %arg4: memref<128x128xf32, #tpu.memory_space<vmem>>, %arg5: memref<1000x128xf32, #tpu.memory_space<vmem>>) attributes {dimension_semantics = [#tpu.dimension_semantics<arbitrary>], iteration_bounds = array<i64: 10>, scalar_prefetch = 0 : i64, scratch_operands = 0 : i64, tpu.core_type = #tpu.core_type<tc>, window_params = [{transform_indices = @transform_0, window_bounds = array<i64: 2, 1000, 128>}, {transform_indices = @transform_1, window_bounds = array<i64: 1, 32, 1, 1000>}, {transform_indices = @transform_2, window_bounds = array<i64: 1000, 128>}, {pipeline_mode = #tpu.pipeline_mode<synchronous>, transform_indices = @transform_3, window_bounds = array<i64: 128, 128>}, {transform_indices = @transform_4, window_bounds = array<i64: 1000, 128>}]} {
    %get3A = arith.constant 0 : index
    %get3A_0 = arith.constant 0 : index
    %get3A_1 = arith.constant 0 : index
    %get3A_2 = vector.load %arg1[%get3A, %get3A_0, %get3A_1] : memref<2x1000x128xf32, #tpu.memory_space<vmem>>, vector<1x1000x128xf32>
    %get3A_3 = vector.shape_cast %get3A_2 : vector<1x1000x128xf32> to vector<1000x128xf32>
    %get3A_4 = arith.constant 1 : index
    %get3A_5 = arith.constant 0 : index
    %get3A_6 = arith.constant 0 : index
    %get3A_7 = vector.load %arg1[%get3A_4, %get3A_5, %get3A_6] : memref<2x1000x128xf32, #tpu.memory_space<vmem>>, vector<1x1000x128xf32>
    %get3A_8 = vector.shape_cast %get3A_7 : vector<1x1000x128xf32> to vector<1000x128xf32>
    %add3A = arith.addf %get3A_3, %get3A_8 : vector<1000x128xf32>
    %get3A_9 = arith.constant 0 : index
    %get3A_10 = arith.constant 0 : index
    %get3A_11 = arith.constant 0 : index
    %get3A_12 = arith.constant 0 : index
    %get3A_13 = vector.load %arg2[%get3A_9, %get3A_10, %get3A_11, %get3A_12] : memref<1x32x1x1000xf32, #tpu.memory_space<vmem>>, vector<1x32x1x1000xf32>
    %reduce_sum3A = arith.constant dense<0.000000e+00> : vector<1000xf32>
    %reduce_sum3A_14 = vector.multi_reduction <add>, %get3A_13, %reduce_sum3A [0, 1, 2] : vector<1x32x1x1000xf32> to vector<1000xf32>
    %max3A = arith.constant 1.000000e+00 : f32
    %max3A_15 = vector.broadcast %max3A : f32 to vector<1000xf32>
    %max3A_16 = arith.maximumf %reduce_sum3A_14, %max3A_15 : vector<1000xf32>
    %broadcast_in_dim3A = vector.shape_cast %max3A_16 : vector<1000xf32> to vector<1000x1xf32>
    %div3A = vector.broadcast %broadcast_in_dim3A : vector<1000x1xf32> to vector<1000x128xf32>
    %div3A_17 = arith.divf %add3A, %div3A : vector<1000x128xf32>
    %get3A_18 = arith.constant 0 : index
    %get3A_19 = arith.constant 0 : index
    %get3A_20 = vector.load %arg4[%get3A_18, %get3A_19] : memref<128x128xf32, #tpu.memory_space<vmem>>, vector<128x128xf32>
    %dot_general3A = arith.constant dense<0.000000e+00> : vector<1000x128xf32>
    %dot_general3A_21 = tpu.matmul %div3A_17, %get3A_20, %dot_general3A {dimension_numbers = #tpu.dot_dimension_numbers<[1], [1], [0], [0], [0, 0, 1, 0], [], []>, transpose_lhs_hint = false} : vector<1000x128xf32>, vector<128x128xf32>, vector<1000x128xf32> -> vector<1000x128xf32>
    %get3A_22 = arith.constant 0 : index
    %get3A_23 = arith.constant 0 : index
    %get3A_24 = vector.load %arg3[%get3A_22, %get3A_23] : memref<1000x128xf32, #tpu.memory_space<vmem>>, vector<1000x128xf32>
    %add3A_25 = arith.addf %dot_general3A_21, %get3A_24 : vector<1000x128xf32>
    %swap3A = arith.constant 0 : index
    %swap3A_26 = arith.constant 0 : index
    %swap3A_27 = vector.load %arg5[%swap3A, %swap3A_26] : memref<1000x128xf32, #tpu.memory_space<vmem>>, vector<1000x128xf32>
    tpu.vector_store %arg5[%swap3A, %swap3A_26], %add3A_25 {strides = array<i32>} : memref<1000x128xf32, #tpu.memory_space<vmem>>, vector<1000x128xf32>,
    return
  }
  func.func @transform_0(%arg0: i32) -> (i32, i32, i32) {
    %c0_i32 = arith.constant 0 : i32
    %c0_i32_0 = arith.constant 0 : i32
    %c0_i32_1 = arith.constant 0 : i32
    return %c0_i32, %arg0, %c0_i32_0 : i32, i32, i32
  }
  func.func @transform_1(%arg0: i32) -> (i32, i32, i32, i32) {
    %c0_i32 = arith.constant 0 : i32
    %c0_i32_0 = arith.constant 0 : i32
    %c0_i32_1 = arith.constant 0 : i32
    %c0_i32_2 = arith.constant 0 : i32
    return %arg0, %c0_i32, %c0_i32_0, %c0_i32_1 : i32, i32, i32, i32
  }
  func.func @transform_2(%arg0: i32) -> (i32, i32) {
    %c0_i32 = arith.constant 0 : i32
    %c0_i32_0 = arith.constant 0 : i32
    return %arg0, %c0_i32 : i32, i32
  }
  func.func @transform_3(%arg0: i32) -> (i32, i32) {
    %c0_i32 = arith.constant 0 : i32
    %c0_i32_0 = arith.constant 0 : i32
    %c0_i32_1 = arith.constant 0 : i32
    return %c0_i32, %c0_i32_0 : i32, i32
  }
  func.func @transform_4(%arg0: i32) -> (i32, i32) {
    %c0_i32 = arith.constant 0 : i32
    %c0_i32_0 = arith.constant 0 : i32
    return %arg0, %c0_i32 : i32, i32
  }
}

</mosaic_0001>

<sc_bundles>
// kernel: kernel.6.cloned.1.call-start
scs
__scs_entry_jumppad:
0x0: {  	(pc) =	sbr.rel $0x88, $3  }
0x1: {  	(tag) =	ssettag $0x0;
	lr =	simm.s32 $0x1  }
0x2: {  	[smem:$0x3F99] =	sst lr;
	_ =	strace $0xD0000000  }
0x3: {  	_ = 	snop  }
0x4: {  	_ = 	snop  }
0x5: {  	_ = 	snop  }
0x6: {  	_ = 	snop  }
0x7: {  	_ = 	snop  }
__scs_overlays_trampoline_lowered:
0x8: {  	[smem:$0x3FA8] =	sst s0  }
0x9: {  	[smem:$0x3FA9] =	sst s1  }
0xa: {  	[smem:$0x3FAA] =	sst s2  }
0xb: {  	[smem:$0x3FAB] =	sst s3  }
0xc: {  	[smem:$0x3FAC] =	sst s4  }
0xd: {  	[smem:$0x3FAD] =	sst s5  }
0xe: {  	[smem:$0x3FAE] =	sst s6  }
0xf: {  	[smem:$0x3FAF] =	sst s7  }
0x10: {  	[smem:$0x3FB0] =	sst s8  }
0x11: {  	[smem:$0x3FB1] =	sst s9;
	s0 =	simm.s32 @!p0 $0x0  }
0x12: {  	s1 =	sld [smem:$0x3F97];
	s0 =	simm.s32 @p0 $0x1  }
0x13: {  	[smem:$0x3FB2] =	sst s0;
	s0 =	simm.s32 @!p1 $0x0  }
0x14: {  	s2 =	sld [smem:$0x3F96];
	s0 =	simm.s32 @p1 $0x1  }
0x15: {  	[smem:$0x3FB3] =	sst s0;
	s0 =	simm.s32 @!p2 $0x0  }
0x16: {  	s3 =	sld [smem:$0x3FDB];
	s0 =	simm.s32 @p2 $0x1  }
0x17: {  	s4 =	simm.s32 $0x1BF5;
	[smem:$0x3FB5] =	sst s0  }
0x18: {  	s0 =	sld [smem:$0x3F98];
	_ =	swait.ge [sflag:s4], $0x0  }
0x19: {  	s7 =	sld [smem:$0x3F99]  }
0x1a: {  	s8 =	sadd.s32 $0xFFFFE003, lr  }
0x1b: {  	s9 =	sadd.s32 $0xFFFFFEF7, lr;
	s5 =	simm.s32 $0xFFFFFFFF;
	p2 =	slt.u32 s8, $0xFFFFF086  }
0x1c: {  	p1 =	slt.u32 s9, $0xF7A;
	s5 =	simm.s32 @!p2 $0x0  }
0x1d: {  	s5 =	simm.s32 @p1 $0x1;
	p0 =	seq.s32 s7, s2  }
0x1e: {  	s7 =	smul.u32 @!p0 $0xF7A, s2;
	p2 =	seq.s32 @!p0 s5, $0x0  }
0x1f: {  	s9 =	smul.u32 $0xF7A, s1;
	s8 =	simm.s32 @!p0 $0x1BF5;
	p2 =	por !p2, p0  }
0x20: {  	[sflag:s8] =	ssyncset.s32 @!p0 $0xFFFFF086;
	s6 =	sadd.s32 @!p0 s3, s7;
	s7 =	simm.s32 @!p0 $0x108  }
0x21: {  	s3 =	sadd.s32 s3, s9;
	s6 =	sadd.s32 @!p0 $0x88, s6;
	s7 =	simm.s32 @p2 $0x1082  }
0x22: {  	[simem:s7], [sflag:s8] =	dma.local @!p0 [hbm:s6], $0xF7A  }
0x23: {  	s9 =	sor.u32 $0xD0000000, s2;
	s6 =	simm.s32 $0x108;
	_ =	swait.ge @!p0 [sflag:s8], $0x0  }
0x24: {  	s3 =	sadd.s32 $0x88, s3;
	s6 =	simm.s32 @!p1 $0x1082;
	[sflag:s4] =	ssyncset.s32 $0xFFFFF086  }
0x25: {  	[simem:s6], [sflag:s4] =	dma.local [hbm:s3], $0xF7A  }
0x26: {  	[smem:$0x3F99] =	sst s1;
	(tag) =	ssettag s2;
	_ =	strace s9  }
0x27: {  	s1 =	sld [smem:$0x3FA9]  }
0x28: {  	s2 =	sld [smem:$0x3FAA]  }
0x29: {  	s4 =	sld [smem:$0x3FAC]  }
0x2a: {  	p0 =	seq.s32 s5, $0x0;
	s5 =	sld [smem:$0x3FAD]  }
0x2b: {  	s6 =	sld [smem:$0x3FAE]  }
0x2c: {  	s7 =	sld [smem:$0x3FAF]  }
0x2d: {  	s3 =	simm.s32 $0x108;
	s8 =	sld [smem:$0x3FB0]  }
0x2e: {  	s3 =	simm.s32 @!p0 $0x1082;
	s9 =	sld [smem:$0x3FB1]  }
0x2f: {  	lr =	sadd.s32 s0, s3;
	s0 =	sld [smem:$0x3FA8]  }
0x30: {  	s3 =	sld [smem:$0x3FAB]  }
0x31: {  	[smem:$0x3FB4] =	sst s10  }
0x32: {  	s10 =	sld [smem:$0x3FB2];
	_ =	sdelay $0x3  }
0x33: {  	p0 =	seq.s32 s10, $0x1;
	s10 =	sld [smem:$0x3FB4];
	_ =	sdelay $0x3  }
0x34: {  	[smem:$0x3FB4] =	sst s10  }
0x35: {  	s10 =	sld [smem:$0x3FB3];
	_ =	sdelay $0x3  }
0x36: {  	p1 =	seq.s32 s10, $0x1;
	s10 =	sld [smem:$0x3FB4];
	_ =	sdelay $0x3  }
0x37: {  	[smem:$0x3FB4] =	sst s10  }
0x38: {  	s10 =	sld [smem:$0x3FB5]  }
0x39: {  	_ = 	snop;
	(pc) =	sbr.ind lr, $3  }
0x3a: {  	_ = 	snop  }
0x3b: {  	_ = 	snop  }
0x3c: {  	p2 =	seq.s32 s10, $0x1;
	s10 =	sld [smem:$0x3FB4]  }
0x3d: {  	_ =	shalt  }
0x3e: {  	_ =	shalt  }
0x3f: {  	_ =	shalt  }
0x40: {  	_ =	shalt  }
0x41: {  	_ =	shalt  }
0x42: {  	_ =	shalt  }
0x43: {  	_ =	shalt  }
0x44: {  	_ =	shalt  }
0x45: {  	_ =	shalt  }
0x46: {  	_ =	shalt  }
0x47: {  	_ =	shalt  }
0x48: {  	_ =	shalt  }
0x49: {  	_ =	shalt  }
0x4a: {  	_ =	shalt  }
0x4b: {  	_ =	shalt  }
0x4c: {  	_ =	shalt  }
0x4d: {  	_ =	shalt  }
0x4e: {  	_ =	shalt  }
0x4f: {  	_ =	shalt  }
0x50: {  	_ =	shalt  }
0x51: {  	_ =	shalt  }
0x52: {  	_ =	shalt  }
0x53: {  	_ =	shalt  }
0x54: {  	_ =	shalt  }
0x55: {  	_ =	shalt  }
0x56: {  	_ =	shalt  }
0x57: {  	_ =	shalt  }
0x58: {  	_ =	shalt  }
0x59: {  	_ =	shalt  }
0x5a: {  	_ =	shalt  }
0x5b: {  	_ =	shalt  }
0x5c: {  	_ =	shalt  }
0x5d: {  	_ =	shalt  }
0x5e: {  	_ =	shalt  }
0x5f: {  	_ =	shalt  }
0x60: {  	_ =	shalt  }
0x61: {  	_ =	shalt  }
0x62: {  	_ =	shalt  }
0x63: {  	_ =	shalt  }
0x64: {  	_ =	shalt  }
0x65: {  	_ =	shalt  }
0x66: {  	_ =	shalt  }
0x67: {  	_ =	shalt  }
0x68: {  	_ =	shalt  }
0x69: {  	_ =	shalt  }
0x6a: {  	_ =	shalt  }
0x6b: {  	_ =	shalt  }
0x6c: {  	_ =	shalt  }
0x6d: {  	_ =	shalt  }
0x6e: {  	_ =	shalt  }
0x6f: {  	_ =	shalt  }
0x70: {  	_ =	shalt  }
0x71: {  	_ =	shalt  }
0x72: {  	_ =	shalt  }
0x73: {  	_ =	shalt  }
0x74: {  	_ =	shalt  }
0x75: {  	_ =	shalt  }
0x76: {  	_ =	shalt  }
0x77: {  	_ =	shalt  }
0x78: {  	_ =	shalt  }
0x79: {  	_ =	shalt  }
0x7a: {  	_ =	shalt  }
0x7b: {  	_ =	shalt  }
0x7c: {  	_ =	shalt  }
0x7d: {  	_ =	shalt  }
0x7e: {  	_ =	shalt  }
0x7f: {  	_ =	shalt  }
0x80: {  	_ =	shalt  }
0x81: {  	_ =	shalt  }
0x82: {  	_ =	shalt  }
0x83: {  	_ =	shalt  }
0x84: {  	_ =	shalt  }
0x85: {  	_ =	shalt  }
0x86: {  	_ =	shalt  }
0x87: {  	_ =	shalt  }
.Lfunc_end0:
.L_simem_size_0:
called_computation_lowered:
.L_overlay_start_0:
0x88: {  	s2 =	sld [smem:$0x3FD9]  }
0x89: {  	s3 =	sld [smem:$0x3FFE];
	_ =	sdelay $0x1  }
0x8a: {  	s1 =	srdreg.scid  }
0x8b: {  	s0 =	sand.u32 $0x1, s1  }
0x8c: {  	s17 =	sshll.u32 s0, $0xA;
	s2 =	sadd.s32 s3, s2  }
0x8d: {  	s2 =	sadd.s32 s2, s17  }
0x8e: {  	[smem:$0x3FC0] =	sst s2  }
0x8f: {  	_ = 	snop  }
0x90: {  	s2 =	sld [smem:$0x3FC9]  }
0x91: {  	s18 =	sld [smem:$0x3FD0];
	(tm) =	ssettm $0x1  }
0x92: {  	s4 =	sld [smem:$0x3FFB];
	_ =	sdelay $0x3  }
0x93: {  	_ =	strace s4  }
0x94: {  	s4 =	sld [smem:$0x3FFC];
	_ =	sdelay $0x3  }
0x95: {  	_ =	strace s4  }
0x96: {  	s4 =	sld [smem:$0x3FFD];
	_ =	sdelay $0x3  }
0x97: {  	_ =	strace s4  }
0x98: {  	_ =	strace $0x8FFFFFFF  }
0x99: {  	s19 =	sld [smem:$0x3FDB];
	_ =	sdelay $0x1  }
0x9a: {  	s5 =	simm.s32 $_scs_section_size  }
0x9b: {  	s6 =	simm.s32 $_size__tile_overlayer_lowered;
	s7 =	simm.s32 $_tile_overlayer_lowered  }
0x9c: {  	s22 =	simm.s32 $0x1BFF;
	s21 =	sshll.u32 s7, $0x1;
	s4 =	sadd.s32 s5, s19  }
0x9d: {  	s8 =	simm.s32 $0x0;
	s20 =	sshll.u32 s6, $0x1;
	s6 =	sadd.s32 s21, s4  }
0x9e: {  	[timem:s8], [sflag:s22] =	dma.local [hbm:s6], s20  }
0x9f: {  	_ =	swait.ge [sflag:s22], s20  }
0xa0: {  	s5 =	ssub.s32 $0x0, s20;
	[sflag:s22] =	ssyncset.done $0x0  }
0xa1: {  	[sflag:s22] =	ssyncadd.s32 s5;
	_ =	sdelay $0x1  }
0xa2: {  	s23 =	simm.s32 $0x1B8B  }
0xa3: {  	_ =	swait.ge [sflag:s23], $0x1  }
0xa4: {  	[sflag:s23] =	ssyncset.done $0x0  }
0xa5: {  	s25 =	simm.s32 $0x1B8E;
	s24 =	sld [smem:$0x3FFE];
	[sflag:s23] =	ssyncadd.s32 $0xFFFFFFFF  }
0xa6: {  	s26 =	simm.s32 $execute0_lowered;
	[smem:$0x3FD2] =	sst s25  }
0xa7: {  	s6 =	sshll.u32 s26, $0x1;
	_ =	strace $0x80000046;
	[dreg:$0x1] =	wrdreg $0xFFFFFFFF  }
0xa8: {  	s28 =	simm.s32 $_size_execute0_lowered;
	s4 =	sadd.s32 s4, s6;
	[dreg:$0x0] =	wrdreg $0x0  }
0xa9: {  	s6 =	sshll.u32 s28, $0x1;
	[dreg:$0x2] =	wrdreg s4  }
0xaa: {  	[dreg:$0x3] =	wrdreg s6  }
0xab: {  	[dreg:$0x4] =	wrdreg $0xC0  }
0xac: {  	_ =	task [dreg:s8], $0x5FFFF  }
0xad: {  	[dreg:$0x1] =	wrdreg $0xFFFFFFFF  }
0xae: {  	[dreg:$0x0] =	wrdreg $0x60  }
0xaf: {  	[dreg:$0x2] =	wrdreg s2  }
0xb0: {  	[dreg:$0x3] =	wrdreg s18  }
0xb1: {  	[dreg:$0x4] =	wrdreg s24  }
0xb2: {  	[dreg:$0x5] =	wrdreg $0xAF800  }
0xb3: {  	[dreg:$0x6] =	wrdreg $0x9  }
0xb4: {  	_ =	task.clear_ibuf [dreg:s8], $0x7FFFF;
	_ =	strace $0x90000046  }
0xb5: {  	s29 =	simm.s32 $0x9;
	_ =	strace $0x80000048  }
0xb6: {  	_ =	swait.ge [sflag:s29], $0x1  }
0xb7: {  	[sflag:s29] =	ssyncadd.s32 $0xFFFFFFFF  }
0xb8: {  	_ =	strace $0x90000048  }
0xb9: {  	_ =	sfence  }
0xba: {  	s30 =	sld [smem:$0x0];
	_ =	sdelay $0x2  }
0xbb: {  	s31 =	sshll.u32 s1, $0xD;
	s1 =	sshrl.u32 s1, $0x2  }
0xbc: {  	s3 =	sand.u32 $0x4000, s31;
	s1 =	sadd.s32 s1, s30  }
0xbd: {  	s0 =	sor.u32 s3, s0;
	s1 =	sshll.u32 s1, $0x11  }
0xbe: {  	s0 =	sor.u32 s1, s0  }
0xbf: {  	s0 =	sadd.s32 $0x8F2B, s0  }
0xc0: {  	[sflag:s0] =	ssyncadd.remote.s32 $0x1  }
0xc1: {  	_ =	sfence.sel $0xFFFF  }
0xc2: {  	[dreg:$0x0] =	wrdreg $0xFFFFFFFF;
	(pc) =	sbr.abs _section_cstart, $3  }
0xc3: {  	[dreg:$0x1] =	wrdreg $0xFFFFFFFF  }
0xc4: {  	_ =	task.clear_ibuf [dreg:s8], $0x2FFFF;
	_ =	strace $0x9FFFFFFF  }
0xc5: {  	(tm) =	ssettm $0x7FFFFFFF  }
tec
execute0_lowered:
.L_overlay_start_1:
0x0: {  	(tag) =	ssettag $0x1  }
0x1: {  	s0 =	rddreg [dreg:$0x0]  }
0x2: {  	s2 =	rddreg [dreg:$0x1]  }
0x3: {  	s1 =	srdreg.scid;
	s6 =	rddreg [dreg:$0x2]  }
0x4: {  	s14 =	stileid.u32;
	s3 =	rddreg [dreg:$0x3]  }
0x5: {  	s16 =	simm.s32 $0x0;
	s31 =	simm.s32 $0x0;
	s9 =	smul.u32 $0x50000, s14  }
0x6: {  	s1 =	sand.u32 $0x1, s1;
	[smem:$0x7FF] =	sst s16;
	s24 =	smul.u32 $0x2800, s14  }
0x7: {  	s25 =	sadd.s32 $0x76200, s6;
	s26 =	sadd.s32 $0x77200, s6;
	s28 =	sadd.s32 $0x78200, s6  }
0x8: {  	s15 =	sadd.s32 $0x79200, s6;
	s16 =	sadd.s32 $0x7A200, s6;
	s29 =	sadd.s32 $0x7D200, s6  }
0x9: {  	s4 =	sshll.u32 s1, $0x4;
	s8 =	smul.u32 $0x28000, s1;
	s9 =	sshrl.u32 s9, $0x2  }
0xa: {  	_ =	strace $0x80000047;
	s5 =	sor.u32 s14, s4;
	s4 =	sadd.s32 s9, s3  }
0xb: {  	s1 =	ssub.s32 $0x2, s1;
	s18 =	sadd.s32 $0x1400, s4;
	[dreg:$0x5] =	wrdreg s4  }
0xc: {  	s17 =	sshrl.u32 s1, $0x1;
	s19 =	sadd.s32 $0x2800, s4;
	[dreg:$0x6] =	wrdreg s18  }
0xd: {  	s7 =	smul.u32 $0x1180, s5;
	s20 =	sadd.s32 $0x3C00, s4;
	[dreg:$0x7] =	wrdreg s19  }
0xe: {  	s8 =	sadd.s32 s8, s6;
	s21 =	sadd.s32 $0x5000, s4;
	[dreg:$0x8] =	wrdreg s20  }
0xf: {  	s12 =	sshll.u32 s5, $0x7;
	s22 =	sadd.s32 $0x6400, s4;
	[dreg:$0x9] =	wrdreg s21  }
0x10: {  	s1 =	ssub.s32 s1, s17;
	s30 =	sadd.s32 s12, s25;
	[dreg:$0xa] =	wrdreg s22  }
0x11: {  	s23 =	sadd.s32 $0x25200, s8;
	s8 =	sadd.s32 s12, s28;
	[dreg:$0xc] =	wrdreg s30  }
0x12: {  	s17 =	sadd.s32 $0x7B200, s6;
	s9 =	sadd.s32 s12, s15;
	[dreg:$0xe] =	wrdreg s8  }
0x13: {  	s13 =	sadd.s32 s12, s6;
	s14 =	sadd.s32 s12, s16;
	[dreg:$0xf] =	wrdreg s9  }
0x14: {  	s15 =	sadd.s32 s12, s17;
	s1 =	smax.u32 s1, $0x1;
	[dreg:$0x10] =	wrdreg s14  }
0x15: {  	s25 =	sadd.s32 $0xDC00, s4;
	s28 =	sadd.s32 $0x10400, s4;
	[dreg:$0x11] =	wrdreg s15  }
0x16: {  	s10 =	sadd.s32 s7, s6;
	s11 =	sadd.s32 s2, s7;
	[dreg:$0x17] =	wrdreg s1  }
0x17: {  	s18 =	sadd.s32 $0x7C200, s6;
	s2 =	sadd.s32 s24, s23;
	[dreg:$0x1c] =	wrdreg s25  }
0x18: {  	s6 =	sadd.s32 $0x7E200, s6;
	s7 =	sadd.s32 s12, s26;
	[dreg:$0x1e] =	wrdreg s28  }
0x19: {  	s19 =	sadd.s32 $0x75200, s13;
	s20 =	sadd.s32 $0x8C00, s4;
	[dreg:$0xb] =	wrdreg s2  }
0x1a: {  	s21 =	sadd.s32 $0xA000, s4;
	s22 =	sadd.s32 $0xB400, s4;
	[dreg:$0xd] =	wrdreg s7  }
0x1b: {  	s24 =	sadd.s32 $0xC800, s4;
	s26 =	sadd.s32 $0xF000, s4;
	[dreg:$0x16] =	wrdreg s19  }
0x1c: {  	s30 =	sadd.s32 $0x12C00, s4;
	s8 =	simm.s32 $0x3800;
	[dreg:$0x18] =	wrdreg s20  }
0x1d: {  	s9 =	simm.s32 $0x5;
	s13 =	simm.s32 $0x8;
	[dreg:$0x19] =	wrdreg s21  }
0x1e: {  	s14 =	simm.s32 $0x9;
	s15 =	simm.s32 $0x1C00;
	[dreg:$0x1a] =	wrdreg s22  }
0x1f: {  	s25 =	simm.s32 $0x8800;
	s16 =	sadd.s32 s12, s18;
	[dreg:$0x1b] =	wrdreg s24  }
0x20: {  	s2 =	sadd.s32 s12, s29;
	s17 =	sadd.s32 s12, s6;
	[dreg:$0x1d] =	wrdreg s26  }
0x21: {  	s18 =	sadd.s32 $0x7800, s4;
	s23 =	sadd.s32 $0x2200, s10;
	[smem:$0x7FD] =	sst s30  }
0x22: {  	s29 =	sadd.s32 $0x11800, s4;
	s10 =	simm.s32 $0x6;
	[dreg:$0x12] =	wrdreg s16  }
0x23: {  	s12 =	simm.s32 $0x7;
	s19 =	simm.s32 $0x100;
	[dreg:$0x13] =	wrdreg s2  }
0x24: {  	s20 =	simm.s32 $0x6000;
	s21 =	simm.s32 $0x180;
	[dreg:$0x14] =	wrdreg s17  }
0x25: {  	s22 =	simm.s32 $0x7400;
	s24 =	simm.s32 $0x1;
	[dreg:$0x15] =	wrdreg s18  }
0x26: {  	s26 =	simm.s32 $0x2;
	[dreg:$0x1f] =	wrdreg s29;
	s16 =	simm.s32 $0x28  }
0x27: {  	v0 =	vimm.f32 $0.0e+00;
	v1 =	vimm.f32 $1.000000000e+00;
	vm0 =	vcmask $0x3F20;
	s17 =	simm.s32 $0x80;
	s18 =	simm.s32 $0x4C00;
	s2 =	simm.s32 $0x0  }
.LBB2_1:
0x28: {  	[smem:$0x7FC] =	sst s2;
	s1 =	simm.s32 $0x0;
	s2 =	simm.s32 $0x200  }
.LBB2_2:
0x29: {  	p0 =	sne.s32 s2, $0x4E00;
	[tilespmem:s1+$0x3870] =	vst v0  }
0x2a: {  	[tilespmem:s1+$0x3800] =	vst v0  }
0x2b: {  	[tilespmem:s1+$0x3810] =	vst v0  }
.Ltmp0:
0x2c: {  	[tilespmem:s1+$0x3820] =	vst v0;
	(pc) =	sbr.rel @p0 .LBB2_2-.Ltmp0, $4  }
0x2d: {  	[tilespmem:s1+$0x3830] =	vst v0  }
0x2e: {  	[tilespmem:s1+$0x3840] =	vst v0  }
0x2f: {  	[tilespmem:s1+$0x3850] =	vst v0  }
0x30: {  	[tilespmem:s1+$0x3860] =	vst v0;
	s1 =	sshra.s32 s2, $0x2;
	s2 =	sadd.s32 $0x200, s2  }
0x31: {  	[tilespmem:s1+$0x3870] =	vst v0  }
0x32: {  	[tilespmem:s1+$0x3800] =	vst v0  }
0x33: {  	[tilespmem:s1+$0x3810] =	vst v0  }
0x34: {  	[tilespmem:s1+$0x3820] =	vst v0  }
0x35: {  	[tilespmem:s1+$0x3830] =	vst v0  }
0x36: {  	[tilespmem:s1+$0x3840] =	vst v0  }
0x37: {  	[tilespmem:s1+$0x3850] =	vst v0  }
0x38: {  	[tilespmem:s1+$0x3860] =	vst v0;
	s5 =	rddreg [dreg:$0x7]  }
0x39: {  	[spmem:s4] =	stream.linear.scatter [tilespmem:s8], [sflag:$0x5], $0x1400, $0x38;
	[tilespmem:$0x1EF80] =	vst v63  }
0x3a: {  	s4 =	rddreg [dreg:$0x6]  }
0x3b: {  	[spmem:s4] =	stream.linear.scatter [tilespmem:s8], [sflag:$0x6], $0x1400, $0x38;
	[tilespmem:$0x1EF80] =	vst v63  }
0x3c: {  	s6 =	rddreg [dreg:$0x8]  }
0x3d: {  	[spmem:s5] =	stream.linear.scatter [tilespmem:s8], [sflag:$0x7], $0x1400, $0x38;
	[tilespmem:$0x1EF80] =	vst v63  }
0x3e: {  	s7 =	rddreg [dreg:$0x9]  }
0x3f: {  	[spmem:s6] =	stream.linear.scatter [tilespmem:s8], [sflag:$0x8], $0x1400, $0x38;
	[tilespmem:$0x1EF80] =	vst v63  }
0x40: {  	s28 =	rddreg [dreg:$0xa]  }
0x41: {  	[spmem:s7] =	stream.linear.scatter [tilespmem:s8], [sflag:$0x5], $0x1400, $0x38;
	[tilespmem:$0x1EF80] =	vst v63  }
0x42: {  	s29 =	rddreg [dreg:$0x15]  }
0x43: {  	[spmem:s28] =	stream.linear.scatter [tilespmem:s8], [sflag:$0x6], $0x1400, $0x38;
	[tilespmem:$0x1EF80] =	vst v63  }
0x44: {  	s30 =	rddreg [dreg:$0x18]  }
0x45: {  	[spmem:s29] =	stream.linear.scatter [tilespmem:s8], [sflag:$0x7], $0x1400, $0x38;
	[tilespmem:$0x1EF80] =	vst v63  }
0x46: {  	s2 =	rddreg [dreg:$0x19]  }
0x47: {  	[spmem:s30] =	stream.linear.scatter [tilespmem:s8], [sflag:$0x8], $0x1400, $0x38;
	[tilespmem:$0x1EF80] =	vst v63  }
0x48: {  	s4 =	rddreg [dreg:$0x1a]  }
0x49: {  	[spmem:s2] =	stream.linear.scatter [tilespmem:s8], [sflag:$0x5], $0x1400, $0x38;
	[tilespmem:$0x1EF80] =	vst v63  }
0x4a: {  	s5 =	rddreg [dreg:$0x1b]  }
0x4b: {  	[spmem:s4] =	stream.linear.scatter [tilespmem:s8], [sflag:$0x6], $0x1400, $0x38;
	[tilespmem:$0x1EF80] =	vst v63  }
0x4c: {  	s6 =	rddreg [dreg:$0x1c]  }
0x4d: {  	[spmem:s5] =	stream.linear.scatter [tilespmem:s8], [sflag:$0x7], $0x1400, $0x38;
	[tilespmem:$0x1EF80] =	vst v63  }
0x4e: {  	s7 =	rddreg [dreg:$0x1d]  }
0x4f: {  	[spmem:s6] =	stream.linear.scatter [tilespmem:s8], [sflag:$0x8], $0x1400, $0x38;
	[tilespmem:$0x1EF80] =	vst v63  }
0x50: {  	s28 =	rddreg [dreg:$0x1e]  }
0x51: {  	[spmem:s7] =	stream.linear.scatter [tilespmem:s8], [sflag:$0x5], $0x1400, $0x38;
	[tilespmem:$0x1EF80] =	vst v63  }
0x52: {  	s29 =	rddreg [dreg:$0x1f]  }
0x53: {  	[spmem:s28] =	stream.linear.scatter [tilespmem:s8], [sflag:$0x6], $0x1400, $0x38;
	[tilespmem:$0x1EF80] =	vst v63  }
0x54: {  	s30 =	sld [smem:$0x7FD]  }
0x55: {  	[spmem:s29] =	stream.linear.scatter [tilespmem:s8], [sflag:$0x7], $0x1400, $0x38;
	[tilespmem:$0x1EF80] =	vst v63  }
0x56: {  	s1 =	simm.s32 $0x40;
	s2 =	simm.s32 $0x0  }
0x57: {  	[spmem:s30] =	stream.linear.scatter [tilespmem:s8], [sflag:$0x8], $0x1400, $0x38;
	[tilespmem:$0x1EF80] =	vst v63  }
.LBB2_4:
0x58: {  	p0 =	sne.s32 s1, $0x9C00;
	[tilespmem:s2+$0x8800] =	vst v0;
	s2 =	smov.u32 s1;
	s1 =	sadd.s32 $0x40, s1  }
.Ltmp1:
0x59: {  	(pc) =	sbr.rel @p0 .LBB2_4-.Ltmp1, $2  }
0x5a: {  	_ =	sdelay $0x2  }
0x5b: {  	s2 =	sshra.s32 s2, $0x2  }
0x5c: {  	[tilespmem:s2+$0x8800] =	vst v0  }
0x5d: {  	_ =	swait.ge [sflag:s9], $0x1400  }
0x5e: {  	[sflag:s9] =	ssyncset.done $0x0  }
0x5f: {  	[sflag:s9] =	ssyncadd.s32 $0xFFFFEC00  }
0x60: {  	_ =	swait.ge [sflag:s10], $0x1400  }
0x61: {  	[sflag:s10] =	ssyncset.done $0x0  }
0x62: {  	[sflag:s10] =	ssyncadd.s32 $0xFFFFEC00  }
0x63: {  	_ =	swait.ge [sflag:s12], $0x1400  }
0x64: {  	[sflag:s12] =	ssyncset.done $0x0  }
0x65: {  	[sflag:s12] =	ssyncadd.s32 $0xFFFFEC00  }
0x66: {  	_ =	swait.ge [sflag:s13], $0x1400  }
0x67: {  	[sflag:s13] =	ssyncset.done $0x0  }
0x68: {  	[sflag:s13] =	ssyncadd.s32 $0xFFFFEC00  }
0x69: {  	_ =	swait.ge [sflag:s9], $0x1400  }
0x6a: {  	[sflag:s9] =	ssyncset.done $0x0  }
0x6b: {  	[sflag:s9] =	ssyncadd.s32 $0xFFFFEC00  }
0x6c: {  	_ =	swait.ge [sflag:s10], $0x1400  }
0x6d: {  	[sflag:s10] =	ssyncset.done $0x0  }
0x6e: {  	[sflag:s10] =	ssyncadd.s32 $0xFFFFEC00  }
0x6f: {  	_ =	swait.ge [sflag:s12], $0x1400  }
0x70: {  	[sflag:s12] =	ssyncset.done $0x0  }
0x71: {  	[sflag:s12] =	ssyncadd.s32 $0xFFFFEC00  }
0x72: {  	_ =	swait.ge [sflag:s13], $0x1400  }
0x73: {  	[sflag:s13] =	ssyncset.done $0x0  }
0x74: {  	[sflag:s13] =	ssyncadd.s32 $0xFFFFEC00  }
0x75: {  	_ =	swait.ge [sflag:s9], $0x1400  }
0x76: {  	[sflag:s9] =	ssyncset.done $0x0  }
0x77: {  	[sflag:s9] =	ssyncadd.s32 $0xFFFFEC00  }
0x78: {  	_ =	swait.ge [sflag:s10], $0x1400  }
0x79: {  	[sflag:s10] =	ssyncset.done $0x0  }
0x7a: {  	[sflag:s10] =	ssyncadd.s32 $0xFFFFEC00  }
0x7b: {  	_ =	swait.ge [sflag:s12], $0x1400  }
0x7c: {  	[sflag:s12] =	ssyncset.done $0x0  }
0x7d: {  	[sflag:s12] =	ssyncadd.s32 $0xFFFFEC00  }
0x7e: {  	_ =	swait.ge [sflag:s13], $0x1400  }
0x7f: {  	[sflag:s13] =	ssyncset.done $0x0  }
0x80: {  	[sflag:s13] =	ssyncadd.s32 $0xFFFFEC00  }
0x81: {  	_ =	swait.ge [sflag:s9], $0x1400  }
0x82: {  	[sflag:s9] =	ssyncset.done $0x0  }
0x83: {  	[sflag:s9] =	ssyncadd.s32 $0xFFFFEC00  }
0x84: {  	_ =	swait.ge [sflag:s10], $0x1400  }
0x85: {  	[sflag:s10] =	ssyncset.done $0x0  }
0x86: {  	[sflag:s10] =	ssyncadd.s32 $0xFFFFEC00  }
0x87: {  	_ =	swait.ge [sflag:s12], $0x1400  }
0x88: {  	[sflag:s12] =	ssyncset.done $0x0  }
0x89: {  	[sflag:s12] =	ssyncadd.s32 $0xFFFFEC00  }
0x8a: {  	_ =	swait.ge [sflag:s13], $0x1400  }
0x8b: {  	[sflag:s13] =	ssyncset.done $0x0  }
0x8c: {  	[sflag:s13] =	ssyncadd.s32 $0xFFFFEC00  }
0x8d: {  	s2 =	simm.s32 $0x0;
	[bflag:$0x0] =	sbarrier.arrive $0xFFFF  }
.LBB2_6:
0x8e: {  	s1 =	smul.u32 $0x380, s2;
	_ =	sdelay $0x1  }
0x8f: {  	s6 =	sadd.s32 s1, s11  }
0x90: {  	[tilespmem:s31], [sflag:$0x9] =	stream.linear.gather [hbm4b:s6+s31], $0x1900, $0x38;
	[tilespmem:$0x1EF80] =	vst v63  }
0x91: {  	_ =	swait.ge [sflag:s14], $0x1900  }
0x92: {  	[sflag:s14] =	ssyncset.done $0x0  }
0x93: {  	s1 =	sadd.s32 s1, s23;
	[sflag:s14] =	ssyncadd.s32 $0xFFFFE700  }
0x94: {  	[tilespmem:s15], [sflag:$0x9] =	stream.linear.gather [hbm4b:s1+s31], $0x1900, $0x38;
	[tilespmem:$0x1EF80] =	vst v63  }
0x95: {  	_ =	swait.ge [sflag:s14], $0x1900  }
0x96: {  	[sflag:s14] =	ssyncset.done $0x0  }
0x97: {  	[sflag:s14] =	ssyncadd.s32 $0xFFFFE700  }
0x98: {  	[tilespmem:s8], [sflag:$0x1] =	stream.indirect.gather [hbm4b:s0+s16], $0x80, s31, s16, $0xb8;
	[tilespmem:$0x1EF80] =	vst v63  }
0x99: {  	_ = 	snop  }
0x9a: {  	[tilespmem:s18], [sflag:$0x2] =	stream.indirect.gather [hbm4b:s0+s16], $0x80, s17, s16, $0xb8;
	[tilespmem:$0x1EF80] =	vst v63  }
0x9b: {  	_ = 	snop  }
0x9c: {  	[tilespmem:s20], [sflag:$0x3] =	stream.indirect.gather [hbm4b:s0+s16], $0x80, s19, s16, $0xb8;
	[tilespmem:$0x1EF80] =	vst v63  }
0x9d: {  	s7 =	simm.s32 $0x0;
	s6 =	simm.s32 $0x0;
	s1 =	simm.s32 $0x3  }
0x9e: {  	[tilespmem:s22], [sflag:$0x4] =	stream.indirect.gather [hbm4b:s0+s16], $0x80, s21, s16, $0xb8;
	[tilespmem:$0x1EF80] =	vst v63  }
.LBB2_7:
0x9f: {  	_ =	swait.ge [sflag:s24], $0x1400  }
0xa0: {  	s5 =	sshra.s32 s6, $0x2;
	[sflag:s24] =	ssyncset.done $0x0  }
0xa1: {  	s28 =	sadd.s32 $0x1C00, s5;
	[sflag:s24] =	ssyncadd.s32 $0xFFFFEC00  }
0xa2: {  	[spmem:s3] =	stream.indirect.scatter.add.f32 [tilespmem:s8], [sflag:$0x5], $0x80, s28, s16, $0xb8;
	[tilespmem:$0x1EF80] =	vst v63  }
0xa3: {  	v2 =	vld [tilespmem:s5+$0x1C00];
	_ =	sdelay $0x7  }
0xa4: {  	[tilespmem:v2+s25+$0x0] =	vst.idx.add.f32.msk $0xffff, v1  }
0xa5: {  	v2 =	vld [tilespmem:s5+$0x1C10];
	_ =	sdelay $0x7  }
0xa6: {  	[tilespmem:v2+s25+$0x0] =	vst.idx.add.f32.msk $0xffff, v1  }
0xa7: {  	v2 =	vld [tilespmem:s5+$0x1C18];
	_ =	sdelay $0x6  }
0xa8: {  	p0 =	seq.s32 s6, $0x6000  }
0xa9: {  	s28 =	simm.s32 @!p0 $0x5;
	[tilespmem:v2+s25+$0x0] =	vst.idx.add.f32.msk vm0, v1  }
0xaa: {  	_ =	swait.ge @!p0 [sflag:s28], $0x1400  }
0xab: {  	[sflag:s28] =	ssyncset.done @!p0 $0x0  }
0xac: {  	[sflag:s28] =	ssyncadd.s32 @!p0 $0xFFFFEC00;
	s28 =	sshra.s32 @!p0 s6, $0x2  }
0xad: {  	s4 =	simm.s32 @!p0 $0x28;
	s30 =	simm.s32 @!p0 $0x3800;
	s29 =	sadd.s32 @!p0 $0x200, s28  }
0xae: {  	[tilespmem:s30], [sflag:$0x1] =	stream.indirect.gather @!p0 [hbm4b:s0+s4], $0x80, s29, s4, $0xb8;
	[tilespmem:$0x1EF80] =	vst v63  }
0xaf: {  	_ =	swait.ge [sflag:s26], $0x1400  }
0xb0: {  	[sflag:s26] =	ssyncset.done $0x0  }
0xb1: {  	s30 =	sadd.s32 $0x1C80, s5;
	[sflag:s26] =	ssyncadd.s32 $0xFFFFEC00  }
0xb2: {  	[spmem:s3] =	stream.indirect.scatter.add.f32 [tilespmem:s18], [sflag:$0x6], $0x80, s30, s16, $0xb8;
	[tilespmem:$0x1EF80] =	vst v63  }
0xb3: {  	v2 =	vld [tilespmem:s5+$0x1C80];
	_ =	sdelay $0x7  }
0xb4: {  	[tilespmem:v2+s25+$0x0] =	vst.idx.add.f32.msk $0xffff, v1  }
0xb5: {  	v2 =	vld [tilespmem:s5+$0x1C90];
	_ =	sdelay $0x7  }
0xb6: {  	[tilespmem:v2+s25+$0x0] =	vst.idx.add.f32.msk $0xffff, v1  }
0xb7: {  	v2 =	vld [tilespmem:s5+$0x1C98];
	_ =	sdelay $0x7  }
0xb8: {  	s5 =	simm.s32 @!p0 $0x6;
	[tilespmem:v2+s25+$0x0] =	vst.idx.add.f32.msk vm0, v1  }
0xb9: {  	_ =	swait.ge @!p0 [sflag:s5], $0x1400  }
0xba: {  	[sflag:s5] =	ssyncset.done @!p0 $0x0  }
0xbb: {  	[sflag:s5] =	ssyncadd.s32 @!p0 $0xFFFFEC00;
	s5 =	sadd.s32 @!p0 $0x280, s28;
	s28 =	simm.s32 @!p0 $0x4C00  }
0xbc: {  	[tilespmem:s28], [sflag:$0x2] =	stream.indirect.gather @!p0 [hbm4b:s0+s4], $0x80, s5, s4, $0xb8;
	[tilespmem:$0x1EF80] =	vst v63  }
0xbd: {  	s4 =	sadd.s32 @!p0 $0xFFFFFFFF, s1  }
0xbe: {  	p1 =	sgt.u32 @!p0 s4, $0x31  }
0xbf: {  	p1 =	por p1, p0  }
0xc0: {  	s4 =	simm.s32 @!p1 $0x3  }
0xc1: {  	_ =	swait.ge @!p1 [sflag:s4], $0x1400  }
0xc2: {  	[sflag:s4] =	ssyncset.done @!p1 $0x0  }
0xc3: {  	[sflag:s4] =	ssyncadd.s32 @!p1 $0xFFFFEC00;
	s4 =	sshra.s32 @!p1 s6, $0x2  }
0xc4: {  	s28 =	simm.s32 @!p1 $0x28;
	s29 =	simm.s32 @!p1 $0x6000;
	s5 =	sadd.s32 @!p1 $0x1D00, s4  }
0xc5: {  	[spmem:s3] =	stream.indirect.scatter.add.f32 @!p1 [tilespmem:s29], [sflag:$0x7], $0x80, s5, s28, $0xb8;
	[tilespmem:$0x1EF80] =	vst v63  }
0xc6: {  	v2 =	vld @!p1 [tilespmem:s4+$0x1D00];
	_ =	sdelay $0x6  }
0xc7: {  	v3 =	vimm.f32 @!p1 $1.000000000e+00;
	s5 =	simm.s32 @!p1 $0x8800  }
0xc8: {  	[tilespmem:v2+s5+$0x0] =	vst.idx.add.f32.msk @!p1 $0xffff, v3  }
0xc9: {  	v2 =	vld @!p1 [tilespmem:s4+$0x1D10];
	_ =	sdelay $0x7  }
0xca: {  	[tilespmem:v2+s5+$0x0] =	vst.idx.add.f32.msk @!p1 $0xffff, v3  }
0xcb: {  	v2 =	vld @!p1 [tilespmem:s4+$0x1D18];
	_ =	sdelay $0x1  }
0xcc: {  	vm1 =	vcmask @!p1 $0x3F20;
	_ =	sdelay $0x3  }
0xcd: {  	p2 =	sgt.u32 @!p0 s7, $0xA  }
0xce: {  	p2 =	por p2, p0  }
0xcf: {  	s4 =	simm.s32 @!p2 $0x7;
	[tilespmem:v2+s5+$0x0] =	vst.idx.add.f32.msk @!p1 vm1, v3  }
0xd0: {  	_ =	swait.ge @!p2 [sflag:s4], $0x1400  }
0xd1: {  	[sflag:s4] =	ssyncset.done @!p2 $0x0  }
0xd2: {  	[sflag:s4] =	ssyncadd.s32 @!p2 $0xFFFFEC00;
	s4 =	sshra.s32 @!p2 s6, $0x2  }
0xd3: {  	s28 =	simm.s32 @!p2 $0x6000;
	s5 =	simm.s32 @!p2 $0x28;
	s4 =	sadd.s32 @!p2 $0x300, s4  }
0xd4: {  	[tilespmem:s28], [sflag:$0x3] =	stream.indirect.gather @!p2 [hbm4b:s0+s5], $0x80, s4, s5, $0xb8;
	[tilespmem:$0x1EF80] =	vst v63  }
0xd5: {  	p2 =	sgt.u32 @!p0 s1, $0x31  }
0xd6: {  	p1 =	por p2, p0  }
0xd7: {  	s4 =	simm.s32 @!p1 $0x4  }
0xd8: {  	_ =	swait.ge @!p1 [sflag:s4], $0x1400  }
0xd9: {  	[sflag:s4] =	ssyncset.done @!p1 $0x0  }
0xda: {  	[sflag:s4] =	ssyncadd.s32 @!p1 $0xFFFFEC00;
	s4 =	sshra.s32 @!p1 s6, $0x2  }
0xdb: {  	s28 =	simm.s32 @!p1 $0x28;
	s29 =	simm.s32 @!p1 $0x7400;
	s5 =	sadd.s32 @!p1 $0x1D80, s4  }
0xdc: {  	[spmem:s3] =	stream.indirect.scatter.add.f32 @!p1 [tilespmem:s29], [sflag:$0x8], $0x80, s5, s28, $0xb8;
	[tilespmem:$0x1EF80] =	vst v63  }
0xdd: {  	v2 =	vld @!p1 [tilespmem:s4+$0x1D80];
	_ =	sdelay $0x6  }
0xde: {  	v3 =	vimm.f32 @!p1 $1.000000000e+00;
	s5 =	simm.s32 @!p1 $0x8800  }
0xdf: {  	[tilespmem:v2+s5+$0x0] =	vst.idx.add.f32.msk @!p1 $0xffff, v3  }
0xe0: {  	v2 =	vld @!p1 [tilespmem:s4+$0x1D90];
	_ =	sdelay $0x7  }
0xe1: {  	[tilespmem:v2+s5+$0x0] =	vst.idx.add.f32.msk @!p1 $0xffff, v3  }
0xe2: {  	v2 =	vld @!p1 [tilespmem:s4+$0x1D98];
	_ =	sdelay $0x1  }
0xe3: {  	vm1 =	vcmask @!p1 $0x3F20;
	_ =	sdelay $0x2  }
0xe4: {  	p3 =	sgt.u32 @!p1 s7, $0xA  }
0xe5: {  	p2 =	por @!p0 p3, p2  }
0xe6: {  	p2 =	por p2, p0  }
0xe7: {  	s4 =	simm.s32 @!p2 $0x8;
	[tilespmem:v2+s5+$0x0] =	vst.idx.add.f32.msk @!p1 vm1, v3  }
0xe8: {  	_ =	swait.ge @!p2 [sflag:s4], $0x1400  }
0xe9: {  	[sflag:s4] =	ssyncset.done @!p2 $0x0  }
0xea: {  	[sflag:s4] =	ssyncadd.s32 @!p2 $0xFFFFEC00;
	s4 =	sshra.s32 @!p2 s6, $0x2;
	s6 =	sadd.s32 @!p0 $0x800, s6  }
0xeb: {  	p1 =	sne.s32 @!p0 s6, $0x6800  }
0xec: {  	p1 =	por p0, !p1  }
.Ltmp2:
0xed: {  	_ = 	snop;
	(pc) =	sbr.rel @!p1 .LBB2_7-.Ltmp2, $4  }
0xee: {  	_ = 	snop  }
0xef: {  	s1 =	sadd.s32 @!p0 $0x4, s1;
	s7 =	sadd.s32 @!p0 $0x1, s7  }
0xf0: {  	s28 =	simm.s32 @!p2 $0x7400;
	s5 =	simm.s32 @!p2 $0x28;
	s4 =	sadd.s32 @!p2 $0x380, s4  }
0xf1: {  	[tilespmem:s28], [sflag:$0x4] =	stream.indirect.gather @!p2 [hbm4b:s0+s5], $0x80, s4, s5, $0xb8;
	[tilespmem:$0x1EF80] =	vst v63  }
0xf2: {  	_ =	swait.ge [sflag:s9], $0x1400  }
0xf3: {  	[sflag:s9] =	ssyncset.done $0x0  }
0xf4: {  	[sflag:s9] =	ssyncadd.s32 $0xFFFFEC00  }
0xf5: {  	_ =	swait.ge [sflag:s10], $0x1400  }
0xf6: {  	[sflag:s10] =	ssyncset.done $0x0  }
0xf7: {  	s2 =	sadd.s32 $0x1, s2;
	[sflag:s10] =	ssyncadd.s32 $0xFFFFEC00  }
0xf8: {  	p0 =	sne.s32 s2, $0x5;
	_ =	swait.ge [sflag:s12], $0x1400  }
.Ltmp3:
0xf9: {  	[sflag:s12] =	ssyncset.done $0x0;
	(pc) =	sbr.rel @p0 .LBB2_6-.Ltmp3, $4  }
0xfa: {  	[sflag:s12] =	ssyncadd.s32 $0xFFFFEC00  }
0xfb: {  	_ =	swait.ge [sflag:s13], $0x1400  }
0xfc: {  	[sflag:s13] =	ssyncset.done $0x0  }
0xfd: {  	[sflag:s13] =	ssyncadd.s32 $0xFFFFEC00  }
0xfe: {  	s1 =	stileid.u32;
	[bflag:$0x0] =	sbarrier.arrive $0xFFFF  }
0xff: {  	s1 =	sshll.u32 s1, $0x6;
	s4 =	rddreg [dreg:$0x5]  }
0x100: {  	s5 =	rddreg [dreg:$0xb];
	s1 =	sor.u32 $0x1C09, s1;
	s2 =	sshrl.u32 s4, $0x3  }
0x101: {  	[hbm:s5], [sflag:s1] =	dma.local [spmem:s2], $0x2800  }
0x102: {  	_ =	swait.ge [sflag:s14], $0x2800  }
0x103: {  	[sflag:s14] =	ssyncset.done $0x0  }
0x104: {  	s1 =	simm.s32 $0x0;
	s6 =	rddreg [dreg:$0x16];
	[sflag:s14] =	ssyncadd.s32 $0xFFFFD800  }
0x105: {  	[hbm4b:s6+s1] =	stream.linear.scatter [tilespmem:s25], [sflag:$0x1], $0x3E8, $0x38;
	[tilespmem:$0x1EF80] =	vst v63  }
0x106: {  	s28 =	simm.s32 $0x8BE8;
	s7 =	rddreg [dreg:$0xc]  }
0x107: {  	[hbm4b:s7+s1] =	stream.linear.scatter [tilespmem:s28], [sflag:$0x2], $0x3E8, $0x38;
	[tilespmem:$0x1EF80] =	vst v63  }
0x108: {  	s30 =	simm.s32 $0x8FD0;
	s29 =	rddreg [dreg:$0xd]  }
0x109: {  	[hbm4b:s29+s1] =	stream.linear.scatter [tilespmem:s30], [sflag:$0x3], $0x3E8, $0x38;
	[tilespmem:$0x1EF80] =	vst v63  }
0x10a: {  	s5 =	rddreg [dreg:$0xe];
	s6 =	simm.s32 $0x93B8  }
0x10b: {  	[hbm4b:s5+s1] =	stream.linear.scatter [tilespmem:s6], [sflag:$0x4], $0x3E8, $0x38;
	[tilespmem:$0x1EF80] =	vst v63  }
0x10c: {  	s7 =	rddreg [dreg:$0xf];
	s28 =	simm.s32 $0x97A0  }
0x10d: {  	[hbm4b:s7+s1] =	stream.linear.scatter [tilespmem:s28], [sflag:$0x1], $0x3E8, $0x38;
	[tilespmem:$0x1EF80] =	vst v63  }
0x10e: {  	s29 =	rddreg [dreg:$0x10];
	s30 =	simm.s32 $0x9B88  }
0x10f: {  	[hbm4b:s29+s1] =	stream.linear.scatter [tilespmem:s30], [sflag:$0x2], $0x3E8, $0x38;
	[tilespmem:$0x1EF80] =	vst v63  }
0x110: {  	s5 =	rddreg [dreg:$0x11];
	s6 =	simm.s32 $0x9F70  }
0x111: {  	[hbm4b:s5+s1] =	stream.linear.scatter [tilespmem:s6], [sflag:$0x3], $0x3E8, $0x38;
	[tilespmem:$0x1EF80] =	vst v63  }
0x112: {  	s7 =	rddreg [dreg:$0x12];
	s28 =	simm.s32 $0xA358  }
0x113: {  	[hbm4b:s7+s1] =	stream.linear.scatter [tilespmem:s28], [sflag:$0x4], $0x3E8, $0x38;
	[tilespmem:$0x1EF80] =	vst v63  }
0x114: {  	s29 =	rddreg [dreg:$0x13];
	s30 =	simm.s32 $0xA740  }
0x115: {  	[hbm4b:s29+s1] =	stream.linear.scatter [tilespmem:s30], [sflag:$0x1], $0x3E8, $0x38;
	[tilespmem:$0x1EF80] =	vst v63  }
0x116: {  	s5 =	rddreg [dreg:$0x14];
	s6 =	simm.s32 $0xAB28  }
0x117: {  	[hbm4b:s5+s1] =	stream.linear.scatter [tilespmem:s6], [sflag:$0x2], $0x3E8, $0x38;
	[tilespmem:$0x1EF80] =	vst v63  }
0x118: {  	_ =	swait.ge [sflag:s24], $0x3E8  }
0x119: {  	[sflag:s24] =	ssyncset.done $0x0  }
0x11a: {  	[sflag:s24] =	ssyncadd.s32 $0xFFFFFC18  }
0x11b: {  	_ =	swait.ge [sflag:s26], $0x3E8  }
0x11c: {  	[sflag:s26] =	ssyncset.done $0x0  }
0x11d: {  	s7 =	simm.s32 $0x3;
	[sflag:s26] =	ssyncadd.s32 $0xFFFFFC18  }
0x11e: {  	_ =	swait.ge [sflag:s7], $0x3E8  }
0x11f: {  	[sflag:s7] =	ssyncset.done $0x0  }
0x120: {  	s28 =	simm.s32 $0x4;
	[sflag:s7] =	ssyncadd.s32 $0xFFFFFC18  }
0x121: {  	_ =	swait.ge [sflag:s28], $0x3E8  }
0x122: {  	[sflag:s28] =	ssyncset.done $0x0  }
0x123: {  	[sflag:s28] =	ssyncadd.s32 $0xFFFFFC18  }
0x124: {  	_ =	swait.ge [sflag:s24], $0x3E8  }
0x125: {  	[sflag:s24] =	ssyncset.done $0x0  }
0x126: {  	[sflag:s24] =	ssyncadd.s32 $0xFFFFFC18  }
0x127: {  	_ =	swait.ge [sflag:s26], $0x3E8  }
0x128: {  	[sflag:s26] =	ssyncset.done $0x0  }
0x129: {  	[sflag:s26] =	ssyncadd.s32 $0xFFFFFC18  }
0x12a: {  	_ =	swait.ge [sflag:s7], $0x3E8  }
0x12b: {  	[sflag:s7] =	ssyncset.done $0x0  }
0x12c: {  	[sflag:s7] =	ssyncadd.s32 $0xFFFFFC18  }
0x12d: {  	_ =	swait.ge [sflag:s28], $0x3E8  }
0x12e: {  	[sflag:s28] =	ssyncset.done $0x0  }
0x12f: {  	[sflag:s28] =	ssyncadd.s32 $0xFFFFFC18  }
0x130: {  	_ =	swait.ge [sflag:s24], $0x3E8  }
0x131: {  	[sflag:s24] =	ssyncset.done $0x0  }
0x132: {  	[sflag:s24] =	ssyncadd.s32 $0xFFFFFC18  }
0x133: {  	_ =	swait.ge [sflag:s26], $0x3E8  }
0x134: {  	s29 =	sld [smem:$0x7FC];
	_ =	sdelay $0x2  }
0x135: {  	s30 =	rddreg [dreg:$0x17];
	s2 =	sadd.s32 $0x1, s29  }
0x136: {  	p0 =	sne.s32 s2, s30  }
.Ltmp4:
0x137: {  	_ = 	snop;
	(pc) =	sbr.rel @p0 .LBB2_1-.Ltmp4, $3  }
0x138: {  	_ =	sdelay $0x1  }
0x139: {  	[sflag:s26] =	ssyncset.done $0x0  }
0x13a: {  	[sflag:s26] =	ssyncadd.s32 $0xFFFFFC18  }
0x13b: {  	_ =	sfence.sel $0x180000  }
0x13c: {  	[bflag:$0x0] =	sbarrier.arrive $0xFFFF  }
0x13d: {  	_ =	strace $0x90000047  }
0x13e: {  	s0 =	stileid.u32;
	[bflag:$0x2] =	sbarrier.arrive $0xFFFF  }
0x13f: {  	p0 =	sne.s32 s0, $0x0;
	s0 =	rddreg [dreg:$0x4]  }
0x140: {  	s0 =	sadd.s32 @!p0 $0x100000, s0  }
0x141: {  	[sflag:s0] =	ssyncadd.tile.s32 @!p0 $0x1;
	_ =	shalt  }
.Lfunc_end2:
_tile_overlayer_lowered:
.L_overlay_start_2:
0x142: {  	(tag) =	ssettag $0x2  }
0x143: {  	s0 =	rddreg [dreg:$0x0];
	s2 =	stileid.u32  }
0x144: {  	s1 =	rddreg [dreg:$0x1];
	p0 =	sne.s32 s2, $0x0  }
0x145: {  	s3 =	rddreg [dreg:$0x2];
	[bflag:$0x3] =	sbarrier.arrive $0xFFFF;
	s2 =	simm.s32 @!p0 $0x1C09  }
0x146: {  	[timem:s3], [sflag:s2] =	dma.local @!p0 [hbm:s0], s1  }
0x147: {  	s0 =	simm.s32 @!p0 $0x9  }
0x148: {  	_ =	swait.ge @!p0 [sflag:s0], s1  }
0x149: {  	s1 =	ssub.s32 @!p0 $0x0, s1;
	[sflag:s0] =	ssyncset.done @!p0 $0x0  }
0x14a: {  	[sflag:s0] =	ssyncadd.s32 @!p0 s1  }
0x14b: {  	[bflag:$0x3] =	sbarrier.arrive $0xFFFF  }
0x14c: {  	_ =	shalt  }

// kernel: kernel.9.cloned.1.call-start
scs
__scs_entry_jumppad:
0x0: {  	(pc) =	sbr.rel $0x88, $3  }
0x1: {  	(tag) =	ssettag $0x0;
	lr =	simm.s32 $0x1  }
0x2: {  	[smem:$0x3F99] =	sst lr;
	_ =	strace $0xD0000000  }
0x3: {  	_ = 	snop  }
0x4: {  	_ = 	snop  }
0x5: {  	_ = 	snop  }
0x6: {  	_ = 	snop  }
0x7: {  	_ = 	snop  }
__scs_overlays_trampoline_lowered:
0x8: {  	[smem:$0x3FA8] =	sst s0  }
0x9: {  	[smem:$0x3FA9] =	sst s1  }
0xa: {  	[smem:$0x3FAA] =	sst s2  }
0xb: {  	[smem:$0x3FAB] =	sst s3  }
0xc: {  	[smem:$0x3FAC] =	sst s4  }
0xd: {  	[smem:$0x3FAD] =	sst s5  }
0xe: {  	[smem:$0x3FAE] =	sst s6  }
0xf: {  	[smem:$0x3FAF] =	sst s7  }
0x10: {  	[smem:$0x3FB0] =	sst s8  }
0x11: {  	[smem:$0x3FB1] =	sst s9;
	s0 =	simm.s32 @!p0 $0x0  }
0x12: {  	s1 =	sld [smem:$0x3F97];
	s0 =	simm.s32 @p0 $0x1  }
0x13: {  	[smem:$0x3FB2] =	sst s0;
	s0 =	simm.s32 @!p1 $0x0  }
0x14: {  	s2 =	sld [smem:$0x3F96];
	s0 =	simm.s32 @p1 $0x1  }
0x15: {  	[smem:$0x3FB3] =	sst s0;
	s0 =	simm.s32 @!p2 $0x0  }
0x16: {  	s3 =	sld [smem:$0x3FDB];
	s0 =	simm.s32 @p2 $0x1  }
0x17: {  	s4 =	simm.s32 $0x1BF5;
	[smem:$0x3FB5] =	sst s0  }
0x18: {  	s0 =	sld [smem:$0x3F98];
	_ =	swait.ge [sflag:s4], $0x0  }
0x19: {  	s7 =	sld [smem:$0x3F99]  }
0x1a: {  	s8 =	sadd.s32 $0xFFFFE003, lr  }
0x1b: {  	s9 =	sadd.s32 $0xFFFFFEF7, lr;
	s5 =	simm.s32 $0xFFFFFFFF;
	p2 =	slt.u32 s8, $0xFFFFF086  }
0x1c: {  	p1 =	slt.u32 s9, $0xF7A;
	s5 =	simm.s32 @!p2 $0x0  }
0x1d: {  	s5 =	simm.s32 @p1 $0x1;
	p0 =	seq.s32 s7, s2  }
0x1e: {  	s7 =	smul.u32 @!p0 $0xF7A, s2;
	p2 =	seq.s32 @!p0 s5, $0x0  }
0x1f: {  	s9 =	smul.u32 $0xF7A, s1;
	s8 =	simm.s32 @!p0 $0x1BF5;
	p2 =	por !p2, p0  }
0x20: {  	[sflag:s8] =	ssyncset.s32 @!p0 $0xFFFFF086;
	s6 =	sadd.s32 @!p0 s3, s7;
	s7 =	simm.s32 @!p0 $0x108  }
0x21: {  	s3 =	sadd.s32 s3, s9;
	s6 =	sadd.s32 @!p0 $0x88, s6;
	s7 =	simm.s32 @p2 $0x1082  }
0x22: {  	[simem:s7], [sflag:s8] =	dma.local @!p0 [hbm:s6], $0xF7A  }
0x23: {  	s9 =	sor.u32 $0xD0000000, s2;
	s6 =	simm.s32 $0x108;
	_ =	swait.ge @!p0 [sflag:s8], $0x0  }
0x24: {  	s3 =	sadd.s32 $0x88, s3;
	s6 =	simm.s32 @!p1 $0x1082;
	[sflag:s4] =	ssyncset.s32 $0xFFFFF086  }
0x25: {  	[simem:s6], [sflag:s4] =	dma.local [hbm:s3], $0xF7A  }
0x26: {  	[smem:$0x3F99] =	sst s1;
	(tag) =	ssettag s2;
	_ =	strace s9  }
0x27: {  	s1 =	sld [smem:$0x3FA9]  }
0x28: {  	s2 =	sld [smem:$0x3FAA]  }
0x29: {  	s4 =	sld [smem:$0x3FAC]  }
0x2a: {  	p0 =	seq.s32 s5, $0x0;
	s5 =	sld [smem:$0x3FAD]  }
0x2b: {  	s6 =	sld [smem:$0x3FAE]  }
0x2c: {  	s7 =	sld [smem:$0x3FAF]  }
0x2d: {  	s3 =	simm.s32 $0x108;
	s8 =	sld [smem:$0x3FB0]  }
0x2e: {  	s3 =	simm.s32 @!p0 $0x1082;
	s9 =	sld [smem:$0x3FB1]  }
0x2f: {  	lr =	sadd.s32 s0, s3;
	s0 =	sld [smem:$0x3FA8]  }
0x30: {  	s3 =	sld [smem:$0x3FAB]  }
0x31: {  	[smem:$0x3FB4] =	sst s10  }
0x32: {  	s10 =	sld [smem:$0x3FB2];
	_ =	sdelay $0x3  }
0x33: {  	p0 =	seq.s32 s10, $0x1;
	s10 =	sld [smem:$0x3FB4];
	_ =	sdelay $0x3  }
0x34: {  	[smem:$0x3FB4] =	sst s10  }
0x35: {  	s10 =	sld [smem:$0x3FB3];
	_ =	sdelay $0x3  }
0x36: {  	p1 =	seq.s32 s10, $0x1;
	s10 =	sld [smem:$0x3FB4];
	_ =	sdelay $0x3  }
0x37: {  	[smem:$0x3FB4] =	sst s10  }
0x38: {  	s10 =	sld [smem:$0x3FB5]  }
0x39: {  	_ = 	snop;
	(pc) =	sbr.ind lr, $3  }
0x3a: {  	_ = 	snop  }
0x3b: {  	_ = 	snop  }
0x3c: {  	p2 =	seq.s32 s10, $0x1;
	s10 =	sld [smem:$0x3FB4]  }
0x3d: {  	_ =	shalt  }
0x3e: {  	_ =	shalt  }
0x3f: {  	_ =	shalt  }
0x40: {  	_ =	shalt  }
0x41: {  	_ =	shalt  }
0x42: {  	_ =	shalt  }
0x43: {  	_ =	shalt  }
0x44: {  	_ =	shalt  }
0x45: {  	_ =	shalt  }
0x46: {  	_ =	shalt  }
0x47: {  	_ =	shalt  }
0x48: {  	_ =	shalt  }
0x49: {  	_ =	shalt  }
0x4a: {  	_ =	shalt  }
0x4b: {  	_ =	shalt  }
0x4c: {  	_ =	shalt  }
0x4d: {  	_ =	shalt  }
0x4e: {  	_ =	shalt  }
0x4f: {  	_ =	shalt  }
0x50: {  	_ =	shalt  }
0x51: {  	_ =	shalt  }
0x52: {  	_ =	shalt  }
0x53: {  	_ =	shalt  }
0x54: {  	_ =	shalt  }
0x55: {  	_ =	shalt  }
0x56: {  	_ =	shalt  }
0x57: {  	_ =	shalt  }
0x58: {  	_ =	shalt  }
0x59: {  	_ =	shalt  }
0x5a: {  	_ =	shalt  }
0x5b: {  	_ =	shalt  }
0x5c: {  	_ =	shalt  }
0x5d: {  	_ =	shalt  }
0x5e: {  	_ =	shalt  }
0x5f: {  	_ =	shalt  }
0x60: {  	_ =	shalt  }
0x61: {  	_ =	shalt  }
0x62: {  	_ =	shalt  }
0x63: {  	_ =	shalt  }
0x64: {  	_ =	shalt  }
0x65: {  	_ =	shalt  }
0x66: {  	_ =	shalt  }
0x67: {  	_ =	shalt  }
0x68: {  	_ =	shalt  }
0x69: {  	_ =	shalt  }
0x6a: {  	_ =	shalt  }
0x6b: {  	_ =	shalt  }
0x6c: {  	_ =	shalt  }
0x6d: {  	_ =	shalt  }
0x6e: {  	_ =	shalt  }
0x6f: {  	_ =	shalt  }
0x70: {  	_ =	shalt  }
0x71: {  	_ =	shalt  }
0x72: {  	_ =	shalt  }
0x73: {  	_ =	shalt  }
0x74: {  	_ =	shalt  }
0x75: {  	_ =	shalt  }
0x76: {  	_ =	shalt  }
0x77: {  	_ =	shalt  }
0x78: {  	_ =	shalt  }
0x79: {  	_ =	shalt  }
0x7a: {  	_ =	shalt  }
0x7b: {  	_ =	shalt  }
0x7c: {  	_ =	shalt  }
0x7d: {  	_ =	shalt  }
0x7e: {  	_ =	shalt  }
0x7f: {  	_ =	shalt  }
0x80: {  	_ =	shalt  }
0x81: {  	_ =	shalt  }
0x82: {  	_ =	shalt  }
0x83: {  	_ =	shalt  }
0x84: {  	_ =	shalt  }
0x85: {  	_ =	shalt  }
0x86: {  	_ =	shalt  }
0x87: {  	_ =	shalt  }
.Lfunc_end0:
.L_simem_size_0:
called_computation.1_lowered:
.L_overlay_start_0:
0x88: {  	s2 =	sld [smem:$0x3FD9]  }
0x89: {  	s3 =	sld [smem:$0x3FFE];
	_ =	sdelay $0x1  }
0x8a: {  	s1 =	srdreg.scid  }
0x8b: {  	s0 =	sand.u32 $0x1, s1  }
0x8c: {  	s17 =	sshll.u32 s0, $0xA;
	s2 =	sadd.s32 s3, s2  }
0x8d: {  	s2 =	sadd.s32 s2, s17  }
0x8e: {  	[smem:$0x3FC0] =	sst s2  }
0x8f: {  	_ = 	snop  }
0x90: {  	s2 =	sld [smem:$0x3FD0];
	(tm) =	ssettm $0x1  }
0x91: {  	s18 =	sld [smem:$0x3FFB];
	_ =	sdelay $0x3  }
0x92: {  	_ =	strace s18  }
0x93: {  	s3 =	sld [smem:$0x3FFC];
	_ =	sdelay $0x3  }
0x94: {  	_ =	strace s3  }
0x95: {  	s3 =	sld [smem:$0x3FFD];
	_ =	sdelay $0x3  }
0x96: {  	_ =	strace s3  }
0x97: {  	_ =	strace $0x8FFFFFFF  }
0x98: {  	s19 =	sld [smem:$0x3FDB];
	_ =	sdelay $0x1  }
0x99: {  	s4 =	simm.s32 $_scs_section_size  }
0x9a: {  	s5 =	simm.s32 $_size__tile_overlayer_lowered;
	s6 =	simm.s32 $_tile_overlayer_lowered  }
0x9b: {  	s22 =	simm.s32 $0x1BFF;
	s21 =	sshll.u32 s6, $0x1;
	s3 =	sadd.s32 s4, s19  }
0x9c: {  	s7 =	simm.s32 $0x0;
	s20 =	sshll.u32 s5, $0x1;
	s5 =	sadd.s32 s21, s3  }
0x9d: {  	[timem:s7], [sflag:s22] =	dma.local [hbm:s5], s20  }
0x9e: {  	_ =	swait.ge [sflag:s22], s20  }
0x9f: {  	s4 =	ssub.s32 $0x0, s20;
	[sflag:s22] =	ssyncset.done $0x0  }
0xa0: {  	[sflag:s22] =	ssyncadd.s32 s4;
	_ =	sdelay $0x1  }
0xa1: {  	s23 =	simm.s32 $0x1B8B  }
0xa2: {  	_ =	swait.ge [sflag:s23], $0x1  }
0xa3: {  	[sflag:s23] =	ssyncset.done $0x0  }
0xa4: {  	s25 =	simm.s32 $0x1B8E;
	s24 =	sld [smem:$0x3FFE];
	[sflag:s23] =	ssyncadd.s32 $0xFFFFFFFF  }
0xa5: {  	s26 =	simm.s32 $execute0_lowered;
	[smem:$0x3FD2] =	sst s25  }
0xa6: {  	s5 =	sshll.u32 s26, $0x1;
	_ =	strace $0x80000049;
	[dreg:$0x1] =	wrdreg $0xFFFFFFFF  }
0xa7: {  	s28 =	simm.s32 $_size_execute0_lowered;
	s3 =	sadd.s32 s3, s5;
	[dreg:$0x0] =	wrdreg $0x0  }
0xa8: {  	s5 =	sshll.u32 s28, $0x1;
	[dreg:$0x2] =	wrdreg s3  }
0xa9: {  	[dreg:$0x3] =	wrdreg s5  }
0xaa: {  	[dreg:$0x4] =	wrdreg $0xC0  }
0xab: {  	_ =	task [dreg:s7], $0x5FFFF  }
0xac: {  	[dreg:$0x1] =	wrdreg $0xFFFFFFFF  }
0xad: {  	[dreg:$0x0] =	wrdreg $0x60  }
0xae: {  	[dreg:$0x2] =	wrdreg s2  }
0xaf: {  	[dreg:$0x3] =	wrdreg s24  }
0xb0: {  	[dreg:$0x4] =	wrdreg $0xB4000  }
0xb1: {  	[dreg:$0x5] =	wrdreg $0x9  }
0xb2: {  	_ =	task.clear_ibuf [dreg:s7], $0x6FFFF;
	_ =	strace $0x90000049  }
0xb3: {  	s29 =	simm.s32 $0x9;
	_ =	strace $0x8000004B  }
0xb4: {  	_ =	swait.ge [sflag:s29], $0x1  }
0xb5: {  	[sflag:s29] =	ssyncadd.s32 $0xFFFFFFFF  }
0xb6: {  	_ =	strace $0x9000004B  }
0xb7: {  	_ =	sfence  }
0xb8: {  	s30 =	sld [smem:$0x0];
	_ =	sdelay $0x2  }
0xb9: {  	s31 =	sshll.u32 s1, $0xD;
	s1 =	sshrl.u32 s1, $0x2  }
0xba: {  	s3 =	sand.u32 $0x4000, s31;
	s1 =	sadd.s32 s1, s30  }
0xbb: {  	s0 =	sor.u32 s3, s0;
	s1 =	sshll.u32 s1, $0x11  }
0xbc: {  	s0 =	sor.u32 s1, s0  }
0xbd: {  	s0 =	sadd.s32 $0x8F2B, s0  }
0xbe: {  	[sflag:s0] =	ssyncadd.remote.s32 $0x1  }
0xbf: {  	_ =	sfence.sel $0xFFFF  }
0xc0: {  	[dreg:$0x0] =	wrdreg $0xFFFFFFFF;
	(pc) =	sbr.abs _section_cstart, $3  }
0xc1: {  	[dreg:$0x1] =	wrdreg $0xFFFFFFFF  }
0xc2: {  	_ =	task.clear_ibuf [dreg:s7], $0x2FFFF;
	_ =	strace $0x9FFFFFFF  }
0xc3: {  	(tm) =	ssettm $0x7FFFFFFF  }
tec
execute0_lowered:
.L_overlay_start_1:
0x0: {  	(tag) =	ssettag $0x1  }
0x1: {  	s8 =	stileid.u32  }
0x2: {  	s1 =	rddreg [dreg:$0x0];
	s5 =	smul.u32 $0x50000, s8  }
0x3: {  	s2 =	rddreg [dreg:$0x1]  }
0x4: {  	s3 =	rddreg [dreg:$0x2];
	s9 =	simm.s32 $0x0;
	s5 =	sshrl.u32 s5, $0x2  }
0x5: {  	s0 =	srdreg.scid;
	[smem:$0x7FF] =	sst s9;
	s11 =	sadd.s32 s5, s3  }
0x6: {  	_ =	strace $0x8000004A;
	s5 =	sadd.s32 $0x1400, s11;
	[dreg:$0x5] =	wrdreg s11  }
0x7: {  	s28 =	simm.s32 $0x7;
	s10 =	sadd.s32 $0x2800, s11;
	[dreg:$0x6] =	wrdreg s5  }
0x8: {  	s29 =	simm.s32 $0x8;
	s12 =	sadd.s32 $0x3C00, s11;
	[dreg:$0x7] =	wrdreg s10  }
0x9: {  	s30 =	simm.s32 $0x9;
	s13 =	sadd.s32 $0x5000, s11;
	[dreg:$0x8] =	wrdreg s12  }
0xa: {  	s31 =	simm.s32 $0xA;
	s14 =	sadd.s32 $0x6400, s11;
	[dreg:$0x9] =	wrdreg s13  }
0xb: {  	s0 =	sand.u32 $0x1, s0;
	s15 =	sadd.s32 $0x7800, s11;
	[dreg:$0xa] =	wrdreg s14  }
0xc: {  	s24 =	smul.u32 $0x2800, s8;
	s16 =	sadd.s32 $0x8C00, s11;
	[dreg:$0xb] =	wrdreg s15  }
0xd: {  	s4 =	sshll.u32 s0, $0x4;
	s17 =	sadd.s32 $0xA000, s11;
	[dreg:$0xc] =	wrdreg s16  }
0xe: {  	s6 =	smul.u32 $0x28000, s0;
	s18 =	sadd.s32 $0xB400, s11;
	[dreg:$0xd] =	wrdreg s17  }
0xf: {  	s0 =	ssub.s32 $0x2, s0;
	s19 =	sadd.s32 $0xC800, s11;
	[dreg:$0xe] =	wrdreg s18  }
0x10: {  	s4 =	sor.u32 s8, s4;
	s20 =	sadd.s32 $0xDC00, s11;
	[dreg:$0xf] =	wrdreg s19  }
0x11: {  	s7 =	sshrl.u32 s0, $0x1;
	s21 =	sadd.s32 $0xF000, s11;
	[dreg:$0x10] =	wrdreg s20  }
0x12: {  	s8 =	simm.s32 $0x4400;
	s22 =	sadd.s32 $0x10400, s11;
	[dreg:$0x11] =	wrdreg s21  }
0x13: {  	s4 =	smul.u32 $0xC80, s4;
	s23 =	sadd.s32 $0x11800, s11;
	[dreg:$0x12] =	wrdreg s22  }
0x14: {  	s0 =	ssub.s32 s0, s7;
	s25 =	sadd.s32 $0x12C00, s11;
	[dreg:$0x13] =	wrdreg s23  }
0x15: {  	s0 =	smax.u32 s0, $0x1;
	s4 =	sadd.s32 s4, s2;
	[dreg:$0x14] =	wrdreg s25  }
0x16: {  	s2 =	sadd.s32 s6, s2;
	[dreg:$0x15] =	wrdreg s0;
	s25 =	simm.s32 $0x2800  }
0x17: {  	s6 =	simm.s32 $0x32;
	s10 =	simm.s32 $0x6000;
	s12 =	simm.s32 $0x7C00  }
0x18: {  	s14 =	simm.s32 $0x9800;
	s15 =	simm.s32 $0x1;
	s16 =	simm.s32 $0x2  }
0x19: {  	s17 =	simm.s32 $0x3;
	s18 =	simm.s32 $0x4;
	s19 =	simm.s32 $0x5  }
0x1a: {  	s20 =	simm.s32 $0x2580;
	s23 =	simm.s32 $0x2600;
	s5 =	simm.s32 $0x2700  }
0x1b: {  	s21 =	sadd.s32 $0x98200, s4;
	s2 =	sadd.s32 $0x2200, s2;
	s22 =	sadd.s32 $0x7F200, s4  }
0x1c: {  	s4 =	simm.s32 $0x2780;
	s26 =	sadd.s32 s24, s2;
	s2 =	simm.s32 $0xB  }
0x1d: {  	v0 =	vimm.f32 $0.0e+00;
	s24 =	simm.s32 $0x2680;
	[dreg:$0x16] =	wrdreg s26;
	s26 =	simm.s32 $0x6  }
.LBB2_1:
0x1e: {  	[dreg:$0x4] =	wrdreg s9;
	s0 =	simm.s32 $0x0;
	s7 =	simm.s32 $0x200  }
.LBB2_2:
0x1f: {  	p0 =	sne.s32 s7, $0x4E00;
	[tilespmem:s0+$0x2870] =	vst v0  }
0x20: {  	[tilespmem:s0+$0x2800] =	vst v0  }
0x21: {  	[tilespmem:s0+$0x2810] =	vst v0  }
.Ltmp0:
0x22: {  	[tilespmem:s0+$0x2820] =	vst v0;
	(pc) =	sbr.rel @p0 .LBB2_2-.Ltmp0, $4  }
0x23: {  	[tilespmem:s0+$0x2830] =	vst v0  }
0x24: {  	[tilespmem:s0+$0x2840] =	vst v0  }
0x25: {  	[tilespmem:s0+$0x2850] =	vst v0  }
0x26: {  	[tilespmem:s0+$0x2860] =	vst v0;
	s0 =	sshra.s32 s7, $0x2;
	s7 =	sadd.s32 $0x200, s7  }
0x27: {  	[tilespmem:s0+$0x2870] =	vst v0  }
0x28: {  	[tilespmem:s0+$0x2800] =	vst v0  }
0x29: {  	[tilespmem:s0+$0x2810] =	vst v0  }
0x2a: {  	[tilespmem:s0+$0x2820] =	vst v0  }
0x2b: {  	[tilespmem:s0+$0x2830] =	vst v0  }
0x2c: {  	[tilespmem:s0+$0x2840] =	vst v0  }
0x2d: {  	[tilespmem:s0+$0x2850] =	vst v0  }
0x2e: {  	[tilespmem:s0+$0x2860] =	vst v0  }
0x2f: {  	[spmem:s11] =	stream.linear.scatter [tilespmem:s25], [sflag:$0x6], $0x1400, $0x38;
	[tilespmem:$0x1F400] =	vst v63  }
0x30: {  	s9 =	rddreg [dreg:$0x6]  }
0x31: {  	[spmem:s9] =	stream.linear.scatter [tilespmem:s25], [sflag:$0x7], $0x1400, $0x38;
	[tilespmem:$0x1F400] =	vst v63  }
0x32: {  	s11 =	rddreg [dreg:$0x7]  }
0x33: {  	[spmem:s11] =	stream.linear.scatter [tilespmem:s25], [sflag:$0x8], $0x1400, $0x38;
	[tilespmem:$0x1F400] =	vst v63  }
0x34: {  	s13 =	rddreg [dreg:$0x8]  }
0x35: {  	[spmem:s13] =	stream.linear.scatter [tilespmem:s25], [sflag:$0x9], $0x1400, $0x38;
	[tilespmem:$0x1F400] =	vst v63  }
0x36: {  	s7 =	rddreg [dreg:$0x9]  }
0x37: {  	[spmem:s7] =	stream.linear.scatter [tilespmem:s25], [sflag:$0xA], $0x1400, $0x38;
	[tilespmem:$0x1F400] =	vst v63  }
0x38: {  	s9 =	rddreg [dreg:$0xa]  }
0x39: {  	[spmem:s9] =	stream.linear.scatter [tilespmem:s25], [sflag:$0x6], $0x1400, $0x38;
	[tilespmem:$0x1F400] =	vst v63  }
0x3a: {  	s11 =	rddreg [dreg:$0xb]  }
0x3b: {  	[spmem:s11] =	stream.linear.scatter [tilespmem:s25], [sflag:$0x7], $0x1400, $0x38;
	[tilespmem:$0x1F400] =	vst v63  }
0x3c: {  	s13 =	rddreg [dreg:$0xc]  }
0x3d: {  	[spmem:s13] =	stream.linear.scatter [tilespmem:s25], [sflag:$0x8], $0x1400, $0x38;
	[tilespmem:$0x1F400] =	vst v63  }
0x3e: {  	s7 =	rddreg [dreg:$0xd]  }
0x3f: {  	[spmem:s7] =	stream.linear.scatter [tilespmem:s25], [sflag:$0x9], $0x1400, $0x38;
	[tilespmem:$0x1F400] =	vst v63  }
0x40: {  	s9 =	rddreg [dreg:$0xe]  }
0x41: {  	[spmem:s9] =	stream.linear.scatter [tilespmem:s25], [sflag:$0xA], $0x1400, $0x38;
	[tilespmem:$0x1F400] =	vst v63  }
0x42: {  	s11 =	rddreg [dreg:$0xf]  }
0x43: {  	[spmem:s11] =	stream.linear.scatter [tilespmem:s25], [sflag:$0x6], $0x1400, $0x38;
	[tilespmem:$0x1F400] =	vst v63  }
0x44: {  	s13 =	rddreg [dreg:$0x10]  }
0x45: {  	[spmem:s13] =	stream.linear.scatter [tilespmem:s25], [sflag:$0x7], $0x1400, $0x38;
	[tilespmem:$0x1F400] =	vst v63  }
0x46: {  	s7 =	rddreg [dreg:$0x11]  }
0x47: {  	[spmem:s7] =	stream.linear.scatter [tilespmem:s25], [sflag:$0x8], $0x1400, $0x38;
	[tilespmem:$0x1F400] =	vst v63  }
0x48: {  	s9 =	rddreg [dreg:$0x12]  }
0x49: {  	[spmem:s9] =	stream.linear.scatter [tilespmem:s25], [sflag:$0x9], $0x1400, $0x38;
	[tilespmem:$0x1F400] =	vst v63  }
0x4a: {  	s11 =	rddreg [dreg:$0x13]  }
0x4b: {  	[spmem:s11] =	stream.linear.scatter [tilespmem:s25], [sflag:$0xA], $0x1400, $0x38;
	[tilespmem:$0x1F400] =	vst v63  }
0x4c: {  	s13 =	rddreg [dreg:$0x14]  }
0x4d: {  	[spmem:s13] =	stream.linear.scatter [tilespmem:s25], [sflag:$0x6], $0x1400, $0x38;
	[tilespmem:$0x1F400] =	vst v63  }
0x4e: {  	_ =	swait.ge [sflag:s26], $0x1400  }
0x4f: {  	[sflag:s26] =	ssyncset.done $0x0  }
0x50: {  	[sflag:s26] =	ssyncadd.s32 $0xFFFFEC00  }
0x51: {  	_ =	swait.ge [sflag:s28], $0x1400  }
0x52: {  	[sflag:s28] =	ssyncset.done $0x0  }
0x53: {  	[sflag:s28] =	ssyncadd.s32 $0xFFFFEC00  }
0x54: {  	_ =	swait.ge [sflag:s29], $0x1400  }
0x55: {  	[sflag:s29] =	ssyncset.done $0x0  }
0x56: {  	[sflag:s29] =	ssyncadd.s32 $0xFFFFEC00  }
0x57: {  	_ =	swait.ge [sflag:s30], $0x1400  }
0x58: {  	[sflag:s30] =	ssyncset.done $0x0  }
0x59: {  	[sflag:s30] =	ssyncadd.s32 $0xFFFFEC00  }
0x5a: {  	_ =	swait.ge [sflag:s31], $0x1400  }
0x5b: {  	[sflag:s31] =	ssyncset.done $0x0  }
0x5c: {  	[sflag:s31] =	ssyncadd.s32 $0xFFFFEC00  }
0x5d: {  	_ =	swait.ge [sflag:s26], $0x1400  }
0x5e: {  	[sflag:s26] =	ssyncset.done $0x0  }
0x5f: {  	[sflag:s26] =	ssyncadd.s32 $0xFFFFEC00  }
0x60: {  	_ =	swait.ge [sflag:s28], $0x1400  }
0x61: {  	[sflag:s28] =	ssyncset.done $0x0  }
0x62: {  	[sflag:s28] =	ssyncadd.s32 $0xFFFFEC00  }
0x63: {  	_ =	swait.ge [sflag:s29], $0x1400  }
0x64: {  	[sflag:s29] =	ssyncset.done $0x0  }
0x65: {  	[sflag:s29] =	ssyncadd.s32 $0xFFFFEC00  }
0x66: {  	_ =	swait.ge [sflag:s30], $0x1400  }
0x67: {  	[sflag:s30] =	ssyncset.done $0x0  }
0x68: {  	[sflag:s30] =	ssyncadd.s32 $0xFFFFEC00  }
0x69: {  	_ =	swait.ge [sflag:s31], $0x1400  }
0x6a: {  	[sflag:s31] =	ssyncset.done $0x0  }
0x6b: {  	[sflag:s31] =	ssyncadd.s32 $0xFFFFEC00  }
0x6c: {  	_ =	swait.ge [sflag:s26], $0x1400  }
0x6d: {  	[sflag:s26] =	ssyncset.done $0x0  }
0x6e: {  	[sflag:s26] =	ssyncadd.s32 $0xFFFFEC00  }
0x6f: {  	_ =	swait.ge [sflag:s28], $0x1400  }
0x70: {  	[sflag:s28] =	ssyncset.done $0x0  }
0x71: {  	[sflag:s28] =	ssyncadd.s32 $0xFFFFEC00  }
0x72: {  	_ =	swait.ge [sflag:s29], $0x1400  }
0x73: {  	[sflag:s29] =	ssyncset.done $0x0  }
0x74: {  	[sflag:s29] =	ssyncadd.s32 $0xFFFFEC00  }
0x75: {  	_ =	swait.ge [sflag:s30], $0x1400  }
0x76: {  	[sflag:s30] =	ssyncset.done $0x0  }
0x77: {  	[sflag:s30] =	ssyncadd.s32 $0xFFFFEC00  }
0x78: {  	_ =	swait.ge [sflag:s31], $0x1400  }
0x79: {  	[sflag:s31] =	ssyncset.done $0x0  }
0x7a: {  	[sflag:s31] =	ssyncadd.s32 $0xFFFFEC00  }
0x7b: {  	_ =	swait.ge [sflag:s26], $0x1400  }
0x7c: {  	[sflag:s26] =	ssyncset.done $0x0  }
0x7d: {  	[sflag:s26] =	ssyncadd.s32 $0xFFFFEC00  }
0x7e: {  	s0 =	simm.s32 $0x0;
	s7 =	simm.s32 $0x0;
	[bflag:$0x0] =	sbarrier.arrive $0xFFFF  }
.LBB2_4:
0x7f: {  	s9 =	smul.u32 $0x280, s7;
	_ =	sdelay $0x1  }
0x80: {  	s11 =	sadd.s32 s9, s21  }
0x81: {  	[tilespmem:s0], [sflag:$0xB] =	stream.linear.gather [hbm4b:s11+s0], $0x1400, $0x38;
	[tilespmem:$0x1F400] =	vst v63  }
0x82: {  	_ =	swait.ge [sflag:s2], $0x1400  }
0x83: {  	[sflag:s2] =	ssyncset.done $0x0  }
0x84: {  	s13 =	simm.s32 $0x1400;
	s9 =	sadd.s32 s9, s22;
	[sflag:s2] =	ssyncadd.s32 $0xFFFFEC00  }
0x85: {  	[tilespmem:s13], [sflag:$0xB] =	stream.linear.gather [hbm4b:s9+s0], $0x1400, $0x38;
	[tilespmem:$0x1F400] =	vst v63  }
0x86: {  	_ =	swait.ge [sflag:s2], $0x1400  }
0x87: {  	[sflag:s2] =	ssyncset.done $0x0  }
0x88: {  	[sflag:s2] =	ssyncadd.s32 $0xFFFFEC00  }
0x89: {  	[tilespmem:s25], [sflag:$0x1] =	stream.indirect.gather [hbm4b:s1+s6], $0x80, s0, s6, $0xb8;
	[tilespmem:$0x1F400] =	vst v63  }
0x8a: {  	s13 =	simm.s32 $0x80  }
0x8b: {  	[tilespmem:s8], [sflag:$0x2] =	stream.indirect.gather [hbm4b:s1+s6], $0x80, s13, s6, $0xb8;
	[tilespmem:$0x1F400] =	vst v63  }
0x8c: {  	s11 =	simm.s32 $0x100  }
0x8d: {  	[tilespmem:s10], [sflag:$0x3] =	stream.indirect.gather [hbm4b:s1+s6], $0x80, s11, s6, $0xb8;
	[tilespmem:$0x1F400] =	vst v63  }
0x8e: {  	s13 =	simm.s32 $0x180  }
0x8f: {  	[tilespmem:s12], [sflag:$0x4] =	stream.indirect.gather [hbm4b:s1+s6], $0x80, s13, s6, $0xb8;
	[tilespmem:$0x1F400] =	vst v63  }
0x90: {  	s11 =	simm.s32 $0x200  }
0x91: {  	[tilespmem:s14], [sflag:$0x5] =	stream.indirect.gather [hbm4b:s1+s6], $0x80, s11, s6, $0xb8;
	[tilespmem:$0x1F400] =	vst v63  }
0x92: {  	_ =	swait.ge [sflag:s15], $0x1900  }
0x93: {  	[sflag:s15] =	ssyncset.done $0x0  }
0x94: {  	s13 =	simm.s32 $0x1400;
	[sflag:s15] =	ssyncadd.s32 $0xFFFFE700  }
0x95: {  	[spmem:s3] =	stream.indirect.scatter.add.f32 [tilespmem:s25], [sflag:$0x6], $0x80, s13, s6, $0xb8;
	[tilespmem:$0x1F400] =	vst v63  }
0x96: {  	_ =	swait.ge [sflag:s26], $0x1900  }
0x97: {  	[sflag:s26] =	ssyncset.done $0x0  }
0x98: {  	s11 =	simm.s32 $0x280;
	[sflag:s26] =	ssyncadd.s32 $0xFFFFE700  }
0x99: {  	[tilespmem:s25], [sflag:$0x1] =	stream.indirect.gather [hbm4b:s1+s6], $0x80, s11, s6, $0xb8;
	[tilespmem:$0x1F400] =	vst v63  }
0x9a: {  	_ =	swait.ge [sflag:s16], $0x1900  }
0x9b: {  	[sflag:s16] =	ssyncset.done $0x0  }
0x9c: {  	s13 =	simm.s32 $0x1480;
	[sflag:s16] =	ssyncadd.s32 $0xFFFFE700  }
0x9d: {  	[spmem:s3] =	stream.indirect.scatter.add.f32 [tilespmem:s8], [sflag:$0x7], $0x80, s13, s6, $0xb8;
	[tilespmem:$0x1F400] =	vst v63  }
0x9e: {  	_ =	swait.ge [sflag:s28], $0x1900  }
0x9f: {  	[sflag:s28] =	ssyncset.done $0x0  }
0xa0: {  	s11 =	simm.s32 $0x300;
	[sflag:s28] =	ssyncadd.s32 $0xFFFFE700  }
0xa1: {  	[tilespmem:s8], [sflag:$0x2] =	stream.indirect.gather [hbm4b:s1+s6], $0x80, s11, s6, $0xb8;
	[tilespmem:$0x1F400] =	vst v63  }
0xa2: {  	_ =	swait.ge [sflag:s17], $0x1900  }
0xa3: {  	[sflag:s17] =	ssyncset.done $0x0  }
0xa4: {  	s13 =	simm.s32 $0x1500;
	[sflag:s17] =	ssyncadd.s32 $0xFFFFE700  }
0xa5: {  	[spmem:s3] =	stream.indirect.scatter.add.f32 [tilespmem:s10], [sflag:$0x8], $0x80, s13, s6, $0xb8;
	[tilespmem:$0x1F400] =	vst v63  }
0xa6: {  	_ =	swait.ge [sflag:s29], $0x1900  }
0xa7: {  	[sflag:s29] =	ssyncset.done $0x0  }
0xa8: {  	s11 =	simm.s32 $0x380;
	[sflag:s29] =	ssyncadd.s32 $0xFFFFE700  }
0xa9: {  	[tilespmem:s10], [sflag:$0x3] =	stream.indirect.gather [hbm4b:s1+s6], $0x80, s11, s6, $0xb8;
	[tilespmem:$0x1F400] =	vst v63  }
0xaa: {  	_ =	swait.ge [sflag:s18], $0x1900  }
0xab: {  	[sflag:s18] =	ssyncset.done $0x0  }
0xac: {  	s13 =	simm.s32 $0x1580;
	[sflag:s18] =	ssyncadd.s32 $0xFFFFE700  }
0xad: {  	[spmem:s3] =	stream.indirect.scatter.add.f32 [tilespmem:s12], [sflag:$0x9], $0x80, s13, s6, $0xb8;
	[tilespmem:$0x1F400] =	vst v63  }
0xae: {  	_ =	swait.ge [sflag:s30], $0x1900  }
0xaf: {  	[sflag:s30] =	ssyncset.done $0x0  }
0xb0: {  	s11 =	simm.s32 $0x400;
	[sflag:s30] =	ssyncadd.s32 $0xFFFFE700  }
0xb1: {  	[tilespmem:s12], [sflag:$0x4] =	stream.indirect.gather [hbm4b:s1+s6], $0x80, s11, s6, $0xb8;
	[tilespmem:$0x1F400] =	vst v63  }
0xb2: {  	_ =	swait.ge [sflag:s19], $0x1900  }
0xb3: {  	[sflag:s19] =	ssyncset.done $0x0  }
0xb4: {  	s13 =	simm.s32 $0x1600;
	[sflag:s19] =	ssyncadd.s32 $0xFFFFE700  }
0xb5: {  	[spmem:s3] =	stream.indirect.scatter.add.f32 [tilespmem:s14], [sflag:$0xA], $0x80, s13, s6, $0xb8;
	[tilespmem:$0x1F400] =	vst v63  }
0xb6: {  	_ =	swait.ge [sflag:s31], $0x1900  }
0xb7: {  	[sflag:s31] =	ssyncset.done $0x0  }
0xb8: {  	s9 =	simm.s32 $0xA00;
	s11 =	simm.s32 $0x480;
	[sflag:s31] =	ssyncadd.s32 $0xFFFFE700  }
.LBB2_5:
0xb9: {  	[tilespmem:s14], [sflag:$0x5] =	stream.indirect.gather [hbm4b:s1+s6], $0x80, s11, s6, $0xb8;
	[tilespmem:$0x1F400] =	vst v63  }
0xba: {  	s11 =	smov.u32 s9  }
0xbb: {  	p0 =	sne.s32 s9, $0x3C00;
	s9 =	sadd.s32 $0xA00, s9;
	_ =	swait.ge [sflag:s15], $0x1900  }
0xbc: {  	s11 =	sshra.s32 s11, $0x2;
	[sflag:s15] =	ssyncset.done $0x0  }
0xbd: {  	s13 =	sadd.s32 $0x1400, s11;
	[sflag:s15] =	ssyncadd.s32 $0xFFFFE700  }
0xbe: {  	[spmem:s3] =	stream.indirect.scatter.add.f32 [tilespmem:s25], [sflag:$0x6], $0x80, s13, s6, $0xb8;
	[tilespmem:$0x1F400] =	vst v63  }
0xbf: {  	_ =	swait.ge [sflag:s26], $0x1900  }
0xc0: {  	[sflag:s26] =	ssyncset.done $0x0  }
0xc1: {  	s13 =	sadd.s32 $0x280, s11;
	[sflag:s26] =	ssyncadd.s32 $0xFFFFE700  }
0xc2: {  	[tilespmem:s25], [sflag:$0x1] =	stream.indirect.gather [hbm4b:s1+s6], $0x80, s13, s6, $0xb8;
	[tilespmem:$0x1F400] =	vst v63  }
0xc3: {  	_ =	swait.ge [sflag:s16], $0x1900  }
0xc4: {  	[sflag:s16] =	ssyncset.done $0x0  }
0xc5: {  	s13 =	sadd.s32 $0x1480, s11;
	[sflag:s16] =	ssyncadd.s32 $0xFFFFE700  }
0xc6: {  	[spmem:s3] =	stream.indirect.scatter.add.f32 [tilespmem:s8], [sflag:$0x7], $0x80, s13, s6, $0xb8;
	[tilespmem:$0x1F400] =	vst v63  }
0xc7: {  	_ =	swait.ge [sflag:s28], $0x1900  }
0xc8: {  	[sflag:s28] =	ssyncset.done $0x0  }
0xc9: {  	s13 =	sadd.s32 $0x300, s11;
	[sflag:s28] =	ssyncadd.s32 $0xFFFFE700  }
0xca: {  	[tilespmem:s8], [sflag:$0x2] =	stream.indirect.gather [hbm4b:s1+s6], $0x80, s13, s6, $0xb8;
	[tilespmem:$0x1F400] =	vst v63  }
0xcb: {  	_ =	swait.ge [sflag:s17], $0x1900  }
0xcc: {  	[sflag:s17] =	ssyncset.done $0x0  }
0xcd: {  	s13 =	sadd.s32 $0x1500, s11;
	[sflag:s17] =	ssyncadd.s32 $0xFFFFE700  }
0xce: {  	[spmem:s3] =	stream.indirect.scatter.add.f32 [tilespmem:s10], [sflag:$0x8], $0x80, s13, s6, $0xb8;
	[tilespmem:$0x1F400] =	vst v63  }
0xcf: {  	_ =	swait.ge [sflag:s29], $0x1900  }
0xd0: {  	[sflag:s29] =	ssyncset.done $0x0  }
0xd1: {  	s13 =	sadd.s32 $0x380, s11;
	[sflag:s29] =	ssyncadd.s32 $0xFFFFE700  }
0xd2: {  	[tilespmem:s10], [sflag:$0x3] =	stream.indirect.gather [hbm4b:s1+s6], $0x80, s13, s6, $0xb8;
	[tilespmem:$0x1F400] =	vst v63  }
0xd3: {  	_ =	swait.ge [sflag:s18], $0x1900  }
0xd4: {  	[sflag:s18] =	ssyncset.done $0x0  }
0xd5: {  	s13 =	sadd.s32 $0x1580, s11;
	[sflag:s18] =	ssyncadd.s32 $0xFFFFE700  }
0xd6: {  	[spmem:s3] =	stream.indirect.scatter.add.f32 [tilespmem:s12], [sflag:$0x9], $0x80, s13, s6, $0xb8;
	[tilespmem:$0x1F400] =	vst v63  }
0xd7: {  	_ =	swait.ge [sflag:s30], $0x1900  }
0xd8: {  	[sflag:s30] =	ssyncset.done $0x0  }
0xd9: {  	s13 =	sadd.s32 $0x400, s11;
	[sflag:s30] =	ssyncadd.s32 $0xFFFFE700  }
0xda: {  	[tilespmem:s12], [sflag:$0x4] =	stream.indirect.gather [hbm4b:s1+s6], $0x80, s13, s6, $0xb8;
	[tilespmem:$0x1F400] =	vst v63  }
0xdb: {  	_ =	swait.ge [sflag:s19], $0x1900  }
0xdc: {  	[sflag:s19] =	ssyncset.done $0x0  }
.Ltmp1:
0xdd: {  	s13 =	sadd.s32 $0x1600, s11;
	[sflag:s19] =	ssyncadd.s32 $0xFFFFE700;
	(pc) =	sbr.rel @p0 .LBB2_5-.Ltmp1, $4  }
0xde: {  	[spmem:s3] =	stream.indirect.scatter.add.f32 [tilespmem:s14], [sflag:$0xA], $0x80, s13, s6, $0xb8;
	[tilespmem:$0x1F400] =	vst v63  }
0xdf: {  	_ =	swait.ge [sflag:s31], $0x1900  }
0xe0: {  	[sflag:s31] =	ssyncset.done $0x0  }
0xe1: {  	s11 =	sadd.s32 $0x480, s11;
	[sflag:s31] =	ssyncadd.s32 $0xFFFFE700  }
0xe2: {  	[tilespmem:s14], [sflag:$0x5] =	stream.indirect.gather [hbm4b:s1+s6], $0x80, s11, s6, $0xb8;
	[tilespmem:$0x1F400] =	vst v63  }
0xe3: {  	_ =	swait.ge [sflag:s15], $0x1900  }
0xe4: {  	[sflag:s15] =	ssyncset.done $0x0  }
0xe5: {  	[sflag:s15] =	ssyncadd.s32 $0xFFFFE700  }
0xe6: {  	[spmem:s3] =	stream.indirect.scatter.add.f32 [tilespmem:s25], [sflag:$0x6], $0x80, s20, s6, $0xb8;
	[tilespmem:$0x1F400] =	vst v63  }
0xe7: {  	_ =	swait.ge [sflag:s16], $0x1900  }
0xe8: {  	[sflag:s16] =	ssyncset.done $0x0  }
0xe9: {  	[sflag:s16] =	ssyncadd.s32 $0xFFFFE700  }
0xea: {  	[spmem:s3] =	stream.indirect.scatter.add.f32 [tilespmem:s8], [sflag:$0x7], $0x80, s23, s6, $0xb8;
	[tilespmem:$0x1F400] =	vst v63  }
0xeb: {  	_ =	swait.ge [sflag:s17], $0x1900  }
0xec: {  	[sflag:s17] =	ssyncset.done $0x0  }
0xed: {  	[sflag:s17] =	ssyncadd.s32 $0xFFFFE700  }
0xee: {  	[spmem:s3] =	stream.indirect.scatter.add.f32 [tilespmem:s10], [sflag:$0x8], $0x80, s24, s6, $0xb8;
	[tilespmem:$0x1F400] =	vst v63  }
0xef: {  	_ =	swait.ge [sflag:s18], $0x1900  }
0xf0: {  	[sflag:s18] =	ssyncset.done $0x0  }
0xf1: {  	[sflag:s18] =	ssyncadd.s32 $0xFFFFE700  }
0xf2: {  	[spmem:s3] =	stream.indirect.scatter.add.f32 [tilespmem:s12], [sflag:$0x9], $0x80, s5, s6, $0xb8;
	[tilespmem:$0x1F400] =	vst v63  }
0xf3: {  	_ =	swait.ge [sflag:s19], $0x1900  }
0xf4: {  	[sflag:s19] =	ssyncset.done $0x0  }
0xf5: {  	[sflag:s19] =	ssyncadd.s32 $0xFFFFE700  }
0xf6: {  	[spmem:s3] =	stream.indirect.scatter.add.f32 [tilespmem:s14], [sflag:$0xA], $0x80, s4, s6, $0xb8;
	[tilespmem:$0x1F400] =	vst v63  }
0xf7: {  	_ =	swait.ge [sflag:s26], $0x1900  }
0xf8: {  	[sflag:s26] =	ssyncset.done $0x0  }
0xf9: {  	[sflag:s26] =	ssyncadd.s32 $0xFFFFE700  }
0xfa: {  	_ =	swait.ge [sflag:s28], $0x1900  }
0xfb: {  	[sflag:s28] =	ssyncset.done $0x0  }
0xfc: {  	[sflag:s28] =	ssyncadd.s32 $0xFFFFE700  }
0xfd: {  	_ =	swait.ge [sflag:s29], $0x1900  }
0xfe: {  	[sflag:s29] =	ssyncset.done $0x0  }
0xff: {  	s7 =	sadd.s32 $0x1, s7;
	[sflag:s29] =	ssyncadd.s32 $0xFFFFE700  }
0x100: {  	p0 =	sne.s32 s7, $0x5;
	_ =	swait.ge [sflag:s30], $0x1900  }
.Ltmp2:
0x101: {  	[sflag:s30] =	ssyncset.done $0x0;
	(pc) =	sbr.rel @p0 .LBB2_4-.Ltmp2, $4  }
0x102: {  	[sflag:s30] =	ssyncadd.s32 $0xFFFFE700  }
0x103: {  	_ =	swait.ge [sflag:s31], $0x1900  }
0x104: {  	[sflag:s31] =	ssyncset.done $0x0  }
0x105: {  	[sflag:s31] =	ssyncadd.s32 $0xFFFFE700  }
0x106: {  	s0 =	stileid.u32;
	[bflag:$0x0] =	sbarrier.arrive $0xFFFF  }
0x107: {  	s0 =	sshll.u32 s0, $0x6;
	s11 =	rddreg [dreg:$0x5]  }
0x108: {  	s9 =	rddreg [dreg:$0x16];
	s0 =	sor.u32 $0x1C0B, s0;
	s7 =	sshrl.u32 s11, $0x3  }
0x109: {  	[hbm:s9], [sflag:s0] =	dma.local [spmem:s7], $0x2800  }
0x10a: {  	_ =	swait.ge [sflag:s2], $0x2800  }
0x10b: {  	s7 =	rddreg [dreg:$0x4]  }
0x10c: {  	s13 =	rddreg [dreg:$0x15];
	s9 =	sadd.s32 $0x1, s7  }
0x10d: {  	p0 =	sne.s32 s9, s13  }
.Ltmp3:
0x10e: {  	_ = 	snop;
	(pc) =	sbr.rel @p0 .LBB2_1-.Ltmp3, $3  }
0x10f: {  	_ =	sdelay $0x1  }
0x110: {  	[sflag:s2] =	ssyncset.done $0x0  }
0x111: {  	[sflag:s2] =	ssyncadd.s32 $0xFFFFD800  }
0x112: {  	_ =	sfence.sel $0x180000  }
0x113: {  	[bflag:$0x0] =	sbarrier.arrive $0xFFFF  }
0x114: {  	_ =	strace $0x9000004A  }
0x115: {  	s0 =	stileid.u32;
	[bflag:$0x2] =	sbarrier.arrive $0xFFFF  }
0x116: {  	p0 =	sne.s32 s0, $0x0;
	s0 =	rddreg [dreg:$0x3]  }
0x117: {  	s0 =	sadd.s32 @!p0 $0x100000, s0  }
0x118: {  	[sflag:s0] =	ssyncadd.tile.s32 @!p0 $0x1;
	_ =	shalt  }
.Lfunc_end2:
_tile_overlayer_lowered:
.L_overlay_start_2:
0x119: {  	(tag) =	ssettag $0x2  }
0x11a: {  	s0 =	rddreg [dreg:$0x0];
	s2 =	stileid.u32  }
0x11b: {  	s1 =	rddreg [dreg:$0x1];
	p0 =	sne.s32 s2, $0x0  }
0x11c: {  	s3 =	rddreg [dreg:$0x2];
	[bflag:$0x3] =	sbarrier.arrive $0xFFFF;
	s2 =	simm.s32 @!p0 $0x1C0B  }
0x11d: {  	[timem:s3], [sflag:s2] =	dma.local @!p0 [hbm:s0], s1  }
0x11e: {  	s0 =	simm.s32 @!p0 $0xB  }
0x11f: {  	_ =	swait.ge @!p0 [sflag:s0], s1  }
0x120: {  	s1 =	ssub.s32 @!p0 $0x0, s1;
	[sflag:s0] =	ssyncset.done @!p0 $0x0  }
0x121: {  	[sflag:s0] =	ssyncadd.s32 @!p0 s1  }
0x122: {  	[bflag:$0x3] =	sbarrier.arrive $0xFFFF  }
0x123: {  	_ =	shalt  }

</sc_bundles>
